<compile_context>
chip_gen: v7x
topology: tpu7x:2x2x1
jax: 0.10.2.dev20260603
libtpu: 0.0.44.dev20260713+nightly
codegen_flags: <defaults>
</compile_context>

<pallas_src>
import functools

import jax
import jax.numpy as jnp
from jax import lax
from jax.experimental import pallas as pl
from jax.experimental.pallas import tpu as pltpu
from jax.experimental.pallas import tpu_sc as plsc

N_NODES = 50000
N_EDGES = 800000
N_OPS = 120
H = 64
G = 512

BK = 512
NP = 50176
NB = NP // BK

NSC = 16
CK = 200
NCH = 250
CKC = 1000
NCH_C = 25
RPS = NP // NSC

_SC_MESH = dict(core_axis_name="c", subcore_axis_name="s")
_SC_PARAMS = pltpu.CompilerParams(use_tc_tiling_on_sc=False)



def _sc_aggregate(y0, y1, edge_index, zeros32):

    @functools.partial(
        pl.kernel,
        out_type=jax.ShapeDtypeStruct((2, NP, 32), jnp.float32),
        mesh=plsc.VectorSubcoreMesh(**_SC_MESH),
        scratch_types=[
            pltpu.VMEM((2, CK), jnp.int32),
            pltpu.VMEM((2, CK), jnp.int32),
            pltpu.VMEM((CK, 32), jnp.float32),
            pltpu.VMEM((CK, 32), jnp.float32),
            pltpu.VMEM_SHARED((NP, 32), jnp.float32),
            pltpu.SemaphoreType.DMA,
            pltpu.SemaphoreType.DMA,
        ],
        compiler_params=_SC_PARAMS,
    )
    def agg_kernel(y0_hbm, y1_hbm, ei_hbm, zero_hbm, out_hbm,
                   idx_a, idx_b, rows_a, rows_b, acc_sh, sem_a, sem_b):
        c = lax.axis_index("c")
        s = lax.axis_index("s")
        pltpu.sync_copy(zero_hbm, acc_sh.at[pl.ds(s * RPS, RPS)])
        plsc.subcore_barrier()
        base = s * NCH

        def load(g, idx):
            pltpu.sync_copy(
                ei_hbm.at[:, pl.ds((base + g) * CK, CK)], idx)

        def run(tbl):
            load(0, idx_a)
            pltpu.async_copy(tbl.at[idx_a.at[0]], rows_a, sem_a)

            def step(g, idx_x, rows_x, sem_x, idx_y, rows_y, sem_y, pre):
                load(g + 1, idx_y)
                pltpu.async_copy(tbl.at[idx_y.at[0]], rows_y, sem_y)
                pltpu.make_async_copy(tbl.at[idx_x.at[0]], rows_x,
                                      sem_x).wait()
                pltpu.sync_copy(rows_x, acc_sh.at[idx_x.at[1]], add=True)
                if pre:
                    load(g + 2, idx_x)
                    pltpu.async_copy(tbl.at[idx_x.at[0]], rows_x, sem_x)

            @pl.loop(0, NCH - 2, step=2)
            def _(g):
                step(g, idx_a, rows_a, sem_a, idx_b, rows_b, sem_b, True)
                pltpu.make_async_copy(tbl.at[idx_b.at[0]], rows_b,
                                      sem_b).wait()
                pltpu.sync_copy(rows_b, acc_sh.at[idx_b.at[1]], add=True)

            step(NCH - 2, idx_a, rows_a, sem_a, idx_b, rows_b, sem_b, False)
            pltpu.make_async_copy(tbl.at[idx_b.at[0]], rows_b, sem_b).wait()
            pltpu.sync_copy(rows_b, acc_sh.at[idx_b.at[1]], add=True)

        @pl.when(c == 0)
        def _():
            run(y0_hbm)

        @pl.when(c == 1)
        def _():
            run(y1_hbm)

        plsc.subcore_barrier()
        pltpu.sync_copy(acc_sh.at[pl.ds(s * RPS, RPS)],
                        out_hbm.at[c].at[pl.ds(s * RPS, RPS)])

    return agg_kernel(y0, y1, edge_index, zeros32)


def _sc_counts(edge_index, zeros16, ones16):

    @functools.partial(
        pl.kernel,
        out_type=jax.ShapeDtypeStruct((2, NP, 16), jnp.float32),
        mesh=plsc.VectorSubcoreMesh(**_SC_MESH),
        scratch_types=[
            pltpu.VMEM((CKC,), jnp.int32),
            pltpu.VMEM((CKC, 16), jnp.float32),
            pltpu.VMEM_SHARED((NP, 16), jnp.float32),
        ],
        compiler_params=_SC_PARAMS,
    )
    def cnt_kernel(ei_hbm, zero_hbm, ones_hbm, out_hbm,
                   idx_v, ones_v, acc_sh):
        c = lax.axis_index("c")
        s = lax.axis_index("s")
        pltpu.sync_copy(zero_hbm, acc_sh.at[pl.ds(s * RPS, RPS)])
        pltpu.sync_copy(ones_hbm, ones_v)
        plsc.subcore_barrier()
        base = (c * NSC + s) * NCH_C
        dst_hbm = ei_hbm.at[1]

        @pl.loop(0, NCH_C)
        def _(gi):
            pltpu.sync_copy(dst_hbm.at[pl.ds((base + gi) * CKC, CKC)], idx_v)
            pltpu.sync_copy(ones_v, acc_sh.at[idx_v], add=True)

        plsc.subcore_barrier()
        pltpu.sync_copy(acc_sh.at[pl.ds(s * RPS, RPS)],
                        out_hbm.at[c].at[pl.ds(s * RPS, RPS)])

    return cnt_kernel(edge_index, zeros16, ones16)



def _stage_edges(edge_index):

    def body(e_r, o_r):
        o_r[...] = e_r[...]

    return pl.pallas_call(
        body,
        grid=(125,),
        in_specs=[pl.BlockSpec((2, 6400), lambda i: (0, i))],
        out_specs=pl.BlockSpec((2, 6400), lambda i: (0, i)),
        out_shape=jax.ShapeDtypeStruct((2, N_EDGES), jnp.int32),
    )(edge_index)


def _tot_counts(cnt):

    def body(c_r, o_r):
        cn = c_r[0, :, 0:1] + c_r[1, :, 0:1]
        o_r[...] = jnp.broadcast_to(jnp.maximum(cn, 1.0), (BK, 8))

    return pl.pallas_call(
        body,
        grid=(NB,),
        in_specs=[pl.BlockSpec((2, BK, 16), lambda i: (0, i, 0))],
        out_specs=pl.BlockSpec((BK, 8), lambda i: (i, 0)),
        out_shape=jax.ShapeDtypeStruct((NP, 8), jnp.float32),
    )(cnt)


def _input_layer0(node_feat, node_config, opcode3d, op_emb, wa, wmid, wc, b,
                  pw, pb, lw, rw, lb):

    def body(nf, cf, opc, emb, wa_r, wm_r, wc_r, b_r, pw_r, pb_r, lw_r,
             rw_r, lb_r, y0_r, y1_r, z_r):
        ot = jnp.dot(emb[...], wm_r[...], preferred_element_type=jnp.float32)
        op = opc[...]
        oh = (op == lax.broadcasted_iota(jnp.int32, (BK, N_OPS), 1)
              ).astype(jnp.float32)
        acc = jnp.dot(nf[...], wa_r[...], preferred_element_type=jnp.float32)
        acc += jnp.dot(oh, ot, preferred_element_type=jnp.float32)
        acc += jnp.dot(cf[...], wc_r[...], preferred_element_type=jnp.float32)
        acc += b_r[...]
        x = jnp.maximum(acc, 0.0)
        h = jnp.maximum(
            jnp.dot(x, pw_r[...], preferred_element_type=jnp.float32)
            + pb_r[...], 0.0)
        y = jnp.dot(h, lw_r[...], preferred_element_type=jnp.float32)
        y0_r[...] = y[:, :32]
        y1_r[...] = y[:, 32:]
        z_r[...] = (jnp.dot(h, rw_r[...], preferred_element_type=jnp.float32)
                    + lb_r[...])

    return pl.pallas_call(
        body,
        grid=(NB,),
        in_specs=[
            pl.BlockSpec((BK, 140), lambda i: (i, 0)),
            pl.BlockSpec((BK, 18), lambda i: (i, 0)),
            pl.BlockSpec((BK, 1), lambda i: (i, 0)),
            pl.BlockSpec((N_OPS, 32), lambda i: (0, 0)),
            pl.BlockSpec((140, 128), lambda i: (0, 0)),
            pl.BlockSpec((32, 128), lambda i: (0, 0)),
            pl.BlockSpec((18, 128), lambda i: (0, 0)),
            pl.BlockSpec((1, 128), lambda i: (0, 0)),
            pl.BlockSpec((128, 128), lambda i: (0, 0)),
            pl.BlockSpec((1, 128), lambda i: (0, 0)),
            pl.BlockSpec((128, H), lambda i: (0, 0)),
            pl.BlockSpec((128, H), lambda i: (0, 0)),
            pl.BlockSpec((1, H), lambda i: (0, 0)),
        ],
        out_specs=[
            pl.BlockSpec((BK, 32), lambda i: (i, 0)),
            pl.BlockSpec((BK, 32), lambda i: (i, 0)),
            pl.BlockSpec((BK, H), lambda i: (i, 0)),
        ],
        out_shape=[
            jax.ShapeDtypeStruct((NP, 32), jnp.float32),
            jax.ShapeDtypeStruct((NP, 32), jnp.float32),
            jax.ShapeDtypeStruct((NP, H), jnp.float32),
        ],
    )(node_feat, node_config, opcode3d, op_emb, wa, wmid, wc, b,
      pw, pb, lw, rw, lb)


def _combine(agg, cn, z):

    def body(a_r, c_r, z_r, o_r):
        s = jnp.concatenate([a_r[0], a_r[1]], axis=1)
        x = s / c_r[:, 0:1] + z_r[...]
        nrm = jnp.sqrt(jnp.sum(x * x, axis=1, keepdims=True))
        o_r[...] = x / jnp.maximum(nrm, 1e-12)

    return pl.pallas_call(
        body,
        grid=(NB,),
        in_specs=[
            pl.BlockSpec((2, BK, 32), lambda i: (0, i, 0)),
            pl.BlockSpec((BK, 8), lambda i: (i, 0)),
            pl.BlockSpec((BK, H), lambda i: (i, 0)),
        ],
        out_specs=pl.BlockSpec((BK, H), lambda i: (i, 0)),
        out_shape=jax.ShapeDtypeStruct((NP, H), jnp.float32),
    )(agg, cn, z)


def _layer_matmuls(x, pw, pb, lw, rw, lb):
    d = x.shape[1]

    def body(x_r, pw_r, pb_r, lw_r, rw_r, lb_r, y0_r, y1_r, z_r):
        h = jnp.maximum(
            jnp.dot(x_r[...], pw_r[...], preferred_element_type=jnp.float32)
            + pb_r[...], 0.0)
        y = jnp.dot(h, lw_r[...], preferred_element_type=jnp.float32)
        y0_r[...] = y[:, :32]
        y1_r[...] = y[:, 32:]
        z_r[...] = (jnp.dot(h, rw_r[...], preferred_element_type=jnp.float32)
                    + lb_r[...])

    return pl.pallas_call(
        body,
        grid=(NB,),
        in_specs=[
            pl.BlockSpec((BK, d), lambda i: (i, 0)),
            pl.BlockSpec((d, d), lambda i: (0, 0)),
            pl.BlockSpec((1, d), lambda i: (0, 0)),
            pl.BlockSpec((d, H), lambda i: (0, 0)),
            pl.BlockSpec((d, H), lambda i: (0, 0)),
            pl.BlockSpec((1, H), lambda i: (0, 0)),
        ],
        out_specs=[
            pl.BlockSpec((BK, 32), lambda i: (i, 0)),
            pl.BlockSpec((BK, 32), lambda i: (i, 0)),
            pl.BlockSpec((BK, H), lambda i: (i, 0)),
        ],
        out_shape=[
            jax.ShapeDtypeStruct((NP, 32), jnp.float32),
            jax.ShapeDtypeStruct((NP, 32), jnp.float32),
            jax.ShapeDtypeStruct((NP, H), jnp.float32),
        ],
    )(x, pw, pb, lw, rw, lb)


def _pool_combine(agg, cn, z, batch3d, batchcol, post_w, post_b):

    def body(a_r, c_r, z_r, b_r, bc_r, pw_r, pb_r, o_r, smax, ssum, scnt):
        i = pl.program_id(0)

        @pl.when(i == 0)
        def _():
            smax[...] = jnp.full((G, H), -jnp.inf, jnp.float32)
            ssum[...] = jnp.zeros((G, H), jnp.float32)
            scnt[...] = jnp.zeros((G, 8), jnp.float32)

        s = jnp.concatenate([a_r[0], a_r[1]], axis=1)
        x = s / c_r[:, 0:1] + z_r[...]
        nrm = jnp.sqrt(jnp.sum(x * x, axis=1, keepdims=True))
        x = x / jnp.maximum(nrm, 1e-12)

        nrow = i * BK + lax.broadcasted_iota(jnp.int32, (1, BK), 1)
        bm = jnp.where(nrow < N_NODES, b_r[0], -1)
        onehot = (bm == lax.broadcasted_iota(jnp.int32, (G, BK), 0)
                  ).astype(jnp.float32)
        ssum[...] += jnp.dot(onehot, x, preferred_element_type=jnp.float32)
        scnt[...] += jnp.dot(onehot, jnp.ones((BK, 8), jnp.float32),
                             preferred_element_type=jnp.float32)

        g_lo = jnp.min(jnp.where(nrow < N_NODES, bm, G))
        g_hi = jnp.max(bm)

        ncol = i * BK + lax.broadcasted_iota(jnp.int32, (BK, 1), 0)
        bmc = jnp.where(ncol < N_NODES, bc_r[...], -1)

        def upd(g, carry):
            col = jnp.max(jnp.where(bmc == g, x, -jnp.inf),
                          axis=0, keepdims=True)
            smax[pl.ds(g, 1), :] = jnp.maximum(smax[pl.ds(g, 1), :], col)
            return carry

        lax.fori_loop(g_lo, g_hi + 1, upd, 0)

        @pl.when(i == NB - 1)
        def _():
            mean = ssum[...] / jnp.maximum(scnt[...][:, 0:1], 1.0)
            mx = smax[...]
            mx = jnp.where(mx == -jnp.inf, 0.0, mx)
            gv = mx + mean
            gv = gv / jnp.sqrt(jnp.sum(gv * gv, axis=1, keepdims=True))
            o_r[...] = (jnp.dot(gv, pw_r[...],
                                preferred_element_type=jnp.float32)
                        + pb_r[...])

    return pl.pallas_call(
        body,
        grid=(NB,),
        in_specs=[
            pl.BlockSpec((2, BK, 32), lambda i: (0, i, 0)),
            pl.BlockSpec((BK, 8), lambda i: (i, 0)),
            pl.BlockSpec((BK, H), lambda i: (i, 0)),
            pl.BlockSpec((1, 1, BK), lambda i: (i, 0, 0)),
            pl.BlockSpec((BK, 1), lambda i: (i, 0)),
            pl.BlockSpec((H, 1), lambda i: (0, 0)),
            pl.BlockSpec((1, 1), lambda i: (0, 0)),
        ],
        out_specs=pl.BlockSpec((G, 1), lambda i: (0, 0)),
        out_shape=jax.ShapeDtypeStruct((G, 1), jnp.float32),
        scratch_shapes=[
            pltpu.VMEM((G, H), jnp.float32),
            pltpu.VMEM((G, H), jnp.float32),
            pltpu.VMEM((G, 8), jnp.float32),
        ],
    )(agg, cn, z, batch3d, batchcol, post_w, post_b)



def kernel(node_feat, node_config_feat, node_opcode, edge_index, batch, op_emb,
           lin_W, lin_b,
           proj_W0, proj_b0, lin_l_W0, lin_l_b0, lin_r_W0,
           proj_W1, proj_b1, lin_l_W1, lin_l_b1, lin_r_W1,
           proj_W2, proj_b2, lin_l_W2, lin_l_b2, lin_r_W2,
           post_W, post_b):
    f32 = jnp.float32
    pad_n = NP - N_NODES

    node_feat = jnp.pad(node_feat.astype(f32), ((0, pad_n), (0, 0)))
    node_config = jnp.pad(node_config_feat.astype(f32), ((0, pad_n), (0, 0)))
    opcode_col = jnp.pad(node_opcode.astype(jnp.int32),
                         (0, pad_n)).reshape(NP, 1)
    batch_pad = jnp.pad(batch.astype(jnp.int32), (0, pad_n))
    batch3d = batch_pad.reshape(NB, 1, BK)
    batchcol = batch_pad.reshape(NP, 1)

    edge_index = _stage_edges(edge_index.astype(jnp.int32))

    zeros32 = jnp.zeros((RPS, 32), f32)
    zeros16 = jnp.zeros((RPS, 16), f32)
    ones16 = jnp.ones((CKC, 16), f32)

    wa = lin_W[:140]
    wmid = lin_W[140:172]
    wc = lin_W[172:]
    lin_b2d = lin_b.reshape(1, 128)

    cnt = _sc_counts(edge_index, zeros16, ones16)
    cn = _tot_counts(cnt)

    y0, y1, z = _input_layer0(node_feat, node_config, opcode_col, op_emb,
                              wa, wmid, wc, lin_b2d,
                              proj_W0, proj_b0.reshape(1, -1), lin_l_W0,
                              lin_r_W0, lin_l_b0.reshape(1, -1))
    agg = _sc_aggregate(y0, y1, edge_index, zeros32)

    for pw, pb, lw, lb, rw in [
        (proj_W1, proj_b1.reshape(1, -1), lin_l_W1, lin_l_b1.reshape(1, -1),
         lin_r_W1),
        (proj_W2, proj_b2.reshape(1, -1), lin_l_W2, lin_l_b2.reshape(1, -1),
         lin_r_W2),
    ]:
        x = _combine(agg, cn, z)
        y0, y1, z = _layer_matmuls(x, pw, pb, lw, rw, lb)
        agg = _sc_aggregate(y0, y1, edge_index, zeros32)

    return _pool_combine(agg, cn, z, batch3d, batchcol, post_W,
                         post_b.reshape(1, 1))

# --- scband reference (transcript-rebuilt; emitter-appended) ---
"""Pipeline reference for scband-layout-net-44899588112504 (READ-ONLY COPY).

The authoritative reference and input builder live on the scoring server;
editing this copy changes nothing except your own understanding.
"""

import jax, jax.numpy as jnp
import numpy as np

N_NODES = 50000
N_EDGES = 800000
N_OPS = 120
OP_EMB_DIM = 32
CAT_DIM = 140 + OP_EMB_DIM + 18
H_DIM = 64
N_GRAPHS = 512


def _lin_init(k, fan_in, fan_out, bias=True):
    bound = 1.0 / np.sqrt(fan_in)
    W = jax.random.uniform(k, (fan_in, fan_out), jnp.float32, -bound, bound)
    if bias:
        b = jax.random.uniform(jax.random.fold_in(k, 1), (fan_out,), jnp.float32, -bound, bound)
        return W, b
    return W, None


def setup_inputs(seed: int = 0) -> dict:
    key = jax.random.key(seed)
    ks = jax.random.split(key, 24)
    inp = {}
    inp["node_feat"] = jax.random.normal(ks[0], (N_NODES, 140), jnp.float32)
    inp["node_config_feat"] = jax.random.normal(ks[1], (N_NODES, 18), jnp.float32)
    inp["node_opcode"] = jax.random.randint(ks[2], (N_NODES,), 0, N_OPS)
    inp["edge_index"] = jax.random.randint(ks[3], (2, N_EDGES), 0, N_NODES)
    inp["batch"] = jnp.sort(jax.random.randint(ks[4], (N_NODES,), 0, N_GRAPHS))
    inp["op_emb"] = jax.random.normal(ks[5], (N_OPS, OP_EMB_DIM), jnp.float32)
    W, b = _lin_init(ks[6], CAT_DIM, 128)
    inp["lin_W"], inp["lin_b"] = W, b
    dims = [128, H_DIM, H_DIM]
    for i in range(3):
        d_in = dims[i]
        W, b = _lin_init(ks[7 + 3 * i], d_in, d_in)
        inp[f"proj_W{i}"], inp[f"proj_b{i}"] = W, b
        W, b = _lin_init(ks[8 + 3 * i], d_in, H_DIM)
        inp[f"lin_l_W{i}"], inp[f"lin_l_b{i}"] = W, b
        W, _ = _lin_init(ks[9 + 3 * i], d_in, H_DIM, bias=False)
        inp[f"lin_r_W{i}"] = W
    W, b = _lin_init(ks[16], H_DIM, 1)
    inp["post_W"], inp["post_b"] = W, b
    return inp


def _sage_conv(x, src, dst, pW, pb, lW, lb, rW):
    # SAGEConv(project=True, normalize=True), mean aggregation
    xp = jax.nn.relu(x @ pW + pb)
    msgs = xp[src]
    agg = jax.ops.segment_sum(msgs, dst, num_segments=N_NODES)
    cnt = jax.ops.segment_sum(jnp.ones((src.shape[0],), x.dtype), dst, num_segments=N_NODES)
    agg = agg / jnp.maximum(cnt, 1.0)[:, None]
    out = agg @ lW + lb + xp @ rW
    nrm = jnp.linalg.norm(out, axis=-1, keepdims=True)
    return out / jnp.maximum(nrm, 1e-12)


def reference(node_feat, node_config_feat, node_opcode, edge_index, batch, op_emb,
              lin_W, lin_b,
              proj_W0, proj_b0, lin_l_W0, lin_l_b0, lin_r_W0,
              proj_W1, proj_b1, lin_l_W1, lin_l_b1, lin_r_W1,
              proj_W2, proj_b2, lin_l_W2, lin_l_b2, lin_r_W2,
              post_W, post_b):
    x_op = jnp.take(op_emb, node_opcode, axis=0)
    x = jnp.concatenate([node_feat, x_op, node_config_feat], axis=-1)
    x = jax.nn.relu(x @ lin_W + lin_b)
    src, dst = edge_index[0], edge_index[1]
    layers = [
        (proj_W0, proj_b0, lin_l_W0, lin_l_b0, lin_r_W0),
        (proj_W1, proj_b1, lin_l_W1, lin_l_b1, lin_r_W1),
        (proj_W2, proj_b2, lin_l_W2, lin_l_b2, lin_r_W2),
    ]
    for (pW, pb, lW, lb, rW) in layers:
        x = _sage_conv(x, src, dst, pW, pb, lW, lb, rW)
    xmax = jax.ops.segment_max(x, batch, num_segments=N_GRAPHS)
    xmax = jnp.where(jnp.isfinite(xmax), xmax, 0.0)
    xsum = jax.ops.segment_sum(x, batch, num_segments=N_GRAPHS)
    cnt = jax.ops.segment_sum(jnp.ones((x.shape[0],), x.dtype), batch, num_segments=N_GRAPHS)
    xmean = xsum / jnp.maximum(cnt, 1.0)[:, None]
    x_graph = xmax + xmean
    x_graph = x_graph / jnp.linalg.norm(x_graph, axis=-1, keepdims=True)
    x_graph = x_graph @ post_W + post_b
    # inputs_other is None -> module returns (None, x_graph); we return x_graph
    return x_graph

if __name__ == "__main__":
    import jax
    _d = setup_inputs()
    print(jax.jit(kernel)(*tuple(_d.values())))

</pallas_src>

<mosaic_0001>
#map = affine_map<(d0, d1) -> (0, 0)>
#map1 = affine_map<(d0, d1) -> (0, 0, 0)>
module attributes {stable_mosaic.version = 14 : i64} {
  func.func @agg_kernel(%arg0: i32, %arg1: i32, %arg2: memref<50176x32xf32, #tpu.memory_space<hbm>>, %arg3: memref<50176x32xf32, #tpu.memory_space<hbm>>, %arg4: memref<2x800000xi32, #tpu.memory_space<hbm>>, %arg5: memref<3136x32xf32, #tpu.memory_space<hbm>>, %arg6: memref<2x50176x32xf32, #tpu.memory_space<hbm>>, %arg7: memref<2x200xi32, #tpu.memory_space<vmem>>, %arg8: memref<2x200xi32, #tpu.memory_space<vmem>>, %arg9: memref<200x32xf32, #tpu.memory_space<vmem>>, %arg10: memref<200x32xf32, #tpu.memory_space<vmem>>, %arg11: memref<50176x32xf32, #tpu.memory_space<vmem_shared>>, %arg12: memref<!tpu.dma_semaphore, #tpu.memory_space<semaphore_mem>>, %arg13: memref<!tpu.dma_semaphore, #tpu.memory_space<semaphore_mem>>) attributes {dimension_semantics = [#tpu.dimension_semantics<core_parallel>, #tpu.dimension_semantics<subcore_parallel>], iteration_bounds = array<i64: 2, 16>, scalar_prefetch = 0 : i64, scratch_operands = 7 : i64, tpu.core_type = #tpu.core_type<sc_vector_subcore>, window_params = [{transform_indices = #map}, {transform_indices = #map}, {transform_indices = #map}, {transform_indices = #map}, {transform_indices = #map1}]} {
    %mul3A = arith.constant 3136 : i32
    %mul3A_0 = arith.muli %arg1, %mul3A : i32
    "tpu.region"() ({
      %run_scoped3A = tpu.sem_alloc : memref<!tpu.dma_semaphore, #tpu.memory_space<semaphore_mem>>
      %dma_start3A = arith.constant 0 : i32
      %dma_start3A_15 = tpu.memref_slice %arg11[%mul3A_0, %dma_start3A] : memref<50176x32xf32, #tpu.memory_space<vmem_shared>> -> memref<3136x32xf32, #tpu.memory_space<vmem_shared>>
      tpu.enqueue_dma source(%arg5 : memref<3136x32xf32, #tpu.memory_space<hbm>>) target(%dma_start3A_15 : memref<3136x32xf32, #tpu.memory_space<vmem_shared>>) target_semaphore(%run_scoped3A : memref<!tpu.dma_semaphore, #tpu.memory_space<semaphore_mem>>)
      %dma_wait3A = arith.constant 0 : i32
      %dma_wait3A_16 = tpu.memref_slice %arg11[%mul3A_0, %dma_wait3A] : memref<50176x32xf32, #tpu.memory_space<vmem_shared>> -> memref<3136x32xf32, #tpu.memory_space<vmem_shared>>
      tpu.wait_dma2 semaphore(%run_scoped3A : memref<!tpu.dma_semaphore, #tpu.memory_space<semaphore_mem>>) src(%arg5 : memref<3136x32xf32, #tpu.memory_space<hbm>>) dst(%dma_wait3A_16 : memref<3136x32xf32, #tpu.memory_space<vmem_shared>>)
      tpu.yield
    }) : () -> ()
    %barrier3A = arith.constant 0 : index
    tpu.barrier barrier_id(%barrier3A)
    %mul3A_1 = arith.constant 250 : i32
    %mul3A_2 = arith.muli %arg1, %mul3A_1 : i32
    %eq3A = arith.constant 0 : i32
    %eq3A_3 = arith.cmpi eq, %arg0, %eq3A : i32
    %convert_element_type3A = arith.extui %eq3A_3 : i1 to i32
    %cond3A = arith.constant 0 : i32
    %cond3A_4 = arith.cmpi ne, %convert_element_type3A, %cond3A : i32
    scf.if %cond3A_4 {
      %add3A = arith.constant 0 : i32
      %add3A_15 = arith.addi %mul3A_2, %add3A : i32
      %mul3A_16 = arith.constant 200 : i32
      %mul3A_17 = arith.muli %add3A_15, %mul3A_16 : i32
      "tpu.region"() ({
        %run_scoped3A_53 = tpu.sem_alloc : memref<!tpu.dma_semaphore, #tpu.memory_space<semaphore_mem>>
        %dma_start3A_54 = arith.constant 0 : i32
        %dma_start3A_55 = tpu.memref_slice %arg4[%dma_start3A_54, %mul3A_17] : memref<2x800000xi32, #tpu.memory_space<hbm>> -> memref<2x200xi32, #tpu.memory_space<hbm>>
        %dma_start3A_56 = arith.constant 0 : i32
        %dma_start3A_57 = tpu.memref_slice %arg4[%dma_start3A_56, %mul3A_17] : memref<2x800000xi32, #tpu.memory_space<hbm>> -> memref<2x200xi32, #tpu.memory_space<hbm>>
        tpu.enqueue_dma source(%dma_start3A_57 : memref<2x200xi32, #tpu.memory_space<hbm>>) target(%arg7 : memref<2x200xi32, #tpu.memory_space<vmem>>) target_semaphore(%run_scoped3A_53 : memref<!tpu.dma_semaphore, #tpu.memory_space<semaphore_mem>>)
        %dma_wait3A_58 = arith.constant 0 : i32
        %dma_wait3A_59 = tpu.memref_slice %arg4[%dma_wait3A_58, %mul3A_17] : memref<2x800000xi32, #tpu.memory_space<hbm>> -> memref<2x200xi32, #tpu.memory_space<hbm>>
        %dma_wait3A_60 = arith.constant 0 : i32
        %dma_wait3A_61 = tpu.memref_slice %arg4[%dma_wait3A_60, %mul3A_17] : memref<2x800000xi32, #tpu.memory_space<hbm>> -> memref<2x200xi32, #tpu.memory_space<hbm>>
        tpu.wait_dma2 semaphore(%run_scoped3A_53 : memref<!tpu.dma_semaphore, #tpu.memory_space<semaphore_mem>>) src(%dma_wait3A_61 : memref<2x200xi32, #tpu.memory_space<hbm>>) dst(%arg7 : memref<2x200xi32, #tpu.memory_space<vmem>>)
        tpu.yield
      }) : () -> ()
      %dma_start3A = arith.constant 0 : i32
      %dma_start3A_18 = arith.constant 0 : i32
      %dma_start3A_19 = tpu.memref_slice %arg7[%dma_start3A, %dma_start3A_18] : memref<2x200xi32, #tpu.memory_space<vmem>> -> memref<1x200xi32, #tpu.memory_space<vmem>>
      %dma_start3A_20 = tpu.memref_squeeze %dma_start3A_19 : memref<1x200xi32, #tpu.memory_space<vmem>> -> memref<200xi32, #tpu.memory_space<vmem>>
      %dma_start3A_21 = arith.constant 0 : i32
      %dma_start3A_22 = arith.constant 0 : i32
      %dma_start3A_23 = tpu.memref_slice %arg2[%dma_start3A_21, %dma_start3A_22] : memref<50176x32xf32, #tpu.memory_space<hbm>> -> memref<50176x32xf32, #tpu.memory_space<hbm>>
      tpu.enqueue_indirect_dma source(%dma_start3A_23 : memref<50176x32xf32, #tpu.memory_space<hbm>>) target(%arg9 : memref<200x32xf32, #tpu.memory_space<vmem>>) offsets(%dma_start3A_20 : memref<200xi32, #tpu.memory_space<vmem>>) semaphore(%arg12 : memref<!tpu.dma_semaphore, #tpu.memory_space<semaphore_mem>>)
      %scan3A = arith.constant 0 : i32
      %scan3A_24 = arith.constant 124 : i32
      %scan3A_25 = arith.addi %scan3A, %scan3A_24 : i32
      %scan3A_26 = arith.constant 1 : i32
      scf.for %scan3A_53 = %scan3A to %scan3A_25 step %scan3A_26  : i32 {
        %mul3A_54 = arith.constant 2 : i32
        %mul3A_55 = arith.muli %scan3A_53, %mul3A_54 : i32
        %add3A_56 = arith.constant 0 : i32
        %add3A_57 = arith.addi %add3A_56, %mul3A_55 : i32
        %add3A_58 = arith.constant 1 : i32
        %add3A_59 = arith.addi %add3A_57, %add3A_58 : i32
        %add3A_60 = arith.addi %mul3A_2, %add3A_59 : i32
        %mul3A_61 = arith.constant 200 : i32
        %mul3A_62 = arith.muli %add3A_60, %mul3A_61 : i32
        "tpu.region"() ({
          %run_scoped3A_98 = tpu.sem_alloc : memref<!tpu.dma_semaphore, #tpu.memory_space<semaphore_mem>>
          %dma_start3A_99 = arith.constant 0 : i32
          %dma_start3A_100 = tpu.memref_slice %arg4[%dma_start3A_99, %mul3A_62] : memref<2x800000xi32, #tpu.memory_space<hbm>> -> memref<2x200xi32, #tpu.memory_space<hbm>>
          %dma_start3A_101 = arith.constant 0 : i32
          %dma_start3A_102 = tpu.memref_slice %arg4[%dma_start3A_101, %mul3A_62] : memref<2x800000xi32, #tpu.memory_space<hbm>> -> memref<2x200xi32, #tpu.memory_space<hbm>>
          tpu.enqueue_dma source(%dma_start3A_102 : memref<2x200xi32, #tpu.memory_space<hbm>>) target(%arg8 : memref<2x200xi32, #tpu.memory_space<vmem>>) target_semaphore(%run_scoped3A_98 : memref<!tpu.dma_semaphore, #tpu.memory_space<semaphore_mem>>)
          %dma_wait3A_103 = arith.constant 0 : i32
          %dma_wait3A_104 = tpu.memref_slice %arg4[%dma_wait3A_103, %mul3A_62] : memref<2x800000xi32, #tpu.memory_space<hbm>> -> memref<2x200xi32, #tpu.memory_space<hbm>>
          %dma_wait3A_105 = arith.constant 0 : i32
          %dma_wait3A_106 = tpu.memref_slice %arg4[%dma_wait3A_105, %mul3A_62] : memref<2x800000xi32, #tpu.memory_space<hbm>> -> memref<2x200xi32, #tpu.memory_space<hbm>>
          tpu.wait_dma2 semaphore(%run_scoped3A_98 : memref<!tpu.dma_semaphore, #tpu.memory_space<semaphore_mem>>) src(%dma_wait3A_106 : memref<2x200xi32, #tpu.memory_space<hbm>>) dst(%arg8 : memref<2x200xi32, #tpu.memory_space<vmem>>)
          tpu.yield
        }) : () -> ()
        %dma_start3A_63 = arith.constant 0 : i32
        %dma_start3A_64 = arith.constant 0 : i32
        %dma_start3A_65 = tpu.memref_slice %arg8[%dma_start3A_63, %dma_start3A_64] : memref<2x200xi32, #tpu.memory_space<vmem>> -> memref<1x200xi32, #tpu.memory_space<vmem>>
        %dma_start3A_66 = tpu.memref_squeeze %dma_start3A_65 : memref<1x200xi32, #tpu.memory_space<vmem>> -> memref<200xi32, #tpu.memory_space<vmem>>
        %dma_start3A_67 = arith.constant 0 : i32
        %dma_start3A_68 = arith.constant 0 : i32
        %dma_start3A_69 = tpu.memref_slice %arg2[%dma_start3A_67, %dma_start3A_68] : memref<50176x32xf32, #tpu.memory_space<hbm>> -> memref<50176x32xf32, #tpu.memory_space<hbm>>
        tpu.enqueue_indirect_dma source(%dma_start3A_69 : memref<50176x32xf32, #tpu.memory_space<hbm>>) target(%arg10 : memref<200x32xf32, #tpu.memory_space<vmem>>) offsets(%dma_start3A_66 : memref<200xi32, #tpu.memory_space<vmem>>) semaphore(%arg13 : memref<!tpu.dma_semaphore, #tpu.memory_space<semaphore_mem>>)
        %dma_wait3A_70 = arith.constant 0 : i32
        %dma_wait3A_71 = arith.constant 0 : i32
        %dma_wait3A_72 = tpu.memref_slice %arg7[%dma_wait3A_70, %dma_wait3A_71] : memref<2x200xi32, #tpu.memory_space<vmem>> -> memref<1x200xi32, #tpu.memory_space<vmem>>
        %dma_wait3A_73 = tpu.memref_squeeze %dma_wait3A_72 : memref<1x200xi32, #tpu.memory_space<vmem>> -> memref<200xi32, #tpu.memory_space<vmem>>
        %dma_wait3A_74 = arith.constant 0 : i32
        %dma_wait3A_75 = arith.constant 0 : i32
        %dma_wait3A_76 = tpu.memref_slice %arg2[%dma_wait3A_74, %dma_wait3A_75] : memref<50176x32xf32, #tpu.memory_space<hbm>> -> memref<50176x32xf32, #tpu.memory_space<hbm>>
        tpu.wait_indirect_dma semaphore(%arg12 : memref<!tpu.dma_semaphore, #tpu.memory_space<semaphore_mem>>) src(%dma_wait3A_76 : memref<50176x32xf32, #tpu.memory_space<hbm>>) dst(%arg9 : memref<200x32xf32, #tpu.memory_space<vmem>>)
        %run_scoped3A_77 = arith.constant 1 : i32
        "tpu.region"() ({
          %run_scoped3A_98 = tpu.sem_alloc : memref<!tpu.dma_semaphore, #tpu.memory_space<semaphore_mem>>
          %dma_start3A_99 = arith.constant 0 : i32
          %dma_start3A_100 = tpu.memref_slice %arg7[%run_scoped3A_77, %dma_start3A_99] : memref<2x200xi32, #tpu.memory_space<vmem>> -> memref<1x200xi32, #tpu.memory_space<vmem>>
          %dma_start3A_101 = tpu.memref_squeeze %dma_start3A_100 : memref<1x200xi32, #tpu.memory_space<vmem>> -> memref<200xi32, #tpu.memory_space<vmem>>
          %dma_start3A_102 = arith.constant 0 : i32
          %dma_start3A_103 = arith.constant 0 : i32
          %dma_start3A_104 = tpu.memref_slice %arg11[%dma_start3A_102, %dma_start3A_103] : memref<50176x32xf32, #tpu.memory_space<vmem_shared>> -> memref<50176x32xf32, #tpu.memory_space<vmem_shared>>
          tpu.enqueue_indirect_dma source(%arg9 : memref<200x32xf32, #tpu.memory_space<vmem>>) target(%dma_start3A_104 : memref<50176x32xf32, #tpu.memory_space<vmem_shared>>) offsets(%dma_start3A_101 : memref<200xi32, #tpu.memory_space<vmem>>) semaphore(%run_scoped3A_98 : memref<!tpu.dma_semaphore, #tpu.memory_space<semaphore_mem>>) {add = true}
          %dma_wait3A_105 = arith.constant 0 : i32
          %dma_wait3A_106 = tpu.memref_slice %arg7[%run_scoped3A_77, %dma_wait3A_105] : memref<2x200xi32, #tpu.memory_space<vmem>> -> memref<1x200xi32, #tpu.memory_space<vmem>>
          %dma_wait3A_107 = tpu.memref_squeeze %dma_wait3A_106 : memref<1x200xi32, #tpu.memory_space<vmem>> -> memref<200xi32, #tpu.memory_space<vmem>>
          %dma_wait3A_108 = arith.constant 0 : i32
          %dma_wait3A_109 = arith.constant 0 : i32
          %dma_wait3A_110 = tpu.memref_slice %arg11[%dma_wait3A_108, %dma_wait3A_109] : memref<50176x32xf32, #tpu.memory_space<vmem_shared>> -> memref<50176x32xf32, #tpu.memory_space<vmem_shared>>
          tpu.wait_indirect_dma semaphore(%run_scoped3A_98 : memref<!tpu.dma_semaphore, #tpu.memory_space<semaphore_mem>>) src(%arg9 : memref<200x32xf32, #tpu.memory_space<vmem>>) dst(%dma_wait3A_110 : memref<50176x32xf32, #tpu.memory_space<vmem_shared>>)
          tpu.yield
        }) : () -> ()
        %add3A_78 = arith.constant 2 : i32
        %add3A_79 = arith.addi %add3A_57, %add3A_78 : i32
        %add3A_80 = arith.addi %mul3A_2, %add3A_79 : i32
        %mul3A_81 = arith.constant 200 : i32
        %mul3A_82 = arith.muli %add3A_80, %mul3A_81 : i32
        "tpu.region"() ({
          %run_scoped3A_98 = tpu.sem_alloc : memref<!tpu.dma_semaphore, #tpu.memory_space<semaphore_mem>>
          %dma_start3A_99 = arith.constant 0 : i32
          %dma_start3A_100 = tpu.memref_slice %arg4[%dma_start3A_99, %mul3A_82] : memref<2x800000xi32, #tpu.memory_space<hbm>> -> memref<2x200xi32, #tpu.memory_space<hbm>>
          %dma_start3A_101 = arith.constant 0 : i32
          %dma_start3A_102 = tpu.memref_slice %arg4[%dma_start3A_101, %mul3A_82] : memref<2x800000xi32, #tpu.memory_space<hbm>> -> memref<2x200xi32, #tpu.memory_space<hbm>>
          tpu.enqueue_dma source(%dma_start3A_102 : memref<2x200xi32, #tpu.memory_space<hbm>>) target(%arg7 : memref<2x200xi32, #tpu.memory_space<vmem>>) target_semaphore(%run_scoped3A_98 : memref<!tpu.dma_semaphore, #tpu.memory_space<semaphore_mem>>)
          %dma_wait3A_103 = arith.constant 0 : i32
          %dma_wait3A_104 = tpu.memref_slice %arg4[%dma_wait3A_103, %mul3A_82] : memref<2x800000xi32, #tpu.memory_space<hbm>> -> memref<2x200xi32, #tpu.memory_space<hbm>>
          %dma_wait3A_105 = arith.constant 0 : i32
          %dma_wait3A_106 = tpu.memref_slice %arg4[%dma_wait3A_105, %mul3A_82] : memref<2x800000xi32, #tpu.memory_space<hbm>> -> memref<2x200xi32, #tpu.memory_space<hbm>>
          tpu.wait_dma2 semaphore(%run_scoped3A_98 : memref<!tpu.dma_semaphore, #tpu.memory_space<semaphore_mem>>) src(%dma_wait3A_106 : memref<2x200xi32, #tpu.memory_space<hbm>>) dst(%arg7 : memref<2x200xi32, #tpu.memory_space<vmem>>)
          tpu.yield
        }) : () -> ()
        %dma_start3A_83 = arith.constant 0 : i32
        %dma_start3A_84 = arith.constant 0 : i32
        %dma_start3A_85 = tpu.memref_slice %arg7[%dma_start3A_83, %dma_start3A_84] : memref<2x200xi32, #tpu.memory_space<vmem>> -> memref<1x200xi32, #tpu.memory_space<vmem>>
        %dma_start3A_86 = tpu.memref_squeeze %dma_start3A_85 : memref<1x200xi32, #tpu.memory_space<vmem>> -> memref<200xi32, #tpu.memory_space<vmem>>
        %dma_start3A_87 = arith.constant 0 : i32
        %dma_start3A_88 = arith.constant 0 : i32
        %dma_start3A_89 = tpu.memref_slice %arg2[%dma_start3A_87, %dma_start3A_88] : memref<50176x32xf32, #tpu.memory_space<hbm>> -> memref<50176x32xf32, #tpu.memory_space<hbm>>
        tpu.enqueue_indirect_dma source(%dma_start3A_89 : memref<50176x32xf32, #tpu.memory_space<hbm>>) target(%arg9 : memref<200x32xf32, #tpu.memory_space<vmem>>) offsets(%dma_start3A_86 : memref<200xi32, #tpu.memory_space<vmem>>) semaphore(%arg12 : memref<!tpu.dma_semaphore, #tpu.memory_space<semaphore_mem>>)
        %dma_wait3A_90 = arith.constant 0 : i32
        %dma_wait3A_91 = arith.constant 0 : i32
        %dma_wait3A_92 = tpu.memref_slice %arg8[%dma_wait3A_90, %dma_wait3A_91] : memref<2x200xi32, #tpu.memory_space<vmem>> -> memref<1x200xi32, #tpu.memory_space<vmem>>
        %dma_wait3A_93 = tpu.memref_squeeze %dma_wait3A_92 : memref<1x200xi32, #tpu.memory_space<vmem>> -> memref<200xi32, #tpu.memory_space<vmem>>
        %dma_wait3A_94 = arith.constant 0 : i32
        %dma_wait3A_95 = arith.constant 0 : i32
        %dma_wait3A_96 = tpu.memref_slice %arg2[%dma_wait3A_94, %dma_wait3A_95] : memref<50176x32xf32, #tpu.memory_space<hbm>> -> memref<50176x32xf32, #tpu.memory_space<hbm>>
        tpu.wait_indirect_dma semaphore(%arg13 : memref<!tpu.dma_semaphore, #tpu.memory_space<semaphore_mem>>) src(%dma_wait3A_96 : memref<50176x32xf32, #tpu.memory_space<hbm>>) dst(%arg10 : memref<200x32xf32, #tpu.memory_space<vmem>>)
        %run_scoped3A_97 = arith.constant 1 : i32
        "tpu.region"() ({
          %run_scoped3A_98 = tpu.sem_alloc : memref<!tpu.dma_semaphore, #tpu.memory_space<semaphore_mem>>
          %dma_start3A_99 = arith.constant 0 : i32
          %dma_start3A_100 = tpu.memref_slice %arg8[%run_scoped3A_97, %dma_start3A_99] : memref<2x200xi32, #tpu.memory_space<vmem>> -> memref<1x200xi32, #tpu.memory_space<vmem>>
          %dma_start3A_101 = tpu.memref_squeeze %dma_start3A_100 : memref<1x200xi32, #tpu.memory_space<vmem>> -> memref<200xi32, #tpu.memory_space<vmem>>
          %dma_start3A_102 = arith.constant 0 : i32
          %dma_start3A_103 = arith.constant 0 : i32
          %dma_start3A_104 = tpu.memref_slice %arg11[%dma_start3A_102, %dma_start3A_103] : memref<50176x32xf32, #tpu.memory_space<vmem_shared>> -> memref<50176x32xf32, #tpu.memory_space<vmem_shared>>
          tpu.enqueue_indirect_dma source(%arg10 : memref<200x32xf32, #tpu.memory_space<vmem>>) target(%dma_start3A_104 : memref<50176x32xf32, #tpu.memory_space<vmem_shared>>) offsets(%dma_start3A_101 : memref<200xi32, #tpu.memory_space<vmem>>) semaphore(%run_scoped3A_98 : memref<!tpu.dma_semaphore, #tpu.memory_space<semaphore_mem>>) {add = true}
          %dma_wait3A_105 = arith.constant 0 : i32
          %dma_wait3A_106 = tpu.memref_slice %arg8[%run_scoped3A_97, %dma_wait3A_105] : memref<2x200xi32, #tpu.memory_space<vmem>> -> memref<1x200xi32, #tpu.memory_space<vmem>>
          %dma_wait3A_107 = tpu.memref_squeeze %dma_wait3A_106 : memref<1x200xi32, #tpu.memory_space<vmem>> -> memref<200xi32, #tpu.memory_space<vmem>>
          %dma_wait3A_108 = arith.constant 0 : i32
          %dma_wait3A_109 = arith.constant 0 : i32
          %dma_wait3A_110 = tpu.memref_slice %arg11[%dma_wait3A_108, %dma_wait3A_109] : memref<50176x32xf32, #tpu.memory_space<vmem_shared>> -> memref<50176x32xf32, #tpu.memory_space<vmem_shared>>
          tpu.wait_indirect_dma semaphore(%run_scoped3A_98 : memref<!tpu.dma_semaphore, #tpu.memory_space<semaphore_mem>>) src(%arg10 : memref<200x32xf32, #tpu.memory_space<vmem>>) dst(%dma_wait3A_110 : memref<50176x32xf32, #tpu.memory_space<vmem_shared>>)
          tpu.yield
        }) : () -> ()
      }
      %scan3A_27 = arith.constant 124 : i32
      %add3A_28 = arith.constant 249 : i32
      %add3A_29 = arith.addi %mul3A_2, %add3A_28 : i32
      %mul3A_30 = arith.constant 200 : i32
      %mul3A_31 = arith.muli %add3A_29, %mul3A_30 : i32
      "tpu.region"() ({
        %run_scoped3A_53 = tpu.sem_alloc : memref<!tpu.dma_semaphore, #tpu.memory_space<semaphore_mem>>
        %dma_start3A_54 = arith.constant 0 : i32
        %dma_start3A_55 = tpu.memref_slice %arg4[%dma_start3A_54, %mul3A_31] : memref<2x800000xi32, #tpu.memory_space<hbm>> -> memref<2x200xi32, #tpu.memory_space<hbm>>
        %dma_start3A_56 = arith.constant 0 : i32
        %dma_start3A_57 = tpu.memref_slice %arg4[%dma_start3A_56, %mul3A_31] : memref<2x800000xi32, #tpu.memory_space<hbm>> -> memref<2x200xi32, #tpu.memory_space<hbm>>
        tpu.enqueue_dma source(%dma_start3A_57 : memref<2x200xi32, #tpu.memory_space<hbm>>) target(%arg8 : memref<2x200xi32, #tpu.memory_space<vmem>>) target_semaphore(%run_scoped3A_53 : memref<!tpu.dma_semaphore, #tpu.memory_space<semaphore_mem>>)
        %dma_wait3A_58 = arith.constant 0 : i32
        %dma_wait3A_59 = tpu.memref_slice %arg4[%dma_wait3A_58, %mul3A_31] : memref<2x800000xi32, #tpu.memory_space<hbm>> -> memref<2x200xi32, #tpu.memory_space<hbm>>
        %dma_wait3A_60 = arith.constant 0 : i32
        %dma_wait3A_61 = tpu.memref_slice %arg4[%dma_wait3A_60, %mul3A_31] : memref<2x800000xi32, #tpu.memory_space<hbm>> -> memref<2x200xi32, #tpu.memory_space<hbm>>
        tpu.wait_dma2 semaphore(%run_scoped3A_53 : memref<!tpu.dma_semaphore, #tpu.memory_space<semaphore_mem>>) src(%dma_wait3A_61 : memref<2x200xi32, #tpu.memory_space<hbm>>) dst(%arg8 : memref<2x200xi32, #tpu.memory_space<vmem>>)
        tpu.yield
      }) : () -> ()
      %dma_start3A_32 = arith.constant 0 : i32
      %dma_start3A_33 = arith.constant 0 : i32
      %dma_start3A_34 = tpu.memref_slice %arg8[%dma_start3A_32, %dma_start3A_33] : memref<2x200xi32, #tpu.memory_space<vmem>> -> memref<1x200xi32, #tpu.memory_space<vmem>>
      %dma_start3A_35 = tpu.memref_squeeze %dma_start3A_34 : memref<1x200xi32, #tpu.memory_space<vmem>> -> memref<200xi32, #tpu.memory_space<vmem>>
      %dma_start3A_36 = arith.constant 0 : i32
      %dma_start3A_37 = arith.constant 0 : i32
      %dma_start3A_38 = tpu.memref_slice %arg2[%dma_start3A_36, %dma_start3A_37] : memref<50176x32xf32, #tpu.memory_space<hbm>> -> memref<50176x32xf32, #tpu.memory_space<hbm>>
      tpu.enqueue_indirect_dma source(%dma_start3A_38 : memref<50176x32xf32, #tpu.memory_space<hbm>>) target(%arg10 : memref<200x32xf32, #tpu.memory_space<vmem>>) offsets(%dma_start3A_35 : memref<200xi32, #tpu.memory_space<vmem>>) semaphore(%arg13 : memref<!tpu.dma_semaphore, #tpu.memory_space<semaphore_mem>>)
      %dma_wait3A = arith.constant 0 : i32
      %dma_wait3A_39 = arith.constant 0 : i32
      %dma_wait3A_40 = tpu.memref_slice %arg7[%dma_wait3A, %dma_wait3A_39] : memref<2x200xi32, #tpu.memory_space<vmem>> -> memref<1x200xi32, #tpu.memory_space<vmem>>
      %dma_wait3A_41 = tpu.memref_squeeze %dma_wait3A_40 : memref<1x200xi32, #tpu.memory_space<vmem>> -> memref<200xi32, #tpu.memory_space<vmem>>
      %dma_wait3A_42 = arith.constant 0 : i32
      %dma_wait3A_43 = arith.constant 0 : i32
      %dma_wait3A_44 = tpu.memref_slice %arg2[%dma_wait3A_42, %dma_wait3A_43] : memref<50176x32xf32, #tpu.memory_space<hbm>> -> memref<50176x32xf32, #tpu.memory_space<hbm>>
      tpu.wait_indirect_dma semaphore(%arg12 : memref<!tpu.dma_semaphore, #tpu.memory_space<semaphore_mem>>) src(%dma_wait3A_44 : memref<50176x32xf32, #tpu.memory_space<hbm>>) dst(%arg9 : memref<200x32xf32, #tpu.memory_space<vmem>>)
      %run_scoped3A = arith.constant 1 : i32
      "tpu.region"() ({
        %run_scoped3A_53 = tpu.sem_alloc : memref<!tpu.dma_semaphore, #tpu.memory_space<semaphore_mem>>
        %dma_start3A_54 = arith.constant 0 : i32
        %dma_start3A_55 = tpu.memref_slice %arg7[%run_scoped3A, %dma_start3A_54] : memref<2x200xi32, #tpu.memory_space<vmem>> -> memref<1x200xi32, #tpu.memory_space<vmem>>
        %dma_start3A_56 = tpu.memref_squeeze %dma_start3A_55 : memref<1x200xi32, #tpu.memory_space<vmem>> -> memref<200xi32, #tpu.memory_space<vmem>>
        %dma_start3A_57 = arith.constant 0 : i32
        %dma_start3A_58 = arith.constant 0 : i32
        %dma_start3A_59 = tpu.memref_slice %arg11[%dma_start3A_57, %dma_start3A_58] : memref<50176x32xf32, #tpu.memory_space<vmem_shared>> -> memref<50176x32xf32, #tpu.memory_space<vmem_shared>>
        tpu.enqueue_indirect_dma source(%arg9 : memref<200x32xf32, #tpu.memory_space<vmem>>) target(%dma_start3A_59 : memref<50176x32xf32, #tpu.memory_space<vmem_shared>>) offsets(%dma_start3A_56 : memref<200xi32, #tpu.memory_space<vmem>>) semaphore(%run_scoped3A_53 : memref<!tpu.dma_semaphore, #tpu.memory_space<semaphore_mem>>) {add = true}
        %dma_wait3A_60 = arith.constant 0 : i32
        %dma_wait3A_61 = tpu.memref_slice %arg7[%run_scoped3A, %dma_wait3A_60] : memref<2x200xi32, #tpu.memory_space<vmem>> -> memref<1x200xi32, #tpu.memory_space<vmem>>
        %dma_wait3A_62 = tpu.memref_squeeze %dma_wait3A_61 : memref<1x200xi32, #tpu.memory_space<vmem>> -> memref<200xi32, #tpu.memory_space<vmem>>
        %dma_wait3A_63 = arith.constant 0 : i32
        %dma_wait3A_64 = arith.constant 0 : i32
        %dma_wait3A_65 = tpu.memref_slice %arg11[%dma_wait3A_63, %dma_wait3A_64] : memref<50176x32xf32, #tpu.memory_space<vmem_shared>> -> memref<50176x32xf32, #tpu.memory_space<vmem_shared>>
        tpu.wait_indirect_dma semaphore(%run_scoped3A_53 : memref<!tpu.dma_semaphore, #tpu.memory_space<semaphore_mem>>) src(%arg9 : memref<200x32xf32, #tpu.memory_space<vmem>>) dst(%dma_wait3A_65 : memref<50176x32xf32, #tpu.memory_space<vmem_shared>>)
        tpu.yield
      }) : () -> ()
      %dma_wait3A_45 = arith.constant 0 : i32
      %dma_wait3A_46 = arith.constant 0 : i32
      %dma_wait3A_47 = tpu.memref_slice %arg8[%dma_wait3A_45, %dma_wait3A_46] : memref<2x200xi32, #tpu.memory_space<vmem>> -> memref<1x200xi32, #tpu.memory_space<vmem>>
      %dma_wait3A_48 = tpu.memref_squeeze %dma_wait3A_47 : memref<1x200xi32, #tpu.memory_space<vmem>> -> memref<200xi32, #tpu.memory_space<vmem>>
      %dma_wait3A_49 = arith.constant 0 : i32
      %dma_wait3A_50 = arith.constant 0 : i32
      %dma_wait3A_51 = tpu.memref_slice %arg2[%dma_wait3A_49, %dma_wait3A_50] : memref<50176x32xf32, #tpu.memory_space<hbm>> -> memref<50176x32xf32, #tpu.memory_space<hbm>>
      tpu.wait_indirect_dma semaphore(%arg13 : memref<!tpu.dma_semaphore, #tpu.memory_space<semaphore_mem>>) src(%dma_wait3A_51 : memref<50176x32xf32, #tpu.memory_space<hbm>>) dst(%arg10 : memref<200x32xf32, #tpu.memory_space<vmem>>)
      %run_scoped3A_52 = arith.constant 1 : i32
      "tpu.region"() ({
        %run_scoped3A_53 = tpu.sem_alloc : memref<!tpu.dma_semaphore, #tpu.memory_space<semaphore_mem>>
        %dma_start3A_54 = arith.constant 0 : i32
        %dma_start3A_55 = tpu.memref_slice %arg8[%run_scoped3A_52, %dma_start3A_54] : memref<2x200xi32, #tpu.memory_space<vmem>> -> memref<1x200xi32, #tpu.memory_space<vmem>>
        %dma_start3A_56 = tpu.memref_squeeze %dma_start3A_55 : memref<1x200xi32, #tpu.memory_space<vmem>> -> memref<200xi32, #tpu.memory_space<vmem>>
        %dma_start3A_57 = arith.constant 0 : i32
        %dma_start3A_58 = arith.constant 0 : i32
        %dma_start3A_59 = tpu.memref_slice %arg11[%dma_start3A_57, %dma_start3A_58] : memref<50176x32xf32, #tpu.memory_space<vmem_shared>> -> memref<50176x32xf32, #tpu.memory_space<vmem_shared>>
        tpu.enqueue_indirect_dma source(%arg10 : memref<200x32xf32, #tpu.memory_space<vmem>>) target(%dma_start3A_59 : memref<50176x32xf32, #tpu.memory_space<vmem_shared>>) offsets(%dma_start3A_56 : memref<200xi32, #tpu.memory_space<vmem>>) semaphore(%run_scoped3A_53 : memref<!tpu.dma_semaphore, #tpu.memory_space<semaphore_mem>>) {add = true}
        %dma_wait3A_60 = arith.constant 0 : i32
        %dma_wait3A_61 = tpu.memref_slice %arg8[%run_scoped3A_52, %dma_wait3A_60] : memref<2x200xi32, #tpu.memory_space<vmem>> -> memref<1x200xi32, #tpu.memory_space<vmem>>
        %dma_wait3A_62 = tpu.memref_squeeze %dma_wait3A_61 : memref<1x200xi32, #tpu.memory_space<vmem>> -> memref<200xi32, #tpu.memory_space<vmem>>
        %dma_wait3A_63 = arith.constant 0 : i32
        %dma_wait3A_64 = arith.constant 0 : i32
        %dma_wait3A_65 = tpu.memref_slice %arg11[%dma_wait3A_63, %dma_wait3A_64] : memref<50176x32xf32, #tpu.memory_space<vmem_shared>> -> memref<50176x32xf32, #tpu.memory_space<vmem_shared>>
        tpu.wait_indirect_dma semaphore(%run_scoped3A_53 : memref<!tpu.dma_semaphore, #tpu.memory_space<semaphore_mem>>) src(%arg10 : memref<200x32xf32, #tpu.memory_space<vmem>>) dst(%dma_wait3A_65 : memref<50176x32xf32, #tpu.memory_space<vmem_shared>>)
        tpu.yield
      }) : () -> ()
    } else {
    }
    %eq3A_5 = arith.constant 1 : i32
    %eq3A_6 = arith.cmpi eq, %arg0, %eq3A_5 : i32
    %convert_element_type3A_7 = arith.extui %eq3A_6 : i1 to i32
    %cond3A_8 = arith.constant 0 : i32
    %cond3A_9 = arith.cmpi ne, %convert_element_type3A_7, %cond3A_8 : i32
    scf.if %cond3A_9 {
      %add3A = arith.constant 0 : i32
      %add3A_15 = arith.addi %mul3A_2, %add3A : i32
      %mul3A_16 = arith.constant 200 : i32
      %mul3A_17 = arith.muli %add3A_15, %mul3A_16 : i32
      "tpu.region"() ({
        %run_scoped3A_53 = tpu.sem_alloc : memref<!tpu.dma_semaphore, #tpu.memory_space<semaphore_mem>>
        %dma_start3A_54 = arith.constant 0 : i32
        %dma_start3A_55 = tpu.memref_slice %arg4[%dma_start3A_54, %mul3A_17] : memref<2x800000xi32, #tpu.memory_space<hbm>> -> memref<2x200xi32, #tpu.memory_space<hbm>>
        %dma_start3A_56 = arith.constant 0 : i32
        %dma_start3A_57 = tpu.memref_slice %arg4[%dma_start3A_56, %mul3A_17] : memref<2x800000xi32, #tpu.memory_space<hbm>> -> memref<2x200xi32, #tpu.memory_space<hbm>>
        tpu.enqueue_dma source(%dma_start3A_57 : memref<2x200xi32, #tpu.memory_space<hbm>>) target(%arg7 : memref<2x200xi32, #tpu.memory_space<vmem>>) target_semaphore(%run_scoped3A_53 : memref<!tpu.dma_semaphore, #tpu.memory_space<semaphore_mem>>)
        %dma_wait3A_58 = arith.constant 0 : i32
        %dma_wait3A_59 = tpu.memref_slice %arg4[%dma_wait3A_58, %mul3A_17] : memref<2x800000xi32, #tpu.memory_space<hbm>> -> memref<2x200xi32, #tpu.memory_space<hbm>>
        %dma_wait3A_60 = arith.constant 0 : i32
        %dma_wait3A_61 = tpu.memref_slice %arg4[%dma_wait3A_60, %mul3A_17] : memref<2x800000xi32, #tpu.memory_space<hbm>> -> memref<2x200xi32, #tpu.memory_space<hbm>>
        tpu.wait_dma2 semaphore(%run_scoped3A_53 : memref<!tpu.dma_semaphore, #tpu.memory_space<semaphore_mem>>) src(%dma_wait3A_61 : memref<2x200xi32, #tpu.memory_space<hbm>>) dst(%arg7 : memref<2x200xi32, #tpu.memory_space<vmem>>)
        tpu.yield
      }) : () -> ()
      %dma_start3A = arith.constant 0 : i32
      %dma_start3A_18 = arith.constant 0 : i32
      %dma_start3A_19 = tpu.memref_slice %arg7[%dma_start3A, %dma_start3A_18] : memref<2x200xi32, #tpu.memory_space<vmem>> -> memref<1x200xi32, #tpu.memory_space<vmem>>
      %dma_start3A_20 = tpu.memref_squeeze %dma_start3A_19 : memref<1x200xi32, #tpu.memory_space<vmem>> -> memref<200xi32, #tpu.memory_space<vmem>>
      %dma_start3A_21 = arith.constant 0 : i32
      %dma_start3A_22 = arith.constant 0 : i32
      %dma_start3A_23 = tpu.memref_slice %arg3[%dma_start3A_21, %dma_start3A_22] : memref<50176x32xf32, #tpu.memory_space<hbm>> -> memref<50176x32xf32, #tpu.memory_space<hbm>>
      tpu.enqueue_indirect_dma source(%dma_start3A_23 : memref<50176x32xf32, #tpu.memory_space<hbm>>) target(%arg9 : memref<200x32xf32, #tpu.memory_space<vmem>>) offsets(%dma_start3A_20 : memref<200xi32, #tpu.memory_space<vmem>>) semaphore(%arg12 : memref<!tpu.dma_semaphore, #tpu.memory_space<semaphore_mem>>)
      %scan3A = arith.constant 0 : i32
      %scan3A_24 = arith.constant 124 : i32
      %scan3A_25 = arith.addi %scan3A, %scan3A_24 : i32
      %scan3A_26 = arith.constant 1 : i32
      scf.for %scan3A_53 = %scan3A to %scan3A_25 step %scan3A_26  : i32 {
        %mul3A_54 = arith.constant 2 : i32
        %mul3A_55 = arith.muli %scan3A_53, %mul3A_54 : i32
        %add3A_56 = arith.constant 0 : i32
        %add3A_57 = arith.addi %add3A_56, %mul3A_55 : i32
        %add3A_58 = arith.constant 1 : i32
        %add3A_59 = arith.addi %add3A_57, %add3A_58 : i32
        %add3A_60 = arith.addi %mul3A_2, %add3A_59 : i32
        %mul3A_61 = arith.constant 200 : i32
        %mul3A_62 = arith.muli %add3A_60, %mul3A_61 : i32
        "tpu.region"() ({
          %run_scoped3A_98 = tpu.sem_alloc : memref<!tpu.dma_semaphore, #tpu.memory_space<semaphore_mem>>
          %dma_start3A_99 = arith.constant 0 : i32
          %dma_start3A_100 = tpu.memref_slice %arg4[%dma_start3A_99, %mul3A_62] : memref<2x800000xi32, #tpu.memory_space<hbm>> -> memref<2x200xi32, #tpu.memory_space<hbm>>
          %dma_start3A_101 = arith.constant 0 : i32
          %dma_start3A_102 = tpu.memref_slice %arg4[%dma_start3A_101, %mul3A_62] : memref<2x800000xi32, #tpu.memory_space<hbm>> -> memref<2x200xi32, #tpu.memory_space<hbm>>
          tpu.enqueue_dma source(%dma_start3A_102 : memref<2x200xi32, #tpu.memory_space<hbm>>) target(%arg8 : memref<2x200xi32, #tpu.memory_space<vmem>>) target_semaphore(%run_scoped3A_98 : memref<!tpu.dma_semaphore, #tpu.memory_space<semaphore_mem>>)
          %dma_wait3A_103 = arith.constant 0 : i32
          %dma_wait3A_104 = tpu.memref_slice %arg4[%dma_wait3A_103, %mul3A_62] : memref<2x800000xi32, #tpu.memory_space<hbm>> -> memref<2x200xi32, #tpu.memory_space<hbm>>
          %dma_wait3A_105 = arith.constant 0 : i32
          %dma_wait3A_106 = tpu.memref_slice %arg4[%dma_wait3A_105, %mul3A_62] : memref<2x800000xi32, #tpu.memory_space<hbm>> -> memref<2x200xi32, #tpu.memory_space<hbm>>
          tpu.wait_dma2 semaphore(%run_scoped3A_98 : memref<!tpu.dma_semaphore, #tpu.memory_space<semaphore_mem>>) src(%dma_wait3A_106 : memref<2x200xi32, #tpu.memory_space<hbm>>) dst(%arg8 : memref<2x200xi32, #tpu.memory_space<vmem>>)
          tpu.yield
        }) : () -> ()
        %dma_start3A_63 = arith.constant 0 : i32
        %dma_start3A_64 = arith.constant 0 : i32
        %dma_start3A_65 = tpu.memref_slice %arg8[%dma_start3A_63, %dma_start3A_64] : memref<2x200xi32, #tpu.memory_space<vmem>> -> memref<1x200xi32, #tpu.memory_space<vmem>>
        %dma_start3A_66 = tpu.memref_squeeze %dma_start3A_65 : memref<1x200xi32, #tpu.memory_space<vmem>> -> memref<200xi32, #tpu.memory_space<vmem>>
        %dma_start3A_67 = arith.constant 0 : i32
        %dma_start3A_68 = arith.constant 0 : i32
        %dma_start3A_69 = tpu.memref_slice %arg3[%dma_start3A_67, %dma_start3A_68] : memref<50176x32xf32, #tpu.memory_space<hbm>> -> memref<50176x32xf32, #tpu.memory_space<hbm>>
        tpu.enqueue_indirect_dma source(%dma_start3A_69 : memref<50176x32xf32, #tpu.memory_space<hbm>>) target(%arg10 : memref<200x32xf32, #tpu.memory_space<vmem>>) offsets(%dma_start3A_66 : memref<200xi32, #tpu.memory_space<vmem>>) semaphore(%arg13 : memref<!tpu.dma_semaphore, #tpu.memory_space<semaphore_mem>>)
        %dma_wait3A_70 = arith.constant 0 : i32
        %dma_wait3A_71 = arith.constant 0 : i32
        %dma_wait3A_72 = tpu.memref_slice %arg7[%dma_wait3A_70, %dma_wait3A_71] : memref<2x200xi32, #tpu.memory_space<vmem>> -> memref<1x200xi32, #tpu.memory_space<vmem>>
        %dma_wait3A_73 = tpu.memref_squeeze %dma_wait3A_72 : memref<1x200xi32, #tpu.memory_space<vmem>> -> memref<200xi32, #tpu.memory_space<vmem>>
        %dma_wait3A_74 = arith.constant 0 : i32
        %dma_wait3A_75 = arith.constant 0 : i32
        %dma_wait3A_76 = tpu.memref_slice %arg3[%dma_wait3A_74, %dma_wait3A_75] : memref<50176x32xf32, #tpu.memory_space<hbm>> -> memref<50176x32xf32, #tpu.memory_space<hbm>>
        tpu.wait_indirect_dma semaphore(%arg12 : memref<!tpu.dma_semaphore, #tpu.memory_space<semaphore_mem>>) src(%dma_wait3A_76 : memref<50176x32xf32, #tpu.memory_space<hbm>>) dst(%arg9 : memref<200x32xf32, #tpu.memory_space<vmem>>)
        %run_scoped3A_77 = arith.constant 1 : i32
        "tpu.region"() ({
          %run_scoped3A_98 = tpu.sem_alloc : memref<!tpu.dma_semaphore, #tpu.memory_space<semaphore_mem>>
          %dma_start3A_99 = arith.constant 0 : i32
          %dma_start3A_100 = tpu.memref_slice %arg7[%run_scoped3A_77, %dma_start3A_99] : memref<2x200xi32, #tpu.memory_space<vmem>> -> memref<1x200xi32, #tpu.memory_space<vmem>>
          %dma_start3A_101 = tpu.memref_squeeze %dma_start3A_100 : memref<1x200xi32, #tpu.memory_space<vmem>> -> memref<200xi32, #tpu.memory_space<vmem>>
          %dma_start3A_102 = arith.constant 0 : i32
          %dma_start3A_103 = arith.constant 0 : i32
          %dma_start3A_104 = tpu.memref_slice %arg11[%dma_start3A_102, %dma_start3A_103] : memref<50176x32xf32, #tpu.memory_space<vmem_shared>> -> memref<50176x32xf32, #tpu.memory_space<vmem_shared>>
          tpu.enqueue_indirect_dma source(%arg9 : memref<200x32xf32, #tpu.memory_space<vmem>>) target(%dma_start3A_104 : memref<50176x32xf32, #tpu.memory_space<vmem_shared>>) offsets(%dma_start3A_101 : memref<200xi32, #tpu.memory_space<vmem>>) semaphore(%run_scoped3A_98 : memref<!tpu.dma_semaphore, #tpu.memory_space<semaphore_mem>>) {add = true}
          %dma_wait3A_105 = arith.constant 0 : i32
          %dma_wait3A_106 = tpu.memref_slice %arg7[%run_scoped3A_77, %dma_wait3A_105] : memref<2x200xi32, #tpu.memory_space<vmem>> -> memref<1x200xi32, #tpu.memory_space<vmem>>
          %dma_wait3A_107 = tpu.memref_squeeze %dma_wait3A_106 : memref<1x200xi32, #tpu.memory_space<vmem>> -> memref<200xi32, #tpu.memory_space<vmem>>
          %dma_wait3A_108 = arith.constant 0 : i32
          %dma_wait3A_109 = arith.constant 0 : i32
          %dma_wait3A_110 = tpu.memref_slice %arg11[%dma_wait3A_108, %dma_wait3A_109] : memref<50176x32xf32, #tpu.memory_space<vmem_shared>> -> memref<50176x32xf32, #tpu.memory_space<vmem_shared>>
          tpu.wait_indirect_dma semaphore(%run_scoped3A_98 : memref<!tpu.dma_semaphore, #tpu.memory_space<semaphore_mem>>) src(%arg9 : memref<200x32xf32, #tpu.memory_space<vmem>>) dst(%dma_wait3A_110 : memref<50176x32xf32, #tpu.memory_space<vmem_shared>>)
          tpu.yield
        }) : () -> ()
        %add3A_78 = arith.constant 2 : i32
        %add3A_79 = arith.addi %add3A_57, %add3A_78 : i32
        %add3A_80 = arith.addi %mul3A_2, %add3A_79 : i32
        %mul3A_81 = arith.constant 200 : i32
        %mul3A_82 = arith.muli %add3A_80, %mul3A_81 : i32
        "tpu.region"() ({
          %run_scoped3A_98 = tpu.sem_alloc : memref<!tpu.dma_semaphore, #tpu.memory_space<semaphore_mem>>
          %dma_start3A_99 = arith.constant 0 : i32
          %dma_start3A_100 = tpu.memref_slice %arg4[%dma_start3A_99, %mul3A_82] : memref<2x800000xi32, #tpu.memory_space<hbm>> -> memref<2x200xi32, #tpu.memory_space<hbm>>
          %dma_start3A_101 = arith.constant 0 : i32
          %dma_start3A_102 = tpu.memref_slice %arg4[%dma_start3A_101, %mul3A_82] : memref<2x800000xi32, #tpu.memory_space<hbm>> -> memref<2x200xi32, #tpu.memory_space<hbm>>
          tpu.enqueue_dma source(%dma_start3A_102 : memref<2x200xi32, #tpu.memory_space<hbm>>) target(%arg7 : memref<2x200xi32, #tpu.memory_space<vmem>>) target_semaphore(%run_scoped3A_98 : memref<!tpu.dma_semaphore, #tpu.memory_space<semaphore_mem>>)
          %dma_wait3A_103 = arith.constant 0 : i32
          %dma_wait3A_104 = tpu.memref_slice %arg4[%dma_wait3A_103, %mul3A_82] : memref<2x800000xi32, #tpu.memory_space<hbm>> -> memref<2x200xi32, #tpu.memory_space<hbm>>
          %dma_wait3A_105 = arith.constant 0 : i32
          %dma_wait3A_106 = tpu.memref_slice %arg4[%dma_wait3A_105, %mul3A_82] : memref<2x800000xi32, #tpu.memory_space<hbm>> -> memref<2x200xi32, #tpu.memory_space<hbm>>
          tpu.wait_dma2 semaphore(%run_scoped3A_98 : memref<!tpu.dma_semaphore, #tpu.memory_space<semaphore_mem>>) src(%dma_wait3A_106 : memref<2x200xi32, #tpu.memory_space<hbm>>) dst(%arg7 : memref<2x200xi32, #tpu.memory_space<vmem>>)
          tpu.yield
        }) : () -> ()
        %dma_start3A_83 = arith.constant 0 : i32
        %dma_start3A_84 = arith.constant 0 : i32
        %dma_start3A_85 = tpu.memref_slice %arg7[%dma_start3A_83, %dma_start3A_84] : memref<2x200xi32, #tpu.memory_space<vmem>> -> memref<1x200xi32, #tpu.memory_space<vmem>>
        %dma_start3A_86 = tpu.memref_squeeze %dma_start3A_85 : memref<1x200xi32, #tpu.memory_space<vmem>> -> memref<200xi32, #tpu.memory_space<vmem>>
        %dma_start3A_87 = arith.constant 0 : i32
        %dma_start3A_88 = arith.constant 0 : i32
        %dma_start3A_89 = tpu.memref_slice %arg3[%dma_start3A_87, %dma_start3A_88] : memref<50176x32xf32, #tpu.memory_space<hbm>> -> memref<50176x32xf32, #tpu.memory_space<hbm>>
        tpu.enqueue_indirect_dma source(%dma_start3A_89 : memref<50176x32xf32, #tpu.memory_space<hbm>>) target(%arg9 : memref<200x32xf32, #tpu.memory_space<vmem>>) offsets(%dma_start3A_86 : memref<200xi32, #tpu.memory_space<vmem>>) semaphore(%arg12 : memref<!tpu.dma_semaphore, #tpu.memory_space<semaphore_mem>>)
        %dma_wait3A_90 = arith.constant 0 : i32
        %dma_wait3A_91 = arith.constant 0 : i32
        %dma_wait3A_92 = tpu.memref_slice %arg8[%dma_wait3A_90, %dma_wait3A_91] : memref<2x200xi32, #tpu.memory_space<vmem>> -> memref<1x200xi32, #tpu.memory_space<vmem>>
        %dma_wait3A_93 = tpu.memref_squeeze %dma_wait3A_92 : memref<1x200xi32, #tpu.memory_space<vmem>> -> memref<200xi32, #tpu.memory_space<vmem>>
        %dma_wait3A_94 = arith.constant 0 : i32
        %dma_wait3A_95 = arith.constant 0 : i32
        %dma_wait3A_96 = tpu.memref_slice %arg3[%dma_wait3A_94, %dma_wait3A_95] : memref<50176x32xf32, #tpu.memory_space<hbm>> -> memref<50176x32xf32, #tpu.memory_space<hbm>>
        tpu.wait_indirect_dma semaphore(%arg13 : memref<!tpu.dma_semaphore, #tpu.memory_space<semaphore_mem>>) src(%dma_wait3A_96 : memref<50176x32xf32, #tpu.memory_space<hbm>>) dst(%arg10 : memref<200x32xf32, #tpu.memory_space<vmem>>)
        %run_scoped3A_97 = arith.constant 1 : i32
        "tpu.region"() ({
          %run_scoped3A_98 = tpu.sem_alloc : memref<!tpu.dma_semaphore, #tpu.memory_space<semaphore_mem>>
          %dma_start3A_99 = arith.constant 0 : i32
          %dma_start3A_100 = tpu.memref_slice %arg8[%run_scoped3A_97, %dma_start3A_99] : memref<2x200xi32, #tpu.memory_space<vmem>> -> memref<1x200xi32, #tpu.memory_space<vmem>>
          %dma_start3A_101 = tpu.memref_squeeze %dma_start3A_100 : memref<1x200xi32, #tpu.memory_space<vmem>> -> memref<200xi32, #tpu.memory_space<vmem>>
          %dma_start3A_102 = arith.constant 0 : i32
          %dma_start3A_103 = arith.constant 0 : i32
          %dma_start3A_104 = tpu.memref_slice %arg11[%dma_start3A_102, %dma_start3A_103] : memref<50176x32xf32, #tpu.memory_space<vmem_shared>> -> memref<50176x32xf32, #tpu.memory_space<vmem_shared>>
          tpu.enqueue_indirect_dma source(%arg10 : memref<200x32xf32, #tpu.memory_space<vmem>>) target(%dma_start3A_104 : memref<50176x32xf32, #tpu.memory_space<vmem_shared>>) offsets(%dma_start3A_101 : memref<200xi32, #tpu.memory_space<vmem>>) semaphore(%run_scoped3A_98 : memref<!tpu.dma_semaphore, #tpu.memory_space<semaphore_mem>>) {add = true}
          %dma_wait3A_105 = arith.constant 0 : i32
          %dma_wait3A_106 = tpu.memref_slice %arg8[%run_scoped3A_97, %dma_wait3A_105] : memref<2x200xi32, #tpu.memory_space<vmem>> -> memref<1x200xi32, #tpu.memory_space<vmem>>
          %dma_wait3A_107 = tpu.memref_squeeze %dma_wait3A_106 : memref<1x200xi32, #tpu.memory_space<vmem>> -> memref<200xi32, #tpu.memory_space<vmem>>
          %dma_wait3A_108 = arith.constant 0 : i32
          %dma_wait3A_109 = arith.constant 0 : i32
          %dma_wait3A_110 = tpu.memref_slice %arg11[%dma_wait3A_108, %dma_wait3A_109] : memref<50176x32xf32, #tpu.memory_space<vmem_shared>> -> memref<50176x32xf32, #tpu.memory_space<vmem_shared>>
          tpu.wait_indirect_dma semaphore(%run_scoped3A_98 : memref<!tpu.dma_semaphore, #tpu.memory_space<semaphore_mem>>) src(%arg10 : memref<200x32xf32, #tpu.memory_space<vmem>>) dst(%dma_wait3A_110 : memref<50176x32xf32, #tpu.memory_space<vmem_shared>>)
          tpu.yield
        }) : () -> ()
      }
      %scan3A_27 = arith.constant 124 : i32
      %add3A_28 = arith.constant 249 : i32
      %add3A_29 = arith.addi %mul3A_2, %add3A_28 : i32
      %mul3A_30 = arith.constant 200 : i32
      %mul3A_31 = arith.muli %add3A_29, %mul3A_30 : i32
      "tpu.region"() ({
        %run_scoped3A_53 = tpu.sem_alloc : memref<!tpu.dma_semaphore, #tpu.memory_space<semaphore_mem>>
        %dma_start3A_54 = arith.constant 0 : i32
        %dma_start3A_55 = tpu.memref_slice %arg4[%dma_start3A_54, %mul3A_31] : memref<2x800000xi32, #tpu.memory_space<hbm>> -> memref<2x200xi32, #tpu.memory_space<hbm>>
        %dma_start3A_56 = arith.constant 0 : i32
        %dma_start3A_57 = tpu.memref_slice %arg4[%dma_start3A_56, %mul3A_31] : memref<2x800000xi32, #tpu.memory_space<hbm>> -> memref<2x200xi32, #tpu.memory_space<hbm>>
        tpu.enqueue_dma source(%dma_start3A_57 : memref<2x200xi32, #tpu.memory_space<hbm>>) target(%arg8 : memref<2x200xi32, #tpu.memory_space<vmem>>) target_semaphore(%run_scoped3A_53 : memref<!tpu.dma_semaphore, #tpu.memory_space<semaphore_mem>>)
        %dma_wait3A_58 = arith.constant 0 : i32
        %dma_wait3A_59 = tpu.memref_slice %arg4[%dma_wait3A_58, %mul3A_31] : memref<2x800000xi32, #tpu.memory_space<hbm>> -> memref<2x200xi32, #tpu.memory_space<hbm>>
        %dma_wait3A_60 = arith.constant 0 : i32
        %dma_wait3A_61 = tpu.memref_slice %arg4[%dma_wait3A_60, %mul3A_31] : memref<2x800000xi32, #tpu.memory_space<hbm>> -> memref<2x200xi32, #tpu.memory_space<hbm>>
        tpu.wait_dma2 semaphore(%run_scoped3A_53 : memref<!tpu.dma_semaphore, #tpu.memory_space<semaphore_mem>>) src(%dma_wait3A_61 : memref<2x200xi32, #tpu.memory_space<hbm>>) dst(%arg8 : memref<2x200xi32, #tpu.memory_space<vmem>>)
        tpu.yield
      }) : () -> ()
      %dma_start3A_32 = arith.constant 0 : i32
      %dma_start3A_33 = arith.constant 0 : i32
      %dma_start3A_34 = tpu.memref_slice %arg8[%dma_start3A_32, %dma_start3A_33] : memref<2x200xi32, #tpu.memory_space<vmem>> -> memref<1x200xi32, #tpu.memory_space<vmem>>
      %dma_start3A_35 = tpu.memref_squeeze %dma_start3A_34 : memref<1x200xi32, #tpu.memory_space<vmem>> -> memref<200xi32, #tpu.memory_space<vmem>>
      %dma_start3A_36 = arith.constant 0 : i32
      %dma_start3A_37 = arith.constant 0 : i32
      %dma_start3A_38 = tpu.memref_slice %arg3[%dma_start3A_36, %dma_start3A_37] : memref<50176x32xf32, #tpu.memory_space<hbm>> -> memref<50176x32xf32, #tpu.memory_space<hbm>>
      tpu.enqueue_indirect_dma source(%dma_start3A_38 : memref<50176x32xf32, #tpu.memory_space<hbm>>) target(%arg10 : memref<200x32xf32, #tpu.memory_space<vmem>>) offsets(%dma_start3A_35 : memref<200xi32, #tpu.memory_space<vmem>>) semaphore(%arg13 : memref<!tpu.dma_semaphore, #tpu.memory_space<semaphore_mem>>)
      %dma_wait3A = arith.constant 0 : i32
      %dma_wait3A_39 = arith.constant 0 : i32
      %dma_wait3A_40 = tpu.memref_slice %arg7[%dma_wait3A, %dma_wait3A_39] : memref<2x200xi32, #tpu.memory_space<vmem>> -> memref<1x200xi32, #tpu.memory_space<vmem>>
      %dma_wait3A_41 = tpu.memref_squeeze %dma_wait3A_40 : memref<1x200xi32, #tpu.memory_space<vmem>> -> memref<200xi32, #tpu.memory_space<vmem>>
      %dma_wait3A_42 = arith.constant 0 : i32
      %dma_wait3A_43 = arith.constant 0 : i32
      %dma_wait3A_44 = tpu.memref_slice %arg3[%dma_wait3A_42, %dma_wait3A_43] : memref<50176x32xf32, #tpu.memory_space<hbm>> -> memref<50176x32xf32, #tpu.memory_space<hbm>>
      tpu.wait_indirect_dma semaphore(%arg12 : memref<!tpu.dma_semaphore, #tpu.memory_space<semaphore_mem>>) src(%dma_wait3A_44 : memref<50176x32xf32, #tpu.memory_space<hbm>>) dst(%arg9 : memref<200x32xf32, #tpu.memory_space<vmem>>)
      %run_scoped3A = arith.constant 1 : i32
      "tpu.region"() ({
        %run_scoped3A_53 = tpu.sem_alloc : memref<!tpu.dma_semaphore, #tpu.memory_space<semaphore_mem>>
        %dma_start3A_54 = arith.constant 0 : i32
        %dma_start3A_55 = tpu.memref_slice %arg7[%run_scoped3A, %dma_start3A_54] : memref<2x200xi32, #tpu.memory_space<vmem>> -> memref<1x200xi32, #tpu.memory_space<vmem>>
        %dma_start3A_56 = tpu.memref_squeeze %dma_start3A_55 : memref<1x200xi32, #tpu.memory_space<vmem>> -> memref<200xi32, #tpu.memory_space<vmem>>
        %dma_start3A_57 = arith.constant 0 : i32
        %dma_start3A_58 = arith.constant 0 : i32
        %dma_start3A_59 = tpu.memref_slice %arg11[%dma_start3A_57, %dma_start3A_58] : memref<50176x32xf32, #tpu.memory_space<vmem_shared>> -> memref<50176x32xf32, #tpu.memory_space<vmem_shared>>
        tpu.enqueue_indirect_dma source(%arg9 : memref<200x32xf32, #tpu.memory_space<vmem>>) target(%dma_start3A_59 : memref<50176x32xf32, #tpu.memory_space<vmem_shared>>) offsets(%dma_start3A_56 : memref<200xi32, #tpu.memory_space<vmem>>) semaphore(%run_scoped3A_53 : memref<!tpu.dma_semaphore, #tpu.memory_space<semaphore_mem>>) {add = true}
        %dma_wait3A_60 = arith.constant 0 : i32
        %dma_wait3A_61 = tpu.memref_slice %arg7[%run_scoped3A, %dma_wait3A_60] : memref<2x200xi32, #tpu.memory_space<vmem>> -> memref<1x200xi32, #tpu.memory_space<vmem>>
        %dma_wait3A_62 = tpu.memref_squeeze %dma_wait3A_61 : memref<1x200xi32, #tpu.memory_space<vmem>> -> memref<200xi32, #tpu.memory_space<vmem>>
        %dma_wait3A_63 = arith.constant 0 : i32
        %dma_wait3A_64 = arith.constant 0 : i32
        %dma_wait3A_65 = tpu.memref_slice %arg11[%dma_wait3A_63, %dma_wait3A_64] : memref<50176x32xf32, #tpu.memory_space<vmem_shared>> -> memref<50176x32xf32, #tpu.memory_space<vmem_shared>>
        tpu.wait_indirect_dma semaphore(%run_scoped3A_53 : memref<!tpu.dma_semaphore, #tpu.memory_space<semaphore_mem>>) src(%arg9 : memref<200x32xf32, #tpu.memory_space<vmem>>) dst(%dma_wait3A_65 : memref<50176x32xf32, #tpu.memory_space<vmem_shared>>)
        tpu.yield
      }) : () -> ()
      %dma_wait3A_45 = arith.constant 0 : i32
      %dma_wait3A_46 = arith.constant 0 : i32
      %dma_wait3A_47 = tpu.memref_slice %arg8[%dma_wait3A_45, %dma_wait3A_46] : memref<2x200xi32, #tpu.memory_space<vmem>> -> memref<1x200xi32, #tpu.memory_space<vmem>>
      %dma_wait3A_48 = tpu.memref_squeeze %dma_wait3A_47 : memref<1x200xi32, #tpu.memory_space<vmem>> -> memref<200xi32, #tpu.memory_space<vmem>>
      %dma_wait3A_49 = arith.constant 0 : i32
      %dma_wait3A_50 = arith.constant 0 : i32
      %dma_wait3A_51 = tpu.memref_slice %arg3[%dma_wait3A_49, %dma_wait3A_50] : memref<50176x32xf32, #tpu.memory_space<hbm>> -> memref<50176x32xf32, #tpu.memory_space<hbm>>
      tpu.wait_indirect_dma semaphore(%arg13 : memref<!tpu.dma_semaphore, #tpu.memory_space<semaphore_mem>>) src(%dma_wait3A_51 : memref<50176x32xf32, #tpu.memory_space<hbm>>) dst(%arg10 : memref<200x32xf32, #tpu.memory_space<vmem>>)
      %run_scoped3A_52 = arith.constant 1 : i32
      "tpu.region"() ({
        %run_scoped3A_53 = tpu.sem_alloc : memref<!tpu.dma_semaphore, #tpu.memory_space<semaphore_mem>>
        %dma_start3A_54 = arith.constant 0 : i32
        %dma_start3A_55 = tpu.memref_slice %arg8[%run_scoped3A_52, %dma_start3A_54] : memref<2x200xi32, #tpu.memory_space<vmem>> -> memref<1x200xi32, #tpu.memory_space<vmem>>
        %dma_start3A_56 = tpu.memref_squeeze %dma_start3A_55 : memref<1x200xi32, #tpu.memory_space<vmem>> -> memref<200xi32, #tpu.memory_space<vmem>>
        %dma_start3A_57 = arith.constant 0 : i32
        %dma_start3A_58 = arith.constant 0 : i32
        %dma_start3A_59 = tpu.memref_slice %arg11[%dma_start3A_57, %dma_start3A_58] : memref<50176x32xf32, #tpu.memory_space<vmem_shared>> -> memref<50176x32xf32, #tpu.memory_space<vmem_shared>>
        tpu.enqueue_indirect_dma source(%arg10 : memref<200x32xf32, #tpu.memory_space<vmem>>) target(%dma_start3A_59 : memref<50176x32xf32, #tpu.memory_space<vmem_shared>>) offsets(%dma_start3A_56 : memref<200xi32, #tpu.memory_space<vmem>>) semaphore(%run_scoped3A_53 : memref<!tpu.dma_semaphore, #tpu.memory_space<semaphore_mem>>) {add = true}
        %dma_wait3A_60 = arith.constant 0 : i32
        %dma_wait3A_61 = tpu.memref_slice %arg8[%run_scoped3A_52, %dma_wait3A_60] : memref<2x200xi32, #tpu.memory_space<vmem>> -> memref<1x200xi32, #tpu.memory_space<vmem>>
        %dma_wait3A_62 = tpu.memref_squeeze %dma_wait3A_61 : memref<1x200xi32, #tpu.memory_space<vmem>> -> memref<200xi32, #tpu.memory_space<vmem>>
        %dma_wait3A_63 = arith.constant 0 : i32
        %dma_wait3A_64 = arith.constant 0 : i32
        %dma_wait3A_65 = tpu.memref_slice %arg11[%dma_wait3A_63, %dma_wait3A_64] : memref<50176x32xf32, #tpu.memory_space<vmem_shared>> -> memref<50176x32xf32, #tpu.memory_space<vmem_shared>>
        tpu.wait_indirect_dma semaphore(%run_scoped3A_53 : memref<!tpu.dma_semaphore, #tpu.memory_space<semaphore_mem>>) src(%arg10 : memref<200x32xf32, #tpu.memory_space<vmem>>) dst(%dma_wait3A_65 : memref<50176x32xf32, #tpu.memory_space<vmem_shared>>)
        tpu.yield
      }) : () -> ()
    } else {
    }
    %barrier3A_10 = arith.constant 0 : index
    tpu.barrier barrier_id(%barrier3A_10)
    %mul3A_11 = arith.constant 3136 : i32
    %mul3A_12 = arith.muli %arg1, %mul3A_11 : i32
    %mul3A_13 = arith.constant 3136 : i32
    %mul3A_14 = arith.muli %arg1, %mul3A_13 : i32
    "tpu.region"() ({
      %run_scoped3A = tpu.sem_alloc : memref<!tpu.dma_semaphore, #tpu.memory_space<semaphore_mem>>
      %dma_start3A = arith.constant 0 : i32
      %dma_start3A_15 = arith.constant 0 : i32
      %dma_start3A_16 = tpu.memref_slice %arg6[%arg0, %dma_start3A, %dma_start3A_15] : memref<2x50176x32xf32, #tpu.memory_space<hbm>> -> memref<1x50176x32xf32, #tpu.memory_space<hbm>>
      %dma_start3A_17 = tpu.memref_squeeze %dma_start3A_16 : memref<1x50176x32xf32, #tpu.memory_space<hbm>> -> memref<50176x32xf32, #tpu.memory_space<hbm>>
      %dma_start3A_18 = arith.constant 0 : i32
      %dma_start3A_19 = tpu.memref_slice %dma_start3A_17[%mul3A_14, %dma_start3A_18] : memref<50176x32xf32, #tpu.memory_space<hbm>> -> memref<3136x32xf32, #tpu.memory_space<hbm>>
      %dma_start3A_20 = arith.constant 0 : i32
      %dma_start3A_21 = tpu.memref_slice %arg11[%mul3A_12, %dma_start3A_20] : memref<50176x32xf32, #tpu.memory_space<vmem_shared>> -> memref<3136x32xf32, #tpu.memory_space<vmem_shared>>
      tpu.enqueue_dma source(%dma_start3A_21 : memref<3136x32xf32, #tpu.memory_space<vmem_shared>>) target(%dma_start3A_19 : memref<3136x32xf32, #tpu.memory_space<hbm>>) target_semaphore(%run_scoped3A : memref<!tpu.dma_semaphore, #tpu.memory_space<semaphore_mem>>)
      %dma_wait3A = arith.constant 0 : i32
      %dma_wait3A_22 = arith.constant 0 : i32
      %dma_wait3A_23 = tpu.memref_slice %arg6[%arg0, %dma_wait3A, %dma_wait3A_22] : memref<2x50176x32xf32, #tpu.memory_space<hbm>> -> memref<1x50176x32xf32, #tpu.memory_space<hbm>>
      %dma_wait3A_24 = tpu.memref_squeeze %dma_wait3A_23 : memref<1x50176x32xf32, #tpu.memory_space<hbm>> -> memref<50176x32xf32, #tpu.memory_space<hbm>>
      %dma_wait3A_25 = arith.constant 0 : i32
      %dma_wait3A_26 = tpu.memref_slice %dma_wait3A_24[%mul3A_14, %dma_wait3A_25] : memref<50176x32xf32, #tpu.memory_space<hbm>> -> memref<3136x32xf32, #tpu.memory_space<hbm>>
      %dma_wait3A_27 = arith.constant 0 : i32
      %dma_wait3A_28 = tpu.memref_slice %arg11[%mul3A_12, %dma_wait3A_27] : memref<50176x32xf32, #tpu.memory_space<vmem_shared>> -> memref<3136x32xf32, #tpu.memory_space<vmem_shared>>
      tpu.wait_dma2 semaphore(%run_scoped3A : memref<!tpu.dma_semaphore, #tpu.memory_space<semaphore_mem>>) src(%dma_wait3A_28 : memref<3136x32xf32, #tpu.memory_space<vmem_shared>>) dst(%dma_wait3A_26 : memref<3136x32xf32, #tpu.memory_space<hbm>>)
      tpu.yield
    }) : () -> ()
    return
  }
}

#map = affine_map<(d0, d1) -> (0, 0)>
#map1 = affine_map<(d0, d1) -> (0, 0, 0)>
module attributes {stable_mosaic.version = 14 : i64} {
  func.func @agg_kernel(%arg0: i32, %arg1: i32, %arg2: memref<50176x32xf32, #tpu.memory_space<hbm>>, %arg3: memref<50176x32xf32, #tpu.memory_space<hbm>>, %arg4: memref<2x800000xi32, #tpu.memory_space<hbm>>, %arg5: memref<3136x32xf32, #tpu.memory_space<hbm>>, %arg6: memref<2x50176x32xf32, #tpu.memory_space<hbm>>, %arg7: memref<2x200xi32, #tpu.memory_space<vmem>>, %arg8: memref<2x200xi32, #tpu.memory_space<vmem>>, %arg9: memref<200x32xf32, #tpu.memory_space<vmem>>, %arg10: memref<200x32xf32, #tpu.memory_space<vmem>>, %arg11: memref<50176x32xf32, #tpu.memory_space<vmem_shared>>, %arg12: memref<!tpu.dma_semaphore, #tpu.memory_space<semaphore_mem>>, %arg13: memref<!tpu.dma_semaphore, #tpu.memory_space<semaphore_mem>>) attributes {dimension_semantics = [#tpu.dimension_semantics<core_parallel>, #tpu.dimension_semantics<subcore_parallel>], iteration_bounds = array<i64: 2, 16>, scalar_prefetch = 0 : i64, scratch_operands = 7 : i64, tpu.core_type = #tpu.core_type<sc_vector_subcore>, window_params = [{transform_indices = #map}, {transform_indices = #map}, {transform_indices = #map}, {transform_indices = #map}, {transform_indices = #map1}]} {
    %mul3A = arith.constant 3136 : i32
    %mul3A_0 = arith.muli %arg1, %mul3A : i32
    "tpu.region"() ({
      %run_scoped3A = tpu.sem_alloc : memref<!tpu.dma_semaphore, #tpu.memory_space<semaphore_mem>>
      %dma_start3A = arith.constant 0 : i32
      %dma_start3A_15 = tpu.memref_slice %arg11[%mul3A_0, %dma_start3A] : memref<50176x32xf32, #tpu.memory_space<vmem_shared>> -> memref<3136x32xf32, #tpu.memory_space<vmem_shared>>
      tpu.enqueue_dma source(%arg5 : memref<3136x32xf32, #tpu.memory_space<hbm>>) target(%dma_start3A_15 : memref<3136x32xf32, #tpu.memory_space<vmem_shared>>) target_semaphore(%run_scoped3A : memref<!tpu.dma_semaphore, #tpu.memory_space<semaphore_mem>>)
      %dma_wait3A = arith.constant 0 : i32
      %dma_wait3A_16 = tpu.memref_slice %arg11[%mul3A_0, %dma_wait3A] : memref<50176x32xf32, #tpu.memory_space<vmem_shared>> -> memref<3136x32xf32, #tpu.memory_space<vmem_shared>>
      tpu.wait_dma2 semaphore(%run_scoped3A : memref<!tpu.dma_semaphore, #tpu.memory_space<semaphore_mem>>) src(%arg5 : memref<3136x32xf32, #tpu.memory_space<hbm>>) dst(%dma_wait3A_16 : memref<3136x32xf32, #tpu.memory_space<vmem_shared>>)
      tpu.yield
    }) : () -> ()
    %barrier3A = arith.constant 0 : index
    tpu.barrier barrier_id(%barrier3A)
    %mul3A_1 = arith.constant 250 : i32
    %mul3A_2 = arith.muli %arg1, %mul3A_1 : i32
    %eq3A = arith.constant 0 : i32
    %eq3A_3 = arith.cmpi eq, %arg0, %eq3A : i32
    %convert_element_type3A = arith.extui %eq3A_3 : i1 to i32
    %cond3A = arith.constant 0 : i32
    %cond3A_4 = arith.cmpi ne, %convert_element_type3A, %cond3A : i32
    scf.if %cond3A_4 {
      %add3A = arith.constant 0 : i32
      %add3A_15 = arith.addi %mul3A_2, %add3A : i32
      %mul3A_16 = arith.constant 200 : i32
      %mul3A_17 = arith.muli %add3A_15, %mul3A_16 : i32
      "tpu.region"() ({
        %run_scoped3A_53 = tpu.sem_alloc : memref<!tpu.dma_semaphore, #tpu.memory_space<semaphore_mem>>
        %dma_start3A_54 = arith.constant 0 : i32
        %dma_start3A_55 = tpu.memref_slice %arg4[%dma_start3A_54, %mul3A_17] : memref<2x800000xi32, #tpu.memory_space<hbm>> -> memref<2x200xi32, #tpu.memory_space<hbm>>
        %dma_start3A_56 = arith.constant 0 : i32
        %dma_start3A_57 = tpu.memref_slice %arg4[%dma_start3A_56, %mul3A_17] : memref<2x800000xi32, #tpu.memory_space<hbm>> -> memref<2x200xi32, #tpu.memory_space<hbm>>
        tpu.enqueue_dma source(%dma_start3A_57 : memref<2x200xi32, #tpu.memory_space<hbm>>) target(%arg7 : memref<2x200xi32, #tpu.memory_space<vmem>>) target_semaphore(%run_scoped3A_53 : memref<!tpu.dma_semaphore, #tpu.memory_space<semaphore_mem>>)
        %dma_wait3A_58 = arith.constant 0 : i32
        %dma_wait3A_59 = tpu.memref_slice %arg4[%dma_wait3A_58, %mul3A_17] : memref<2x800000xi32, #tpu.memory_space<hbm>> -> memref<2x200xi32, #tpu.memory_space<hbm>>
        %dma_wait3A_60 = arith.constant 0 : i32
        %dma_wait3A_61 = tpu.memref_slice %arg4[%dma_wait3A_60, %mul3A_17] : memref<2x800000xi32, #tpu.memory_space<hbm>> -> memref<2x200xi32, #tpu.memory_space<hbm>>
        tpu.wait_dma2 semaphore(%run_scoped3A_53 : memref<!tpu.dma_semaphore, #tpu.memory_space<semaphore_mem>>) src(%dma_wait3A_61 : memref<2x200xi32, #tpu.memory_space<hbm>>) dst(%arg7 : memref<2x200xi32, #tpu.memory_space<vmem>>)
        tpu.yield
      }) : () -> ()
      %dma_start3A = arith.constant 0 : i32
      %dma_start3A_18 = arith.constant 0 : i32
      %dma_start3A_19 = tpu.memref_slice %arg7[%dma_start3A, %dma_start3A_18] : memref<2x200xi32, #tpu.memory_space<vmem>> -> memref<1x200xi32, #tpu.memory_space<vmem>>
      %dma_start3A_20 = tpu.memref_squeeze %dma_start3A_19 : memref<1x200xi32, #tpu.memory_space<vmem>> -> memref<200xi32, #tpu.memory_space<vmem>>
      %dma_start3A_21 = arith.constant 0 : i32
      %dma_start3A_22 = arith.constant 0 : i32
      %dma_start3A_23 = tpu.memref_slice %arg2[%dma_start3A_21, %dma_start3A_22] : memref<50176x32xf32, #tpu.memory_space<hbm>> -> memref<50176x32xf32, #tpu.memory_space<hbm>>
      tpu.enqueue_indirect_dma source(%dma_start3A_23 : memref<50176x32xf32, #tpu.memory_space<hbm>>) target(%arg9 : memref<200x32xf32, #tpu.memory_space<vmem>>) offsets(%dma_start3A_20 : memref<200xi32, #tpu.memory_space<vmem>>) semaphore(%arg12 : memref<!tpu.dma_semaphore, #tpu.memory_space<semaphore_mem>>)
      %scan3A = arith.constant 0 : i32
      %scan3A_24 = arith.constant 124 : i32
      %scan3A_25 = arith.addi %scan3A, %scan3A_24 : i32
      %scan3A_26 = arith.constant 1 : i32
      scf.for %scan3A_53 = %scan3A to %scan3A_25 step %scan3A_26  : i32 {
        %mul3A_54 = arith.constant 2 : i32
        %mul3A_55 = arith.muli %scan3A_53, %mul3A_54 : i32
        %add3A_56 = arith.constant 0 : i32
        %add3A_57 = arith.addi %add3A_56, %mul3A_55 : i32
        %add3A_58 = arith.constant 1 : i32
        %add3A_59 = arith.addi %add3A_57, %add3A_58 : i32
        %add3A_60 = arith.addi %mul3A_2, %add3A_59 : i32
        %mul3A_61 = arith.constant 200 : i32
        %mul3A_62 = arith.muli %add3A_60, %mul3A_61 : i32
        "tpu.region"() ({
          %run_scoped3A_98 = tpu.sem_alloc : memref<!tpu.dma_semaphore, #tpu.memory_space<semaphore_mem>>
          %dma_start3A_99 = arith.constant 0 : i32
          %dma_start3A_100 = tpu.memref_slice %arg4[%dma_start3A_99, %mul3A_62] : memref<2x800000xi32, #tpu.memory_space<hbm>> -> memref<2x200xi32, #tpu.memory_space<hbm>>
          %dma_start3A_101 = arith.constant 0 : i32
          %dma_start3A_102 = tpu.memref_slice %arg4[%dma_start3A_101, %mul3A_62] : memref<2x800000xi32, #tpu.memory_space<hbm>> -> memref<2x200xi32, #tpu.memory_space<hbm>>
          tpu.enqueue_dma source(%dma_start3A_102 : memref<2x200xi32, #tpu.memory_space<hbm>>) target(%arg8 : memref<2x200xi32, #tpu.memory_space<vmem>>) target_semaphore(%run_scoped3A_98 : memref<!tpu.dma_semaphore, #tpu.memory_space<semaphore_mem>>)
          %dma_wait3A_103 = arith.constant 0 : i32
          %dma_wait3A_104 = tpu.memref_slice %arg4[%dma_wait3A_103, %mul3A_62] : memref<2x800000xi32, #tpu.memory_space<hbm>> -> memref<2x200xi32, #tpu.memory_space<hbm>>
          %dma_wait3A_105 = arith.constant 0 : i32
          %dma_wait3A_106 = tpu.memref_slice %arg4[%dma_wait3A_105, %mul3A_62] : memref<2x800000xi32, #tpu.memory_space<hbm>> -> memref<2x200xi32, #tpu.memory_space<hbm>>
          tpu.wait_dma2 semaphore(%run_scoped3A_98 : memref<!tpu.dma_semaphore, #tpu.memory_space<semaphore_mem>>) src(%dma_wait3A_106 : memref<2x200xi32, #tpu.memory_space<hbm>>) dst(%arg8 : memref<2x200xi32, #tpu.memory_space<vmem>>)
          tpu.yield
        }) : () -> ()
        %dma_start3A_63 = arith.constant 0 : i32
        %dma_start3A_64 = arith.constant 0 : i32
        %dma_start3A_65 = tpu.memref_slice %arg8[%dma_start3A_63, %dma_start3A_64] : memref<2x200xi32, #tpu.memory_space<vmem>> -> memref<1x200xi32, #tpu.memory_space<vmem>>
        %dma_start3A_66 = tpu.memref_squeeze %dma_start3A_65 : memref<1x200xi32, #tpu.memory_space<vmem>> -> memref<200xi32, #tpu.memory_space<vmem>>
        %dma_start3A_67 = arith.constant 0 : i32
        %dma_start3A_68 = arith.constant 0 : i32
        %dma_start3A_69 = tpu.memref_slice %arg2[%dma_start3A_67, %dma_start3A_68] : memref<50176x32xf32, #tpu.memory_space<hbm>> -> memref<50176x32xf32, #tpu.memory_space<hbm>>
        tpu.enqueue_indirect_dma source(%dma_start3A_69 : memref<50176x32xf32, #tpu.memory_space<hbm>>) target(%arg10 : memref<200x32xf32, #tpu.memory_space<vmem>>) offsets(%dma_start3A_66 : memref<200xi32, #tpu.memory_space<vmem>>) semaphore(%arg13 : memref<!tpu.dma_semaphore, #tpu.memory_space<semaphore_mem>>)
        %dma_wait3A_70 = arith.constant 0 : i32
        %dma_wait3A_71 = arith.constant 0 : i32
        %dma_wait3A_72 = tpu.memref_slice %arg7[%dma_wait3A_70, %dma_wait3A_71] : memref<2x200xi32, #tpu.memory_space<vmem>> -> memref<1x200xi32, #tpu.memory_space<vmem>>
        %dma_wait3A_73 = tpu.memref_squeeze %dma_wait3A_72 : memref<1x200xi32, #tpu.memory_space<vmem>> -> memref<200xi32, #tpu.memory_space<vmem>>
        %dma_wait3A_74 = arith.constant 0 : i32
        %dma_wait3A_75 = arith.constant 0 : i32
        %dma_wait3A_76 = tpu.memref_slice %arg2[%dma_wait3A_74, %dma_wait3A_75] : memref<50176x32xf32, #tpu.memory_space<hbm>> -> memref<50176x32xf32, #tpu.memory_space<hbm>>
        tpu.wait_indirect_dma semaphore(%arg12 : memref<!tpu.dma_semaphore, #tpu.memory_space<semaphore_mem>>) src(%dma_wait3A_76 : memref<50176x32xf32, #tpu.memory_space<hbm>>) dst(%arg9 : memref<200x32xf32, #tpu.memory_space<vmem>>)
        %run_scoped3A_77 = arith.constant 1 : i32
        "tpu.region"() ({
          %run_scoped3A_98 = tpu.sem_alloc : memref<!tpu.dma_semaphore, #tpu.memory_space<semaphore_mem>>
          %dma_start3A_99 = arith.constant 0 : i32
          %dma_start3A_100 = tpu.memref_slice %arg7[%run_scoped3A_77, %dma_start3A_99] : memref<2x200xi32, #tpu.memory_space<vmem>> -> memref<1x200xi32, #tpu.memory_space<vmem>>
          %dma_start3A_101 = tpu.memref_squeeze %dma_start3A_100 : memref<1x200xi32, #tpu.memory_space<vmem>> -> memref<200xi32, #tpu.memory_space<vmem>>
          %dma_start3A_102 = arith.constant 0 : i32
          %dma_start3A_103 = arith.constant 0 : i32
          %dma_start3A_104 = tpu.memref_slice %arg11[%dma_start3A_102, %dma_start3A_103] : memref<50176x32xf32, #tpu.memory_space<vmem_shared>> -> memref<50176x32xf32, #tpu.memory_space<vmem_shared>>
          tpu.enqueue_indirect_dma source(%arg9 : memref<200x32xf32, #tpu.memory_space<vmem>>) target(%dma_start3A_104 : memref<50176x32xf32, #tpu.memory_space<vmem_shared>>) offsets(%dma_start3A_101 : memref<200xi32, #tpu.memory_space<vmem>>) semaphore(%run_scoped3A_98 : memref<!tpu.dma_semaphore, #tpu.memory_space<semaphore_mem>>) {add = true}
          %dma_wait3A_105 = arith.constant 0 : i32
          %dma_wait3A_106 = tpu.memref_slice %arg7[%run_scoped3A_77, %dma_wait3A_105] : memref<2x200xi32, #tpu.memory_space<vmem>> -> memref<1x200xi32, #tpu.memory_space<vmem>>
          %dma_wait3A_107 = tpu.memref_squeeze %dma_wait3A_106 : memref<1x200xi32, #tpu.memory_space<vmem>> -> memref<200xi32, #tpu.memory_space<vmem>>
          %dma_wait3A_108 = arith.constant 0 : i32
          %dma_wait3A_109 = arith.constant 0 : i32
          %dma_wait3A_110 = tpu.memref_slice %arg11[%dma_wait3A_108, %dma_wait3A_109] : memref<50176x32xf32, #tpu.memory_space<vmem_shared>> -> memref<50176x32xf32, #tpu.memory_space<vmem_shared>>
          tpu.wait_indirect_dma semaphore(%run_scoped3A_98 : memref<!tpu.dma_semaphore, #tpu.memory_space<semaphore_mem>>) src(%arg9 : memref<200x32xf32, #tpu.memory_space<vmem>>) dst(%dma_wait3A_110 : memref<50176x32xf32, #tpu.memory_space<vmem_shared>>)
          tpu.yield
        }) : () -> ()
        %add3A_78 = arith.constant 2 : i32
        %add3A_79 = arith.addi %add3A_57, %add3A_78 : i32
        %add3A_80 = arith.addi %mul3A_2, %add3A_79 : i32
        %mul3A_81 = arith.constant 200 : i32
        %mul3A_82 = arith.muli %add3A_80, %mul3A_81 : i32
        "tpu.region"() ({
          %run_scoped3A_98 = tpu.sem_alloc : memref<!tpu.dma_semaphore, #tpu.memory_space<semaphore_mem>>
          %dma_start3A_99 = arith.constant 0 : i32
          %dma_start3A_100 = tpu.memref_slice %arg4[%dma_start3A_99, %mul3A_82] : memref<2x800000xi32, #tpu.memory_space<hbm>> -> memref<2x200xi32, #tpu.memory_space<hbm>>
          %dma_start3A_101 = arith.constant 0 : i32
          %dma_start3A_102 = tpu.memref_slice %arg4[%dma_start3A_101, %mul3A_82] : memref<2x800000xi32, #tpu.memory_space<hbm>> -> memref<2x200xi32, #tpu.memory_space<hbm>>
          tpu.enqueue_dma source(%dma_start3A_102 : memref<2x200xi32, #tpu.memory_space<hbm>>) target(%arg7 : memref<2x200xi32, #tpu.memory_space<vmem>>) target_semaphore(%run_scoped3A_98 : memref<!tpu.dma_semaphore, #tpu.memory_space<semaphore_mem>>)
          %dma_wait3A_103 = arith.constant 0 : i32
          %dma_wait3A_104 = tpu.memref_slice %arg4[%dma_wait3A_103, %mul3A_82] : memref<2x800000xi32, #tpu.memory_space<hbm>> -> memref<2x200xi32, #tpu.memory_space<hbm>>
          %dma_wait3A_105 = arith.constant 0 : i32
          %dma_wait3A_106 = tpu.memref_slice %arg4[%dma_wait3A_105, %mul3A_82] : memref<2x800000xi32, #tpu.memory_space<hbm>> -> memref<2x200xi32, #tpu.memory_space<hbm>>
          tpu.wait_dma2 semaphore(%run_scoped3A_98 : memref<!tpu.dma_semaphore, #tpu.memory_space<semaphore_mem>>) src(%dma_wait3A_106 : memref<2x200xi32, #tpu.memory_space<hbm>>) dst(%arg7 : memref<2x200xi32, #tpu.memory_space<vmem>>)
          tpu.yield
        }) : () -> ()
        %dma_start3A_83 = arith.constant 0 : i32
        %dma_start3A_84 = arith.constant 0 : i32
        %dma_start3A_85 = tpu.memref_slice %arg7[%dma_start3A_83, %dma_start3A_84] : memref<2x200xi32, #tpu.memory_space<vmem>> -> memref<1x200xi32, #tpu.memory_space<vmem>>
        %dma_start3A_86 = tpu.memref_squeeze %dma_start3A_85 : memref<1x200xi32, #tpu.memory_space<vmem>> -> memref<200xi32, #tpu.memory_space<vmem>>
        %dma_start3A_87 = arith.constant 0 : i32
        %dma_start3A_88 = arith.constant 0 : i32
        %dma_start3A_89 = tpu.memref_slice %arg2[%dma_start3A_87, %dma_start3A_88] : memref<50176x32xf32, #tpu.memory_space<hbm>> -> memref<50176x32xf32, #tpu.memory_space<hbm>>
        tpu.enqueue_indirect_dma source(%dma_start3A_89 : memref<50176x32xf32, #tpu.memory_space<hbm>>) target(%arg9 : memref<200x32xf32, #tpu.memory_space<vmem>>) offsets(%dma_start3A_86 : memref<200xi32, #tpu.memory_space<vmem>>) semaphore(%arg12 : memref<!tpu.dma_semaphore, #tpu.memory_space<semaphore_mem>>)
        %dma_wait3A_90 = arith.constant 0 : i32
        %dma_wait3A_91 = arith.constant 0 : i32
        %dma_wait3A_92 = tpu.memref_slice %arg8[%dma_wait3A_90, %dma_wait3A_91] : memref<2x200xi32, #tpu.memory_space<vmem>> -> memref<1x200xi32, #tpu.memory_space<vmem>>
        %dma_wait3A_93 = tpu.memref_squeeze %dma_wait3A_92 : memref<1x200xi32, #tpu.memory_space<vmem>> -> memref<200xi32, #tpu.memory_space<vmem>>
        %dma_wait3A_94 = arith.constant 0 : i32
        %dma_wait3A_95 = arith.constant 0 : i32
        %dma_wait3A_96 = tpu.memref_slice %arg2[%dma_wait3A_94, %dma_wait3A_95] : memref<50176x32xf32, #tpu.memory_space<hbm>> -> memref<50176x32xf32, #tpu.memory_space<hbm>>
        tpu.wait_indirect_dma semaphore(%arg13 : memref<!tpu.dma_semaphore, #tpu.memory_space<semaphore_mem>>) src(%dma_wait3A_96 : memref<50176x32xf32, #tpu.memory_space<hbm>>) dst(%arg10 : memref<200x32xf32, #tpu.memory_space<vmem>>)
        %run_scoped3A_97 = arith.constant 1 : i32
        "tpu.region"() ({
          %run_scoped3A_98 = tpu.sem_alloc : memref<!tpu.dma_semaphore, #tpu.memory_space<semaphore_mem>>
          %dma_start3A_99 = arith.constant 0 : i32
          %dma_start3A_100 = tpu.memref_slice %arg8[%run_scoped3A_97, %dma_start3A_99] : memref<2x200xi32, #tpu.memory_space<vmem>> -> memref<1x200xi32, #tpu.memory_space<vmem>>
          %dma_start3A_101 = tpu.memref_squeeze %dma_start3A_100 : memref<1x200xi32, #tpu.memory_space<vmem>> -> memref<200xi32, #tpu.memory_space<vmem>>
          %dma_start3A_102 = arith.constant 0 : i32
          %dma_start3A_103 = arith.constant 0 : i32
          %dma_start3A_104 = tpu.memref_slice %arg11[%dma_start3A_102, %dma_start3A_103] : memref<50176x32xf32, #tpu.memory_space<vmem_shared>> -> memref<50176x32xf32, #tpu.memory_space<vmem_shared>>
          tpu.enqueue_indirect_dma source(%arg10 : memref<200x32xf32, #tpu.memory_space<vmem>>) target(%dma_start3A_104 : memref<50176x32xf32, #tpu.memory_space<vmem_shared>>) offsets(%dma_start3A_101 : memref<200xi32, #tpu.memory_space<vmem>>) semaphore(%run_scoped3A_98 : memref<!tpu.dma_semaphore, #tpu.memory_space<semaphore_mem>>) {add = true}
          %dma_wait3A_105 = arith.constant 0 : i32
          %dma_wait3A_106 = tpu.memref_slice %arg8[%run_scoped3A_97, %dma_wait3A_105] : memref<2x200xi32, #tpu.memory_space<vmem>> -> memref<1x200xi32, #tpu.memory_space<vmem>>
          %dma_wait3A_107 = tpu.memref_squeeze %dma_wait3A_106 : memref<1x200xi32, #tpu.memory_space<vmem>> -> memref<200xi32, #tpu.memory_space<vmem>>
          %dma_wait3A_108 = arith.constant 0 : i32
          %dma_wait3A_109 = arith.constant 0 : i32
          %dma_wait3A_110 = tpu.memref_slice %arg11[%dma_wait3A_108, %dma_wait3A_109] : memref<50176x32xf32, #tpu.memory_space<vmem_shared>> -> memref<50176x32xf32, #tpu.memory_space<vmem_shared>>
          tpu.wait_indirect_dma semaphore(%run_scoped3A_98 : memref<!tpu.dma_semaphore, #tpu.memory_space<semaphore_mem>>) src(%arg10 : memref<200x32xf32, #tpu.memory_space<vmem>>) dst(%dma_wait3A_110 : memref<50176x32xf32, #tpu.memory_space<vmem_shared>>)
          tpu.yield
        }) : () -> ()
      }
      %scan3A_27 = arith.constant 124 : i32
      %add3A_28 = arith.constant 249 : i32
      %add3A_29 = arith.addi %mul3A_2, %add3A_28 : i32
      %mul3A_30 = arith.constant 200 : i32
      %mul3A_31 = arith.muli %add3A_29, %mul3A_30 : i32
      "tpu.region"() ({
        %run_scoped3A_53 = tpu.sem_alloc : memref<!tpu.dma_semaphore, #tpu.memory_space<semaphore_mem>>
        %dma_start3A_54 = arith.constant 0 : i32
        %dma_start3A_55 = tpu.memref_slice %arg4[%dma_start3A_54, %mul3A_31] : memref<2x800000xi32, #tpu.memory_space<hbm>> -> memref<2x200xi32, #tpu.memory_space<hbm>>
        %dma_start3A_56 = arith.constant 0 : i32
        %dma_start3A_57 = tpu.memref_slice %arg4[%dma_start3A_56, %mul3A_31] : memref<2x800000xi32, #tpu.memory_space<hbm>> -> memref<2x200xi32, #tpu.memory_space<hbm>>
        tpu.enqueue_dma source(%dma_start3A_57 : memref<2x200xi32, #tpu.memory_space<hbm>>) target(%arg8 : memref<2x200xi32, #tpu.memory_space<vmem>>) target_semaphore(%run_scoped3A_53 : memref<!tpu.dma_semaphore, #tpu.memory_space<semaphore_mem>>)
        %dma_wait3A_58 = arith.constant 0 : i32
        %dma_wait3A_59 = tpu.memref_slice %arg4[%dma_wait3A_58, %mul3A_31] : memref<2x800000xi32, #tpu.memory_space<hbm>> -> memref<2x200xi32, #tpu.memory_space<hbm>>
        %dma_wait3A_60 = arith.constant 0 : i32
        %dma_wait3A_61 = tpu.memref_slice %arg4[%dma_wait3A_60, %mul3A_31] : memref<2x800000xi32, #tpu.memory_space<hbm>> -> memref<2x200xi32, #tpu.memory_space<hbm>>
        tpu.wait_dma2 semaphore(%run_scoped3A_53 : memref<!tpu.dma_semaphore, #tpu.memory_space<semaphore_mem>>) src(%dma_wait3A_61 : memref<2x200xi32, #tpu.memory_space<hbm>>) dst(%arg8 : memref<2x200xi32, #tpu.memory_space<vmem>>)
        tpu.yield
      }) : () -> ()
      %dma_start3A_32 = arith.constant 0 : i32
      %dma_start3A_33 = arith.constant 0 : i32
      %dma_start3A_34 = tpu.memref_slice %arg8[%dma_start3A_32, %dma_start3A_33] : memref<2x200xi32, #tpu.memory_space<vmem>> -> memref<1x200xi32, #tpu.memory_space<vmem>>
      %dma_start3A_35 = tpu.memref_squeeze %dma_start3A_34 : memref<1x200xi32, #tpu.memory_space<vmem>> -> memref<200xi32, #tpu.memory_space<vmem>>
      %dma_start3A_36 = arith.constant 0 : i32
      %dma_start3A_37 = arith.constant 0 : i32
      %dma_start3A_38 = tpu.memref_slice %arg2[%dma_start3A_36, %dma_start3A_37] : memref<50176x32xf32, #tpu.memory_space<hbm>> -> memref<50176x32xf32, #tpu.memory_space<hbm>>
      tpu.enqueue_indirect_dma source(%dma_start3A_38 : memref<50176x32xf32, #tpu.memory_space<hbm>>) target(%arg10 : memref<200x32xf32, #tpu.memory_space<vmem>>) offsets(%dma_start3A_35 : memref<200xi32, #tpu.memory_space<vmem>>) semaphore(%arg13 : memref<!tpu.dma_semaphore, #tpu.memory_space<semaphore_mem>>)
      %dma_wait3A = arith.constant 0 : i32
      %dma_wait3A_39 = arith.constant 0 : i32
      %dma_wait3A_40 = tpu.memref_slice %arg7[%dma_wait3A, %dma_wait3A_39] : memref<2x200xi32, #tpu.memory_space<vmem>> -> memref<1x200xi32, #tpu.memory_space<vmem>>
      %dma_wait3A_41 = tpu.memref_squeeze %dma_wait3A_40 : memref<1x200xi32, #tpu.memory_space<vmem>> -> memref<200xi32, #tpu.memory_space<vmem>>
      %dma_wait3A_42 = arith.constant 0 : i32
      %dma_wait3A_43 = arith.constant 0 : i32
      %dma_wait3A_44 = tpu.memref_slice %arg2[%dma_wait3A_42, %dma_wait3A_43] : memref<50176x32xf32, #tpu.memory_space<hbm>> -> memref<50176x32xf32, #tpu.memory_space<hbm>>
      tpu.wait_indirect_dma semaphore(%arg12 : memref<!tpu.dma_semaphore, #tpu.memory_space<semaphore_mem>>) src(%dma_wait3A_44 : memref<50176x32xf32, #tpu.memory_space<hbm>>) dst(%arg9 : memref<200x32xf32, #tpu.memory_space<vmem>>)
      %run_scoped3A = arith.constant 1 : i32
      "tpu.region"() ({
        %run_scoped3A_53 = tpu.sem_alloc : memref<!tpu.dma_semaphore, #tpu.memory_space<semaphore_mem>>
        %dma_start3A_54 = arith.constant 0 : i32
        %dma_start3A_55 = tpu.memref_slice %arg7[%run_scoped3A, %dma_start3A_54] : memref<2x200xi32, #tpu.memory_space<vmem>> -> memref<1x200xi32, #tpu.memory_space<vmem>>
        %dma_start3A_56 = tpu.memref_squeeze %dma_start3A_55 : memref<1x200xi32, #tpu.memory_space<vmem>> -> memref<200xi32, #tpu.memory_space<vmem>>
        %dma_start3A_57 = arith.constant 0 : i32
        %dma_start3A_58 = arith.constant 0 : i32
        %dma_start3A_59 = tpu.memref_slice %arg11[%dma_start3A_57, %dma_start3A_58] : memref<50176x32xf32, #tpu.memory_space<vmem_shared>> -> memref<50176x32xf32, #tpu.memory_space<vmem_shared>>
        tpu.enqueue_indirect_dma source(%arg9 : memref<200x32xf32, #tpu.memory_space<vmem>>) target(%dma_start3A_59 : memref<50176x32xf32, #tpu.memory_space<vmem_shared>>) offsets(%dma_start3A_56 : memref<200xi32, #tpu.memory_space<vmem>>) semaphore(%run_scoped3A_53 : memref<!tpu.dma_semaphore, #tpu.memory_space<semaphore_mem>>) {add = true}
        %dma_wait3A_60 = arith.constant 0 : i32
        %dma_wait3A_61 = tpu.memref_slice %arg7[%run_scoped3A, %dma_wait3A_60] : memref<2x200xi32, #tpu.memory_space<vmem>> -> memref<1x200xi32, #tpu.memory_space<vmem>>
        %dma_wait3A_62 = tpu.memref_squeeze %dma_wait3A_61 : memref<1x200xi32, #tpu.memory_space<vmem>> -> memref<200xi32, #tpu.memory_space<vmem>>
        %dma_wait3A_63 = arith.constant 0 : i32
        %dma_wait3A_64 = arith.constant 0 : i32
        %dma_wait3A_65 = tpu.memref_slice %arg11[%dma_wait3A_63, %dma_wait3A_64] : memref<50176x32xf32, #tpu.memory_space<vmem_shared>> -> memref<50176x32xf32, #tpu.memory_space<vmem_shared>>
        tpu.wait_indirect_dma semaphore(%run_scoped3A_53 : memref<!tpu.dma_semaphore, #tpu.memory_space<semaphore_mem>>) src(%arg9 : memref<200x32xf32, #tpu.memory_space<vmem>>) dst(%dma_wait3A_65 : memref<50176x32xf32, #tpu.memory_space<vmem_shared>>)
        tpu.yield
      }) : () -> ()
      %dma_wait3A_45 = arith.constant 0 : i32
      %dma_wait3A_46 = arith.constant 0 : i32
      %dma_wait3A_47 = tpu.memref_slice %arg8[%dma_wait3A_45, %dma_wait3A_46] : memref<2x200xi32, #tpu.memory_space<vmem>> -> memref<1x200xi32, #tpu.memory_space<vmem>>
      %dma_wait3A_48 = tpu.memref_squeeze %dma_wait3A_47 : memref<1x200xi32, #tpu.memory_space<vmem>> -> memref<200xi32, #tpu.memory_space<vmem>>
      %dma_wait3A_49 = arith.constant 0 : i32
      %dma_wait3A_50 = arith.constant 0 : i32
      %dma_wait3A_51 = tpu.memref_slice %arg2[%dma_wait3A_49, %dma_wait3A_50] : memref<50176x32xf32, #tpu.memory_space<hbm>> -> memref<50176x32xf32, #tpu.memory_space<hbm>>
      tpu.wait_indirect_dma semaphore(%arg13 : memref<!tpu.dma_semaphore, #tpu.memory_space<semaphore_mem>>) src(%dma_wait3A_51 : memref<50176x32xf32, #tpu.memory_space<hbm>>) dst(%arg10 : memref<200x32xf32, #tpu.memory_space<vmem>>)
      %run_scoped3A_52 = arith.constant 1 : i32
      "tpu.region"() ({
        %run_scoped3A_53 = tpu.sem_alloc : memref<!tpu.dma_semaphore, #tpu.memory_space<semaphore_mem>>
        %dma_start3A_54 = arith.constant 0 : i32
        %dma_start3A_55 = tpu.memref_slice %arg8[%run_scoped3A_52, %dma_start3A_54] : memref<2x200xi32, #tpu.memory_space<vmem>> -> memref<1x200xi32, #tpu.memory_space<vmem>>
        %dma_start3A_56 = tpu.memref_squeeze %dma_start3A_55 : memref<1x200xi32, #tpu.memory_space<vmem>> -> memref<200xi32, #tpu.memory_space<vmem>>
        %dma_start3A_57 = arith.constant 0 : i32
        %dma_start3A_58 = arith.constant 0 : i32
        %dma_start3A_59 = tpu.memref_slice %arg11[%dma_start3A_57, %dma_start3A_58] : memref<50176x32xf32, #tpu.memory_space<vmem_shared>> -> memref<50176x32xf32, #tpu.memory_space<vmem_shared>>
        tpu.enqueue_indirect_dma source(%arg10 : memref<200x32xf32, #tpu.memory_space<vmem>>) target(%dma_start3A_59 : memref<50176x32xf32, #tpu.memory_space<vmem_shared>>) offsets(%dma_start3A_56 : memref<200xi32, #tpu.memory_space<vmem>>) semaphore(%run_scoped3A_53 : memref<!tpu.dma_semaphore, #tpu.memory_space<semaphore_mem>>) {add = true}
        %dma_wait3A_60 = arith.constant 0 : i32
        %dma_wait3A_61 = tpu.memref_slice %arg8[%run_scoped3A_52, %dma_wait3A_60] : memref<2x200xi32, #tpu.memory_space<vmem>> -> memref<1x200xi32, #tpu.memory_space<vmem>>
        %dma_wait3A_62 = tpu.memref_squeeze %dma_wait3A_61 : memref<1x200xi32, #tpu.memory_space<vmem>> -> memref<200xi32, #tpu.memory_space<vmem>>
        %dma_wait3A_63 = arith.constant 0 : i32
        %dma_wait3A_64 = arith.constant 0 : i32
        %dma_wait3A_65 = tpu.memref_slice %arg11[%dma_wait3A_63, %dma_wait3A_64] : memref<50176x32xf32, #tpu.memory_space<vmem_shared>> -> memref<50176x32xf32, #tpu.memory_space<vmem_shared>>
        tpu.wait_indirect_dma semaphore(%run_scoped3A_53 : memref<!tpu.dma_semaphore, #tpu.memory_space<semaphore_mem>>) src(%arg10 : memref<200x32xf32, #tpu.memory_space<vmem>>) dst(%dma_wait3A_65 : memref<50176x32xf32, #tpu.memory_space<vmem_shared>>)
        tpu.yield
      }) : () -> ()
    } else {
    }
    %eq3A_5 = arith.constant 1 : i32
    %eq3A_6 = arith.cmpi eq, %arg0, %eq3A_5 : i32
    %convert_element_type3A_7 = arith.extui %eq3A_6 : i1 to i32
    %cond3A_8 = arith.constant 0 : i32
    %cond3A_9 = arith.cmpi ne, %convert_element_type3A_7, %cond3A_8 : i32
    scf.if %cond3A_9 {
      %add3A = arith.constant 0 : i32
      %add3A_15 = arith.addi %mul3A_2, %add3A : i32
      %mul3A_16 = arith.constant 200 : i32
      %mul3A_17 = arith.muli %add3A_15, %mul3A_16 : i32
      "tpu.region"() ({
        %run_scoped3A_53 = tpu.sem_alloc : memref<!tpu.dma_semaphore, #tpu.memory_space<semaphore_mem>>
        %dma_start3A_54 = arith.constant 0 : i32
        %dma_start3A_55 = tpu.memref_slice %arg4[%dma_start3A_54, %mul3A_17] : memref<2x800000xi32, #tpu.memory_space<hbm>> -> memref<2x200xi32, #tpu.memory_space<hbm>>
        %dma_start3A_56 = arith.constant 0 : i32
        %dma_start3A_57 = tpu.memref_slice %arg4[%dma_start3A_56, %mul3A_17] : memref<2x800000xi32, #tpu.memory_space<hbm>> -> memref<2x200xi32, #tpu.memory_space<hbm>>
        tpu.enqueue_dma source(%dma_start3A_57 : memref<2x200xi32, #tpu.memory_space<hbm>>) target(%arg7 : memref<2x200xi32, #tpu.memory_space<vmem>>) target_semaphore(%run_scoped3A_53 : memref<!tpu.dma_semaphore, #tpu.memory_space<semaphore_mem>>)
        %dma_wait3A_58 = arith.constant 0 : i32
        %dma_wait3A_59 = tpu.memref_slice %arg4[%dma_wait3A_58, %mul3A_17] : memref<2x800000xi32, #tpu.memory_space<hbm>> -> memref<2x200xi32, #tpu.memory_space<hbm>>
        %dma_wait3A_60 = arith.constant 0 : i32
        %dma_wait3A_61 = tpu.memref_slice %arg4[%dma_wait3A_60, %mul3A_17] : memref<2x800000xi32, #tpu.memory_space<hbm>> -> memref<2x200xi32, #tpu.memory_space<hbm>>
        tpu.wait_dma2 semaphore(%run_scoped3A_53 : memref<!tpu.dma_semaphore, #tpu.memory_space<semaphore_mem>>) src(%dma_wait3A_61 : memref<2x200xi32, #tpu.memory_space<hbm>>) dst(%arg7 : memref<2x200xi32, #tpu.memory_space<vmem>>)
        tpu.yield
      }) : () -> ()
      %dma_start3A = arith.constant 0 : i32
      %dma_start3A_18 = arith.constant 0 : i32
      %dma_start3A_19 = tpu.memref_slice %arg7[%dma_start3A, %dma_start3A_18] : memref<2x200xi32, #tpu.memory_space<vmem>> -> memref<1x200xi32, #tpu.memory_space<vmem>>
      %dma_start3A_20 = tpu.memref_squeeze %dma_start3A_19 : memref<1x200xi32, #tpu.memory_space<vmem>> -> memref<200xi32, #tpu.memory_space<vmem>>
      %dma_start3A_21 = arith.constant 0 : i32
      %dma_start3A_22 = arith.constant 0 : i32
      %dma_start3A_23 = tpu.memref_slice %arg3[%dma_start3A_21, %dma_start3A_22] : memref<50176x32xf32, #tpu.memory_space<hbm>> -> memref<50176x32xf32, #tpu.memory_space<hbm>>
      tpu.enqueue_indirect_dma source(%dma_start3A_23 : memref<50176x32xf32, #tpu.memory_space<hbm>>) target(%arg9 : memref<200x32xf32, #tpu.memory_space<vmem>>) offsets(%dma_start3A_20 : memref<200xi32, #tpu.memory_space<vmem>>) semaphore(%arg12 : memref<!tpu.dma_semaphore, #tpu.memory_space<semaphore_mem>>)
      %scan3A = arith.constant 0 : i32
      %scan3A_24 = arith.constant 124 : i32
      %scan3A_25 = arith.addi %scan3A, %scan3A_24 : i32
      %scan3A_26 = arith.constant 1 : i32
      scf.for %scan3A_53 = %scan3A to %scan3A_25 step %scan3A_26  : i32 {
        %mul3A_54 = arith.constant 2 : i32
        %mul3A_55 = arith.muli %scan3A_53, %mul3A_54 : i32
        %add3A_56 = arith.constant 0 : i32
        %add3A_57 = arith.addi %add3A_56, %mul3A_55 : i32
        %add3A_58 = arith.constant 1 : i32
        %add3A_59 = arith.addi %add3A_57, %add3A_58 : i32
        %add3A_60 = arith.addi %mul3A_2, %add3A_59 : i32
        %mul3A_61 = arith.constant 200 : i32
        %mul3A_62 = arith.muli %add3A_60, %mul3A_61 : i32
        "tpu.region"() ({
          %run_scoped3A_98 = tpu.sem_alloc : memref<!tpu.dma_semaphore, #tpu.memory_space<semaphore_mem>>
          %dma_start3A_99 = arith.constant 0 : i32
          %dma_start3A_100 = tpu.memref_slice %arg4[%dma_start3A_99, %mul3A_62] : memref<2x800000xi32, #tpu.memory_space<hbm>> -> memref<2x200xi32, #tpu.memory_space<hbm>>
          %dma_start3A_101 = arith.constant 0 : i32
          %dma_start3A_102 = tpu.memref_slice %arg4[%dma_start3A_101, %mul3A_62] : memref<2x800000xi32, #tpu.memory_space<hbm>> -> memref<2x200xi32, #tpu.memory_space<hbm>>
          tpu.enqueue_dma source(%dma_start3A_102 : memref<2x200xi32, #tpu.memory_space<hbm>>) target(%arg8 : memref<2x200xi32, #tpu.memory_space<vmem>>) target_semaphore(%run_scoped3A_98 : memref<!tpu.dma_semaphore, #tpu.memory_space<semaphore_mem>>)
          %dma_wait3A_103 = arith.constant 0 : i32
          %dma_wait3A_104 = tpu.memref_slice %arg4[%dma_wait3A_103, %mul3A_62] : memref<2x800000xi32, #tpu.memory_space<hbm>> -> memref<2x200xi32, #tpu.memory_space<hbm>>
          %dma_wait3A_105 = arith.constant 0 : i32
          %dma_wait3A_106 = tpu.memref_slice %arg4[%dma_wait3A_105, %mul3A_62] : memref<2x800000xi32, #tpu.memory_space<hbm>> -> memref<2x200xi32, #tpu.memory_space<hbm>>
          tpu.wait_dma2 semaphore(%run_scoped3A_98 : memref<!tpu.dma_semaphore, #tpu.memory_space<semaphore_mem>>) src(%dma_wait3A_106 : memref<2x200xi32, #tpu.memory_space<hbm>>) dst(%arg8 : memref<2x200xi32, #tpu.memory_space<vmem>>)
          tpu.yield
        }) : () -> ()
        %dma_start3A_63 = arith.constant 0 : i32
        %dma_start3A_64 = arith.constant 0 : i32
        %dma_start3A_65 = tpu.memref_slice %arg8[%dma_start3A_63, %dma_start3A_64] : memref<2x200xi32, #tpu.memory_space<vmem>> -> memref<1x200xi32, #tpu.memory_space<vmem>>
        %dma_start3A_66 = tpu.memref_squeeze %dma_start3A_65 : memref<1x200xi32, #tpu.memory_space<vmem>> -> memref<200xi32, #tpu.memory_space<vmem>>
        %dma_start3A_67 = arith.constant 0 : i32
        %dma_start3A_68 = arith.constant 0 : i32
        %dma_start3A_69 = tpu.memref_slice %arg3[%dma_start3A_67, %dma_start3A_68] : memref<50176x32xf32, #tpu.memory_space<hbm>> -> memref<50176x32xf32, #tpu.memory_space<hbm>>
        tpu.enqueue_indirect_dma source(%dma_start3A_69 : memref<50176x32xf32, #tpu.memory_space<hbm>>) target(%arg10 : memref<200x32xf32, #tpu.memory_space<vmem>>) offsets(%dma_start3A_66 : memref<200xi32, #tpu.memory_space<vmem>>) semaphore(%arg13 : memref<!tpu.dma_semaphore, #tpu.memory_space<semaphore_mem>>)
        %dma_wait3A_70 = arith.constant 0 : i32
        %dma_wait3A_71 = arith.constant 0 : i32
        %dma_wait3A_72 = tpu.memref_slice %arg7[%dma_wait3A_70, %dma_wait3A_71] : memref<2x200xi32, #tpu.memory_space<vmem>> -> memref<1x200xi32, #tpu.memory_space<vmem>>
        %dma_wait3A_73 = tpu.memref_squeeze %dma_wait3A_72 : memref<1x200xi32, #tpu.memory_space<vmem>> -> memref<200xi32, #tpu.memory_space<vmem>>
        %dma_wait3A_74 = arith.constant 0 : i32
        %dma_wait3A_75 = arith.constant 0 : i32
        %dma_wait3A_76 = tpu.memref_slice %arg3[%dma_wait3A_74, %dma_wait3A_75] : memref<50176x32xf32, #tpu.memory_space<hbm>> -> memref<50176x32xf32, #tpu.memory_space<hbm>>
        tpu.wait_indirect_dma semaphore(%arg12 : memref<!tpu.dma_semaphore, #tpu.memory_space<semaphore_mem>>) src(%dma_wait3A_76 : memref<50176x32xf32, #tpu.memory_space<hbm>>) dst(%arg9 : memref<200x32xf32, #tpu.memory_space<vmem>>)
        %run_scoped3A_77 = arith.constant 1 : i32
        "tpu.region"() ({
          %run_scoped3A_98 = tpu.sem_alloc : memref<!tpu.dma_semaphore, #tpu.memory_space<semaphore_mem>>
          %dma_start3A_99 = arith.constant 0 : i32
          %dma_start3A_100 = tpu.memref_slice %arg7[%run_scoped3A_77, %dma_start3A_99] : memref<2x200xi32, #tpu.memory_space<vmem>> -> memref<1x200xi32, #tpu.memory_space<vmem>>
          %dma_start3A_101 = tpu.memref_squeeze %dma_start3A_100 : memref<1x200xi32, #tpu.memory_space<vmem>> -> memref<200xi32, #tpu.memory_space<vmem>>
          %dma_start3A_102 = arith.constant 0 : i32
          %dma_start3A_103 = arith.constant 0 : i32
          %dma_start3A_104 = tpu.memref_slice %arg11[%dma_start3A_102, %dma_start3A_103] : memref<50176x32xf32, #tpu.memory_space<vmem_shared>> -> memref<50176x32xf32, #tpu.memory_space<vmem_shared>>
          tpu.enqueue_indirect_dma source(%arg9 : memref<200x32xf32, #tpu.memory_space<vmem>>) target(%dma_start3A_104 : memref<50176x32xf32, #tpu.memory_space<vmem_shared>>) offsets(%dma_start3A_101 : memref<200xi32, #tpu.memory_space<vmem>>) semaphore(%run_scoped3A_98 : memref<!tpu.dma_semaphore, #tpu.memory_space<semaphore_mem>>) {add = true}
          %dma_wait3A_105 = arith.constant 0 : i32
          %dma_wait3A_106 = tpu.memref_slice %arg7[%run_scoped3A_77, %dma_wait3A_105] : memref<2x200xi32, #tpu.memory_space<vmem>> -> memref<1x200xi32, #tpu.memory_space<vmem>>
          %dma_wait3A_107 = tpu.memref_squeeze %dma_wait3A_106 : memref<1x200xi32, #tpu.memory_space<vmem>> -> memref<200xi32, #tpu.memory_space<vmem>>
          %dma_wait3A_108 = arith.constant 0 : i32
          %dma_wait3A_109 = arith.constant 0 : i32
          %dma_wait3A_110 = tpu.memref_slice %arg11[%dma_wait3A_108, %dma_wait3A_109] : memref<50176x32xf32, #tpu.memory_space<vmem_shared>> -> memref<50176x32xf32, #tpu.memory_space<vmem_shared>>
          tpu.wait_indirect_dma semaphore(%run_scoped3A_98 : memref<!tpu.dma_semaphore, #tpu.memory_space<semaphore_mem>>) src(%arg9 : memref<200x32xf32, #tpu.memory_space<vmem>>) dst(%dma_wait3A_110 : memref<50176x32xf32, #tpu.memory_space<vmem_shared>>)
          tpu.yield
        }) : () -> ()
        %add3A_78 = arith.constant 2 : i32
        %add3A_79 = arith.addi %add3A_57, %add3A_78 : i32
        %add3A_80 = arith.addi %mul3A_2, %add3A_79 : i32
        %mul3A_81 = arith.constant 200 : i32
        %mul3A_82 = arith.muli %add3A_80, %mul3A_81 : i32
        "tpu.region"() ({
          %run_scoped3A_98 = tpu.sem_alloc : memref<!tpu.dma_semaphore, #tpu.memory_space<semaphore_mem>>
          %dma_start3A_99 = arith.constant 0 : i32
          %dma_start3A_100 = tpu.memref_slice %arg4[%dma_start3A_99, %mul3A_82] : memref<2x800000xi32, #tpu.memory_space<hbm>> -> memref<2x200xi32, #tpu.memory_space<hbm>>
          %dma_start3A_101 = arith.constant 0 : i32
          %dma_start3A_102 = tpu.memref_slice %arg4[%dma_start3A_101, %mul3A_82] : memref<2x800000xi32, #tpu.memory_space<hbm>> -> memref<2x200xi32, #tpu.memory_space<hbm>>
          tpu.enqueue_dma source(%dma_start3A_102 : memref<2x200xi32, #tpu.memory_space<hbm>>) target(%arg7 : memref<2x200xi32, #tpu.memory_space<vmem>>) target_semaphore(%run_scoped3A_98 : memref<!tpu.dma_semaphore, #tpu.memory_space<semaphore_mem>>)
          %dma_wait3A_103 = arith.constant 0 : i32
          %dma_wait3A_104 = tpu.memref_slice %arg4[%dma_wait3A_103, %mul3A_82] : memref<2x800000xi32, #tpu.memory_space<hbm>> -> memref<2x200xi32, #tpu.memory_space<hbm>>
          %dma_wait3A_105 = arith.constant 0 : i32
          %dma_wait3A_106 = tpu.memref_slice %arg4[%dma_wait3A_105, %mul3A_82] : memref<2x800000xi32, #tpu.memory_space<hbm>> -> memref<2x200xi32, #tpu.memory_space<hbm>>
          tpu.wait_dma2 semaphore(%run_scoped3A_98 : memref<!tpu.dma_semaphore, #tpu.memory_space<semaphore_mem>>) src(%dma_wait3A_106 : memref<2x200xi32, #tpu.memory_space<hbm>>) dst(%arg7 : memref<2x200xi32, #tpu.memory_space<vmem>>)
          tpu.yield
        }) : () -> ()
        %dma_start3A_83 = arith.constant 0 : i32
        %dma_start3A_84 = arith.constant 0 : i32
        %dma_start3A_85 = tpu.memref_slice %arg7[%dma_start3A_83, %dma_start3A_84] : memref<2x200xi32, #tpu.memory_space<vmem>> -> memref<1x200xi32, #tpu.memory_space<vmem>>
        %dma_start3A_86 = tpu.memref_squeeze %dma_start3A_85 : memref<1x200xi32, #tpu.memory_space<vmem>> -> memref<200xi32, #tpu.memory_space<vmem>>
        %dma_start3A_87 = arith.constant 0 : i32
        %dma_start3A_88 = arith.constant 0 : i32
        %dma_start3A_89 = tpu.memref_slice %arg3[%dma_start3A_87, %dma_start3A_88] : memref<50176x32xf32, #tpu.memory_space<hbm>> -> memref<50176x32xf32, #tpu.memory_space<hbm>>
        tpu.enqueue_indirect_dma source(%dma_start3A_89 : memref<50176x32xf32, #tpu.memory_space<hbm>>) target(%arg9 : memref<200x32xf32, #tpu.memory_space<vmem>>) offsets(%dma_start3A_86 : memref<200xi32, #tpu.memory_space<vmem>>) semaphore(%arg12 : memref<!tpu.dma_semaphore, #tpu.memory_space<semaphore_mem>>)
        %dma_wait3A_90 = arith.constant 0 : i32
        %dma_wait3A_91 = arith.constant 0 : i32
        %dma_wait3A_92 = tpu.memref_slice %arg8[%dma_wait3A_90, %dma_wait3A_91] : memref<2x200xi32, #tpu.memory_space<vmem>> -> memref<1x200xi32, #tpu.memory_space<vmem>>
        %dma_wait3A_93 = tpu.memref_squeeze %dma_wait3A_92 : memref<1x200xi32, #tpu.memory_space<vmem>> -> memref<200xi32, #tpu.memory_space<vmem>>
        %dma_wait3A_94 = arith.constant 0 : i32
        %dma_wait3A_95 = arith.constant 0 : i32
        %dma_wait3A_96 = tpu.memref_slice %arg3[%dma_wait3A_94, %dma_wait3A_95] : memref<50176x32xf32, #tpu.memory_space<hbm>> -> memref<50176x32xf32, #tpu.memory_space<hbm>>
        tpu.wait_indirect_dma semaphore(%arg13 : memref<!tpu.dma_semaphore, #tpu.memory_space<semaphore_mem>>) src(%dma_wait3A_96 : memref<50176x32xf32, #tpu.memory_space<hbm>>) dst(%arg10 : memref<200x32xf32, #tpu.memory_space<vmem>>)
        %run_scoped3A_97 = arith.constant 1 : i32
        "tpu.region"() ({
          %run_scoped3A_98 = tpu.sem_alloc : memref<!tpu.dma_semaphore, #tpu.memory_space<semaphore_mem>>
          %dma_start3A_99 = arith.constant 0 : i32
          %dma_start3A_100 = tpu.memref_slice %arg8[%run_scoped3A_97, %dma_start3A_99] : memref<2x200xi32, #tpu.memory_space<vmem>> -> memref<1x200xi32, #tpu.memory_space<vmem>>
          %dma_start3A_101 = tpu.memref_squeeze %dma_start3A_100 : memref<1x200xi32, #tpu.memory_space<vmem>> -> memref<200xi32, #tpu.memory_space<vmem>>
          %dma_start3A_102 = arith.constant 0 : i32
          %dma_start3A_103 = arith.constant 0 : i32
          %dma_start3A_104 = tpu.memref_slice %arg11[%dma_start3A_102, %dma_start3A_103] : memref<50176x32xf32, #tpu.memory_space<vmem_shared>> -> memref<50176x32xf32, #tpu.memory_space<vmem_shared>>
          tpu.enqueue_indirect_dma source(%arg10 : memref<200x32xf32, #tpu.memory_space<vmem>>) target(%dma_start3A_104 : memref<50176x32xf32, #tpu.memory_space<vmem_shared>>) offsets(%dma_start3A_101 : memref<200xi32, #tpu.memory_space<vmem>>) semaphore(%run_scoped3A_98 : memref<!tpu.dma_semaphore, #tpu.memory_space<semaphore_mem>>) {add = true}
          %dma_wait3A_105 = arith.constant 0 : i32
          %dma_wait3A_106 = tpu.memref_slice %arg8[%run_scoped3A_97, %dma_wait3A_105] : memref<2x200xi32, #tpu.memory_space<vmem>> -> memref<1x200xi32, #tpu.memory_space<vmem>>
          %dma_wait3A_107 = tpu.memref_squeeze %dma_wait3A_106 : memref<1x200xi32, #tpu.memory_space<vmem>> -> memref<200xi32, #tpu.memory_space<vmem>>
          %dma_wait3A_108 = arith.constant 0 : i32
          %dma_wait3A_109 = arith.constant 0 : i32
          %dma_wait3A_110 = tpu.memref_slice %arg11[%dma_wait3A_108, %dma_wait3A_109] : memref<50176x32xf32, #tpu.memory_space<vmem_shared>> -> memref<50176x32xf32, #tpu.memory_space<vmem_shared>>
          tpu.wait_indirect_dma semaphore(%run_scoped3A_98 : memref<!tpu.dma_semaphore, #tpu.memory_space<semaphore_mem>>) src(%arg10 : memref<200x32xf32, #tpu.memory_space<vmem>>) dst(%dma_wait3A_110 : memref<50176x32xf32, #tpu.memory_space<vmem_shared>>)
          tpu.yield
        }) : () -> ()
      }
      %scan3A_27 = arith.constant 124 : i32
      %add3A_28 = arith.constant 249 : i32
      %add3A_29 = arith.addi %mul3A_2, %add3A_28 : i32
      %mul3A_30 = arith.constant 200 : i32
      %mul3A_31 = arith.muli %add3A_29, %mul3A_30 : i32
      "tpu.region"() ({
        %run_scoped3A_53 = tpu.sem_alloc : memref<!tpu.dma_semaphore, #tpu.memory_space<semaphore_mem>>
        %dma_start3A_54 = arith.constant 0 : i32
        %dma_start3A_55 = tpu.memref_slice %arg4[%dma_start3A_54, %mul3A_31] : memref<2x800000xi32, #tpu.memory_space<hbm>> -> memref<2x200xi32, #tpu.memory_space<hbm>>
        %dma_start3A_56 = arith.constant 0 : i32
        %dma_start3A_57 = tpu.memref_slice %arg4[%dma_start3A_56, %mul3A_31] : memref<2x800000xi32, #tpu.memory_space<hbm>> -> memref<2x200xi32, #tpu.memory_space<hbm>>
        tpu.enqueue_dma source(%dma_start3A_57 : memref<2x200xi32, #tpu.memory_space<hbm>>) target(%arg8 : memref<2x200xi32, #tpu.memory_space<vmem>>) target_semaphore(%run_scoped3A_53 : memref<!tpu.dma_semaphore, #tpu.memory_space<semaphore_mem>>)
        %dma_wait3A_58 = arith.constant 0 : i32
        %dma_wait3A_59 = tpu.memref_slice %arg4[%dma_wait3A_58, %mul3A_31] : memref<2x800000xi32, #tpu.memory_space<hbm>> -> memref<2x200xi32, #tpu.memory_space<hbm>>
        %dma_wait3A_60 = arith.constant 0 : i32
        %dma_wait3A_61 = tpu.memref_slice %arg4[%dma_wait3A_60, %mul3A_31] : memref<2x800000xi32, #tpu.memory_space<hbm>> -> memref<2x200xi32, #tpu.memory_space<hbm>>
        tpu.wait_dma2 semaphore(%run_scoped3A_53 : memref<!tpu.dma_semaphore, #tpu.memory_space<semaphore_mem>>) src(%dma_wait3A_61 : memref<2x200xi32, #tpu.memory_space<hbm>>) dst(%arg8 : memref<2x200xi32, #tpu.memory_space<vmem>>)
        tpu.yield
      }) : () -> ()
      %dma_start3A_32 = arith.constant 0 : i32
      %dma_start3A_33 = arith.constant 0 : i32
      %dma_start3A_34 = tpu.memref_slice %arg8[%dma_start3A_32, %dma_start3A_33] : memref<2x200xi32, #tpu.memory_space<vmem>> -> memref<1x200xi32, #tpu.memory_space<vmem>>
      %dma_start3A_35 = tpu.memref_squeeze %dma_start3A_34 : memref<1x200xi32, #tpu.memory_space<vmem>> -> memref<200xi32, #tpu.memory_space<vmem>>
      %dma_start3A_36 = arith.constant 0 : i32
      %dma_start3A_37 = arith.constant 0 : i32
      %dma_start3A_38 = tpu.memref_slice %arg3[%dma_start3A_36, %dma_start3A_37] : memref<50176x32xf32, #tpu.memory_space<hbm>> -> memref<50176x32xf32, #tpu.memory_space<hbm>>
      tpu.enqueue_indirect_dma source(%dma_start3A_38 : memref<50176x32xf32, #tpu.memory_space<hbm>>) target(%arg10 : memref<200x32xf32, #tpu.memory_space<vmem>>) offsets(%dma_start3A_35 : memref<200xi32, #tpu.memory_space<vmem>>) semaphore(%arg13 : memref<!tpu.dma_semaphore, #tpu.memory_space<semaphore_mem>>)
      %dma_wait3A = arith.constant 0 : i32
      %dma_wait3A_39 = arith.constant 0 : i32
      %dma_wait3A_40 = tpu.memref_slice %arg7[%dma_wait3A, %dma_wait3A_39] : memref<2x200xi32, #tpu.memory_space<vmem>> -> memref<1x200xi32, #tpu.memory_space<vmem>>
      %dma_wait3A_41 = tpu.memref_squeeze %dma_wait3A_40 : memref<1x200xi32, #tpu.memory_space<vmem>> -> memref<200xi32, #tpu.memory_space<vmem>>
      %dma_wait3A_42 = arith.constant 0 : i32
      %dma_wait3A_43 = arith.constant 0 : i32
      %dma_wait3A_44 = tpu.memref_slice %arg3[%dma_wait3A_42, %dma_wait3A_43] : memref<50176x32xf32, #tpu.memory_space<hbm>> -> memref<50176x32xf32, #tpu.memory_space<hbm>>
      tpu.wait_indirect_dma semaphore(%arg12 : memref<!tpu.dma_semaphore, #tpu.memory_space<semaphore_mem>>) src(%dma_wait3A_44 : memref<50176x32xf32, #tpu.memory_space<hbm>>) dst(%arg9 : memref<200x32xf32, #tpu.memory_space<vmem>>)
      %run_scoped3A = arith.constant 1 : i32
      "tpu.region"() ({
        %run_scoped3A_53 = tpu.sem_alloc : memref<!tpu.dma_semaphore, #tpu.memory_space<semaphore_mem>>
        %dma_start3A_54 = arith.constant 0 : i32
        %dma_start3A_55 = tpu.memref_slice %arg7[%run_scoped3A, %dma_start3A_54] : memref<2x200xi32, #tpu.memory_space<vmem>> -> memref<1x200xi32, #tpu.memory_space<vmem>>
        %dma_start3A_56 = tpu.memref_squeeze %dma_start3A_55 : memref<1x200xi32, #tpu.memory_space<vmem>> -> memref<200xi32, #tpu.memory_space<vmem>>
        %dma_start3A_57 = arith.constant 0 : i32
        %dma_start3A_58 = arith.constant 0 : i32
        %dma_start3A_59 = tpu.memref_slice %arg11[%dma_start3A_57, %dma_start3A_58] : memref<50176x32xf32, #tpu.memory_space<vmem_shared>> -> memref<50176x32xf32, #tpu.memory_space<vmem_shared>>
        tpu.enqueue_indirect_dma source(%arg9 : memref<200x32xf32, #tpu.memory_space<vmem>>) target(%dma_start3A_59 : memref<50176x32xf32, #tpu.memory_space<vmem_shared>>) offsets(%dma_start3A_56 : memref<200xi32, #tpu.memory_space<vmem>>) semaphore(%run_scoped3A_53 : memref<!tpu.dma_semaphore, #tpu.memory_space<semaphore_mem>>) {add = true}
        %dma_wait3A_60 = arith.constant 0 : i32
        %dma_wait3A_61 = tpu.memref_slice %arg7[%run_scoped3A, %dma_wait3A_60] : memref<2x200xi32, #tpu.memory_space<vmem>> -> memref<1x200xi32, #tpu.memory_space<vmem>>
        %dma_wait3A_62 = tpu.memref_squeeze %dma_wait3A_61 : memref<1x200xi32, #tpu.memory_space<vmem>> -> memref<200xi32, #tpu.memory_space<vmem>>
        %dma_wait3A_63 = arith.constant 0 : i32
        %dma_wait3A_64 = arith.constant 0 : i32
        %dma_wait3A_65 = tpu.memref_slice %arg11[%dma_wait3A_63, %dma_wait3A_64] : memref<50176x32xf32, #tpu.memory_space<vmem_shared>> -> memref<50176x32xf32, #tpu.memory_space<vmem_shared>>
        tpu.wait_indirect_dma semaphore(%run_scoped3A_53 : memref<!tpu.dma_semaphore, #tpu.memory_space<semaphore_mem>>) src(%arg9 : memref<200x32xf32, #tpu.memory_space<vmem>>) dst(%dma_wait3A_65 : memref<50176x32xf32, #tpu.memory_space<vmem_shared>>)
        tpu.yield
      }) : () -> ()
      %dma_wait3A_45 = arith.constant 0 : i32
      %dma_wait3A_46 = arith.constant 0 : i32
      %dma_wait3A_47 = tpu.memref_slice %arg8[%dma_wait3A_45, %dma_wait3A_46] : memref<2x200xi32, #tpu.memory_space<vmem>> -> memref<1x200xi32, #tpu.memory_space<vmem>>
      %dma_wait3A_48 = tpu.memref_squeeze %dma_wait3A_47 : memref<1x200xi32, #tpu.memory_space<vmem>> -> memref<200xi32, #tpu.memory_space<vmem>>
      %dma_wait3A_49 = arith.constant 0 : i32
      %dma_wait3A_50 = arith.constant 0 : i32
      %dma_wait3A_51 = tpu.memref_slice %arg3[%dma_wait3A_49, %dma_wait3A_50] : memref<50176x32xf32, #tpu.memory_space<hbm>> -> memref<50176x32xf32, #tpu.memory_space<hbm>>
      tpu.wait_indirect_dma semaphore(%arg13 : memref<!tpu.dma_semaphore, #tpu.memory_space<semaphore_mem>>) src(%dma_wait3A_51 : memref<50176x32xf32, #tpu.memory_space<hbm>>) dst(%arg10 : memref<200x32xf32, #tpu.memory_space<vmem>>)
      %run_scoped3A_52 = arith.constant 1 : i32
      "tpu.region"() ({
        %run_scoped3A_53 = tpu.sem_alloc : memref<!tpu.dma_semaphore, #tpu.memory_space<semaphore_mem>>
        %dma_start3A_54 = arith.constant 0 : i32
        %dma_start3A_55 = tpu.memref_slice %arg8[%run_scoped3A_52, %dma_start3A_54] : memref<2x200xi32, #tpu.memory_space<vmem>> -> memref<1x200xi32, #tpu.memory_space<vmem>>
        %dma_start3A_56 = tpu.memref_squeeze %dma_start3A_55 : memref<1x200xi32, #tpu.memory_space<vmem>> -> memref<200xi32, #tpu.memory_space<vmem>>
        %dma_start3A_57 = arith.constant 0 : i32
        %dma_start3A_58 = arith.constant 0 : i32
        %dma_start3A_59 = tpu.memref_slice %arg11[%dma_start3A_57, %dma_start3A_58] : memref<50176x32xf32, #tpu.memory_space<vmem_shared>> -> memref<50176x32xf32, #tpu.memory_space<vmem_shared>>
        tpu.enqueue_indirect_dma source(%arg10 : memref<200x32xf32, #tpu.memory_space<vmem>>) target(%dma_start3A_59 : memref<50176x32xf32, #tpu.memory_space<vmem_shared>>) offsets(%dma_start3A_56 : memref<200xi32, #tpu.memory_space<vmem>>) semaphore(%run_scoped3A_53 : memref<!tpu.dma_semaphore, #tpu.memory_space<semaphore_mem>>) {add = true}
        %dma_wait3A_60 = arith.constant 0 : i32
        %dma_wait3A_61 = tpu.memref_slice %arg8[%run_scoped3A_52, %dma_wait3A_60] : memref<2x200xi32, #tpu.memory_space<vmem>> -> memref<1x200xi32, #tpu.memory_space<vmem>>
        %dma_wait3A_62 = tpu.memref_squeeze %dma_wait3A_61 : memref<1x200xi32, #tpu.memory_space<vmem>> -> memref<200xi32, #tpu.memory_space<vmem>>
        %dma_wait3A_63 = arith.constant 0 : i32
        %dma_wait3A_64 = arith.constant 0 : i32
        %dma_wait3A_65 = tpu.memref_slice %arg11[%dma_wait3A_63, %dma_wait3A_64] : memref<50176x32xf32, #tpu.memory_space<vmem_shared>> -> memref<50176x32xf32, #tpu.memory_space<vmem_shared>>
        tpu.wait_indirect_dma semaphore(%run_scoped3A_53 : memref<!tpu.dma_semaphore, #tpu.memory_space<semaphore_mem>>) src(%arg10 : memref<200x32xf32, #tpu.memory_space<vmem>>) dst(%dma_wait3A_65 : memref<50176x32xf32, #tpu.memory_space<vmem_shared>>)
        tpu.yield
      }) : () -> ()
    } else {
    }
    %barrier3A_10 = arith.constant 0 : index
    tpu.barrier barrier_id(%barrier3A_10)
    %mul3A_11 = arith.constant 3136 : i32
    %mul3A_12 = arith.muli %arg1, %mul3A_11 : i32
    %mul3A_13 = arith.constant 3136 : i32
    %mul3A_14 = arith.muli %arg1, %mul3A_13 : i32
    "tpu.region"() ({
      %run_scoped3A = tpu.sem_alloc : memref<!tpu.dma_semaphore, #tpu.memory_space<semaphore_mem>>
      %dma_start3A = arith.constant 0 : i32
      %dma_start3A_15 = arith.constant 0 : i32
      %dma_start3A_16 = tpu.memref_slice %arg6[%arg0, %dma_start3A, %dma_start3A_15] : memref<2x50176x32xf32, #tpu.memory_space<hbm>> -> memref<1x50176x32xf32, #tpu.memory_space<hbm>>
      %dma_start3A_17 = tpu.memref_squeeze %dma_start3A_16 : memref<1x50176x32xf32, #tpu.memory_space<hbm>> -> memref<50176x32xf32, #tpu.memory_space<hbm>>
      %dma_start3A_18 = arith.constant 0 : i32
      %dma_start3A_19 = tpu.memref_slice %dma_start3A_17[%mul3A_14, %dma_start3A_18] : memref<50176x32xf32, #tpu.memory_space<hbm>> -> memref<3136x32xf32, #tpu.memory_space<hbm>>
      %dma_start3A_20 = arith.constant 0 : i32
      %dma_start3A_21 = tpu.memref_slice %arg11[%mul3A_12, %dma_start3A_20] : memref<50176x32xf32, #tpu.memory_space<vmem_shared>> -> memref<3136x32xf32, #tpu.memory_space<vmem_shared>>
      tpu.enqueue_dma source(%dma_start3A_21 : memref<3136x32xf32, #tpu.memory_space<vmem_shared>>) target(%dma_start3A_19 : memref<3136x32xf32, #tpu.memory_space<hbm>>) target_semaphore(%run_scoped3A : memref<!tpu.dma_semaphore, #tpu.memory_space<semaphore_mem>>)
      %dma_wait3A = arith.constant 0 : i32
      %dma_wait3A_22 = arith.constant 0 : i32
      %dma_wait3A_23 = tpu.memref_slice %arg6[%arg0, %dma_wait3A, %dma_wait3A_22] : memref<2x50176x32xf32, #tpu.memory_space<hbm>> -> memref<1x50176x32xf32, #tpu.memory_space<hbm>>
      %dma_wait3A_24 = tpu.memref_squeeze %dma_wait3A_23 : memref<1x50176x32xf32, #tpu.memory_space<hbm>> -> memref<50176x32xf32, #tpu.memory_space<hbm>>
      %dma_wait3A_25 = arith.constant 0 : i32
      %dma_wait3A_26 = tpu.memref_slice %dma_wait3A_24[%mul3A_14, %dma_wait3A_25] : memref<50176x32xf32, #tpu.memory_space<hbm>> -> memref<3136x32xf32, #tpu.memory_space<hbm>>
      %dma_wait3A_27 = arith.constant 0 : i32
      %dma_wait3A_28 = tpu.memref_slice %arg11[%mul3A_12, %dma_wait3A_27] : memref<50176x32xf32, #tpu.memory_space<vmem_shared>> -> memref<3136x32xf32, #tpu.memory_space<vmem_shared>>
      tpu.wait_dma2 semaphore(%run_scoped3A : memref<!tpu.dma_semaphore, #tpu.memory_space<semaphore_mem>>) src(%dma_wait3A_28 : memref<3136x32xf32, #tpu.memory_space<vmem_shared>>) dst(%dma_wait3A_26 : memref<3136x32xf32, #tpu.memory_space<hbm>>)
      tpu.yield
    }) : () -> ()
    return
  }
}

#map = affine_map<(d0, d1) -> (0, 0)>
#map1 = affine_map<(d0, d1) -> (0, 0, 0)>
module attributes {stable_mosaic.version = 14 : i64} {
  func.func @cnt_kernel(%arg0: i32, %arg1: i32, %arg2: memref<2x800000xi32, #tpu.memory_space<hbm>>, %arg3: memref<3136x16xf32, #tpu.memory_space<hbm>>, %arg4: memref<1000x16xf32, #tpu.memory_space<hbm>>, %arg5: memref<2x50176x16xf32, #tpu.memory_space<hbm>>, %arg6: memref<1000xi32, #tpu.memory_space<vmem>>, %arg7: memref<1000x16xf32, #tpu.memory_space<vmem>>, %arg8: memref<50176x16xf32, #tpu.memory_space<vmem_shared>>) attributes {dimension_semantics = [#tpu.dimension_semantics<core_parallel>, #tpu.dimension_semantics<subcore_parallel>], iteration_bounds = array<i64: 2, 16>, scalar_prefetch = 0 : i64, scratch_operands = 3 : i64, tpu.core_type = #tpu.core_type<sc_vector_subcore>, window_params = [{transform_indices = #map}, {transform_indices = #map}, {transform_indices = #map}, {transform_indices = #map1}]} {
    %mul3A = arith.constant 3136 : i32
    %mul3A_0 = arith.muli %arg1, %mul3A : i32
    "tpu.region"() ({
      %run_scoped3A = tpu.sem_alloc : memref<!tpu.dma_semaphore, #tpu.memory_space<semaphore_mem>>
      %dma_start3A = arith.constant 0 : i32
      %dma_start3A_15 = tpu.memref_slice %arg8[%mul3A_0, %dma_start3A] : memref<50176x16xf32, #tpu.memory_space<vmem_shared>> -> memref<3136x16xf32, #tpu.memory_space<vmem_shared>>
      tpu.enqueue_dma source(%arg3 : memref<3136x16xf32, #tpu.memory_space<hbm>>) target(%dma_start3A_15 : memref<3136x16xf32, #tpu.memory_space<vmem_shared>>) target_semaphore(%run_scoped3A : memref<!tpu.dma_semaphore, #tpu.memory_space<semaphore_mem>>)
      %dma_wait3A = arith.constant 0 : i32
      %dma_wait3A_16 = tpu.memref_slice %arg8[%mul3A_0, %dma_wait3A] : memref<50176x16xf32, #tpu.memory_space<vmem_shared>> -> memref<3136x16xf32, #tpu.memory_space<vmem_shared>>
      tpu.wait_dma2 semaphore(%run_scoped3A : memref<!tpu.dma_semaphore, #tpu.memory_space<semaphore_mem>>) src(%arg3 : memref<3136x16xf32, #tpu.memory_space<hbm>>) dst(%dma_wait3A_16 : memref<3136x16xf32, #tpu.memory_space<vmem_shared>>)
      tpu.yield
    }) : () -> ()
    "tpu.region"() ({
      %run_scoped3A = tpu.sem_alloc : memref<!tpu.dma_semaphore, #tpu.memory_space<semaphore_mem>>
      tpu.enqueue_dma source(%arg4 : memref<1000x16xf32, #tpu.memory_space<hbm>>) target(%arg7 : memref<1000x16xf32, #tpu.memory_space<vmem>>) target_semaphore(%run_scoped3A : memref<!tpu.dma_semaphore, #tpu.memory_space<semaphore_mem>>)
      tpu.wait_dma2 semaphore(%run_scoped3A : memref<!tpu.dma_semaphore, #tpu.memory_space<semaphore_mem>>) src(%arg4 : memref<1000x16xf32, #tpu.memory_space<hbm>>) dst(%arg7 : memref<1000x16xf32, #tpu.memory_space<vmem>>)
      tpu.yield
    }) : () -> ()
    %barrier3A = arith.constant 0 : index
    tpu.barrier barrier_id(%barrier3A)
    %mul3A_1 = arith.constant 16 : i32
    %mul3A_2 = arith.muli %arg0, %mul3A_1 : i32
    %add3A = arith.addi %mul3A_2, %arg1 : i32
    %mul3A_3 = arith.constant 25 : i32
    %mul3A_4 = arith.muli %add3A, %mul3A_3 : i32
    %scan3A = arith.constant 1 : i32
    %scan3A_5 = arith.constant 0 : i32
    %scan3A_6 = arith.constant 25 : i32
    %scan3A_7 = arith.addi %scan3A_5, %scan3A_6 : i32
    %scan3A_8 = arith.constant 1 : i32
    scf.for %scan3A_15 = %scan3A_5 to %scan3A_7 step %scan3A_8  : i32 {
      %mul3A_16 = arith.constant 1 : i32
      %mul3A_17 = arith.muli %scan3A_15, %mul3A_16 : i32
      %add3A_18 = arith.constant 0 : i32
      %add3A_19 = arith.addi %add3A_18, %mul3A_17 : i32
      %add3A_20 = arith.addi %mul3A_4, %add3A_19 : i32
      %mul3A_21 = arith.constant 1000 : i32
      %mul3A_22 = arith.muli %add3A_20, %mul3A_21 : i32
      "tpu.region"() ({
        %run_scoped3A = tpu.sem_alloc : memref<!tpu.dma_semaphore, #tpu.memory_space<semaphore_mem>>
        %dma_start3A = arith.constant 0 : i32
        %dma_start3A_23 = tpu.memref_slice %arg2[%scan3A, %dma_start3A] : memref<2x800000xi32, #tpu.memory_space<hbm>> -> memref<1x800000xi32, #tpu.memory_space<hbm>>
        %dma_start3A_24 = tpu.memref_squeeze %dma_start3A_23 : memref<1x800000xi32, #tpu.memory_space<hbm>> -> memref<800000xi32, #tpu.memory_space<hbm>>
        %dma_start3A_25 = tpu.memref_slice %dma_start3A_24[%mul3A_22] : memref<800000xi32, #tpu.memory_space<hbm>> -> memref<1000xi32, #tpu.memory_space<hbm>>
        %dma_start3A_26 = arith.constant 0 : i32
        %dma_start3A_27 = tpu.memref_slice %arg2[%scan3A, %dma_start3A_26] : memref<2x800000xi32, #tpu.memory_space<hbm>> -> memref<1x800000xi32, #tpu.memory_space<hbm>>
        %dma_start3A_28 = tpu.memref_squeeze %dma_start3A_27 : memref<1x800000xi32, #tpu.memory_space<hbm>> -> memref<800000xi32, #tpu.memory_space<hbm>>
        %dma_start3A_29 = tpu.memref_slice %dma_start3A_28[%mul3A_22] : memref<800000xi32, #tpu.memory_space<hbm>> -> memref<1000xi32, #tpu.memory_space<hbm>>
        tpu.enqueue_dma source(%dma_start3A_29 : memref<1000xi32, #tpu.memory_space<hbm>>) target(%arg6 : memref<1000xi32, #tpu.memory_space<vmem>>) target_semaphore(%run_scoped3A : memref<!tpu.dma_semaphore, #tpu.memory_space<semaphore_mem>>)
        %dma_wait3A = arith.constant 0 : i32
        %dma_wait3A_30 = tpu.memref_slice %arg2[%scan3A, %dma_wait3A] : memref<2x800000xi32, #tpu.memory_space<hbm>> -> memref<1x800000xi32, #tpu.memory_space<hbm>>
        %dma_wait3A_31 = tpu.memref_squeeze %dma_wait3A_30 : memref<1x800000xi32, #tpu.memory_space<hbm>> -> memref<800000xi32, #tpu.memory_space<hbm>>
        %dma_wait3A_32 = tpu.memref_slice %dma_wait3A_31[%mul3A_22] : memref<800000xi32, #tpu.memory_space<hbm>> -> memref<1000xi32, #tpu.memory_space<hbm>>
        %dma_wait3A_33 = arith.constant 0 : i32
        %dma_wait3A_34 = tpu.memref_slice %arg2[%scan3A, %dma_wait3A_33] : memref<2x800000xi32, #tpu.memory_space<hbm>> -> memref<1x800000xi32, #tpu.memory_space<hbm>>
        %dma_wait3A_35 = tpu.memref_squeeze %dma_wait3A_34 : memref<1x800000xi32, #tpu.memory_space<hbm>> -> memref<800000xi32, #tpu.memory_space<hbm>>
        %dma_wait3A_36 = tpu.memref_slice %dma_wait3A_35[%mul3A_22] : memref<800000xi32, #tpu.memory_space<hbm>> -> memref<1000xi32, #tpu.memory_space<hbm>>
        tpu.wait_dma2 semaphore(%run_scoped3A : memref<!tpu.dma_semaphore, #tpu.memory_space<semaphore_mem>>) src(%dma_wait3A_36 : memref<1000xi32, #tpu.memory_space<hbm>>) dst(%arg6 : memref<1000xi32, #tpu.memory_space<vmem>>)
        tpu.yield
      }) : () -> ()
      "tpu.region"() ({
        %run_scoped3A = tpu.sem_alloc : memref<!tpu.dma_semaphore, #tpu.memory_space<semaphore_mem>>
        %dma_start3A = arith.constant 0 : i32
        %dma_start3A_23 = arith.constant 0 : i32
        %dma_start3A_24 = tpu.memref_slice %arg8[%dma_start3A, %dma_start3A_23] : memref<50176x16xf32, #tpu.memory_space<vmem_shared>> -> memref<50176x16xf32, #tpu.memory_space<vmem_shared>>
        tpu.enqueue_indirect_dma source(%arg7 : memref<1000x16xf32, #tpu.memory_space<vmem>>) target(%dma_start3A_24 : memref<50176x16xf32, #tpu.memory_space<vmem_shared>>) offsets(%arg6 : memref<1000xi32, #tpu.memory_space<vmem>>) semaphore(%run_scoped3A : memref<!tpu.dma_semaphore, #tpu.memory_space<semaphore_mem>>) {add = true}
        %dma_wait3A = arith.constant 0 : i32
        %dma_wait3A_25 = arith.constant 0 : i32
        %dma_wait3A_26 = tpu.memref_slice %arg8[%dma_wait3A, %dma_wait3A_25] : memref<50176x16xf32, #tpu.memory_space<vmem_shared>> -> memref<50176x16xf32, #tpu.memory_space<vmem_shared>>
        tpu.wait_indirect_dma semaphore(%run_scoped3A : memref<!tpu.dma_semaphore, #tpu.memory_space<semaphore_mem>>) src(%arg7 : memref<1000x16xf32, #tpu.memory_space<vmem>>) dst(%dma_wait3A_26 : memref<50176x16xf32, #tpu.memory_space<vmem_shared>>)
        tpu.yield
      }) : () -> ()
    }
    %scan3A_9 = arith.constant 25 : i32
    %barrier3A_10 = arith.constant 0 : index
    tpu.barrier barrier_id(%barrier3A_10)
    %mul3A_11 = arith.constant 3136 : i32
    %mul3A_12 = arith.muli %arg1, %mul3A_11 : i32
    %mul3A_13 = arith.constant 3136 : i32
    %mul3A_14 = arith.muli %arg1, %mul3A_13 : i32
    "tpu.region"() ({
      %run_scoped3A = tpu.sem_alloc : memref<!tpu.dma_semaphore, #tpu.memory_space<semaphore_mem>>
      %dma_start3A = arith.constant 0 : i32
      %dma_start3A_15 = arith.constant 0 : i32
      %dma_start3A_16 = tpu.memref_slice %arg5[%arg0, %dma_start3A, %dma_start3A_15] : memref<2x50176x16xf32, #tpu.memory_space<hbm>> -> memref<1x50176x16xf32, #tpu.memory_space<hbm>>
      %dma_start3A_17 = tpu.memref_squeeze %dma_start3A_16 : memref<1x50176x16xf32, #tpu.memory_space<hbm>> -> memref<50176x16xf32, #tpu.memory_space<hbm>>
      %dma_start3A_18 = arith.constant 0 : i32
      %dma_start3A_19 = tpu.memref_slice %dma_start3A_17[%mul3A_14, %dma_start3A_18] : memref<50176x16xf32, #tpu.memory_space<hbm>> -> memref<3136x16xf32, #tpu.memory_space<hbm>>
      %dma_start3A_20 = arith.constant 0 : i32
      %dma_start3A_21 = tpu.memref_slice %arg8[%mul3A_12, %dma_start3A_20] : memref<50176x16xf32, #tpu.memory_space<vmem_shared>> -> memref<3136x16xf32, #tpu.memory_space<vmem_shared>>
      tpu.enqueue_dma source(%dma_start3A_21 : memref<3136x16xf32, #tpu.memory_space<vmem_shared>>) target(%dma_start3A_19 : memref<3136x16xf32, #tpu.memory_space<hbm>>) target_semaphore(%run_scoped3A : memref<!tpu.dma_semaphore, #tpu.memory_space<semaphore_mem>>)
      %dma_wait3A = arith.constant 0 : i32
      %dma_wait3A_22 = arith.constant 0 : i32
      %dma_wait3A_23 = tpu.memref_slice %arg5[%arg0, %dma_wait3A, %dma_wait3A_22] : memref<2x50176x16xf32, #tpu.memory_space<hbm>> -> memref<1x50176x16xf32, #tpu.memory_space<hbm>>
      %dma_wait3A_24 = tpu.memref_squeeze %dma_wait3A_23 : memref<1x50176x16xf32, #tpu.memory_space<hbm>> -> memref<50176x16xf32, #tpu.memory_space<hbm>>
      %dma_wait3A_25 = arith.constant 0 : i32
      %dma_wait3A_26 = tpu.memref_slice %dma_wait3A_24[%mul3A_14, %dma_wait3A_25] : memref<50176x16xf32, #tpu.memory_space<hbm>> -> memref<3136x16xf32, #tpu.memory_space<hbm>>
      %dma_wait3A_27 = arith.constant 0 : i32
      %dma_wait3A_28 = tpu.memref_slice %arg8[%mul3A_12, %dma_wait3A_27] : memref<50176x16xf32, #tpu.memory_space<vmem_shared>> -> memref<3136x16xf32, #tpu.memory_space<vmem_shared>>
      tpu.wait_dma2 semaphore(%run_scoped3A : memref<!tpu.dma_semaphore, #tpu.memory_space<semaphore_mem>>) src(%dma_wait3A_28 : memref<3136x16xf32, #tpu.memory_space<vmem_shared>>) dst(%dma_wait3A_26 : memref<3136x16xf32, #tpu.memory_space<hbm>>)
      tpu.yield
    }) : () -> ()
    return
  }
}

#map = affine_map<(d0, d1) -> (0, 0)>
#map1 = affine_map<(d0, d1) -> (0, 0, 0)>
module attributes {stable_mosaic.version = 14 : i64} {
  func.func @agg_kernel(%arg0: i32, %arg1: i32, %arg2: memref<50176x32xf32, #tpu.memory_space<hbm>>, %arg3: memref<50176x32xf32, #tpu.memory_space<hbm>>, %arg4: memref<2x800000xi32, #tpu.memory_space<hbm>>, %arg5: memref<3136x32xf32, #tpu.memory_space<hbm>>, %arg6: memref<2x50176x32xf32, #tpu.memory_space<hbm>>, %arg7: memref<2x200xi32, #tpu.memory_space<vmem>>, %arg8: memref<2x200xi32, #tpu.memory_space<vmem>>, %arg9: memref<200x32xf32, #tpu.memory_space<vmem>>, %arg10: memref<200x32xf32, #tpu.memory_space<vmem>>, %arg11: memref<50176x32xf32, #tpu.memory_space<vmem_shared>>, %arg12: memref<!tpu.dma_semaphore, #tpu.memory_space<semaphore_mem>>, %arg13: memref<!tpu.dma_semaphore, #tpu.memory_space<semaphore_mem>>) attributes {dimension_semantics = [#tpu.dimension_semantics<core_parallel>, #tpu.dimension_semantics<subcore_parallel>], iteration_bounds = array<i64: 2, 16>, scalar_prefetch = 0 : i64, scratch_operands = 7 : i64, tpu.core_type = #tpu.core_type<sc_vector_subcore>, window_params = [{transform_indices = #map}, {transform_indices = #map}, {transform_indices = #map}, {transform_indices = #map}, {transform_indices = #map1}]} {
    %mul3A = arith.constant 3136 : i32
    %mul3A_0 = arith.muli %arg1, %mul3A : i32
    "tpu.region"() ({
      %run_scoped3A = tpu.sem_alloc : memref<!tpu.dma_semaphore, #tpu.memory_space<semaphore_mem>>
      %dma_start3A = arith.constant 0 : i32
      %dma_start3A_15 = tpu.memref_slice %arg11[%mul3A_0, %dma_start3A] : memref<50176x32xf32, #tpu.memory_space<vmem_shared>> -> memref<3136x32xf32, #tpu.memory_space<vmem_shared>>
      tpu.enqueue_dma source(%arg5 : memref<3136x32xf32, #tpu.memory_space<hbm>>) target(%dma_start3A_15 : memref<3136x32xf32, #tpu.memory_space<vmem_shared>>) target_semaphore(%run_scoped3A : memref<!tpu.dma_semaphore, #tpu.memory_space<semaphore_mem>>)
      %dma_wait3A = arith.constant 0 : i32
      %dma_wait3A_16 = tpu.memref_slice %arg11[%mul3A_0, %dma_wait3A] : memref<50176x32xf32, #tpu.memory_space<vmem_shared>> -> memref<3136x32xf32, #tpu.memory_space<vmem_shared>>
      tpu.wait_dma2 semaphore(%run_scoped3A : memref<!tpu.dma_semaphore, #tpu.memory_space<semaphore_mem>>) src(%arg5 : memref<3136x32xf32, #tpu.memory_space<hbm>>) dst(%dma_wait3A_16 : memref<3136x32xf32, #tpu.memory_space<vmem_shared>>)
      tpu.yield
    }) : () -> ()
    %barrier3A = arith.constant 0 : index
    tpu.barrier barrier_id(%barrier3A)
    %mul3A_1 = arith.constant 250 : i32
    %mul3A_2 = arith.muli %arg1, %mul3A_1 : i32
    %eq3A = arith.constant 0 : i32
    %eq3A_3 = arith.cmpi eq, %arg0, %eq3A : i32
    %convert_element_type3A = arith.extui %eq3A_3 : i1 to i32
    %cond3A = arith.constant 0 : i32
    %cond3A_4 = arith.cmpi ne, %convert_element_type3A, %cond3A : i32
    scf.if %cond3A_4 {
      %add3A = arith.constant 0 : i32
      %add3A_15 = arith.addi %mul3A_2, %add3A : i32
      %mul3A_16 = arith.constant 200 : i32
      %mul3A_17 = arith.muli %add3A_15, %mul3A_16 : i32
      "tpu.region"() ({
        %run_scoped3A_53 = tpu.sem_alloc : memref<!tpu.dma_semaphore, #tpu.memory_space<semaphore_mem>>
        %dma_start3A_54 = arith.constant 0 : i32
        %dma_start3A_55 = tpu.memref_slice %arg4[%dma_start3A_54, %mul3A_17] : memref<2x800000xi32, #tpu.memory_space<hbm>> -> memref<2x200xi32, #tpu.memory_space<hbm>>
        %dma_start3A_56 = arith.constant 0 : i32
        %dma_start3A_57 = tpu.memref_slice %arg4[%dma_start3A_56, %mul3A_17] : memref<2x800000xi32, #tpu.memory_space<hbm>> -> memref<2x200xi32, #tpu.memory_space<hbm>>
        tpu.enqueue_dma source(%dma_start3A_57 : memref<2x200xi32, #tpu.memory_space<hbm>>) target(%arg7 : memref<2x200xi32, #tpu.memory_space<vmem>>) target_semaphore(%run_scoped3A_53 : memref<!tpu.dma_semaphore, #tpu.memory_space<semaphore_mem>>)
        %dma_wait3A_58 = arith.constant 0 : i32
        %dma_wait3A_59 = tpu.memref_slice %arg4[%dma_wait3A_58, %mul3A_17] : memref<2x800000xi32, #tpu.memory_space<hbm>> -> memref<2x200xi32, #tpu.memory_space<hbm>>
        %dma_wait3A_60 = arith.constant 0 : i32
        %dma_wait3A_61 = tpu.memref_slice %arg4[%dma_wait3A_60, %mul3A_17] : memref<2x800000xi32, #tpu.memory_space<hbm>> -> memref<2x200xi32, #tpu.memory_space<hbm>>
        tpu.wait_dma2 semaphore(%run_scoped3A_53 : memref<!tpu.dma_semaphore, #tpu.memory_space<semaphore_mem>>) src(%dma_wait3A_61 : memref<2x200xi32, #tpu.memory_space<hbm>>) dst(%arg7 : memref<2x200xi32, #tpu.memory_space<vmem>>)
        tpu.yield
      }) : () -> ()
      %dma_start3A = arith.constant 0 : i32
      %dma_start3A_18 = arith.constant 0 : i32
      %dma_start3A_19 = tpu.memref_slice %arg7[%dma_start3A, %dma_start3A_18] : memref<2x200xi32, #tpu.memory_space<vmem>> -> memref<1x200xi32, #tpu.memory_space<vmem>>
      %dma_start3A_20 = tpu.memref_squeeze %dma_start3A_19 : memref<1x200xi32, #tpu.memory_space<vmem>> -> memref<200xi32, #tpu.memory_space<vmem>>
      %dma_start3A_21 = arith.constant 0 : i32
      %dma_start3A_22 = arith.constant 0 : i32
      %dma_start3A_23 = tpu.memref_slice %arg2[%dma_start3A_21, %dma_start3A_22] : memref<50176x32xf32, #tpu.memory_space<hbm>> -> memref<50176x32xf32, #tpu.memory_space<hbm>>
      tpu.enqueue_indirect_dma source(%dma_start3A_23 : memref<50176x32xf32, #tpu.memory_space<hbm>>) target(%arg9 : memref<200x32xf32, #tpu.memory_space<vmem>>) offsets(%dma_start3A_20 : memref<200xi32, #tpu.memory_space<vmem>>) semaphore(%arg12 : memref<!tpu.dma_semaphore, #tpu.memory_space<semaphore_mem>>)
      %scan3A = arith.constant 0 : i32
      %scan3A_24 = arith.constant 124 : i32
      %scan3A_25 = arith.addi %scan3A, %scan3A_24 : i32
      %scan3A_26 = arith.constant 1 : i32
      scf.for %scan3A_53 = %scan3A to %scan3A_25 step %scan3A_26  : i32 {
        %mul3A_54 = arith.constant 2 : i32
        %mul3A_55 = arith.muli %scan3A_53, %mul3A_54 : i32
        %add3A_56 = arith.constant 0 : i32
        %add3A_57 = arith.addi %add3A_56, %mul3A_55 : i32
        %add3A_58 = arith.constant 1 : i32
        %add3A_59 = arith.addi %add3A_57, %add3A_58 : i32
        %add3A_60 = arith.addi %mul3A_2, %add3A_59 : i32
        %mul3A_61 = arith.constant 200 : i32
        %mul3A_62 = arith.muli %add3A_60, %mul3A_61 : i32
        "tpu.region"() ({
          %run_scoped3A_98 = tpu.sem_alloc : memref<!tpu.dma_semaphore, #tpu.memory_space<semaphore_mem>>
          %dma_start3A_99 = arith.constant 0 : i32
          %dma_start3A_100 = tpu.memref_slice %arg4[%dma_start3A_99, %mul3A_62] : memref<2x800000xi32, #tpu.memory_space<hbm>> -> memref<2x200xi32, #tpu.memory_space<hbm>>
          %dma_start3A_101 = arith.constant 0 : i32
          %dma_start3A_102 = tpu.memref_slice %arg4[%dma_start3A_101, %mul3A_62] : memref<2x800000xi32, #tpu.memory_space<hbm>> -> memref<2x200xi32, #tpu.memory_space<hbm>>
          tpu.enqueue_dma source(%dma_start3A_102 : memref<2x200xi32, #tpu.memory_space<hbm>>) target(%arg8 : memref<2x200xi32, #tpu.memory_space<vmem>>) target_semaphore(%run_scoped3A_98 : memref<!tpu.dma_semaphore, #tpu.memory_space<semaphore_mem>>)
          %dma_wait3A_103 = arith.constant 0 : i32
          %dma_wait3A_104 = tpu.memref_slice %arg4[%dma_wait3A_103, %mul3A_62] : memref<2x800000xi32, #tpu.memory_space<hbm>> -> memref<2x200xi32, #tpu.memory_space<hbm>>
          %dma_wait3A_105 = arith.constant 0 : i32
          %dma_wait3A_106 = tpu.memref_slice %arg4[%dma_wait3A_105, %mul3A_62] : memref<2x800000xi32, #tpu.memory_space<hbm>> -> memref<2x200xi32, #tpu.memory_space<hbm>>
          tpu.wait_dma2 semaphore(%run_scoped3A_98 : memref<!tpu.dma_semaphore, #tpu.memory_space<semaphore_mem>>) src(%dma_wait3A_106 : memref<2x200xi32, #tpu.memory_space<hbm>>) dst(%arg8 : memref<2x200xi32, #tpu.memory_space<vmem>>)
          tpu.yield
        }) : () -> ()
        %dma_start3A_63 = arith.constant 0 : i32
        %dma_start3A_64 = arith.constant 0 : i32
        %dma_start3A_65 = tpu.memref_slice %arg8[%dma_start3A_63, %dma_start3A_64] : memref<2x200xi32, #tpu.memory_space<vmem>> -> memref<1x200xi32, #tpu.memory_space<vmem>>
        %dma_start3A_66 = tpu.memref_squeeze %dma_start3A_65 : memref<1x200xi32, #tpu.memory_space<vmem>> -> memref<200xi32, #tpu.memory_space<vmem>>
        %dma_start3A_67 = arith.constant 0 : i32
        %dma_start3A_68 = arith.constant 0 : i32
        %dma_start3A_69 = tpu.memref_slice %arg2[%dma_start3A_67, %dma_start3A_68] : memref<50176x32xf32, #tpu.memory_space<hbm>> -> memref<50176x32xf32, #tpu.memory_space<hbm>>
        tpu.enqueue_indirect_dma source(%dma_start3A_69 : memref<50176x32xf32, #tpu.memory_space<hbm>>) target(%arg10 : memref<200x32xf32, #tpu.memory_space<vmem>>) offsets(%dma_start3A_66 : memref<200xi32, #tpu.memory_space<vmem>>) semaphore(%arg13 : memref<!tpu.dma_semaphore, #tpu.memory_space<semaphore_mem>>)
        %dma_wait3A_70 = arith.constant 0 : i32
        %dma_wait3A_71 = arith.constant 0 : i32
        %dma_wait3A_72 = tpu.memref_slice %arg7[%dma_wait3A_70, %dma_wait3A_71] : memref<2x200xi32, #tpu.memory_space<vmem>> -> memref<1x200xi32, #tpu.memory_space<vmem>>
        %dma_wait3A_73 = tpu.memref_squeeze %dma_wait3A_72 : memref<1x200xi32, #tpu.memory_space<vmem>> -> memref<200xi32, #tpu.memory_space<vmem>>
        %dma_wait3A_74 = arith.constant 0 : i32
        %dma_wait3A_75 = arith.constant 0 : i32
        %dma_wait3A_76 = tpu.memref_slice %arg2[%dma_wait3A_74, %dma_wait3A_75] : memref<50176x32xf32, #tpu.memory_space<hbm>> -> memref<50176x32xf32, #tpu.memory_space<hbm>>
        tpu.wait_indirect_dma semaphore(%arg12 : memref<!tpu.dma_semaphore, #tpu.memory_space<semaphore_mem>>) src(%dma_wait3A_76 : memref<50176x32xf32, #tpu.memory_space<hbm>>) dst(%arg9 : memref<200x32xf32, #tpu.memory_space<vmem>>)
        %run_scoped3A_77 = arith.constant 1 : i32
        "tpu.region"() ({
          %run_scoped3A_98 = tpu.sem_alloc : memref<!tpu.dma_semaphore, #tpu.memory_space<semaphore_mem>>
          %dma_start3A_99 = arith.constant 0 : i32
          %dma_start3A_100 = tpu.memref_slice %arg7[%run_scoped3A_77, %dma_start3A_99] : memref<2x200xi32, #tpu.memory_space<vmem>> -> memref<1x200xi32, #tpu.memory_space<vmem>>
          %dma_start3A_101 = tpu.memref_squeeze %dma_start3A_100 : memref<1x200xi32, #tpu.memory_space<vmem>> -> memref<200xi32, #tpu.memory_space<vmem>>
          %dma_start3A_102 = arith.constant 0 : i32
          %dma_start3A_103 = arith.constant 0 : i32
          %dma_start3A_104 = tpu.memref_slice %arg11[%dma_start3A_102, %dma_start3A_103] : memref<50176x32xf32, #tpu.memory_space<vmem_shared>> -> memref<50176x32xf32, #tpu.memory_space<vmem_shared>>
          tpu.enqueue_indirect_dma source(%arg9 : memref<200x32xf32, #tpu.memory_space<vmem>>) target(%dma_start3A_104 : memref<50176x32xf32, #tpu.memory_space<vmem_shared>>) offsets(%dma_start3A_101 : memref<200xi32, #tpu.memory_space<vmem>>) semaphore(%run_scoped3A_98 : memref<!tpu.dma_semaphore, #tpu.memory_space<semaphore_mem>>) {add = true}
          %dma_wait3A_105 = arith.constant 0 : i32
          %dma_wait3A_106 = tpu.memref_slice %arg7[%run_scoped3A_77, %dma_wait3A_105] : memref<2x200xi32, #tpu.memory_space<vmem>> -> memref<1x200xi32, #tpu.memory_space<vmem>>
          %dma_wait3A_107 = tpu.memref_squeeze %dma_wait3A_106 : memref<1x200xi32, #tpu.memory_space<vmem>> -> memref<200xi32, #tpu.memory_space<vmem>>
          %dma_wait3A_108 = arith.constant 0 : i32
          %dma_wait3A_109 = arith.constant 0 : i32
          %dma_wait3A_110 = tpu.memref_slice %arg11[%dma_wait3A_108, %dma_wait3A_109] : memref<50176x32xf32, #tpu.memory_space<vmem_shared>> -> memref<50176x32xf32, #tpu.memory_space<vmem_shared>>
          tpu.wait_indirect_dma semaphore(%run_scoped3A_98 : memref<!tpu.dma_semaphore, #tpu.memory_space<semaphore_mem>>) src(%arg9 : memref<200x32xf32, #tpu.memory_space<vmem>>) dst(%dma_wait3A_110 : memref<50176x32xf32, #tpu.memory_space<vmem_shared>>)
          tpu.yield
        }) : () -> ()
        %add3A_78 = arith.constant 2 : i32
        %add3A_79 = arith.addi %add3A_57, %add3A_78 : i32
        %add3A_80 = arith.addi %mul3A_2, %add3A_79 : i32
        %mul3A_81 = arith.constant 200 : i32
        %mul3A_82 = arith.muli %add3A_80, %mul3A_81 : i32
        "tpu.region"() ({
          %run_scoped3A_98 = tpu.sem_alloc : memref<!tpu.dma_semaphore, #tpu.memory_space<semaphore_mem>>
          %dma_start3A_99 = arith.constant 0 : i32
          %dma_start3A_100 = tpu.memref_slice %arg4[%dma_start3A_99, %mul3A_82] : memref<2x800000xi32, #tpu.memory_space<hbm>> -> memref<2x200xi32, #tpu.memory_space<hbm>>
          %dma_start3A_101 = arith.constant 0 : i32
          %dma_start3A_102 = tpu.memref_slice %arg4[%dma_start3A_101, %mul3A_82] : memref<2x800000xi32, #tpu.memory_space<hbm>> -> memref<2x200xi32, #tpu.memory_space<hbm>>
          tpu.enqueue_dma source(%dma_start3A_102 : memref<2x200xi32, #tpu.memory_space<hbm>>) target(%arg7 : memref<2x200xi32, #tpu.memory_space<vmem>>) target_semaphore(%run_scoped3A_98 : memref<!tpu.dma_semaphore, #tpu.memory_space<semaphore_mem>>)
          %dma_wait3A_103 = arith.constant 0 : i32
          %dma_wait3A_104 = tpu.memref_slice %arg4[%dma_wait3A_103, %mul3A_82] : memref<2x800000xi32, #tpu.memory_space<hbm>> -> memref<2x200xi32, #tpu.memory_space<hbm>>
          %dma_wait3A_105 = arith.constant 0 : i32
          %dma_wait3A_106 = tpu.memref_slice %arg4[%dma_wait3A_105, %mul3A_82] : memref<2x800000xi32, #tpu.memory_space<hbm>> -> memref<2x200xi32, #tpu.memory_space<hbm>>
          tpu.wait_dma2 semaphore(%run_scoped3A_98 : memref<!tpu.dma_semaphore, #tpu.memory_space<semaphore_mem>>) src(%dma_wait3A_106 : memref<2x200xi32, #tpu.memory_space<hbm>>) dst(%arg7 : memref<2x200xi32, #tpu.memory_space<vmem>>)
          tpu.yield
        }) : () -> ()
        %dma_start3A_83 = arith.constant 0 : i32
        %dma_start3A_84 = arith.constant 0 : i32
        %dma_start3A_85 = tpu.memref_slice %arg7[%dma_start3A_83, %dma_start3A_84] : memref<2x200xi32, #tpu.memory_space<vmem>> -> memref<1x200xi32, #tpu.memory_space<vmem>>
        %dma_start3A_86 = tpu.memref_squeeze %dma_start3A_85 : memref<1x200xi32, #tpu.memory_space<vmem>> -> memref<200xi32, #tpu.memory_space<vmem>>
        %dma_start3A_87 = arith.constant 0 : i32
        %dma_start3A_88 = arith.constant 0 : i32
        %dma_start3A_89 = tpu.memref_slice %arg2[%dma_start3A_87, %dma_start3A_88] : memref<50176x32xf32, #tpu.memory_space<hbm>> -> memref<50176x32xf32, #tpu.memory_space<hbm>>
        tpu.enqueue_indirect_dma source(%dma_start3A_89 : memref<50176x32xf32, #tpu.memory_space<hbm>>) target(%arg9 : memref<200x32xf32, #tpu.memory_space<vmem>>) offsets(%dma_start3A_86 : memref<200xi32, #tpu.memory_space<vmem>>) semaphore(%arg12 : memref<!tpu.dma_semaphore, #tpu.memory_space<semaphore_mem>>)
        %dma_wait3A_90 = arith.constant 0 : i32
        %dma_wait3A_91 = arith.constant 0 : i32
        %dma_wait3A_92 = tpu.memref_slice %arg8[%dma_wait3A_90, %dma_wait3A_91] : memref<2x200xi32, #tpu.memory_space<vmem>> -> memref<1x200xi32, #tpu.memory_space<vmem>>
        %dma_wait3A_93 = tpu.memref_squeeze %dma_wait3A_92 : memref<1x200xi32, #tpu.memory_space<vmem>> -> memref<200xi32, #tpu.memory_space<vmem>>
        %dma_wait3A_94 = arith.constant 0 : i32
        %dma_wait3A_95 = arith.constant 0 : i32
        %dma_wait3A_96 = tpu.memref_slice %arg2[%dma_wait3A_94, %dma_wait3A_95] : memref<50176x32xf32, #tpu.memory_space<hbm>> -> memref<50176x32xf32, #tpu.memory_space<hbm>>
        tpu.wait_indirect_dma semaphore(%arg13 : memref<!tpu.dma_semaphore, #tpu.memory_space<semaphore_mem>>) src(%dma_wait3A_96 : memref<50176x32xf32, #tpu.memory_space<hbm>>) dst(%arg10 : memref<200x32xf32, #tpu.memory_space<vmem>>)
        %run_scoped3A_97 = arith.constant 1 : i32
        "tpu.region"() ({
          %run_scoped3A_98 = tpu.sem_alloc : memref<!tpu.dma_semaphore, #tpu.memory_space<semaphore_mem>>
          %dma_start3A_99 = arith.constant 0 : i32
          %dma_start3A_100 = tpu.memref_slice %arg8[%run_scoped3A_97, %dma_start3A_99] : memref<2x200xi32, #tpu.memory_space<vmem>> -> memref<1x200xi32, #tpu.memory_space<vmem>>
          %dma_start3A_101 = tpu.memref_squeeze %dma_start3A_100 : memref<1x200xi32, #tpu.memory_space<vmem>> -> memref<200xi32, #tpu.memory_space<vmem>>
          %dma_start3A_102 = arith.constant 0 : i32
          %dma_start3A_103 = arith.constant 0 : i32
          %dma_start3A_104 = tpu.memref_slice %arg11[%dma_start3A_102, %dma_start3A_103] : memref<50176x32xf32, #tpu.memory_space<vmem_shared>> -> memref<50176x32xf32, #tpu.memory_space<vmem_shared>>
          tpu.enqueue_indirect_dma source(%arg10 : memref<200x32xf32, #tpu.memory_space<vmem>>) target(%dma_start3A_104 : memref<50176x32xf32, #tpu.memory_space<vmem_shared>>) offsets(%dma_start3A_101 : memref<200xi32, #tpu.memory_space<vmem>>) semaphore(%run_scoped3A_98 : memref<!tpu.dma_semaphore, #tpu.memory_space<semaphore_mem>>) {add = true}
          %dma_wait3A_105 = arith.constant 0 : i32
          %dma_wait3A_106 = tpu.memref_slice %arg8[%run_scoped3A_97, %dma_wait3A_105] : memref<2x200xi32, #tpu.memory_space<vmem>> -> memref<1x200xi32, #tpu.memory_space<vmem>>
          %dma_wait3A_107 = tpu.memref_squeeze %dma_wait3A_106 : memref<1x200xi32, #tpu.memory_space<vmem>> -> memref<200xi32, #tpu.memory_space<vmem>>
          %dma_wait3A_108 = arith.constant 0 : i32
          %dma_wait3A_109 = arith.constant 0 : i32
          %dma_wait3A_110 = tpu.memref_slice %arg11[%dma_wait3A_108, %dma_wait3A_109] : memref<50176x32xf32, #tpu.memory_space<vmem_shared>> -> memref<50176x32xf32, #tpu.memory_space<vmem_shared>>
          tpu.wait_indirect_dma semaphore(%run_scoped3A_98 : memref<!tpu.dma_semaphore, #tpu.memory_space<semaphore_mem>>) src(%arg10 : memref<200x32xf32, #tpu.memory_space<vmem>>) dst(%dma_wait3A_110 : memref<50176x32xf32, #tpu.memory_space<vmem_shared>>)
          tpu.yield
        }) : () -> ()
      }
      %scan3A_27 = arith.constant 124 : i32
      %add3A_28 = arith.constant 249 : i32
      %add3A_29 = arith.addi %mul3A_2, %add3A_28 : i32
      %mul3A_30 = arith.constant 200 : i32
      %mul3A_31 = arith.muli %add3A_29, %mul3A_30 : i32
      "tpu.region"() ({
        %run_scoped3A_53 = tpu.sem_alloc : memref<!tpu.dma_semaphore, #tpu.memory_space<semaphore_mem>>
        %dma_start3A_54 = arith.constant 0 : i32
        %dma_start3A_55 = tpu.memref_slice %arg4[%dma_start3A_54, %mul3A_31] : memref<2x800000xi32, #tpu.memory_space<hbm>> -> memref<2x200xi32, #tpu.memory_space<hbm>>
        %dma_start3A_56 = arith.constant 0 : i32
        %dma_start3A_57 = tpu.memref_slice %arg4[%dma_start3A_56, %mul3A_31] : memref<2x800000xi32, #tpu.memory_space<hbm>> -> memref<2x200xi32, #tpu.memory_space<hbm>>
        tpu.enqueue_dma source(%dma_start3A_57 : memref<2x200xi32, #tpu.memory_space<hbm>>) target(%arg8 : memref<2x200xi32, #tpu.memory_space<vmem>>) target_semaphore(%run_scoped3A_53 : memref<!tpu.dma_semaphore, #tpu.memory_space<semaphore_mem>>)
        %dma_wait3A_58 = arith.constant 0 : i32
        %dma_wait3A_59 = tpu.memref_slice %arg4[%dma_wait3A_58, %mul3A_31] : memref<2x800000xi32, #tpu.memory_space<hbm>> -> memref<2x200xi32, #tpu.memory_space<hbm>>
        %dma_wait3A_60 = arith.constant 0 : i32
        %dma_wait3A_61 = tpu.memref_slice %arg4[%dma_wait3A_60, %mul3A_31] : memref<2x800000xi32, #tpu.memory_space<hbm>> -> memref<2x200xi32, #tpu.memory_space<hbm>>
        tpu.wait_dma2 semaphore(%run_scoped3A_53 : memref<!tpu.dma_semaphore, #tpu.memory_space<semaphore_mem>>) src(%dma_wait3A_61 : memref<2x200xi32, #tpu.memory_space<hbm>>) dst(%arg8 : memref<2x200xi32, #tpu.memory_space<vmem>>)
        tpu.yield
      }) : () -> ()
      %dma_start3A_32 = arith.constant 0 : i32
      %dma_start3A_33 = arith.constant 0 : i32
      %dma_start3A_34 = tpu.memref_slice %arg8[%dma_start3A_32, %dma_start3A_33] : memref<2x200xi32, #tpu.memory_space<vmem>> -> memref<1x200xi32, #tpu.memory_space<vmem>>
      %dma_start3A_35 = tpu.memref_squeeze %dma_start3A_34 : memref<1x200xi32, #tpu.memory_space<vmem>> -> memref<200xi32, #tpu.memory_space<vmem>>
      %dma_start3A_36 = arith.constant 0 : i32
      %dma_start3A_37 = arith.constant 0 : i32
      %dma_start3A_38 = tpu.memref_slice %arg2[%dma_start3A_36, %dma_start3A_37] : memref<50176x32xf32, #tpu.memory_space<hbm>> -> memref<50176x32xf32, #tpu.memory_space<hbm>>
      tpu.enqueue_indirect_dma source(%dma_start3A_38 : memref<50176x32xf32, #tpu.memory_space<hbm>>) target(%arg10 : memref<200x32xf32, #tpu.memory_space<vmem>>) offsets(%dma_start3A_35 : memref<200xi32, #tpu.memory_space<vmem>>) semaphore(%arg13 : memref<!tpu.dma_semaphore, #tpu.memory_space<semaphore_mem>>)
      %dma_wait3A = arith.constant 0 : i32
      %dma_wait3A_39 = arith.constant 0 : i32
      %dma_wait3A_40 = tpu.memref_slice %arg7[%dma_wait3A, %dma_wait3A_39] : memref<2x200xi32, #tpu.memory_space<vmem>> -> memref<1x200xi32, #tpu.memory_space<vmem>>
      %dma_wait3A_41 = tpu.memref_squeeze %dma_wait3A_40 : memref<1x200xi32, #tpu.memory_space<vmem>> -> memref<200xi32, #tpu.memory_space<vmem>>
      %dma_wait3A_42 = arith.constant 0 : i32
      %dma_wait3A_43 = arith.constant 0 : i32
      %dma_wait3A_44 = tpu.memref_slice %arg2[%dma_wait3A_42, %dma_wait3A_43] : memref<50176x32xf32, #tpu.memory_space<hbm>> -> memref<50176x32xf32, #tpu.memory_space<hbm>>
      tpu.wait_indirect_dma semaphore(%arg12 : memref<!tpu.dma_semaphore, #tpu.memory_space<semaphore_mem>>) src(%dma_wait3A_44 : memref<50176x32xf32, #tpu.memory_space<hbm>>) dst(%arg9 : memref<200x32xf32, #tpu.memory_space<vmem>>)
      %run_scoped3A = arith.constant 1 : i32
      "tpu.region"() ({
        %run_scoped3A_53 = tpu.sem_alloc : memref<!tpu.dma_semaphore, #tpu.memory_space<semaphore_mem>>
        %dma_start3A_54 = arith.constant 0 : i32
        %dma_start3A_55 = tpu.memref_slice %arg7[%run_scoped3A, %dma_start3A_54] : memref<2x200xi32, #tpu.memory_space<vmem>> -> memref<1x200xi32, #tpu.memory_space<vmem>>
        %dma_start3A_56 = tpu.memref_squeeze %dma_start3A_55 : memref<1x200xi32, #tpu.memory_space<vmem>> -> memref<200xi32, #tpu.memory_space<vmem>>
        %dma_start3A_57 = arith.constant 0 : i32
        %dma_start3A_58 = arith.constant 0 : i32
        %dma_start3A_59 = tpu.memref_slice %arg11[%dma_start3A_57, %dma_start3A_58] : memref<50176x32xf32, #tpu.memory_space<vmem_shared>> -> memref<50176x32xf32, #tpu.memory_space<vmem_shared>>
        tpu.enqueue_indirect_dma source(%arg9 : memref<200x32xf32, #tpu.memory_space<vmem>>) target(%dma_start3A_59 : memref<50176x32xf32, #tpu.memory_space<vmem_shared>>) offsets(%dma_start3A_56 : memref<200xi32, #tpu.memory_space<vmem>>) semaphore(%run_scoped3A_53 : memref<!tpu.dma_semaphore, #tpu.memory_space<semaphore_mem>>) {add = true}
        %dma_wait3A_60 = arith.constant 0 : i32
        %dma_wait3A_61 = tpu.memref_slice %arg7[%run_scoped3A, %dma_wait3A_60] : memref<2x200xi32, #tpu.memory_space<vmem>> -> memref<1x200xi32, #tpu.memory_space<vmem>>
        %dma_wait3A_62 = tpu.memref_squeeze %dma_wait3A_61 : memref<1x200xi32, #tpu.memory_space<vmem>> -> memref<200xi32, #tpu.memory_space<vmem>>
        %dma_wait3A_63 = arith.constant 0 : i32
        %dma_wait3A_64 = arith.constant 0 : i32
        %dma_wait3A_65 = tpu.memref_slice %arg11[%dma_wait3A_63, %dma_wait3A_64] : memref<50176x32xf32, #tpu.memory_space<vmem_shared>> -> memref<50176x32xf32, #tpu.memory_space<vmem_shared>>
        tpu.wait_indirect_dma semaphore(%run_scoped3A_53 : memref<!tpu.dma_semaphore, #tpu.memory_space<semaphore_mem>>) src(%arg9 : memref<200x32xf32, #tpu.memory_space<vmem>>) dst(%dma_wait3A_65 : memref<50176x32xf32, #tpu.memory_space<vmem_shared>>)
        tpu.yield
      }) : () -> ()
      %dma_wait3A_45 = arith.constant 0 : i32
      %dma_wait3A_46 = arith.constant 0 : i32
      %dma_wait3A_47 = tpu.memref_slice %arg8[%dma_wait3A_45, %dma_wait3A_46] : memref<2x200xi32, #tpu.memory_space<vmem>> -> memref<1x200xi32, #tpu.memory_space<vmem>>
      %dma_wait3A_48 = tpu.memref_squeeze %dma_wait3A_47 : memref<1x200xi32, #tpu.memory_space<vmem>> -> memref<200xi32, #tpu.memory_space<vmem>>
      %dma_wait3A_49 = arith.constant 0 : i32
      %dma_wait3A_50 = arith.constant 0 : i32
      %dma_wait3A_51 = tpu.memref_slice %arg2[%dma_wait3A_49, %dma_wait3A_50] : memref<50176x32xf32, #tpu.memory_space<hbm>> -> memref<50176x32xf32, #tpu.memory_space<hbm>>
      tpu.wait_indirect_dma semaphore(%arg13 : memref<!tpu.dma_semaphore, #tpu.memory_space<semaphore_mem>>) src(%dma_wait3A_51 : memref<50176x32xf32, #tpu.memory_space<hbm>>) dst(%arg10 : memref<200x32xf32, #tpu.memory_space<vmem>>)
      %run_scoped3A_52 = arith.constant 1 : i32
      "tpu.region"() ({
        %run_scoped3A_53 = tpu.sem_alloc : memref<!tpu.dma_semaphore, #tpu.memory_space<semaphore_mem>>
        %dma_start3A_54 = arith.constant 0 : i32
        %dma_start3A_55 = tpu.memref_slice %arg8[%run_scoped3A_52, %dma_start3A_54] : memref<2x200xi32, #tpu.memory_space<vmem>> -> memref<1x200xi32, #tpu.memory_space<vmem>>
        %dma_start3A_56 = tpu.memref_squeeze %dma_start3A_55 : memref<1x200xi32, #tpu.memory_space<vmem>> -> memref<200xi32, #tpu.memory_space<vmem>>
        %dma_start3A_57 = arith.constant 0 : i32
        %dma_start3A_58 = arith.constant 0 : i32
        %dma_start3A_59 = tpu.memref_slice %arg11[%dma_start3A_57, %dma_start3A_58] : memref<50176x32xf32, #tpu.memory_space<vmem_shared>> -> memref<50176x32xf32, #tpu.memory_space<vmem_shared>>
        tpu.enqueue_indirect_dma source(%arg10 : memref<200x32xf32, #tpu.memory_space<vmem>>) target(%dma_start3A_59 : memref<50176x32xf32, #tpu.memory_space<vmem_shared>>) offsets(%dma_start3A_56 : memref<200xi32, #tpu.memory_space<vmem>>) semaphore(%run_scoped3A_53 : memref<!tpu.dma_semaphore, #tpu.memory_space<semaphore_mem>>) {add = true}
        %dma_wait3A_60 = arith.constant 0 : i32
        %dma_wait3A_61 = tpu.memref_slice %arg8[%run_scoped3A_52, %dma_wait3A_60] : memref<2x200xi32, #tpu.memory_space<vmem>> -> memref<1x200xi32, #tpu.memory_space<vmem>>
        %dma_wait3A_62 = tpu.memref_squeeze %dma_wait3A_61 : memref<1x200xi32, #tpu.memory_space<vmem>> -> memref<200xi32, #tpu.memory_space<vmem>>
        %dma_wait3A_63 = arith.constant 0 : i32
        %dma_wait3A_64 = arith.constant 0 : i32
        %dma_wait3A_65 = tpu.memref_slice %arg11[%dma_wait3A_63, %dma_wait3A_64] : memref<50176x32xf32, #tpu.memory_space<vmem_shared>> -> memref<50176x32xf32, #tpu.memory_space<vmem_shared>>
        tpu.wait_indirect_dma semaphore(%run_scoped3A_53 : memref<!tpu.dma_semaphore, #tpu.memory_space<semaphore_mem>>) src(%arg10 : memref<200x32xf32, #tpu.memory_space<vmem>>) dst(%dma_wait3A_65 : memref<50176x32xf32, #tpu.memory_space<vmem_shared>>)
        tpu.yield
      }) : () -> ()
    } else {
    }
    %eq3A_5 = arith.constant 1 : i32
    %eq3A_6 = arith.cmpi eq, %arg0, %eq3A_5 : i32
    %convert_element_type3A_7 = arith.extui %eq3A_6 : i1 to i32
    %cond3A_8 = arith.constant 0 : i32
    %cond3A_9 = arith.cmpi ne, %convert_element_type3A_7, %cond3A_8 : i32
    scf.if %cond3A_9 {
      %add3A = arith.constant 0 : i32
      %add3A_15 = arith.addi %mul3A_2, %add3A : i32
      %mul3A_16 = arith.constant 200 : i32
      %mul3A_17 = arith.muli %add3A_15, %mul3A_16 : i32
      "tpu.region"() ({
        %run_scoped3A_53 = tpu.sem_alloc : memref<!tpu.dma_semaphore, #tpu.memory_space<semaphore_mem>>
        %dma_start3A_54 = arith.constant 0 : i32
        %dma_start3A_55 = tpu.memref_slice %arg4[%dma_start3A_54, %mul3A_17] : memref<2x800000xi32, #tpu.memory_space<hbm>> -> memref<2x200xi32, #tpu.memory_space<hbm>>
        %dma_start3A_56 = arith.constant 0 : i32
        %dma_start3A_57 = tpu.memref_slice %arg4[%dma_start3A_56, %mul3A_17] : memref<2x800000xi32, #tpu.memory_space<hbm>> -> memref<2x200xi32, #tpu.memory_space<hbm>>
        tpu.enqueue_dma source(%dma_start3A_57 : memref<2x200xi32, #tpu.memory_space<hbm>>) target(%arg7 : memref<2x200xi32, #tpu.memory_space<vmem>>) target_semaphore(%run_scoped3A_53 : memref<!tpu.dma_semaphore, #tpu.memory_space<semaphore_mem>>)
        %dma_wait3A_58 = arith.constant 0 : i32
        %dma_wait3A_59 = tpu.memref_slice %arg4[%dma_wait3A_58, %mul3A_17] : memref<2x800000xi32, #tpu.memory_space<hbm>> -> memref<2x200xi32, #tpu.memory_space<hbm>>
        %dma_wait3A_60 = arith.constant 0 : i32
        %dma_wait3A_61 = tpu.memref_slice %arg4[%dma_wait3A_60, %mul3A_17] : memref<2x800000xi32, #tpu.memory_space<hbm>> -> memref<2x200xi32, #tpu.memory_space<hbm>>
        tpu.wait_dma2 semaphore(%run_scoped3A_53 : memref<!tpu.dma_semaphore, #tpu.memory_space<semaphore_mem>>) src(%dma_wait3A_61 : memref<2x200xi32, #tpu.memory_space<hbm>>) dst(%arg7 : memref<2x200xi32, #tpu.memory_space<vmem>>)
        tpu.yield
      }) : () -> ()
      %dma_start3A = arith.constant 0 : i32
      %dma_start3A_18 = arith.constant 0 : i32
      %dma_start3A_19 = tpu.memref_slice %arg7[%dma_start3A, %dma_start3A_18] : memref<2x200xi32, #tpu.memory_space<vmem>> -> memref<1x200xi32, #tpu.memory_space<vmem>>
      %dma_start3A_20 = tpu.memref_squeeze %dma_start3A_19 : memref<1x200xi32, #tpu.memory_space<vmem>> -> memref<200xi32, #tpu.memory_space<vmem>>
      %dma_start3A_21 = arith.constant 0 : i32
      %dma_start3A_22 = arith.constant 0 : i32
      %dma_start3A_23 = tpu.memref_slice %arg3[%dma_start3A_21, %dma_start3A_22] : memref<50176x32xf32, #tpu.memory_space<hbm>> -> memref<50176x32xf32, #tpu.memory_space<hbm>>
      tpu.enqueue_indirect_dma source(%dma_start3A_23 : memref<50176x32xf32, #tpu.memory_space<hbm>>) target(%arg9 : memref<200x32xf32, #tpu.memory_space<vmem>>) offsets(%dma_start3A_20 : memref<200xi32, #tpu.memory_space<vmem>>) semaphore(%arg12 : memref<!tpu.dma_semaphore, #tpu.memory_space<semaphore_mem>>)
      %scan3A = arith.constant 0 : i32
      %scan3A_24 = arith.constant 124 : i32
      %scan3A_25 = arith.addi %scan3A, %scan3A_24 : i32
      %scan3A_26 = arith.constant 1 : i32
      scf.for %scan3A_53 = %scan3A to %scan3A_25 step %scan3A_26  : i32 {
        %mul3A_54 = arith.constant 2 : i32
        %mul3A_55 = arith.muli %scan3A_53, %mul3A_54 : i32
        %add3A_56 = arith.constant 0 : i32
        %add3A_57 = arith.addi %add3A_56, %mul3A_55 : i32
        %add3A_58 = arith.constant 1 : i32
        %add3A_59 = arith.addi %add3A_57, %add3A_58 : i32
        %add3A_60 = arith.addi %mul3A_2, %add3A_59 : i32
        %mul3A_61 = arith.constant 200 : i32
        %mul3A_62 = arith.muli %add3A_60, %mul3A_61 : i32
        "tpu.region"() ({
          %run_scoped3A_98 = tpu.sem_alloc : memref<!tpu.dma_semaphore, #tpu.memory_space<semaphore_mem>>
          %dma_start3A_99 = arith.constant 0 : i32
          %dma_start3A_100 = tpu.memref_slice %arg4[%dma_start3A_99, %mul3A_62] : memref<2x800000xi32, #tpu.memory_space<hbm>> -> memref<2x200xi32, #tpu.memory_space<hbm>>
          %dma_start3A_101 = arith.constant 0 : i32
          %dma_start3A_102 = tpu.memref_slice %arg4[%dma_start3A_101, %mul3A_62] : memref<2x800000xi32, #tpu.memory_space<hbm>> -> memref<2x200xi32, #tpu.memory_space<hbm>>
          tpu.enqueue_dma source(%dma_start3A_102 : memref<2x200xi32, #tpu.memory_space<hbm>>) target(%arg8 : memref<2x200xi32, #tpu.memory_space<vmem>>) target_semaphore(%run_scoped3A_98 : memref<!tpu.dma_semaphore, #tpu.memory_space<semaphore_mem>>)
          %dma_wait3A_103 = arith.constant 0 : i32
          %dma_wait3A_104 = tpu.memref_slice %arg4[%dma_wait3A_103, %mul3A_62] : memref<2x800000xi32, #tpu.memory_space<hbm>> -> memref<2x200xi32, #tpu.memory_space<hbm>>
          %dma_wait3A_105 = arith.constant 0 : i32
          %dma_wait3A_106 = tpu.memref_slice %arg4[%dma_wait3A_105, %mul3A_62] : memref<2x800000xi32, #tpu.memory_space<hbm>> -> memref<2x200xi32, #tpu.memory_space<hbm>>
          tpu.wait_dma2 semaphore(%run_scoped3A_98 : memref<!tpu.dma_semaphore, #tpu.memory_space<semaphore_mem>>) src(%dma_wait3A_106 : memref<2x200xi32, #tpu.memory_space<hbm>>) dst(%arg8 : memref<2x200xi32, #tpu.memory_space<vmem>>)
          tpu.yield
        }) : () -> ()
        %dma_start3A_63 = arith.constant 0 : i32
        %dma_start3A_64 = arith.constant 0 : i32
        %dma_start3A_65 = tpu.memref_slice %arg8[%dma_start3A_63, %dma_start3A_64] : memref<2x200xi32, #tpu.memory_space<vmem>> -> memref<1x200xi32, #tpu.memory_space<vmem>>
        %dma_start3A_66 = tpu.memref_squeeze %dma_start3A_65 : memref<1x200xi32, #tpu.memory_space<vmem>> -> memref<200xi32, #tpu.memory_space<vmem>>
        %dma_start3A_67 = arith.constant 0 : i32
        %dma_start3A_68 = arith.constant 0 : i32
        %dma_start3A_69 = tpu.memref_slice %arg3[%dma_start3A_67, %dma_start3A_68] : memref<50176x32xf32, #tpu.memory_space<hbm>> -> memref<50176x32xf32, #tpu.memory_space<hbm>>
        tpu.enqueue_indirect_dma source(%dma_start3A_69 : memref<50176x32xf32, #tpu.memory_space<hbm>>) target(%arg10 : memref<200x32xf32, #tpu.memory_space<vmem>>) offsets(%dma_start3A_66 : memref<200xi32, #tpu.memory_space<vmem>>) semaphore(%arg13 : memref<!tpu.dma_semaphore, #tpu.memory_space<semaphore_mem>>)
        %dma_wait3A_70 = arith.constant 0 : i32
        %dma_wait3A_71 = arith.constant 0 : i32
        %dma_wait3A_72 = tpu.memref_slice %arg7[%dma_wait3A_70, %dma_wait3A_71] : memref<2x200xi32, #tpu.memory_space<vmem>> -> memref<1x200xi32, #tpu.memory_space<vmem>>
        %dma_wait3A_73 = tpu.memref_squeeze %dma_wait3A_72 : memref<1x200xi32, #tpu.memory_space<vmem>> -> memref<200xi32, #tpu.memory_space<vmem>>
        %dma_wait3A_74 = arith.constant 0 : i32
        %dma_wait3A_75 = arith.constant 0 : i32
        %dma_wait3A_76 = tpu.memref_slice %arg3[%dma_wait3A_74, %dma_wait3A_75] : memref<50176x32xf32, #tpu.memory_space<hbm>> -> memref<50176x32xf32, #tpu.memory_space<hbm>>
        tpu.wait_indirect_dma semaphore(%arg12 : memref<!tpu.dma_semaphore, #tpu.memory_space<semaphore_mem>>) src(%dma_wait3A_76 : memref<50176x32xf32, #tpu.memory_space<hbm>>) dst(%arg9 : memref<200x32xf32, #tpu.memory_space<vmem>>)
        %run_scoped3A_77 = arith.constant 1 : i32
        "tpu.region"() ({
          %run_scoped3A_98 = tpu.sem_alloc : memref<!tpu.dma_semaphore, #tpu.memory_space<semaphore_mem>>
          %dma_start3A_99 = arith.constant 0 : i32
          %dma_start3A_100 = tpu.memref_slice %arg7[%run_scoped3A_77, %dma_start3A_99] : memref<2x200xi32, #tpu.memory_space<vmem>> -> memref<1x200xi32, #tpu.memory_space<vmem>>
          %dma_start3A_101 = tpu.memref_squeeze %dma_start3A_100 : memref<1x200xi32, #tpu.memory_space<vmem>> -> memref<200xi32, #tpu.memory_space<vmem>>
          %dma_start3A_102 = arith.constant 0 : i32
          %dma_start3A_103 = arith.constant 0 : i32
          %dma_start3A_104 = tpu.memref_slice %arg11[%dma_start3A_102, %dma_start3A_103] : memref<50176x32xf32, #tpu.memory_space<vmem_shared>> -> memref<50176x32xf32, #tpu.memory_space<vmem_shared>>
          tpu.enqueue_indirect_dma source(%arg9 : memref<200x32xf32, #tpu.memory_space<vmem>>) target(%dma_start3A_104 : memref<50176x32xf32, #tpu.memory_space<vmem_shared>>) offsets(%dma_start3A_101 : memref<200xi32, #tpu.memory_space<vmem>>) semaphore(%run_scoped3A_98 : memref<!tpu.dma_semaphore, #tpu.memory_space<semaphore_mem>>) {add = true}
          %dma_wait3A_105 = arith.constant 0 : i32
          %dma_wait3A_106 = tpu.memref_slice %arg7[%run_scoped3A_77, %dma_wait3A_105] : memref<2x200xi32, #tpu.memory_space<vmem>> -> memref<1x200xi32, #tpu.memory_space<vmem>>
          %dma_wait3A_107 = tpu.memref_squeeze %dma_wait3A_106 : memref<1x200xi32, #tpu.memory_space<vmem>> -> memref<200xi32, #tpu.memory_space<vmem>>
          %dma_wait3A_108 = arith.constant 0 : i32
          %dma_wait3A_109 = arith.constant 0 : i32
          %dma_wait3A_110 = tpu.memref_slice %arg11[%dma_wait3A_108, %dma_wait3A_109] : memref<50176x32xf32, #tpu.memory_space<vmem_shared>> -> memref<50176x32xf32, #tpu.memory_space<vmem_shared>>
          tpu.wait_indirect_dma semaphore(%run_scoped3A_98 : memref<!tpu.dma_semaphore, #tpu.memory_space<semaphore_mem>>) src(%arg9 : memref<200x32xf32, #tpu.memory_space<vmem>>) dst(%dma_wait3A_110 : memref<50176x32xf32, #tpu.memory_space<vmem_shared>>)
          tpu.yield
        }) : () -> ()
        %add3A_78 = arith.constant 2 : i32
        %add3A_79 = arith.addi %add3A_57, %add3A_78 : i32
        %add3A_80 = arith.addi %mul3A_2, %add3A_79 : i32
        %mul3A_81 = arith.constant 200 : i32
        %mul3A_82 = arith.muli %add3A_80, %mul3A_81 : i32
        "tpu.region"() ({
          %run_scoped3A_98 = tpu.sem_alloc : memref<!tpu.dma_semaphore, #tpu.memory_space<semaphore_mem>>
          %dma_start3A_99 = arith.constant 0 : i32
          %dma_start3A_100 = tpu.memref_slice %arg4[%dma_start3A_99, %mul3A_82] : memref<2x800000xi32, #tpu.memory_space<hbm>> -> memref<2x200xi32, #tpu.memory_space<hbm>>
          %dma_start3A_101 = arith.constant 0 : i32
          %dma_start3A_102 = tpu.memref_slice %arg4[%dma_start3A_101, %mul3A_82] : memref<2x800000xi32, #tpu.memory_space<hbm>> -> memref<2x200xi32, #tpu.memory_space<hbm>>
          tpu.enqueue_dma source(%dma_start3A_102 : memref<2x200xi32, #tpu.memory_space<hbm>>) target(%arg7 : memref<2x200xi32, #tpu.memory_space<vmem>>) target_semaphore(%run_scoped3A_98 : memref<!tpu.dma_semaphore, #tpu.memory_space<semaphore_mem>>)
          %dma_wait3A_103 = arith.constant 0 : i32
          %dma_wait3A_104 = tpu.memref_slice %arg4[%dma_wait3A_103, %mul3A_82] : memref<2x800000xi32, #tpu.memory_space<hbm>> -> memref<2x200xi32, #tpu.memory_space<hbm>>
          %dma_wait3A_105 = arith.constant 0 : i32
          %dma_wait3A_106 = tpu.memref_slice %arg4[%dma_wait3A_105, %mul3A_82] : memref<2x800000xi32, #tpu.memory_space<hbm>> -> memref<2x200xi32, #tpu.memory_space<hbm>>
          tpu.wait_dma2 semaphore(%run_scoped3A_98 : memref<!tpu.dma_semaphore, #tpu.memory_space<semaphore_mem>>) src(%dma_wait3A_106 : memref<2x200xi32, #tpu.memory_space<hbm>>) dst(%arg7 : memref<2x200xi32, #tpu.memory_space<vmem>>)
          tpu.yield
        }) : () -> ()
        %dma_start3A_83 = arith.constant 0 : i32
        %dma_start3A_84 = arith.constant 0 : i32
        %dma_start3A_85 = tpu.memref_slice %arg7[%dma_start3A_83, %dma_start3A_84] : memref<2x200xi32, #tpu.memory_space<vmem>> -> memref<1x200xi32, #tpu.memory_space<vmem>>
        %dma_start3A_86 = tpu.memref_squeeze %dma_start3A_85 : memref<1x200xi32, #tpu.memory_space<vmem>> -> memref<200xi32, #tpu.memory_space<vmem>>
        %dma_start3A_87 = arith.constant 0 : i32
        %dma_start3A_88 = arith.constant 0 : i32
        %dma_start3A_89 = tpu.memref_slice %arg3[%dma_start3A_87, %dma_start3A_88] : memref<50176x32xf32, #tpu.memory_space<hbm>> -> memref<50176x32xf32, #tpu.memory_space<hbm>>
        tpu.enqueue_indirect_dma source(%dma_start3A_89 : memref<50176x32xf32, #tpu.memory_space<hbm>>) target(%arg9 : memref<200x32xf32, #tpu.memory_space<vmem>>) offsets(%dma_start3A_86 : memref<200xi32, #tpu.memory_space<vmem>>) semaphore(%arg12 : memref<!tpu.dma_semaphore, #tpu.memory_space<semaphore_mem>>)
        %dma_wait3A_90 = arith.constant 0 : i32
        %dma_wait3A_91 = arith.constant 0 : i32
        %dma_wait3A_92 = tpu.memref_slice %arg8[%dma_wait3A_90, %dma_wait3A_91] : memref<2x200xi32, #tpu.memory_space<vmem>> -> memref<1x200xi32, #tpu.memory_space<vmem>>
        %dma_wait3A_93 = tpu.memref_squeeze %dma_wait3A_92 : memref<1x200xi32, #tpu.memory_space<vmem>> -> memref<200xi32, #tpu.memory_space<vmem>>
        %dma_wait3A_94 = arith.constant 0 : i32
        %dma_wait3A_95 = arith.constant 0 : i32
        %dma_wait3A_96 = tpu.memref_slice %arg3[%dma_wait3A_94, %dma_wait3A_95] : memref<50176x32xf32, #tpu.memory_space<hbm>> -> memref<50176x32xf32, #tpu.memory_space<hbm>>
        tpu.wait_indirect_dma semaphore(%arg13 : memref<!tpu.dma_semaphore, #tpu.memory_space<semaphore_mem>>) src(%dma_wait3A_96 : memref<50176x32xf32, #tpu.memory_space<hbm>>) dst(%arg10 : memref<200x32xf32, #tpu.memory_space<vmem>>)
        %run_scoped3A_97 = arith.constant 1 : i32
        "tpu.region"() ({
          %run_scoped3A_98 = tpu.sem_alloc : memref<!tpu.dma_semaphore, #tpu.memory_space<semaphore_mem>>
          %dma_start3A_99 = arith.constant 0 : i32
          %dma_start3A_100 = tpu.memref_slice %arg8[%run_scoped3A_97, %dma_start3A_99] : memref<2x200xi32, #tpu.memory_space<vmem>> -> memref<1x200xi32, #tpu.memory_space<vmem>>
          %dma_start3A_101 = tpu.memref_squeeze %dma_start3A_100 : memref<1x200xi32, #tpu.memory_space<vmem>> -> memref<200xi32, #tpu.memory_space<vmem>>
          %dma_start3A_102 = arith.constant 0 : i32
          %dma_start3A_103 = arith.constant 0 : i32
          %dma_start3A_104 = tpu.memref_slice %arg11[%dma_start3A_102, %dma_start3A_103] : memref<50176x32xf32, #tpu.memory_space<vmem_shared>> -> memref<50176x32xf32, #tpu.memory_space<vmem_shared>>
          tpu.enqueue_indirect_dma source(%arg10 : memref<200x32xf32, #tpu.memory_space<vmem>>) target(%dma_start3A_104 : memref<50176x32xf32, #tpu.memory_space<vmem_shared>>) offsets(%dma_start3A_101 : memref<200xi32, #tpu.memory_space<vmem>>) semaphore(%run_scoped3A_98 : memref<!tpu.dma_semaphore, #tpu.memory_space<semaphore_mem>>) {add = true}
          %dma_wait3A_105 = arith.constant 0 : i32
          %dma_wait3A_106 = tpu.memref_slice %arg8[%run_scoped3A_97, %dma_wait3A_105] : memref<2x200xi32, #tpu.memory_space<vmem>> -> memref<1x200xi32, #tpu.memory_space<vmem>>
          %dma_wait3A_107 = tpu.memref_squeeze %dma_wait3A_106 : memref<1x200xi32, #tpu.memory_space<vmem>> -> memref<200xi32, #tpu.memory_space<vmem>>
          %dma_wait3A_108 = arith.constant 0 : i32
          %dma_wait3A_109 = arith.constant 0 : i32
          %dma_wait3A_110 = tpu.memref_slice %arg11[%dma_wait3A_108, %dma_wait3A_109] : memref<50176x32xf32, #tpu.memory_space<vmem_shared>> -> memref<50176x32xf32, #tpu.memory_space<vmem_shared>>
          tpu.wait_indirect_dma semaphore(%run_scoped3A_98 : memref<!tpu.dma_semaphore, #tpu.memory_space<semaphore_mem>>) src(%arg10 : memref<200x32xf32, #tpu.memory_space<vmem>>) dst(%dma_wait3A_110 : memref<50176x32xf32, #tpu.memory_space<vmem_shared>>)
          tpu.yield
        }) : () -> ()
      }
      %scan3A_27 = arith.constant 124 : i32
      %add3A_28 = arith.constant 249 : i32
      %add3A_29 = arith.addi %mul3A_2, %add3A_28 : i32
      %mul3A_30 = arith.constant 200 : i32
      %mul3A_31 = arith.muli %add3A_29, %mul3A_30 : i32
      "tpu.region"() ({
        %run_scoped3A_53 = tpu.sem_alloc : memref<!tpu.dma_semaphore, #tpu.memory_space<semaphore_mem>>
        %dma_start3A_54 = arith.constant 0 : i32
        %dma_start3A_55 = tpu.memref_slice %arg4[%dma_start3A_54, %mul3A_31] : memref<2x800000xi32, #tpu.memory_space<hbm>> -> memref<2x200xi32, #tpu.memory_space<hbm>>
        %dma_start3A_56 = arith.constant 0 : i32
        %dma_start3A_57 = tpu.memref_slice %arg4[%dma_start3A_56, %mul3A_31] : memref<2x800000xi32, #tpu.memory_space<hbm>> -> memref<2x200xi32, #tpu.memory_space<hbm>>
        tpu.enqueue_dma source(%dma_start3A_57 : memref<2x200xi32, #tpu.memory_space<hbm>>) target(%arg8 : memref<2x200xi32, #tpu.memory_space<vmem>>) target_semaphore(%run_scoped3A_53 : memref<!tpu.dma_semaphore, #tpu.memory_space<semaphore_mem>>)
        %dma_wait3A_58 = arith.constant 0 : i32
        %dma_wait3A_59 = tpu.memref_slice %arg4[%dma_wait3A_58, %mul3A_31] : memref<2x800000xi32, #tpu.memory_space<hbm>> -> memref<2x200xi32, #tpu.memory_space<hbm>>
        %dma_wait3A_60 = arith.constant 0 : i32
        %dma_wait3A_61 = tpu.memref_slice %arg4[%dma_wait3A_60, %mul3A_31] : memref<2x800000xi32, #tpu.memory_space<hbm>> -> memref<2x200xi32, #tpu.memory_space<hbm>>
        tpu.wait_dma2 semaphore(%run_scoped3A_53 : memref<!tpu.dma_semaphore, #tpu.memory_space<semaphore_mem>>) src(%dma_wait3A_61 : memref<2x200xi32, #tpu.memory_space<hbm>>) dst(%arg8 : memref<2x200xi32, #tpu.memory_space<vmem>>)
        tpu.yield
      }) : () -> ()
      %dma_start3A_32 = arith.constant 0 : i32
      %dma_start3A_33 = arith.constant 0 : i32
      %dma_start3A_34 = tpu.memref_slice %arg8[%dma_start3A_32, %dma_start3A_33] : memref<2x200xi32, #tpu.memory_space<vmem>> -> memref<1x200xi32, #tpu.memory_space<vmem>>
      %dma_start3A_35 = tpu.memref_squeeze %dma_start3A_34 : memref<1x200xi32, #tpu.memory_space<vmem>> -> memref<200xi32, #tpu.memory_space<vmem>>
      %dma_start3A_36 = arith.constant 0 : i32
      %dma_start3A_37 = arith.constant 0 : i32
      %dma_start3A_38 = tpu.memref_slice %arg3[%dma_start3A_36, %dma_start3A_37] : memref<50176x32xf32, #tpu.memory_space<hbm>> -> memref<50176x32xf32, #tpu.memory_space<hbm>>
      tpu.enqueue_indirect_dma source(%dma_start3A_38 : memref<50176x32xf32, #tpu.memory_space<hbm>>) target(%arg10 : memref<200x32xf32, #tpu.memory_space<vmem>>) offsets(%dma_start3A_35 : memref<200xi32, #tpu.memory_space<vmem>>) semaphore(%arg13 : memref<!tpu.dma_semaphore, #tpu.memory_space<semaphore_mem>>)
      %dma_wait3A = arith.constant 0 : i32
      %dma_wait3A_39 = arith.constant 0 : i32
      %dma_wait3A_40 = tpu.memref_slice %arg7[%dma_wait3A, %dma_wait3A_39] : memref<2x200xi32, #tpu.memory_space<vmem>> -> memref<1x200xi32, #tpu.memory_space<vmem>>
      %dma_wait3A_41 = tpu.memref_squeeze %dma_wait3A_40 : memref<1x200xi32, #tpu.memory_space<vmem>> -> memref<200xi32, #tpu.memory_space<vmem>>
      %dma_wait3A_42 = arith.constant 0 : i32
      %dma_wait3A_43 = arith.constant 0 : i32
      %dma_wait3A_44 = tpu.memref_slice %arg3[%dma_wait3A_42, %dma_wait3A_43] : memref<50176x32xf32, #tpu.memory_space<hbm>> -> memref<50176x32xf32, #tpu.memory_space<hbm>>
      tpu.wait_indirect_dma semaphore(%arg12 : memref<!tpu.dma_semaphore, #tpu.memory_space<semaphore_mem>>) src(%dma_wait3A_44 : memref<50176x32xf32, #tpu.memory_space<hbm>>) dst(%arg9 : memref<200x32xf32, #tpu.memory_space<vmem>>)
      %run_scoped3A = arith.constant 1 : i32
      "tpu.region"() ({
        %run_scoped3A_53 = tpu.sem_alloc : memref<!tpu.dma_semaphore, #tpu.memory_space<semaphore_mem>>
        %dma_start3A_54 = arith.constant 0 : i32
        %dma_start3A_55 = tpu.memref_slice %arg7[%run_scoped3A, %dma_start3A_54] : memref<2x200xi32, #tpu.memory_space<vmem>> -> memref<1x200xi32, #tpu.memory_space<vmem>>
        %dma_start3A_56 = tpu.memref_squeeze %dma_start3A_55 : memref<1x200xi32, #tpu.memory_space<vmem>> -> memref<200xi32, #tpu.memory_space<vmem>>
        %dma_start3A_57 = arith.constant 0 : i32
        %dma_start3A_58 = arith.constant 0 : i32
        %dma_start3A_59 = tpu.memref_slice %arg11[%dma_start3A_57, %dma_start3A_58] : memref<50176x32xf32, #tpu.memory_space<vmem_shared>> -> memref<50176x32xf32, #tpu.memory_space<vmem_shared>>
        tpu.enqueue_indirect_dma source(%arg9 : memref<200x32xf32, #tpu.memory_space<vmem>>) target(%dma_start3A_59 : memref<50176x32xf32, #tpu.memory_space<vmem_shared>>) offsets(%dma_start3A_56 : memref<200xi32, #tpu.memory_space<vmem>>) semaphore(%run_scoped3A_53 : memref<!tpu.dma_semaphore, #tpu.memory_space<semaphore_mem>>) {add = true}
        %dma_wait3A_60 = arith.constant 0 : i32
        %dma_wait3A_61 = tpu.memref_slice %arg7[%run_scoped3A, %dma_wait3A_60] : memref<2x200xi32, #tpu.memory_space<vmem>> -> memref<1x200xi32, #tpu.memory_space<vmem>>
        %dma_wait3A_62 = tpu.memref_squeeze %dma_wait3A_61 : memref<1x200xi32, #tpu.memory_space<vmem>> -> memref<200xi32, #tpu.memory_space<vmem>>
        %dma_wait3A_63 = arith.constant 0 : i32
        %dma_wait3A_64 = arith.constant 0 : i32
        %dma_wait3A_65 = tpu.memref_slice %arg11[%dma_wait3A_63, %dma_wait3A_64] : memref<50176x32xf32, #tpu.memory_space<vmem_shared>> -> memref<50176x32xf32, #tpu.memory_space<vmem_shared>>
        tpu.wait_indirect_dma semaphore(%run_scoped3A_53 : memref<!tpu.dma_semaphore, #tpu.memory_space<semaphore_mem>>) src(%arg9 : memref<200x32xf32, #tpu.memory_space<vmem>>) dst(%dma_wait3A_65 : memref<50176x32xf32, #tpu.memory_space<vmem_shared>>)
        tpu.yield
      }) : () -> ()
      %dma_wait3A_45 = arith.constant 0 : i32
      %dma_wait3A_46 = arith.constant 0 : i32
      %dma_wait3A_47 = tpu.memref_slice %arg8[%dma_wait3A_45, %dma_wait3A_46] : memref<2x200xi32, #tpu.memory_space<vmem>> -> memref<1x200xi32, #tpu.memory_space<vmem>>
      %dma_wait3A_48 = tpu.memref_squeeze %dma_wait3A_47 : memref<1x200xi32, #tpu.memory_space<vmem>> -> memref<200xi32, #tpu.memory_space<vmem>>
      %dma_wait3A_49 = arith.constant 0 : i32
      %dma_wait3A_50 = arith.constant 0 : i32
      %dma_wait3A_51 = tpu.memref_slice %arg3[%dma_wait3A_49, %dma_wait3A_50] : memref<50176x32xf32, #tpu.memory_space<hbm>> -> memref<50176x32xf32, #tpu.memory_space<hbm>>
      tpu.wait_indirect_dma semaphore(%arg13 : memref<!tpu.dma_semaphore, #tpu.memory_space<semaphore_mem>>) src(%dma_wait3A_51 : memref<50176x32xf32, #tpu.memory_space<hbm>>) dst(%arg10 : memref<200x32xf32, #tpu.memory_space<vmem>>)
      %run_scoped3A_52 = arith.constant 1 : i32
      "tpu.region"() ({
        %run_scoped3A_53 = tpu.sem_alloc : memref<!tpu.dma_semaphore, #tpu.memory_space<semaphore_mem>>
        %dma_start3A_54 = arith.constant 0 : i32
        %dma_start3A_55 = tpu.memref_slice %arg8[%run_scoped3A_52, %dma_start3A_54] : memref<2x200xi32, #tpu.memory_space<vmem>> -> memref<1x200xi32, #tpu.memory_space<vmem>>
        %dma_start3A_56 = tpu.memref_squeeze %dma_start3A_55 : memref<1x200xi32, #tpu.memory_space<vmem>> -> memref<200xi32, #tpu.memory_space<vmem>>
        %dma_start3A_57 = arith.constant 0 : i32
        %dma_start3A_58 = arith.constant 0 : i32
        %dma_start3A_59 = tpu.memref_slice %arg11[%dma_start3A_57, %dma_start3A_58] : memref<50176x32xf32, #tpu.memory_space<vmem_shared>> -> memref<50176x32xf32, #tpu.memory_space<vmem_shared>>
        tpu.enqueue_indirect_dma source(%arg10 : memref<200x32xf32, #tpu.memory_space<vmem>>) target(%dma_start3A_59 : memref<50176x32xf32, #tpu.memory_space<vmem_shared>>) offsets(%dma_start3A_56 : memref<200xi32, #tpu.memory_space<vmem>>) semaphore(%run_scoped3A_53 : memref<!tpu.dma_semaphore, #tpu.memory_space<semaphore_mem>>) {add = true}
        %dma_wait3A_60 = arith.constant 0 : i32
        %dma_wait3A_61 = tpu.memref_slice %arg8[%run_scoped3A_52, %dma_wait3A_60] : memref<2x200xi32, #tpu.memory_space<vmem>> -> memref<1x200xi32, #tpu.memory_space<vmem>>
        %dma_wait3A_62 = tpu.memref_squeeze %dma_wait3A_61 : memref<1x200xi32, #tpu.memory_space<vmem>> -> memref<200xi32, #tpu.memory_space<vmem>>
        %dma_wait3A_63 = arith.constant 0 : i32
        %dma_wait3A_64 = arith.constant 0 : i32
        %dma_wait3A_65 = tpu.memref_slice %arg11[%dma_wait3A_63, %dma_wait3A_64] : memref<50176x32xf32, #tpu.memory_space<vmem_shared>> -> memref<50176x32xf32, #tpu.memory_space<vmem_shared>>
        tpu.wait_indirect_dma semaphore(%run_scoped3A_53 : memref<!tpu.dma_semaphore, #tpu.memory_space<semaphore_mem>>) src(%arg10 : memref<200x32xf32, #tpu.memory_space<vmem>>) dst(%dma_wait3A_65 : memref<50176x32xf32, #tpu.memory_space<vmem_shared>>)
        tpu.yield
      }) : () -> ()
    } else {
    }
    %barrier3A_10 = arith.constant 0 : index
    tpu.barrier barrier_id(%barrier3A_10)
    %mul3A_11 = arith.constant 3136 : i32
    %mul3A_12 = arith.muli %arg1, %mul3A_11 : i32
    %mul3A_13 = arith.constant 3136 : i32
    %mul3A_14 = arith.muli %arg1, %mul3A_13 : i32
    "tpu.region"() ({
      %run_scoped3A = tpu.sem_alloc : memref<!tpu.dma_semaphore, #tpu.memory_space<semaphore_mem>>
      %dma_start3A = arith.constant 0 : i32
      %dma_start3A_15 = arith.constant 0 : i32
      %dma_start3A_16 = tpu.memref_slice %arg6[%arg0, %dma_start3A, %dma_start3A_15] : memref<2x50176x32xf32, #tpu.memory_space<hbm>> -> memref<1x50176x32xf32, #tpu.memory_space<hbm>>
      %dma_start3A_17 = tpu.memref_squeeze %dma_start3A_16 : memref<1x50176x32xf32, #tpu.memory_space<hbm>> -> memref<50176x32xf32, #tpu.memory_space<hbm>>
      %dma_start3A_18 = arith.constant 0 : i32
      %dma_start3A_19 = tpu.memref_slice %dma_start3A_17[%mul3A_14, %dma_start3A_18] : memref<50176x32xf32, #tpu.memory_space<hbm>> -> memref<3136x32xf32, #tpu.memory_space<hbm>>
      %dma_start3A_20 = arith.constant 0 : i32
      %dma_start3A_21 = tpu.memref_slice %arg11[%mul3A_12, %dma_start3A_20] : memref<50176x32xf32, #tpu.memory_space<vmem_shared>> -> memref<3136x32xf32, #tpu.memory_space<vmem_shared>>
      tpu.enqueue_dma source(%dma_start3A_21 : memref<3136x32xf32, #tpu.memory_space<vmem_shared>>) target(%dma_start3A_19 : memref<3136x32xf32, #tpu.memory_space<hbm>>) target_semaphore(%run_scoped3A : memref<!tpu.dma_semaphore, #tpu.memory_space<semaphore_mem>>)
      %dma_wait3A = arith.constant 0 : i32
      %dma_wait3A_22 = arith.constant 0 : i32
      %dma_wait3A_23 = tpu.memref_slice %arg6[%arg0, %dma_wait3A, %dma_wait3A_22] : memref<2x50176x32xf32, #tpu.memory_space<hbm>> -> memref<1x50176x32xf32, #tpu.memory_space<hbm>>
      %dma_wait3A_24 = tpu.memref_squeeze %dma_wait3A_23 : memref<1x50176x32xf32, #tpu.memory_space<hbm>> -> memref<50176x32xf32, #tpu.memory_space<hbm>>
      %dma_wait3A_25 = arith.constant 0 : i32
      %dma_wait3A_26 = tpu.memref_slice %dma_wait3A_24[%mul3A_14, %dma_wait3A_25] : memref<50176x32xf32, #tpu.memory_space<hbm>> -> memref<3136x32xf32, #tpu.memory_space<hbm>>
      %dma_wait3A_27 = arith.constant 0 : i32
      %dma_wait3A_28 = tpu.memref_slice %arg11[%mul3A_12, %dma_wait3A_27] : memref<50176x32xf32, #tpu.memory_space<vmem_shared>> -> memref<3136x32xf32, #tpu.memory_space<vmem_shared>>
      tpu.wait_dma2 semaphore(%run_scoped3A : memref<!tpu.dma_semaphore, #tpu.memory_space<semaphore_mem>>) src(%dma_wait3A_28 : memref<3136x32xf32, #tpu.memory_space<vmem_shared>>) dst(%dma_wait3A_26 : memref<3136x32xf32, #tpu.memory_space<hbm>>)
      tpu.yield
    }) : () -> ()
    return
  }
}

module attributes {stable_mosaic.version = 14 : i64} {
  func.func @body(%arg0: i32, %arg1: memref<512x140xf32, #tpu.memory_space<vmem>>, %arg2: memref<512x18xf32, #tpu.memory_space<vmem>>, %arg3: memref<512x1xi32, #tpu.memory_space<vmem>>, %arg4: memref<120x32xf32, #tpu.memory_space<vmem>>, %arg5: memref<140x128xf32, #tpu.memory_space<vmem>>, %arg6: memref<32x128xf32, #tpu.memory_space<vmem>>, %arg7: memref<18x128xf32, #tpu.memory_space<vmem>>, %arg8: memref<1x128xf32, #tpu.memory_space<vmem>>, %arg9: memref<128x128xf32, #tpu.memory_space<vmem>>, %arg10: memref<1x128xf32, #tpu.memory_space<vmem>>, %arg11: memref<128x64xf32, #tpu.memory_space<vmem>>, %arg12: memref<128x64xf32, #tpu.memory_space<vmem>>, %arg13: memref<1x64xf32, #tpu.memory_space<vmem>>, %arg14: memref<512x32xf32, #tpu.memory_space<vmem>>, %arg15: memref<512x32xf32, #tpu.memory_space<vmem>>, %arg16: memref<512x64xf32, #tpu.memory_space<vmem>>) attributes {dimension_semantics = [#tpu.dimension_semantics<arbitrary>], iteration_bounds = array<i64: 98>, scalar_prefetch = 0 : i64, scratch_operands = 0 : i64, tpu.core_type = #tpu.core_type<tc>, window_params = [{transform_indices = @transform_0, window_bounds = array<i64: 512, 140>}, {transform_indices = @transform_1, window_bounds = array<i64: 512, 18>}, {transform_indices = @transform_2, window_bounds = array<i64: 512, 1>}, {pipeline_mode = #tpu.pipeline_mode<synchronous>, transform_indices = @transform_3, window_bounds = array<i64: 120, 32>}, {pipeline_mode = #tpu.pipeline_mode<synchronous>, transform_indices = @transform_4, window_bounds = array<i64: 140, 128>}, {pipeline_mode = #tpu.pipeline_mode<synchronous>, transform_indices = @transform_5, window_bounds = array<i64: 32, 128>}, {pipeline_mode = #tpu.pipeline_mode<synchronous>, transform_indices = @transform_6, window_bounds = array<i64: 18, 128>}, {pipeline_mode = #tpu.pipeline_mode<synchronous>, transform_indices = @transform_7, window_bounds = array<i64: 1, 128>}, {pipeline_mode = #tpu.pipeline_mode<synchronous>, transform_indices = @transform_8, window_bounds = array<i64: 128, 128>}, {pipeline_mode = #tpu.pipeline_mode<synchronous>, transform_indices = @transform_9, window_bounds = array<i64: 1, 128>}, {pipeline_mode = #tpu.pipeline_mode<synchronous>, transform_indices = @transform_10, window_bounds = array<i64: 128, 64>}, {pipeline_mode = #tpu.pipeline_mode<synchronous>, transform_indices = @transform_11, window_bounds = array<i64: 128, 64>}, {pipeline_mode = #tpu.pipeline_mode<synchronous>, transform_indices = @transform_12, window_bounds = array<i64: 1, 64>}, {transform_indices = @transform_13, window_bounds = array<i64: 512, 32>}, {transform_indices = @transform_14, window_bounds = array<i64: 512, 32>}, {transform_indices = @transform_15, window_bounds = array<i64: 512, 64>}]} {
    %get3A = arith.constant 0 : index
    %get3A_0 = arith.constant 0 : index
    %get3A_1 = vector.load %arg4[%get3A, %get3A_0] : memref<120x32xf32, #tpu.memory_space<vmem>>, vector<120x32xf32>
    %get3A_2 = arith.constant 0 : index
    %get3A_3 = arith.constant 0 : index
    %get3A_4 = vector.load %arg6[%get3A_2, %get3A_3] : memref<32x128xf32, #tpu.memory_space<vmem>>, vector<32x128xf32>
    %dot_general3A = arith.constant dense<0.000000e+00> : vector<120x128xf32>
    %dot_general3A_5 = tpu.matmul %get3A_1, %get3A_4, %dot_general3A {dimension_numbers = #tpu.dot_dimension_numbers<[1], [0], [0], [1], [0, 0, 1, 1], [], []>, transpose_lhs_hint = false} : vector<120x32xf32>, vector<32x128xf32>, vector<120x128xf32> -> vector<120x128xf32>
    %get3A_6 = arith.constant 0 : index
    %get3A_7 = arith.constant 0 : index
    %get3A_8 = vector.load %arg3[%get3A_6, %get3A_7] : memref<512x1xi32, #tpu.memory_space<vmem>>, vector<512x1xi32>
    %iota3A = tpu.iota {dimensions = array<i32: 1>} : vector<512x120xi32>
    %eq3A = vector.broadcast %get3A_8 : vector<512x1xi32> to vector<512x120xi32>
    %eq3A_9 = arith.cmpi eq, %eq3A, %iota3A : vector<512x120xi32>
    %convert_element_type3A = arith.extui %eq3A_9 : vector<512x120xi1> to vector<512x120xi32>
    %convert_element_type3A_10 = arith.sitofp %convert_element_type3A : vector<512x120xi32> to vector<512x120xf32>
    %get3A_11 = arith.constant 0 : index
    %get3A_12 = arith.constant 0 : index
    %get3A_13 = vector.load %arg1[%get3A_11, %get3A_12] : memref<512x140xf32, #tpu.memory_space<vmem>>, vector<512x140xf32>
    %get3A_14 = arith.constant 0 : index
    %get3A_15 = arith.constant 0 : index
    %get3A_16 = vector.load %arg5[%get3A_14, %get3A_15] : memref<140x128xf32, #tpu.memory_space<vmem>>, vector<140x128xf32>
    %dot_general3A_17 = arith.constant dense<0.000000e+00> : vector<512x128xf32>
    %dot_general3A_18 = tpu.matmul %get3A_13, %get3A_16, %dot_general3A_17 {dimension_numbers = #tpu.dot_dimension_numbers<[1], [0], [0], [1], [0, 0, 1, 1], [], []>, transpose_lhs_hint = false} : vector<512x140xf32>, vector<140x128xf32>, vector<512x128xf32> -> vector<512x128xf32>
    %dot_general3A_19 = arith.constant dense<0.000000e+00> : vector<512x128xf32>
    %dot_general3A_20 = tpu.matmul %convert_element_type3A_10, %dot_general3A_5, %dot_general3A_19 {dimension_numbers = #tpu.dot_dimension_numbers<[1], [0], [0], [1], [0, 0, 1, 1], [], []>, transpose_lhs_hint = false} : vector<512x120xf32>, vector<120x128xf32>, vector<512x128xf32> -> vector<512x128xf32>
    %add3A = arith.addf %dot_general3A_18, %dot_general3A_20 : vector<512x128xf32>
    %get3A_21 = arith.constant 0 : index
    %get3A_22 = arith.constant 0 : index
    %get3A_23 = vector.load %arg2[%get3A_21, %get3A_22] : memref<512x18xf32, #tpu.memory_space<vmem>>, vector<512x18xf32>
    %get3A_24 = arith.constant 0 : index
    %get3A_25 = arith.constant 0 : index
    %get3A_26 = vector.load %arg7[%get3A_24, %get3A_25] : memref<18x128xf32, #tpu.memory_space<vmem>>, vector<18x128xf32>
    %dot_general3A_27 = arith.constant dense<0.000000e+00> : vector<512x128xf32>
    %dot_general3A_28 = tpu.matmul %get3A_23, %get3A_26, %dot_general3A_27 {dimension_numbers = #tpu.dot_dimension_numbers<[1], [0], [0], [1], [0, 0, 1, 1], [], []>, transpose_lhs_hint = false} : vector<512x18xf32>, vector<18x128xf32>, vector<512x128xf32> -> vector<512x128xf32>
    %add3A_29 = arith.addf %add3A, %dot_general3A_28 : vector<512x128xf32>
    %get3A_30 = arith.constant 0 : index
    %get3A_31 = arith.constant 0 : index
    %get3A_32 = vector.load %arg8[%get3A_30, %get3A_31] : memref<1x128xf32, #tpu.memory_space<vmem>>, vector<1x128xf32>
    %add3A_33 = vector.broadcast %get3A_32 : vector<1x128xf32> to vector<512x128xf32>
    %add3A_34 = arith.addf %add3A_29, %add3A_33 : vector<512x128xf32>
    %max3A = arith.constant 0.000000e+00 : f32
    %max3A_35 = vector.broadcast %max3A : f32 to vector<512x128xf32>
    %max3A_36 = arith.maximumf %add3A_34, %max3A_35 : vector<512x128xf32>
    %get3A_37 = arith.constant 0 : index
    %get3A_38 = arith.constant 0 : index
    %get3A_39 = vector.load %arg9[%get3A_37, %get3A_38] : memref<128x128xf32, #tpu.memory_space<vmem>>, vector<128x128xf32>
    %dot_general3A_40 = arith.constant dense<0.000000e+00> : vector<512x128xf32>
    %dot_general3A_41 = tpu.matmul %max3A_36, %get3A_39, %dot_general3A_40 {dimension_numbers = #tpu.dot_dimension_numbers<[1], [0], [0], [1], [0, 0, 1, 1], [], []>, transpose_lhs_hint = false} : vector<512x128xf32>, vector<128x128xf32>, vector<512x128xf32> -> vector<512x128xf32>
    %get3A_42 = arith.constant 0 : index
    %get3A_43 = arith.constant 0 : index
    %get3A_44 = vector.load %arg10[%get3A_42, %get3A_43] : memref<1x128xf32, #tpu.memory_space<vmem>>, vector<1x128xf32>
    %add3A_45 = vector.broadcast %get3A_44 : vector<1x128xf32> to vector<512x128xf32>
    %add3A_46 = arith.addf %dot_general3A_41, %add3A_45 : vector<512x128xf32>
    %max3A_47 = arith.constant 0.000000e+00 : f32
    %max3A_48 = vector.broadcast %max3A_47 : f32 to vector<512x128xf32>
    %max3A_49 = arith.maximumf %add3A_46, %max3A_48 : vector<512x128xf32>
    %get3A_50 = arith.constant 0 : index
    %get3A_51 = arith.constant 0 : index
    %get3A_52 = vector.load %arg11[%get3A_50, %get3A_51] : memref<128x64xf32, #tpu.memory_space<vmem>>, vector<128x64xf32>
    %dot_general3A_53 = arith.constant dense<0.000000e+00> : vector<512x64xf32>
    %dot_general3A_54 = tpu.matmul %max3A_49, %get3A_52, %dot_general3A_53 {dimension_numbers = #tpu.dot_dimension_numbers<[1], [0], [0], [1], [0, 0, 1, 1], [], []>, transpose_lhs_hint = false} : vector<512x128xf32>, vector<128x64xf32>, vector<512x64xf32> -> vector<512x64xf32>
    %slice3A = vector.extract_strided_slice %dot_general3A_54 {offsets = [0, 0], sizes = [512, 32], strides = [1, 1]} : vector<512x64xf32> to vector<512x32xf32>
    %swap3A = arith.constant 0 : index
    %swap3A_55 = arith.constant 0 : index
    %swap3A_56 = vector.load %arg14[%swap3A, %swap3A_55] : memref<512x32xf32, #tpu.memory_space<vmem>>, vector<512x32xf32>
    tpu.vector_store %arg14[%swap3A, %swap3A_55], %slice3A {strides = array<i32>} : memref<512x32xf32, #tpu.memory_space<vmem>>, vector<512x32xf32>,
    %slice3A_57 = vector.extract_strided_slice %dot_general3A_54 {offsets = [0, 32], sizes = [512, 32], strides = [1, 1]} : vector<512x64xf32> to vector<512x32xf32>
    %swap3A_58 = arith.constant 0 : index
    %swap3A_59 = arith.constant 0 : index
    %swap3A_60 = vector.load %arg15[%swap3A_58, %swap3A_59] : memref<512x32xf32, #tpu.memory_space<vmem>>, vector<512x32xf32>
    tpu.vector_store %arg15[%swap3A_58, %swap3A_59], %slice3A_57 {strides = array<i32>} : memref<512x32xf32, #tpu.memory_space<vmem>>, vector<512x32xf32>,
    %get3A_61 = arith.constant 0 : index
    %get3A_62 = arith.constant 0 : index
    %get3A_63 = vector.load %arg12[%get3A_61, %get3A_62] : memref<128x64xf32, #tpu.memory_space<vmem>>, vector<128x64xf32>
    %dot_general3A_64 = arith.constant dense<0.000000e+00> : vector<512x64xf32>
    %dot_general3A_65 = tpu.matmul %max3A_49, %get3A_63, %dot_general3A_64 {dimension_numbers = #tpu.dot_dimension_numbers<[1], [0], [0], [1], [0, 0, 1, 1], [], []>, transpose_lhs_hint = false} : vector<512x128xf32>, vector<128x64xf32>, vector<512x64xf32> -> vector<512x64xf32>
    %get3A_66 = arith.constant 0 : index
    %get3A_67 = arith.constant 0 : index
    %get3A_68 = vector.load %arg13[%get3A_66, %get3A_67] : memref<1x64xf32, #tpu.memory_space<vmem>>, vector<1x64xf32>
    %add3A_69 = vector.broadcast %get3A_68 : vector<1x64xf32> to vector<512x64xf32>
    %add3A_70 = arith.addf %dot_general3A_65, %add3A_69 : vector<512x64xf32>
    %swap3A_71 = arith.constant 0 : index
    %swap3A_72 = arith.constant 0 : index
    %swap3A_73 = vector.load %arg16[%swap3A_71, %swap3A_72] : memref<512x64xf32, #tpu.memory_space<vmem>>, vector<512x64xf32>
    tpu.vector_store %arg16[%swap3A_71, %swap3A_72], %add3A_70 {strides = array<i32>} : memref<512x64xf32, #tpu.memory_space<vmem>>, vector<512x64xf32>,
    return
  }
  func.func @transform_0(%arg0: i32) -> (i32, i32) {
    %c0_i32 = arith.constant 0 : i32
    %c0_i32_0 = arith.constant 0 : i32
    return %arg0, %c0_i32 : i32, i32
  }
  func.func @transform_1(%arg0: i32) -> (i32, i32) {
    %c0_i32 = arith.constant 0 : i32
    %c0_i32_0 = arith.constant 0 : i32
    return %arg0, %c0_i32 : i32, i32
  }
  func.func @transform_2(%arg0: i32) -> (i32, i32) {
    %c0_i32 = arith.constant 0 : i32
    %c0_i32_0 = arith.constant 0 : i32
    return %arg0, %c0_i32 : i32, i32
  }
  func.func @transform_3(%arg0: i32) -> (i32, i32) {
    %c0_i32 = arith.constant 0 : i32
    %c0_i32_0 = arith.constant 0 : i32
    %c0_i32_1 = arith.constant 0 : i32
    return %c0_i32, %c0_i32_0 : i32, i32
  }
  func.func @transform_4(%arg0: i32) -> (i32, i32) {
    %c0_i32 = arith.constant 0 : i32
    %c0_i32_0 = arith.constant 0 : i32
    %c0_i32_1 = arith.constant 0 : i32
    return %c0_i32, %c0_i32_0 : i32, i32
  }
  func.func @transform_5(%arg0: i32) -> (i32, i32) {
    %c0_i32 = arith.constant 0 : i32
    %c0_i32_0 = arith.constant 0 : i32
    %c0_i32_1 = arith.constant 0 : i32
    return %c0_i32, %c0_i32_0 : i32, i32
  }
  func.func @transform_6(%arg0: i32) -> (i32, i32) {
    %c0_i32 = arith.constant 0 : i32
    %c0_i32_0 = arith.constant 0 : i32
    %c0_i32_1 = arith.constant 0 : i32
    return %c0_i32, %c0_i32_0 : i32, i32
  }
  func.func @transform_7(%arg0: i32) -> (i32, i32) {
    %c0_i32 = arith.constant 0 : i32
    %c0_i32_0 = arith.constant 0 : i32
    %c0_i32_1 = arith.constant 0 : i32
    return %c0_i32, %c0_i32_0 : i32, i32
  }
  func.func @transform_8(%arg0: i32) -> (i32, i32) {
    %c0_i32 = arith.constant 0 : i32
    %c0_i32_0 = arith.constant 0 : i32
    %c0_i32_1 = arith.constant 0 : i32
    return %c0_i32, %c0_i32_0 : i32, i32
  }
  func.func @transform_9(%arg0: i32) -> (i32, i32) {
    %c0_i32 = arith.constant 0 : i32
    %c0_i32_0 = arith.constant 0 : i32
    %c0_i32_1 = arith.constant 0 : i32
    return %c0_i32, %c0_i32_0 : i32, i32
  }
  func.func @transform_10(%arg0: i32) -> (i32, i32) {
    %c0_i32 = arith.constant 0 : i32
    %c0_i32_0 = arith.constant 0 : i32
    %c0_i32_1 = arith.constant 0 : i32
    return %c0_i32, %c0_i32_0 : i32, i32
  }
  func.func @transform_11(%arg0: i32) -> (i32, i32) {
    %c0_i32 = arith.constant 0 : i32
    %c0_i32_0 = arith.constant 0 : i32
    %c0_i32_1 = arith.constant 0 : i32
    return %c0_i32, %c0_i32_0 : i32, i32
  }
  func.func @transform_12(%arg0: i32) -> (i32, i32) {
    %c0_i32 = arith.constant 0 : i32
    %c0_i32_0 = arith.constant 0 : i32
    %c0_i32_1 = arith.constant 0 : i32
    return %c0_i32, %c0_i32_0 : i32, i32
  }
  func.func @transform_13(%arg0: i32) -> (i32, i32) {
    %c0_i32 = arith.constant 0 : i32
    %c0_i32_0 = arith.constant 0 : i32
    return %arg0, %c0_i32 : i32, i32
  }
  func.func @transform_14(%arg0: i32) -> (i32, i32) {
    %c0_i32 = arith.constant 0 : i32
    %c0_i32_0 = arith.constant 0 : i32
    return %arg0, %c0_i32 : i32, i32
  }
  func.func @transform_15(%arg0: i32) -> (i32, i32) {
    %c0_i32 = arith.constant 0 : i32
    %c0_i32_0 = arith.constant 0 : i32
    return %arg0, %c0_i32 : i32, i32
  }
}

module attributes {stable_mosaic.version = 14 : i64} {
  func.func @body(%arg0: i32, %arg1: memref<2x6400xi32, #tpu.memory_space<vmem>>, %arg2: memref<2x6400xi32, #tpu.memory_space<vmem>>) attributes {dimension_semantics = [#tpu.dimension_semantics<arbitrary>], iteration_bounds = array<i64: 125>, scalar_prefetch = 0 : i64, scratch_operands = 0 : i64, tpu.core_type = #tpu.core_type<tc>, window_params = [{transform_indices = @transform_0, window_bounds = array<i64: 2, 6400>}, {transform_indices = @transform_1, window_bounds = array<i64: 2, 6400>}]} {
    %get3A = arith.constant 0 : index
    %get3A_0 = arith.constant 0 : index
    %get3A_1 = vector.load %arg1[%get3A, %get3A_0] : memref<2x6400xi32, #tpu.memory_space<vmem>>, vector<2x6400xi32>
    %swap3A = arith.constant 0 : index
    %swap3A_2 = arith.constant 0 : index
    %swap3A_3 = vector.load %arg2[%swap3A, %swap3A_2] : memref<2x6400xi32, #tpu.memory_space<vmem>>, vector<2x6400xi32>
    tpu.vector_store %arg2[%swap3A, %swap3A_2], %get3A_1 {strides = array<i32>} : memref<2x6400xi32, #tpu.memory_space<vmem>>, vector<2x6400xi32>,
    return
  }
  func.func @transform_0(%arg0: i32) -> (i32, i32) {
    %c0_i32 = arith.constant 0 : i32
    %c0_i32_0 = arith.constant 0 : i32
    return %c0_i32, %arg0 : i32, i32
  }
  func.func @transform_1(%arg0: i32) -> (i32, i32) {
    %c0_i32 = arith.constant 0 : i32
    %c0_i32_0 = arith.constant 0 : i32
    return %c0_i32, %arg0 : i32, i32
  }
}

module attributes {stable_mosaic.version = 14 : i64} {
  func.func @body(%arg0: i32, %arg1: memref<2x512x16xf32, #tpu.memory_space<vmem>>, %arg2: memref<512x8xf32, #tpu.memory_space<vmem>>) attributes {dimension_semantics = [#tpu.dimension_semantics<arbitrary>], iteration_bounds = array<i64: 98>, scalar_prefetch = 0 : i64, scratch_operands = 0 : i64, tpu.core_type = #tpu.core_type<tc>, window_params = [{transform_indices = @transform_0, window_bounds = array<i64: 2, 512, 16>}, {transform_indices = @transform_1, window_bounds = array<i64: 512, 8>}]} {
    %get3A = arith.constant 0 : index
    %get3A_0 = arith.constant 0 : index
    %get3A_1 = arith.constant 0 : index
    %get3A_2 = vector.load %arg1[%get3A, %get3A_0, %get3A_1] : memref<2x512x16xf32, #tpu.memory_space<vmem>>, vector<1x512x1xf32>
    %get3A_3 = vector.shape_cast %get3A_2 : vector<1x512x1xf32> to vector<512x1xf32>
    %get3A_4 = arith.constant 1 : index
    %get3A_5 = arith.constant 0 : index
    %get3A_6 = arith.constant 0 : index
    %get3A_7 = vector.load %arg1[%get3A_4, %get3A_5, %get3A_6] : memref<2x512x16xf32, #tpu.memory_space<vmem>>, vector<1x512x1xf32>
    %get3A_8 = vector.shape_cast %get3A_7 : vector<1x512x1xf32> to vector<512x1xf32>
    %add3A = arith.addf %get3A_3, %get3A_8 : vector<512x1xf32>
    %max3A = arith.constant 1.000000e+00 : f32
    %max3A_9 = vector.broadcast %max3A : f32 to vector<512x1xf32>
    %max3A_10 = arith.maximumf %add3A, %max3A_9 : vector<512x1xf32>
    %broadcast_in_dim3A = vector.shape_cast %max3A_10 : vector<512x1xf32> to vector<512x1xf32>
    %broadcast_in_dim3A_11 = vector.broadcast %broadcast_in_dim3A : vector<512x1xf32> to vector<512x8xf32>
    %swap3A = arith.constant 0 : index
    %swap3A_12 = arith.constant 0 : index
    %swap3A_13 = vector.load %arg2[%swap3A, %swap3A_12] : memref<512x8xf32, #tpu.memory_space<vmem>>, vector<512x8xf32>
    tpu.vector_store %arg2[%swap3A, %swap3A_12], %broadcast_in_dim3A_11 {strides = array<i32>} : memref<512x8xf32, #tpu.memory_space<vmem>>, vector<512x8xf32>,
    return
  }
  func.func @transform_0(%arg0: i32) -> (i32, i32, i32) {
    %c0_i32 = arith.constant 0 : i32
    %c0_i32_0 = arith.constant 0 : i32
    %c0_i32_1 = arith.constant 0 : i32
    return %c0_i32, %arg0, %c0_i32_0 : i32, i32, i32
  }
  func.func @transform_1(%arg0: i32) -> (i32, i32) {
    %c0_i32 = arith.constant 0 : i32
    %c0_i32_0 = arith.constant 0 : i32
    return %arg0, %c0_i32 : i32, i32
  }
}

module attributes {stable_mosaic.version = 14 : i64} {
  func.func @body(%arg0: i32, %arg1: memref<2x512x32xf32, #tpu.memory_space<vmem>>, %arg2: memref<512x8xf32, #tpu.memory_space<vmem>>, %arg3: memref<512x64xf32, #tpu.memory_space<vmem>>, %arg4: memref<512x64xf32, #tpu.memory_space<vmem>>) attributes {dimension_semantics = [#tpu.dimension_semantics<arbitrary>], iteration_bounds = array<i64: 98>, scalar_prefetch = 0 : i64, scratch_operands = 0 : i64, tpu.core_type = #tpu.core_type<tc>, window_params = [{transform_indices = @transform_0, window_bounds = array<i64: 2, 512, 32>}, {transform_indices = @transform_1, window_bounds = array<i64: 512, 8>}, {transform_indices = @transform_2, window_bounds = array<i64: 512, 64>}, {transform_indices = @transform_3, window_bounds = array<i64: 512, 64>}]} {
    %get3A = arith.constant 0 : index
    %get3A_0 = arith.constant 0 : index
    %get3A_1 = arith.constant 0 : index
    %get3A_2 = vector.load %arg1[%get3A, %get3A_0, %get3A_1] : memref<2x512x32xf32, #tpu.memory_space<vmem>>, vector<1x512x32xf32>
    %get3A_3 = vector.shape_cast %get3A_2 : vector<1x512x32xf32> to vector<512x32xf32>
    %get3A_4 = arith.constant 1 : index
    %get3A_5 = arith.constant 0 : index
    %get3A_6 = arith.constant 0 : index
    %get3A_7 = vector.load %arg1[%get3A_4, %get3A_5, %get3A_6] : memref<2x512x32xf32, #tpu.memory_space<vmem>>, vector<1x512x32xf32>
    %get3A_8 = vector.shape_cast %get3A_7 : vector<1x512x32xf32> to vector<512x32xf32>
    %concatenate3A = tpu.concatenate %get3A_3, %get3A_8 in 1 : vector<512x32xf32>, vector<512x32xf32> -> vector<512x64xf32>
    %get3A_9 = arith.constant 0 : index
    %get3A_10 = arith.constant 0 : index
    %get3A_11 = vector.load %arg2[%get3A_9, %get3A_10] : memref<512x8xf32, #tpu.memory_space<vmem>>, vector<512x1xf32>
    %div3A = vector.broadcast %get3A_11 : vector<512x1xf32> to vector<512x64xf32>
    %div3A_12 = arith.divf %concatenate3A, %div3A : vector<512x64xf32>
    %get3A_13 = arith.constant 0 : index
    %get3A_14 = arith.constant 0 : index
    %get3A_15 = vector.load %arg3[%get3A_13, %get3A_14] : memref<512x64xf32, #tpu.memory_space<vmem>>, vector<512x64xf32>
    %add3A = arith.addf %div3A_12, %get3A_15 : vector<512x64xf32>
    %mul3A = arith.mulf %add3A, %add3A : vector<512x64xf32>
    %reduce_sum3A = arith.constant dense<0.000000e+00> : vector<512xf32>
    %reduce_sum3A_16 = vector.multi_reduction <add>, %mul3A, %reduce_sum3A [1] : vector<512x64xf32> to vector<512xf32>
    %broadcast_in_dim3A = vector.shape_cast %reduce_sum3A_16 : vector<512xf32> to vector<512x1xf32>
    %sqrt3A = math.sqrt %broadcast_in_dim3A : vector<512x1xf32>
    %max3A = arith.constant 9.99999996E-13 : f32
    %max3A_17 = vector.broadcast %max3A : f32 to vector<512x1xf32>
    %max3A_18 = arith.maximumf %sqrt3A, %max3A_17 : vector<512x1xf32>
    %div3A_19 = vector.broadcast %max3A_18 : vector<512x1xf32> to vector<512x64xf32>
    %div3A_20 = arith.divf %add3A, %div3A_19 : vector<512x64xf32>
    %swap3A = arith.constant 0 : index
    %swap3A_21 = arith.constant 0 : index
    %swap3A_22 = vector.load %arg4[%swap3A, %swap3A_21] : memref<512x64xf32, #tpu.memory_space<vmem>>, vector<512x64xf32>
    tpu.vector_store %arg4[%swap3A, %swap3A_21], %div3A_20 {strides = array<i32>} : memref<512x64xf32, #tpu.memory_space<vmem>>, vector<512x64xf32>,
    return
  }
  func.func @transform_0(%arg0: i32) -> (i32, i32, i32) {
    %c0_i32 = arith.constant 0 : i32
    %c0_i32_0 = arith.constant 0 : i32
    %c0_i32_1 = arith.constant 0 : i32
    return %c0_i32, %arg0, %c0_i32_0 : i32, i32, i32
  }
  func.func @transform_1(%arg0: i32) -> (i32, i32) {
    %c0_i32 = arith.constant 0 : i32
    %c0_i32_0 = arith.constant 0 : i32
    return %arg0, %c0_i32 : i32, i32
  }
  func.func @transform_2(%arg0: i32) -> (i32, i32) {
    %c0_i32 = arith.constant 0 : i32
    %c0_i32_0 = arith.constant 0 : i32
    return %arg0, %c0_i32 : i32, i32
  }
  func.func @transform_3(%arg0: i32) -> (i32, i32) {
    %c0_i32 = arith.constant 0 : i32
    %c0_i32_0 = arith.constant 0 : i32
    return %arg0, %c0_i32 : i32, i32
  }
}

module attributes {stable_mosaic.version = 14 : i64} {
  func.func @body(%arg0: i32, %arg1: memref<512x64xf32, #tpu.memory_space<vmem>>, %arg2: memref<64x64xf32, #tpu.memory_space<vmem>>, %arg3: memref<1x64xf32, #tpu.memory_space<vmem>>, %arg4: memref<64x64xf32, #tpu.memory_space<vmem>>, %arg5: memref<64x64xf32, #tpu.memory_space<vmem>>, %arg6: memref<1x64xf32, #tpu.memory_space<vmem>>, %arg7: memref<512x32xf32, #tpu.memory_space<vmem>>, %arg8: memref<512x32xf32, #tpu.memory_space<vmem>>, %arg9: memref<512x64xf32, #tpu.memory_space<vmem>>) attributes {dimension_semantics = [#tpu.dimension_semantics<arbitrary>], iteration_bounds = array<i64: 98>, scalar_prefetch = 0 : i64, scratch_operands = 0 : i64, tpu.core_type = #tpu.core_type<tc>, window_params = [{transform_indices = @transform_0, window_bounds = array<i64: 512, 64>}, {pipeline_mode = #tpu.pipeline_mode<synchronous>, transform_indices = @transform_1, window_bounds = array<i64: 64, 64>}, {pipeline_mode = #tpu.pipeline_mode<synchronous>, transform_indices = @transform_2, window_bounds = array<i64: 1, 64>}, {pipeline_mode = #tpu.pipeline_mode<synchronous>, transform_indices = @transform_3, window_bounds = array<i64: 64, 64>}, {pipeline_mode = #tpu.pipeline_mode<synchronous>, transform_indices = @transform_4, window_bounds = array<i64: 64, 64>}, {pipeline_mode = #tpu.pipeline_mode<synchronous>, transform_indices = @transform_5, window_bounds = array<i64: 1, 64>}, {transform_indices = @transform_6, window_bounds = array<i64: 512, 32>}, {transform_indices = @transform_7, window_bounds = array<i64: 512, 32>}, {transform_indices = @transform_8, window_bounds = array<i64: 512, 64>}]} {
    %get3A = arith.constant 0 : index
    %get3A_0 = arith.constant 0 : index
    %get3A_1 = vector.load %arg1[%get3A, %get3A_0] : memref<512x64xf32, #tpu.memory_space<vmem>>, vector<512x64xf32>
    %get3A_2 = arith.constant 0 : index
    %get3A_3 = arith.constant 0 : index
    %get3A_4 = vector.load %arg2[%get3A_2, %get3A_3] : memref<64x64xf32, #tpu.memory_space<vmem>>, vector<64x64xf32>
    %dot_general3A = arith.constant dense<0.000000e+00> : vector<512x64xf32>
    %dot_general3A_5 = tpu.matmul %get3A_1, %get3A_4, %dot_general3A {dimension_numbers = #tpu.dot_dimension_numbers<[1], [0], [0], [1], [0, 0, 1, 1], [], []>, transpose_lhs_hint = false} : vector<512x64xf32>, vector<64x64xf32>, vector<512x64xf32> -> vector<512x64xf32>
    %get3A_6 = arith.constant 0 : index
    %get3A_7 = arith.constant 0 : index
    %get3A_8 = vector.load %arg3[%get3A_6, %get3A_7] : memref<1x64xf32, #tpu.memory_space<vmem>>, vector<1x64xf32>
    %add3A = vector.broadcast %get3A_8 : vector<1x64xf32> to vector<512x64xf32>
    %add3A_9 = arith.addf %dot_general3A_5, %add3A : vector<512x64xf32>
    %max3A = arith.constant 0.000000e+00 : f32
    %max3A_10 = vector.broadcast %max3A : f32 to vector<512x64xf32>
    %max3A_11 = arith.maximumf %add3A_9, %max3A_10 : vector<512x64xf32>
    %get3A_12 = arith.constant 0 : index
    %get3A_13 = arith.constant 0 : index
    %get3A_14 = vector.load %arg4[%get3A_12, %get3A_13] : memref<64x64xf32, #tpu.memory_space<vmem>>, vector<64x64xf32>
    %dot_general3A_15 = arith.constant dense<0.000000e+00> : vector<512x64xf32>
    %dot_general3A_16 = tpu.matmul %max3A_11, %get3A_14, %dot_general3A_15 {dimension_numbers = #tpu.dot_dimension_numbers<[1], [0], [0], [1], [0, 0, 1, 1], [], []>, transpose_lhs_hint = false} : vector<512x64xf32>, vector<64x64xf32>, vector<512x64xf32> -> vector<512x64xf32>
    %slice3A = vector.extract_strided_slice %dot_general3A_16 {offsets = [0, 0], sizes = [512, 32], strides = [1, 1]} : vector<512x64xf32> to vector<512x32xf32>
    %swap3A = arith.constant 0 : index
    %swap3A_17 = arith.constant 0 : index
    %swap3A_18 = vector.load %arg7[%swap3A, %swap3A_17] : memref<512x32xf32, #tpu.memory_space<vmem>>, vector<512x32xf32>
    tpu.vector_store %arg7[%swap3A, %swap3A_17], %slice3A {strides = array<i32>} : memref<512x32xf32, #tpu.memory_space<vmem>>, vector<512x32xf32>,
    %slice3A_19 = vector.extract_strided_slice %dot_general3A_16 {offsets = [0, 32], sizes = [512, 32], strides = [1, 1]} : vector<512x64xf32> to vector<512x32xf32>
    %swap3A_20 = arith.constant 0 : index
    %swap3A_21 = arith.constant 0 : index
    %swap3A_22 = vector.load %arg8[%swap3A_20, %swap3A_21] : memref<512x32xf32, #tpu.memory_space<vmem>>, vector<512x32xf32>
    tpu.vector_store %arg8[%swap3A_20, %swap3A_21], %slice3A_19 {strides = array<i32>} : memref<512x32xf32, #tpu.memory_space<vmem>>, vector<512x32xf32>,
    %get3A_23 = arith.constant 0 : index
    %get3A_24 = arith.constant 0 : index
    %get3A_25 = vector.load %arg5[%get3A_23, %get3A_24] : memref<64x64xf32, #tpu.memory_space<vmem>>, vector<64x64xf32>
    %dot_general3A_26 = arith.constant dense<0.000000e+00> : vector<512x64xf32>
    %dot_general3A_27 = tpu.matmul %max3A_11, %get3A_25, %dot_general3A_26 {dimension_numbers = #tpu.dot_dimension_numbers<[1], [0], [0], [1], [0, 0, 1, 1], [], []>, transpose_lhs_hint = false} : vector<512x64xf32>, vector<64x64xf32>, vector<512x64xf32> -> vector<512x64xf32>
    %get3A_28 = arith.constant 0 : index
    %get3A_29 = arith.constant 0 : index
    %get3A_30 = vector.load %arg6[%get3A_28, %get3A_29] : memref<1x64xf32, #tpu.memory_space<vmem>>, vector<1x64xf32>
    %add3A_31 = vector.broadcast %get3A_30 : vector<1x64xf32> to vector<512x64xf32>
    %add3A_32 = arith.addf %dot_general3A_27, %add3A_31 : vector<512x64xf32>
    %swap3A_33 = arith.constant 0 : index
    %swap3A_34 = arith.constant 0 : index
    %swap3A_35 = vector.load %arg9[%swap3A_33, %swap3A_34] : memref<512x64xf32, #tpu.memory_space<vmem>>, vector<512x64xf32>
    tpu.vector_store %arg9[%swap3A_33, %swap3A_34], %add3A_32 {strides = array<i32>} : memref<512x64xf32, #tpu.memory_space<vmem>>, vector<512x64xf32>,
    return
  }
  func.func @transform_0(%arg0: i32) -> (i32, i32) {
    %c0_i32 = arith.constant 0 : i32
    %c0_i32_0 = arith.constant 0 : i32
    return %arg0, %c0_i32 : i32, i32
  }
  func.func @transform_1(%arg0: i32) -> (i32, i32) {
    %c0_i32 = arith.constant 0 : i32
    %c0_i32_0 = arith.constant 0 : i32
    %c0_i32_1 = arith.constant 0 : i32
    return %c0_i32, %c0_i32_0 : i32, i32
  }
  func.func @transform_2(%arg0: i32) -> (i32, i32) {
    %c0_i32 = arith.constant 0 : i32
    %c0_i32_0 = arith.constant 0 : i32
    %c0_i32_1 = arith.constant 0 : i32
    return %c0_i32, %c0_i32_0 : i32, i32
  }
  func.func @transform_3(%arg0: i32) -> (i32, i32) {
    %c0_i32 = arith.constant 0 : i32
    %c0_i32_0 = arith.constant 0 : i32
    %c0_i32_1 = arith.constant 0 : i32
    return %c0_i32, %c0_i32_0 : i32, i32
  }
  func.func @transform_4(%arg0: i32) -> (i32, i32) {
    %c0_i32 = arith.constant 0 : i32
    %c0_i32_0 = arith.constant 0 : i32
    %c0_i32_1 = arith.constant 0 : i32
    return %c0_i32, %c0_i32_0 : i32, i32
  }
  func.func @transform_5(%arg0: i32) -> (i32, i32) {
    %c0_i32 = arith.constant 0 : i32
    %c0_i32_0 = arith.constant 0 : i32
    %c0_i32_1 = arith.constant 0 : i32
    return %c0_i32, %c0_i32_0 : i32, i32
  }
  func.func @transform_6(%arg0: i32) -> (i32, i32) {
    %c0_i32 = arith.constant 0 : i32
    %c0_i32_0 = arith.constant 0 : i32
    return %arg0, %c0_i32 : i32, i32
  }
  func.func @transform_7(%arg0: i32) -> (i32, i32) {
    %c0_i32 = arith.constant 0 : i32
    %c0_i32_0 = arith.constant 0 : i32
    return %arg0, %c0_i32 : i32, i32
  }
  func.func @transform_8(%arg0: i32) -> (i32, i32) {
    %c0_i32 = arith.constant 0 : i32
    %c0_i32_0 = arith.constant 0 : i32
    return %arg0, %c0_i32 : i32, i32
  }
}

module attributes {stable_mosaic.version = 14 : i64} {
  func.func @body(%arg0: i32, %arg1: memref<2x512x32xf32, #tpu.memory_space<vmem>>, %arg2: memref<512x8xf32, #tpu.memory_space<vmem>>, %arg3: memref<512x64xf32, #tpu.memory_space<vmem>>, %arg4: memref<1x1x512xi32, #tpu.memory_space<vmem>>, %arg5: memref<512x1xi32, #tpu.memory_space<vmem>>, %arg6: memref<64x1xf32, #tpu.memory_space<vmem>>, %arg7: memref<1x1xf32, #tpu.memory_space<vmem>>, %arg8: memref<512x1xf32, #tpu.memory_space<vmem>>, %arg9: memref<512x64xf32, #tpu.memory_space<vmem>>, %arg10: memref<512x64xf32, #tpu.memory_space<vmem>>, %arg11: memref<512x8xf32, #tpu.memory_space<vmem>>) attributes {dimension_semantics = [#tpu.dimension_semantics<arbitrary>], iteration_bounds = array<i64: 98>, scalar_prefetch = 0 : i64, scratch_operands = 3 : i64, tpu.core_type = #tpu.core_type<tc>, window_params = [{transform_indices = @transform_0, window_bounds = array<i64: 2, 512, 32>}, {transform_indices = @transform_1, window_bounds = array<i64: 512, 8>}, {transform_indices = @transform_2, window_bounds = array<i64: 512, 64>}, {transform_indices = @transform_3, window_bounds = array<i64: 1, 1, 512>}, {transform_indices = @transform_4, window_bounds = array<i64: 512, 1>}, {pipeline_mode = #tpu.pipeline_mode<synchronous>, transform_indices = @transform_5, window_bounds = array<i64: 64, 1>}, {pipeline_mode = #tpu.pipeline_mode<synchronous>, transform_indices = @transform_6, window_bounds = array<i64: 1, 1>}, {pipeline_mode = #tpu.pipeline_mode<synchronous>, transform_indices = @transform_7, window_bounds = array<i64: 512, 1>}]} {
    %eq3A = arith.constant 0 : i32
    %eq3A_0 = arith.cmpi eq, %arg0, %eq3A : i32
    %convert_element_type3A = arith.extui %eq3A_0 : i1 to i32
    %cond3A = arith.constant 0 : i32
    %cond3A_1 = arith.cmpi ne, %convert_element_type3A, %cond3A : i32
    scf.if %cond3A_1 {
      %broadcast_in_dim3A_101 = arith.constant 0xFF800000 : f32
      %broadcast_in_dim3A_102 = vector.broadcast %broadcast_in_dim3A_101 : f32 to vector<512x64xf32>
      %swap3A_103 = arith.constant 0 : index
      %swap3A_104 = arith.constant 0 : index
      %swap3A_105 = vector.load %arg9[%swap3A_103, %swap3A_104] : memref<512x64xf32, #tpu.memory_space<vmem>>, vector<512x64xf32>
      tpu.vector_store %arg9[%swap3A_103, %swap3A_104], %broadcast_in_dim3A_102 {strides = array<i32>} : memref<512x64xf32, #tpu.memory_space<vmem>>, vector<512x64xf32>,
      %broadcast_in_dim3A_106 = arith.constant 0.000000e+00 : f32
      %broadcast_in_dim3A_107 = vector.broadcast %broadcast_in_dim3A_106 : f32 to vector<512x64xf32>
      %swap3A_108 = arith.constant 0 : index
      %swap3A_109 = arith.constant 0 : index
      %swap3A_110 = vector.load %arg10[%swap3A_108, %swap3A_109] : memref<512x64xf32, #tpu.memory_space<vmem>>, vector<512x64xf32>
      tpu.vector_store %arg10[%swap3A_108, %swap3A_109], %broadcast_in_dim3A_107 {strides = array<i32>} : memref<512x64xf32, #tpu.memory_space<vmem>>, vector<512x64xf32>,
      %broadcast_in_dim3A_111 = arith.constant 0.000000e+00 : f32
      %broadcast_in_dim3A_112 = vector.broadcast %broadcast_in_dim3A_111 : f32 to vector<512x8xf32>
      %swap3A_113 = arith.constant 0 : index
      %swap3A_114 = arith.constant 0 : index
      %swap3A_115 = vector.load %arg11[%swap3A_113, %swap3A_114] : memref<512x8xf32, #tpu.memory_space<vmem>>, vector<512x8xf32>
      tpu.vector_store %arg11[%swap3A_113, %swap3A_114], %broadcast_in_dim3A_112 {strides = array<i32>} : memref<512x8xf32, #tpu.memory_space<vmem>>, vector<512x8xf32>,
    } else {
    }
    %get3A = arith.constant 0 : index
    %get3A_2 = arith.constant 0 : index
    %get3A_3 = arith.constant 0 : index
    %get3A_4 = vector.load %arg1[%get3A, %get3A_2, %get3A_3] : memref<2x512x32xf32, #tpu.memory_space<vmem>>, vector<1x512x32xf32>
    %get3A_5 = vector.shape_cast %get3A_4 : vector<1x512x32xf32> to vector<512x32xf32>
    %get3A_6 = arith.constant 1 : index
    %get3A_7 = arith.constant 0 : index
    %get3A_8 = arith.constant 0 : index
    %get3A_9 = vector.load %arg1[%get3A_6, %get3A_7, %get3A_8] : memref<2x512x32xf32, #tpu.memory_space<vmem>>, vector<1x512x32xf32>
    %get3A_10 = vector.shape_cast %get3A_9 : vector<1x512x32xf32> to vector<512x32xf32>
    %concatenate3A = tpu.concatenate %get3A_5, %get3A_10 in 1 : vector<512x32xf32>, vector<512x32xf32> -> vector<512x64xf32>
    %get3A_11 = arith.constant 0 : index
    %get3A_12 = arith.constant 0 : index
    %get3A_13 = vector.load %arg2[%get3A_11, %get3A_12] : memref<512x8xf32, #tpu.memory_space<vmem>>, vector<512x1xf32>
    %div3A = vector.broadcast %get3A_13 : vector<512x1xf32> to vector<512x64xf32>
    %div3A_14 = arith.divf %concatenate3A, %div3A : vector<512x64xf32>
    %get3A_15 = arith.constant 0 : index
    %get3A_16 = arith.constant 0 : index
    %get3A_17 = vector.load %arg3[%get3A_15, %get3A_16] : memref<512x64xf32, #tpu.memory_space<vmem>>, vector<512x64xf32>
    %add3A = arith.addf %div3A_14, %get3A_17 : vector<512x64xf32>
    %mul3A = arith.mulf %add3A, %add3A : vector<512x64xf32>
    %reduce_sum3A = arith.constant dense<0.000000e+00> : vector<512xf32>
    %reduce_sum3A_18 = vector.multi_reduction <add>, %mul3A, %reduce_sum3A [1] : vector<512x64xf32> to vector<512xf32>
    %broadcast_in_dim3A = vector.shape_cast %reduce_sum3A_18 : vector<512xf32> to vector<512x1xf32>
    %sqrt3A = math.sqrt %broadcast_in_dim3A : vector<512x1xf32>
    %max3A = arith.constant 9.99999996E-13 : f32
    %max3A_19 = vector.broadcast %max3A : f32 to vector<512x1xf32>
    %max3A_20 = arith.maximumf %sqrt3A, %max3A_19 : vector<512x1xf32>
    %div3A_21 = vector.broadcast %max3A_20 : vector<512x1xf32> to vector<512x64xf32>
    %div3A_22 = arith.divf %add3A, %div3A_21 : vector<512x64xf32>
    %mul3A_23 = arith.constant 512 : i32
    %mul3A_24 = arith.muli %arg0, %mul3A_23 : i32
    %iota3A = tpu.iota {dimensions = array<i32: 1>} : vector<1x512xi32>
    %add3A_25 = vector.broadcast %mul3A_24 : i32 to vector<1x512xi32>
    %add3A_26 = arith.addi %add3A_25, %iota3A : vector<1x512xi32>
    %lt3A = arith.constant 50000 : i32
    %lt3A_27 = vector.broadcast %lt3A : i32 to vector<1x512xi32>
    %lt3A_28 = arith.cmpi slt, %add3A_26, %lt3A_27 : vector<1x512xi32>
    %get3A_29 = arith.constant 0 : index
    %get3A_30 = arith.constant 0 : index
    %get3A_31 = arith.constant 0 : index
    %get3A_32 = vector.load %arg4[%get3A_29, %get3A_30, %get3A_31] : memref<1x1x512xi32, #tpu.memory_space<vmem>>, vector<1x1x512xi32>
    %get3A_33 = vector.shape_cast %get3A_32 : vector<1x1x512xi32> to vector<1x512xi32>
    %jit3A = arith.constant -1 : i32
    %broadcast_in_dim3A_34 = vector.broadcast %jit3A : i32 to vector<1x512xi32>
    %select_n3A = arith.select %lt3A_28, %get3A_33, %broadcast_in_dim3A_34 : vector<1x512xi1>, vector<1x512xi32>
    %iota3A_35 = tpu.iota {dimensions = array<i32: 0>} : vector<512x512xi32>
    %eq3A_36 = vector.broadcast %select_n3A : vector<1x512xi32> to vector<512x512xi32>
    %eq3A_37 = arith.cmpi eq, %eq3A_36, %iota3A_35 : vector<512x512xi32>
    %convert_element_type3A_38 = arith.extui %eq3A_37 : vector<512x512xi1> to vector<512x512xi32>
    %convert_element_type3A_39 = arith.sitofp %convert_element_type3A_38 : vector<512x512xi32> to vector<512x512xf32>
    %get3A_40 = arith.constant 0 : index
    %get3A_41 = arith.constant 0 : index
    %get3A_42 = vector.load %arg10[%get3A_40, %get3A_41] : memref<512x64xf32, #tpu.memory_space<vmem>>, vector<512x64xf32>
    %dot_general3A = arith.constant dense<0.000000e+00> : vector<512x64xf32>
    %dot_general3A_43 = tpu.matmul %convert_element_type3A_39, %div3A_22, %dot_general3A {dimension_numbers = #tpu.dot_dimension_numbers<[1], [0], [0], [1], [0, 0, 1, 1], [], []>, transpose_lhs_hint = false} : vector<512x512xf32>, vector<512x64xf32>, vector<512x64xf32> -> vector<512x64xf32>
    %add3A_44 = arith.addf %get3A_42, %dot_general3A_43 : vector<512x64xf32>
    %swap3A = arith.constant 0 : index
    %swap3A_45 = arith.constant 0 : index
    %swap3A_46 = vector.load %arg10[%swap3A, %swap3A_45] : memref<512x64xf32, #tpu.memory_space<vmem>>, vector<512x64xf32>
    tpu.vector_store %arg10[%swap3A, %swap3A_45], %add3A_44 {strides = array<i32>} : memref<512x64xf32, #tpu.memory_space<vmem>>, vector<512x64xf32>,
    %get3A_47 = arith.constant 0 : index
    %get3A_48 = arith.constant 0 : index
    %get3A_49 = vector.load %arg11[%get3A_47, %get3A_48] : memref<512x8xf32, #tpu.memory_space<vmem>>, vector<512x8xf32>
    %broadcast_in_dim3A_50 = arith.constant 1.000000e+00 : f32
    %broadcast_in_dim3A_51 = vector.broadcast %broadcast_in_dim3A_50 : f32 to vector<512x8xf32>
    %dot_general3A_52 = arith.constant dense<0.000000e+00> : vector<512x8xf32>
    %dot_general3A_53 = tpu.matmul %convert_element_type3A_39, %broadcast_in_dim3A_51, %dot_general3A_52 {dimension_numbers = #tpu.dot_dimension_numbers<[1], [0], [0], [1], [0, 0, 1, 1], [], []>, transpose_lhs_hint = false} : vector<512x512xf32>, vector<512x8xf32>, vector<512x8xf32> -> vector<512x8xf32>
    %add3A_54 = arith.addf %get3A_49, %dot_general3A_53 : vector<512x8xf32>
    %swap3A_55 = arith.constant 0 : index
    %swap3A_56 = arith.constant 0 : index
    %swap3A_57 = vector.load %arg11[%swap3A_55, %swap3A_56] : memref<512x8xf32, #tpu.memory_space<vmem>>, vector<512x8xf32>
    tpu.vector_store %arg11[%swap3A_55, %swap3A_56], %add3A_54 {strides = array<i32>} : memref<512x8xf32, #tpu.memory_space<vmem>>, vector<512x8xf32>,
    %lt3A_58 = arith.constant 50000 : i32
    %lt3A_59 = vector.broadcast %lt3A_58 : i32 to vector<1x512xi32>
    %lt3A_60 = arith.cmpi slt, %add3A_26, %lt3A_59 : vector<1x512xi32>
    %jit3A_61 = arith.constant 512 : i32
    %broadcast_in_dim3A_62 = vector.broadcast %jit3A_61 : i32 to vector<1x512xi32>
    %select_n3A_63 = arith.select %lt3A_60, %select_n3A, %broadcast_in_dim3A_62 : vector<1x512xi1>, vector<1x512xi32>
    %reduce_min3A = vector.shape_cast %select_n3A_63 : vector<1x512xi32> to vector<1x1x512xi32>
    %reduce_min3A_64 = arith.constant dense<2147483647> : vector<1xi32>
    %reduce_min3A_65 = vector.multi_reduction <minsi>, %reduce_min3A, %reduce_min3A_64 [1, 2] : vector<1x1x512xi32> to vector<1xi32>
    %reduce_min3A_66 = vector.shape_cast %reduce_min3A_65 : vector<1xi32> to vector<1x1x1xi32>
    %reduce_min3A_67 = vector.extract %reduce_min3A_66[0, 0, 0] : i32 from vector<1x1x1xi32>
    %reduce_max3A = vector.shape_cast %select_n3A : vector<1x512xi32> to vector<1x1x512xi32>
    %reduce_max3A_68 = arith.constant dense<-2147483648> : vector<1xi32>
    %reduce_max3A_69 = vector.multi_reduction <maxsi>, %reduce_max3A, %reduce_max3A_68 [1, 2] : vector<1x1x512xi32> to vector<1xi32>
    %reduce_max3A_70 = vector.shape_cast %reduce_max3A_69 : vector<1xi32> to vector<1x1x1xi32>
    %reduce_max3A_71 = vector.extract %reduce_max3A_70[0, 0, 0] : i32 from vector<1x1x1xi32>
    %mul3A_72 = arith.constant 512 : i32
    %mul3A_73 = arith.muli %arg0, %mul3A_72 : i32
    %iota3A_74 = tpu.iota {dimensions = array<i32: 0>} : vector<512x1xi32>
    %add3A_75 = vector.broadcast %mul3A_73 : i32 to vector<512x1xi32>
    %add3A_76 = arith.addi %add3A_75, %iota3A_74 : vector<512x1xi32>
    %lt3A_77 = arith.constant 50000 : i32
    %lt3A_78 = vector.broadcast %lt3A_77 : i32 to vector<512x1xi32>
    %lt3A_79 = arith.cmpi slt, %add3A_76, %lt3A_78 : vector<512x1xi32>
    %get3A_80 = arith.constant 0 : index
    %get3A_81 = arith.constant 0 : index
    %get3A_82 = vector.load %arg5[%get3A_80, %get3A_81] : memref<512x1xi32, #tpu.memory_space<vmem>>, vector<512x1xi32>
    %jit3A_83 = arith.constant -1 : i32
    %broadcast_in_dim3A_84 = vector.broadcast %jit3A_83 : i32 to vector<512x1xi32>
    %select_n3A_85 = arith.select %lt3A_79, %get3A_82, %broadcast_in_dim3A_84 : vector<512x1xi1>, vector<512x1xi32>
    %add3A_86 = arith.constant 1 : i32
    %add3A_87 = arith.addi %reduce_max3A_71, %add3A_86 : i32
    %while3A = arith.constant 0 : i32
    %while3A_88 = arith.subi %add3A_87, %reduce_min3A_67 : i32
    %while3A_89 = arith.addi %reduce_min3A_67, %while3A_88 : i32
    %while3A_90 = arith.constant 1 : i32
    %while3A_91 = arith.divsi %while3A_88, %while3A_90 : i32
    %while3A_92 = arith.muli %while3A_91, %while3A_90 : i32
    %while3A_93 = arith.addi %reduce_min3A_67, %while3A_92 : i32
    %while3A_94 = arith.constant 1 : i32
    scf.for %while3A_101 = %reduce_min3A_67 to %while3A_93 step %while3A_94  : i32 {
      %eq3A_102 = vector.broadcast %while3A_101 : i32 to vector<512x1xi32>
      %eq3A_103 = arith.cmpi eq, %select_n3A_85, %eq3A_102 : vector<512x1xi32>
      %jit3A_104 = arith.constant 0xFF800000 : f32
      %broadcast_in_dim3A_105 = vector.shape_cast %eq3A_103 : vector<512x1xi1> to vector<512x1xi1>
      %broadcast_in_dim3A_106 = vector.broadcast %broadcast_in_dim3A_105 : vector<512x1xi1> to vector<512x64xi1>
      %broadcast_in_dim3A_107 = vector.broadcast %jit3A_104 : f32 to vector<512x64xf32>
      %select_n3A_108 = arith.select %broadcast_in_dim3A_106, %div3A_22, %broadcast_in_dim3A_107 : vector<512x64xi1>, vector<512x64xf32>
      %reduce_max3A_109 = arith.constant dense<0xFF800000> : vector<64xf32>
      %reduce_max3A_110 = vector.multi_reduction <maximumf>, %select_n3A_108, %reduce_max3A_109 [0] : vector<512x64xf32> to vector<64xf32>
      %broadcast_in_dim3A_111 = vector.shape_cast %reduce_max3A_110 : vector<64xf32> to vector<1x64xf32>
      %get3A_112 = arith.index_cast %while3A_101 : i32 to index
      %get3A_113 = arith.constant 0 : index
      %get3A_114 = vector.load %arg9[%get3A_112, %get3A_113] : memref<512x64xf32, #tpu.memory_space<vmem>>, vector<1x64xf32>
      %max3A_115 = arith.maximumf %get3A_114, %broadcast_in_dim3A_111 : vector<1x64xf32>
      %swap3A_116 = arith.index_cast %while3A_101 : i32 to index
      %swap3A_117 = arith.constant 0 : index
      %swap3A_118 = vector.load %arg9[%swap3A_116, %swap3A_117] : memref<512x64xf32, #tpu.memory_space<vmem>>, vector<1x64xf32>
      tpu.vector_store %arg9[%swap3A_116, %swap3A_117], %max3A_115 {strides = array<i32>} : memref<512x64xf32, #tpu.memory_space<vmem>>, vector<1x64xf32>,
    }
    %while3A_95 = arith.constant 1 : i32
    scf.for %while3A_101 = %while3A_93 to %while3A_89 step %while3A_95  : i32 {
      %eq3A_102 = vector.broadcast %while3A_101 : i32 to vector<512x1xi32>
      %eq3A_103 = arith.cmpi eq, %select_n3A_85, %eq3A_102 : vector<512x1xi32>
      %jit3A_104 = arith.constant 0xFF800000 : f32
      %broadcast_in_dim3A_105 = vector.shape_cast %eq3A_103 : vector<512x1xi1> to vector<512x1xi1>
      %broadcast_in_dim3A_106 = vector.broadcast %broadcast_in_dim3A_105 : vector<512x1xi1> to vector<512x64xi1>
      %broadcast_in_dim3A_107 = vector.broadcast %jit3A_104 : f32 to vector<512x64xf32>
      %select_n3A_108 = arith.select %broadcast_in_dim3A_106, %div3A_22, %broadcast_in_dim3A_107 : vector<512x64xi1>, vector<512x64xf32>
      %reduce_max3A_109 = arith.constant dense<0xFF800000> : vector<64xf32>
      %reduce_max3A_110 = vector.multi_reduction <maximumf>, %select_n3A_108, %reduce_max3A_109 [0] : vector<512x64xf32> to vector<64xf32>
      %broadcast_in_dim3A_111 = vector.shape_cast %reduce_max3A_110 : vector<64xf32> to vector<1x64xf32>
      %get3A_112 = arith.index_cast %while3A_101 : i32 to index
      %get3A_113 = arith.constant 0 : index
      %get3A_114 = vector.load %arg9[%get3A_112, %get3A_113] : memref<512x64xf32, #tpu.memory_space<vmem>>, vector<1x64xf32>
      %max3A_115 = arith.maximumf %get3A_114, %broadcast_in_dim3A_111 : vector<1x64xf32>
      %swap3A_116 = arith.index_cast %while3A_101 : i32 to index
      %swap3A_117 = arith.constant 0 : index
      %swap3A_118 = vector.load %arg9[%swap3A_116, %swap3A_117] : memref<512x64xf32, #tpu.memory_space<vmem>>, vector<1x64xf32>
      tpu.vector_store %arg9[%swap3A_116, %swap3A_117], %max3A_115 {strides = array<i32>} : memref<512x64xf32, #tpu.memory_space<vmem>>, vector<1x64xf32>,
    }
    %eq3A_96 = arith.constant 97 : i32
    %eq3A_97 = arith.cmpi eq, %arg0, %eq3A_96 : i32
    %convert_element_type3A_98 = arith.extui %eq3A_97 : i1 to i32
    %cond3A_99 = arith.constant 0 : i32
    %cond3A_100 = arith.cmpi ne, %convert_element_type3A_98, %cond3A_99 : i32
    scf.if %cond3A_100 {
      %get3A_101 = arith.constant 0 : index
      %get3A_102 = arith.constant 0 : index
      %get3A_103 = vector.load %arg10[%get3A_101, %get3A_102] : memref<512x64xf32, #tpu.memory_space<vmem>>, vector<512x64xf32>
      %get3A_104 = arith.constant 0 : index
      %get3A_105 = arith.constant 0 : index
      %get3A_106 = vector.load %arg11[%get3A_104, %get3A_105] : memref<512x8xf32, #tpu.memory_space<vmem>>, vector<512x8xf32>
      %slice3A = vector.extract_strided_slice %get3A_106 {offsets = [0, 0], sizes = [512, 1], strides = [1, 1]} : vector<512x8xf32> to vector<512x1xf32>
      %max3A_107 = arith.constant 1.000000e+00 : f32
      %max3A_108 = vector.broadcast %max3A_107 : f32 to vector<512x1xf32>
      %max3A_109 = arith.maximumf %slice3A, %max3A_108 : vector<512x1xf32>
      %div3A_110 = vector.broadcast %max3A_109 : vector<512x1xf32> to vector<512x64xf32>
      %div3A_111 = arith.divf %get3A_103, %div3A_110 : vector<512x64xf32>
      %get3A_112 = arith.constant 0 : index
      %get3A_113 = arith.constant 0 : index
      %get3A_114 = vector.load %arg9[%get3A_112, %get3A_113] : memref<512x64xf32, #tpu.memory_space<vmem>>, vector<512x64xf32>
      %eq3A_115 = arith.constant 0xFF800000 : f32
      %eq3A_116 = vector.broadcast %eq3A_115 : f32 to vector<512x64xf32>
      %eq3A_117 = arith.cmpf oeq, %get3A_114, %eq3A_116 : vector<512x64xf32>
      %jit3A_118 = arith.constant 0.000000e+00 : f32
      %broadcast_in_dim3A_119 = vector.broadcast %jit3A_118 : f32 to vector<512x64xf32>
      %select_n3A_120 = arith.select %eq3A_117, %broadcast_in_dim3A_119, %get3A_114 : vector<512x64xi1>, vector<512x64xf32>
      %add3A_121 = arith.addf %select_n3A_120, %div3A_111 : vector<512x64xf32>
      %mul3A_122 = arith.mulf %add3A_121, %add3A_121 : vector<512x64xf32>
      %reduce_sum3A_123 = arith.constant dense<0.000000e+00> : vector<512xf32>
      %reduce_sum3A_124 = vector.multi_reduction <add>, %mul3A_122, %reduce_sum3A_123 [1] : vector<512x64xf32> to vector<512xf32>
      %broadcast_in_dim3A_125 = vector.shape_cast %reduce_sum3A_124 : vector<512xf32> to vector<512x1xf32>
      %sqrt3A_126 = math.sqrt %broadcast_in_dim3A_125 : vector<512x1xf32>
      %div3A_127 = vector.broadcast %sqrt3A_126 : vector<512x1xf32> to vector<512x64xf32>
      %div3A_128 = arith.divf %add3A_121, %div3A_127 : vector<512x64xf32>
      %get3A_129 = arith.constant 0 : index
      %get3A_130 = arith.constant 0 : index
      %get3A_131 = vector.load %arg6[%get3A_129, %get3A_130] : memref<64x1xf32, #tpu.memory_space<vmem>>, vector<64x1xf32>
      %dot_general3A_132 = arith.constant dense<0.000000e+00> : vector<512x1xf32>
      %dot_general3A_133 = tpu.matmul %div3A_128, %get3A_131, %dot_general3A_132 {dimension_numbers = #tpu.dot_dimension_numbers<[1], [0], [0], [1], [0, 0, 1, 1], [], []>, transpose_lhs_hint = false} : vector<512x64xf32>, vector<64x1xf32>, vector<512x1xf32> -> vector<512x1xf32>
      %get3A_134 = arith.constant 0 : index
      %get3A_135 = arith.constant 0 : index
      %get3A_136 = vector.load %arg7[%get3A_134, %get3A_135] : memref<1x1xf32, #tpu.memory_space<vmem>>, vector<1x1xf32>
      %add3A_137 = vector.broadcast %get3A_136 : vector<1x1xf32> to vector<512x1xf32>
      %add3A_138 = arith.addf %dot_general3A_133, %add3A_137 : vector<512x1xf32>
      %swap3A_139 = arith.constant 0 : index
      %swap3A_140 = arith.constant 0 : index
      %swap3A_141 = vector.load %arg8[%swap3A_139, %swap3A_140] : memref<512x1xf32, #tpu.memory_space<vmem>>, vector<512x1xf32>
      tpu.vector_store %arg8[%swap3A_139, %swap3A_140], %add3A_138 {strides = array<i32>} : memref<512x1xf32, #tpu.memory_space<vmem>>, vector<512x1xf32>,
    } else {
    }
    return
  }
  func.func @transform_0(%arg0: i32) -> (i32, i32, i32) {
    %c0_i32 = arith.constant 0 : i32
    %c0_i32_0 = arith.constant 0 : i32
    %c0_i32_1 = arith.constant 0 : i32
    return %c0_i32, %arg0, %c0_i32_0 : i32, i32, i32
  }
  func.func @transform_1(%arg0: i32) -> (i32, i32) {
    %c0_i32 = arith.constant 0 : i32
    %c0_i32_0 = arith.constant 0 : i32
    return %arg0, %c0_i32 : i32, i32
  }
  func.func @transform_2(%arg0: i32) -> (i32, i32) {
    %c0_i32 = arith.constant 0 : i32
    %c0_i32_0 = arith.constant 0 : i32
    return %arg0, %c0_i32 : i32, i32
  }
  func.func @transform_3(%arg0: i32) -> (i32, i32, i32) {
    %c0_i32 = arith.constant 0 : i32
    %c0_i32_0 = arith.constant 0 : i32
    %c0_i32_1 = arith.constant 0 : i32
    return %arg0, %c0_i32, %c0_i32_0 : i32, i32, i32
  }
  func.func @transform_4(%arg0: i32) -> (i32, i32) {
    %c0_i32 = arith.constant 0 : i32
    %c0_i32_0 = arith.constant 0 : i32
    return %arg0, %c0_i32 : i32, i32
  }
  func.func @transform_5(%arg0: i32) -> (i32, i32) {
    %c0_i32 = arith.constant 0 : i32
    %c0_i32_0 = arith.constant 0 : i32
    %c0_i32_1 = arith.constant 0 : i32
    return %c0_i32, %c0_i32_0 : i32, i32
  }
  func.func @transform_6(%arg0: i32) -> (i32, i32) {
    %c0_i32 = arith.constant 0 : i32
    %c0_i32_0 = arith.constant 0 : i32
    %c0_i32_1 = arith.constant 0 : i32
    return %c0_i32, %c0_i32_0 : i32, i32
  }
  func.func @transform_7(%arg0: i32) -> (i32, i32) {
    %c0_i32 = arith.constant 0 : i32
    %c0_i32_0 = arith.constant 0 : i32
    %c0_i32_1 = arith.constant 0 : i32
    return %c0_i32, %c0_i32_0 : i32, i32
  }
}

</mosaic_0001>

<sc_bundles>
// kernel: kernel.14.cloned.1.call-start
scs
__scs_entry_jumppad:
0x0: {  	(pc) =	sbr.rel $0x88, $3  }
0x1: {  	(tag) =	ssettag $0x0;
	lr =	simm.s32 $0x1  }
0x2: {  	[smem:$0x3F88] =	sst lr;
	_ =	strace $0xD0000000  }
0x3: {  	_ = 	snop  }
0x4: {  	_ = 	snop  }
0x5: {  	_ = 	snop  }
0x6: {  	_ = 	snop  }
0x7: {  	_ = 	snop  }
__scs_overlays_trampoline_lowered:
0x8: {  	[smem:$0x3F97] =	sst s0  }
0x9: {  	[smem:$0x3F98] =	sst s1  }
0xa: {  	[smem:$0x3F99] =	sst s2  }
0xb: {  	[smem:$0x3F9A] =	sst s3  }
0xc: {  	[smem:$0x3F9B] =	sst s4  }
0xd: {  	[smem:$0x3F9C] =	sst s5  }
0xe: {  	[smem:$0x3F9D] =	sst s6  }
0xf: {  	[smem:$0x3F9E] =	sst s7  }
0x10: {  	[smem:$0x3F9F] =	sst s8  }
0x11: {  	[smem:$0x3FA0] =	sst s9;
	s0 =	simm.s32 @!p0 $0x0  }
0x12: {  	s1 =	sld [smem:$0x3F86];
	s0 =	simm.s32 @p0 $0x1  }
0x13: {  	[smem:$0x3FA1] =	sst s0;
	s0 =	simm.s32 @!p1 $0x0  }
0x14: {  	s2 =	sld [smem:$0x3F85];
	s0 =	simm.s32 @p1 $0x1  }
0x15: {  	[smem:$0x3FA2] =	sst s0;
	s0 =	simm.s32 @!p2 $0x0  }
0x16: {  	s3 =	sld [smem:$0x3FDB];
	s0 =	simm.s32 @p2 $0x1  }
0x17: {  	s4 =	simm.s32 $0x1BF5;
	[smem:$0x3FA4] =	sst s0  }
0x18: {  	s0 =	sld [smem:$0x3F87];
	_ =	swait.ge [sflag:s4], $0x0  }
0x19: {  	s7 =	sld [smem:$0x3F88]  }
0x1a: {  	s8 =	sadd.s32 $0xFFFFE003, lr  }
0x1b: {  	s9 =	sadd.s32 $0xFFFFFEF7, lr;
	s5 =	simm.s32 $0xFFFFFFFF;
	p2 =	slt.u32 s8, $0xFFFFF086  }
0x1c: {  	p1 =	slt.u32 s9, $0xF7A;
	s5 =	simm.s32 @!p2 $0x0  }
0x1d: {  	s5 =	simm.s32 @p1 $0x1;
	p0 =	seq.s32 s7, s2  }
0x1e: {  	s7 =	smul.u32 @!p0 $0xF7A, s2;
	p2 =	seq.s32 @!p0 s5, $0x0  }
0x1f: {  	s9 =	smul.u32 $0xF7A, s1;
	s8 =	simm.s32 @!p0 $0x1BF5;
	p2 =	por !p2, p0  }
0x20: {  	[sflag:s8] =	ssyncset.s32 @!p0 $0xFFFFF086;
	s6 =	sadd.s32 @!p0 s3, s7;
	s7 =	simm.s32 @!p0 $0x108  }
0x21: {  	s3 =	sadd.s32 s3, s9;
	s6 =	sadd.s32 @!p0 $0x88, s6;
	s7 =	simm.s32 @p2 $0x1082  }
0x22: {  	[simem:s7], [sflag:s8] =	dma.local @!p0 [hbm:s6], $0xF7A  }
0x23: {  	s9 =	sor.u32 $0xD0000000, s2;
	s6 =	simm.s32 $0x108;
	_ =	swait.ge @!p0 [sflag:s8], $0x0  }
0x24: {  	s3 =	sadd.s32 $0x88, s3;
	s6 =	simm.s32 @!p1 $0x1082;
	[sflag:s4] =	ssyncset.s32 $0xFFFFF086  }
0x25: {  	[simem:s6], [sflag:s4] =	dma.local [hbm:s3], $0xF7A  }
0x26: {  	[smem:$0x3F88] =	sst s1;
	(tag) =	ssettag s2;
	_ =	strace s9  }
0x27: {  	s1 =	sld [smem:$0x3F98]  }
0x28: {  	s2 =	sld [smem:$0x3F99]  }
0x29: {  	s4 =	sld [smem:$0x3F9B]  }
0x2a: {  	p0 =	seq.s32 s5, $0x0;
	s5 =	sld [smem:$0x3F9C]  }
0x2b: {  	s6 =	sld [smem:$0x3F9D]  }
0x2c: {  	s7 =	sld [smem:$0x3F9E]  }
0x2d: {  	s3 =	simm.s32 $0x108;
	s8 =	sld [smem:$0x3F9F]  }
0x2e: {  	s3 =	simm.s32 @!p0 $0x1082;
	s9 =	sld [smem:$0x3FA0]  }
0x2f: {  	lr =	sadd.s32 s0, s3;
	s0 =	sld [smem:$0x3F97]  }
0x30: {  	s3 =	sld [smem:$0x3F9A]  }
0x31: {  	[smem:$0x3FA3] =	sst s10  }
0x32: {  	s10 =	sld [smem:$0x3FA1];
	_ =	sdelay $0x3  }
0x33: {  	p0 =	seq.s32 s10, $0x1;
	s10 =	sld [smem:$0x3FA3];
	_ =	sdelay $0x3  }
0x34: {  	[smem:$0x3FA3] =	sst s10  }
0x35: {  	s10 =	sld [smem:$0x3FA2];
	_ =	sdelay $0x3  }
0x36: {  	p1 =	seq.s32 s10, $0x1;
	s10 =	sld [smem:$0x3FA3];
	_ =	sdelay $0x3  }
0x37: {  	[smem:$0x3FA3] =	sst s10  }
0x38: {  	s10 =	sld [smem:$0x3FA4]  }
0x39: {  	_ = 	snop;
	(pc) =	sbr.ind lr, $3  }
0x3a: {  	_ = 	snop  }
0x3b: {  	_ = 	snop  }
0x3c: {  	p2 =	seq.s32 s10, $0x1;
	s10 =	sld [smem:$0x3FA3]  }
0x3d: {  	_ =	shalt  }
0x3e: {  	_ =	shalt  }
0x3f: {  	_ =	shalt  }
0x40: {  	_ =	shalt  }
0x41: {  	_ =	shalt  }
0x42: {  	_ =	shalt  }
0x43: {  	_ =	shalt  }
0x44: {  	_ =	shalt  }
0x45: {  	_ =	shalt  }
0x46: {  	_ =	shalt  }
0x47: {  	_ =	shalt  }
0x48: {  	_ =	shalt  }
0x49: {  	_ =	shalt  }
0x4a: {  	_ =	shalt  }
0x4b: {  	_ =	shalt  }
0x4c: {  	_ =	shalt  }
0x4d: {  	_ =	shalt  }
0x4e: {  	_ =	shalt  }
0x4f: {  	_ =	shalt  }
0x50: {  	_ =	shalt  }
0x51: {  	_ =	shalt  }
0x52: {  	_ =	shalt  }
0x53: {  	_ =	shalt  }
0x54: {  	_ =	shalt  }
0x55: {  	_ =	shalt  }
0x56: {  	_ =	shalt  }
0x57: {  	_ =	shalt  }
0x58: {  	_ =	shalt  }
0x59: {  	_ =	shalt  }
0x5a: {  	_ =	shalt  }
0x5b: {  	_ =	shalt  }
0x5c: {  	_ =	shalt  }
0x5d: {  	_ =	shalt  }
0x5e: {  	_ =	shalt  }
0x5f: {  	_ =	shalt  }
0x60: {  	_ =	shalt  }
0x61: {  	_ =	shalt  }
0x62: {  	_ =	shalt  }
0x63: {  	_ =	shalt  }
0x64: {  	_ =	shalt  }
0x65: {  	_ =	shalt  }
0x66: {  	_ =	shalt  }
0x67: {  	_ =	shalt  }
0x68: {  	_ =	shalt  }
0x69: {  	_ =	shalt  }
0x6a: {  	_ =	shalt  }
0x6b: {  	_ =	shalt  }
0x6c: {  	_ =	shalt  }
0x6d: {  	_ =	shalt  }
0x6e: {  	_ =	shalt  }
0x6f: {  	_ =	shalt  }
0x70: {  	_ =	shalt  }
0x71: {  	_ =	shalt  }
0x72: {  	_ =	shalt  }
0x73: {  	_ =	shalt  }
0x74: {  	_ =	shalt  }
0x75: {  	_ =	shalt  }
0x76: {  	_ =	shalt  }
0x77: {  	_ =	shalt  }
0x78: {  	_ =	shalt  }
0x79: {  	_ =	shalt  }
0x7a: {  	_ =	shalt  }
0x7b: {  	_ =	shalt  }
0x7c: {  	_ =	shalt  }
0x7d: {  	_ =	shalt  }
0x7e: {  	_ =	shalt  }
0x7f: {  	_ =	shalt  }
0x80: {  	_ =	shalt  }
0x81: {  	_ =	shalt  }
0x82: {  	_ =	shalt  }
0x83: {  	_ =	shalt  }
0x84: {  	_ =	shalt  }
0x85: {  	_ =	shalt  }
0x86: {  	_ =	shalt  }
0x87: {  	_ =	shalt  }
.Lfunc_end0:
.L_simem_size_0:
called_computation_lowered:
.L_overlay_start_0:
0x88: {  	s2 =	sld [smem:$0x3FD9]  }
0x89: {  	s3 =	sld [smem:$0x3FFE];
	_ =	sdelay $0x1  }
0x8a: {  	s1 =	srdreg.scid  }
0x8b: {  	s0 =	sand.u32 $0x1, s1  }
0x8c: {  	s17 =	sshll.u32 s0, $0xA;
	s2 =	sadd.s32 s3, s2  }
0x8d: {  	s2 =	sadd.s32 s2, s17  }
0x8e: {  	[smem:$0x3FAF] =	sst s2  }
0x8f: {  	_ = 	snop  }
0x90: {  	(tm) =	ssettm $0x1  }
0x91: {  	s18 =	sld [smem:$0x3FFB];
	_ =	sdelay $0x3  }
0x92: {  	_ =	strace s18  }
0x93: {  	s2 =	sld [smem:$0x3FFC];
	_ =	sdelay $0x3  }
0x94: {  	_ =	strace s2  }
0x95: {  	s2 =	sld [smem:$0x3FFD];
	_ =	sdelay $0x3  }
0x96: {  	_ =	strace s2  }
0x97: {  	_ =	strace $0x8FFFFFFF  }
0x98: {  	s19 =	sld [smem:$0x3FDB];
	_ =	sdelay $0x1  }
0x99: {  	s20 =	simm.s32 $_scs_section_size  }
0x9a: {  	s4 =	simm.s32 $_size__tile_overlayer_lowered;
	s5 =	simm.s32 $_tile_overlayer_lowered  }
0x9b: {  	s6 =	simm.s32 $0x1BFF;
	s21 =	sshll.u32 s5, $0x1;
	s3 =	sadd.s32 s20, s19  }
0x9c: {  	s22 =	simm.s32 $0x0;
	s4 =	sshll.u32 s4, $0x1;
	s5 =	sadd.s32 s21, s3  }
0x9d: {  	[timem:s22], [sflag:s6] =	dma.local [hbm:s5], s4  }
0x9e: {  	_ =	swait.ge [sflag:s6], s4  }
0x9f: {  	s4 =	ssub.s32 $0x0, s4;
	[sflag:s6] =	ssyncset.done $0x0  }
0xa0: {  	[sflag:s6] =	ssyncadd.s32 s4;
	_ =	sdelay $0x1  }
0xa1: {  	s23 =	simm.s32 $0x1B8B  }
0xa2: {  	_ =	swait.ge [sflag:s23], $0x1  }
0xa3: {  	[sflag:s23] =	ssyncset.done $0x0  }
0xa4: {  	[sflag:s23] =	ssyncadd.s32 $0xFFFFFFFF  }
0xa5: {  	s4 =	sld [smem:$0x0]  }
0xa6: {  	s5 =	sand.u32 $0xFFFFFFFE, s1  }
0xa7: {  	p0 =	sne.s32 s1, s5  }
0xa8: {  	s5 =	sshll.u32 @p0 s5, $0xE  }
0xa9: {  	s5 =	sadd.s32 @p0 $0x11B8D, s5;
	s6 =	sshll.u32 @p0 s4, $0x11  }
0xaa: {  	s5 =	sor.u32 @p0 s6, s5  }
0xab: {  	[sflag:s5] =	ssyncadd.remote.s32 @p0 $0x1;
	_ =	sdelay $0x1  }
0xac: {  	s5 =	simm.s32 @p0 $0x1B8D  }
0xad: {  	_ =	swait.eq @p0 [sflag:s5], $0x1  }
0xae: {  	[sflag:s5] =	ssyncadd.s32 @p0 $0xFFFFFFFF  }
0xaf: {  	s6 =	sshll.u32 @!p0 s1, $0xE  }
0xb0: {  	s6 =	sor.u32 @!p0 $0x4000, s6;
	s5 =	simm.s32 @!p0 $0x1B8D  }
0xb1: {  	s4 =	sshll.u32 @!p0 s4, $0x11;
	s6 =	sadd.s32 @!p0 $0x11B8D, s6;
	_ =	swait.eq @!p0 [sflag:s5], $0x1  }
0xb2: {  	s4 =	sor.u32 @!p0 s4, s6;
	[sflag:s5] =	ssyncadd.s32 @!p0 $0xFFFFFFFF  }
0xb3: {  	s25 =	simm.s32 $0x1B8E;
	s24 =	sld [smem:$0x3FFE];
	[sflag:s4] =	ssyncadd.remote.s32 @!p0 $0x1  }
0xb4: {  	s26 =	simm.s32 $execute0_lowered;
	[smem:$0x3FD2] =	sst s25  }
0xb5: {  	s5 =	sshll.u32 s26, $0x1;
	_ =	strace $0x80000049;
	[dreg:$0x1] =	wrdreg $0xFFFFFFFF  }
0xb6: {  	s28 =	simm.s32 $_size_execute0_lowered;
	s3 =	sadd.s32 s3, s5;
	[dreg:$0x0] =	wrdreg $0x0  }
0xb7: {  	s5 =	sshll.u32 s28, $0x1;
	[dreg:$0x2] =	wrdreg s3  }
0xb8: {  	[dreg:$0x3] =	wrdreg s5  }
0xb9: {  	[dreg:$0x4] =	wrdreg $0xC0  }
0xba: {  	_ =	task [dreg:s22], $0x5FFFF  }
0xbb: {  	[dreg:$0x1] =	wrdreg $0xFFFFFFFF  }
0xbc: {  	[dreg:$0x0] =	wrdreg $0x60  }
0xbd: {  	[dreg:$0x2] =	wrdreg s24  }
0xbe: {  	[dreg:$0x3] =	wrdreg $0x42680  }
0xbf: {  	[dreg:$0x4] =	wrdreg $0x9  }
0xc0: {  	_ =	task.clear_ibuf [dreg:s22], $0x5FFFF;
	_ =	strace $0x90000049  }
0xc1: {  	s29 =	simm.s32 $0x9;
	_ =	strace $0x8000004B  }
0xc2: {  	_ =	swait.ge [sflag:s29], $0x1  }
0xc3: {  	[sflag:s29] =	ssyncadd.s32 $0xFFFFFFFF  }
0xc4: {  	_ =	strace $0x9000004B  }
0xc5: {  	_ =	sfence  }
0xc6: {  	s30 =	sld [smem:$0x0];
	_ =	sdelay $0x2  }
0xc7: {  	s31 =	sshll.u32 s1, $0xD;
	s1 =	sshrl.u32 s1, $0x2  }
0xc8: {  	s4 =	sand.u32 $0x4000, s31;
	s1 =	sadd.s32 s1, s30  }
0xc9: {  	s0 =	sor.u32 s4, s0;
	s1 =	sshll.u32 s1, $0x11  }
0xca: {  	s0 =	sor.u32 s1, s0  }
0xcb: {  	s0 =	sadd.s32 $0x8F2B, s0  }
0xcc: {  	[sflag:s0] =	ssyncadd.remote.s32 $0x1  }
0xcd: {  	_ =	sfence.sel $0xFFFF  }
0xce: {  	[dreg:$0x0] =	wrdreg $0xFFFFFFFF;
	(pc) =	sbr.abs _section_cstart, $3  }
0xcf: {  	[dreg:$0x1] =	wrdreg $0xFFFFFFFF  }
0xd0: {  	_ =	task.clear_ibuf [dreg:s22], $0x2FFFF;
	_ =	strace $0x9FFFFFFF  }
0xd1: {  	(tm) =	ssettm $0x7FFFFFFF  }
tec
execute0_lowered:
.L_overlay_start_1:
0x0: {  	(tag) =	ssettag $0x1  }
0x1: {  	s7 =	rddreg [dreg:$0x0]  }
0x2: {  	s1 =	rddreg [dreg:$0x1]  }
0x3: {  	s0 =	rddreg [dreg:$0x2];
	s2 =	simm.s32 $0x0;
	s3 =	srdreg.scid  }
0x4: {  	[smem:$0x7FF] =	sst s2;
	s6 =	sand.u32 $0x1, s3  }
0x5: {  	s3 =	stileid.u32;
	s8 =	smul.u32 $0x18800, s6  }
0x6: {  	s4 =	sadd.s32 $0xFCE00, s7;
	s5 =	sadd.s32 $0xFE800, s7;
	s11 =	smul.u32 $0xC400, s3  }
0x7: {  	s14 =	sadd.s32 $0x7F4A0, s7;
	_ =	strace $0x8000004A;
	s29 =	smul.u32 $0xC350, s6  }
0x8: {  	s9 =	ssub.s32 $0x2, s6;
	s30 =	sshll.u32 s3, $0x6;
	s13 =	smul.u32 $0xC35, s3  }
0x9: {  	s10 =	sshrl.u32 s9, $0x1;
	s6 =	sor.u32 $0x1C01, s30;
	s8 =	sadd.s32 s8, s7  }
0xa: {  	s9 =	ssub.s32 s9, s10;
	s12 =	sadd.s32 s11, s1;
	s16 =	sshrl.u32 s11, $0x3  }
0xb: {  	s31 =	sadd.s32 s13, s29;
	s10 =	simm.s32 $0x3E8;
	s13 =	simm.s32 $0x0  }
0xc: {  	s15 =	sadd.s32 $0xFF000, s8;
	s7 =	smax.u32 s9, $0x1;
	s8 =	sshrl.u32 s12, $0x3  }
0xd: {  	s9 =	simm.s32 $0x1;
	s11 =	sadd.s32 s14, s31;
	s12 =	sadd.s32 s16, s15  }
.LBB2_1:
0xe: {  	[spmem:s8], [sflag:s6] =	dma.local [hbm:s4], $0x1880  }
0xf: {  	_ =	swait.ge [sflag:s9], $0x1880  }
0x10: {  	[sflag:s9] =	ssyncset.done $0x0  }
0x11: {  	[sflag:s9] =	ssyncadd.s32 $0xFFFFE780  }
0x12: {  	[tilespmem:s10], [sflag:$0x1] =	stream.linear.gather [hbm4b:s5+s2], $0x3E80, $0x38;
	[tilespmem:$0x10668] =	vst v63  }
0x13: {  	_ =	swait.ge [sflag:s9], $0x3E80  }
0x14: {  	[sflag:s9] =	ssyncset.done $0x0  }
0x15: {  	[sflag:s9] =	ssyncadd.s32 $0xFFFFC180  }
0x16: {  	s14 =	sadd.s32 $0x0, s11;
	[bflag:$0x0] =	sbarrier.arrive $0xFFFF  }
0x17: {  	[tilespmem:s2], [sflag:$0x1] =	stream.linear.gather [hbm4b:s14+s2], $0x3E8, $0x38;
	[tilespmem:$0x10668] =	vst v63  }
0x18: {  	_ =	swait.ge [sflag:s9], $0x3E8  }
0x19: {  	[sflag:s9] =	ssyncset.done $0x0  }
0x1a: {  	[sflag:s9] =	ssyncadd.s32 $0xFFFFFC18  }
0x1b: {  	[spmem:s1] =	stream.indirect.scatter.add.f32 [tilespmem:s10], [sflag:$0x1], $0x10, s2, s10, $0xb8;
	[tilespmem:$0x10668] =	vst v63  }
0x1c: {  	_ =	swait.ge [sflag:s9], $0x3E80  }
0x1d: {  	s15 =	simm.s32 $0xFA;
	s14 =	simm.s32 $0x7D;
	[sflag:s9] =	ssyncset.done $0x0  }
.LBB2_2:
0x1e: {  	s16 =	sadd.s32 s14, s11  }
0x1f: {  	[sflag:s9] =	ssyncadd.s32 $0xFFFFC180;
	s14 =	smov.u32 s15;
	s17 =	sadd.s32 $0x7D, s15  }
0x20: {  	[tilespmem:s2], [sflag:$0x1] =	stream.linear.gather [hbm4b:s16+s2], $0x3E8, $0x38;
	[tilespmem:$0x10668] =	vst v63  }
0x21: {  	p0 =	sne.s32 s15, $0xBB8;
	_ =	swait.ge [sflag:s9], $0x3E8  }
.Ltmp0:
0x22: {  	[sflag:s9] =	ssyncset.done $0x0;
	(pc) =	sbr.rel @p0 .LBB2_2-.Ltmp0, $4  }
0x23: {  	[sflag:s9] =	ssyncadd.s32 $0xFFFFFC18  }
0x24: {  	[spmem:s1] =	stream.indirect.scatter.add.f32 [tilespmem:s10], [sflag:$0x1], $0x10, s2, s10, $0xb8;
	[tilespmem:$0x10668] =	vst v63  }
0x25: {  	_ =	swait.ge [sflag:s9], $0x3E80  }
0x26: {  	s15 =	smov.u32 s17;
	[sflag:s9] =	ssyncset.done $0x0  }
0x27: {  	s14 =	sadd.s32 s14, s11;
	[sflag:s9] =	ssyncadd.s32 $0xFFFFC180  }
0x28: {  	[tilespmem:s2], [sflag:$0x1] =	stream.linear.gather [hbm4b:s14+s2], $0x3E8, $0x38;
	[tilespmem:$0x10668] =	vst v63  }
0x29: {  	_ =	swait.ge [sflag:s9], $0x3E8  }
0x2a: {  	[sflag:s9] =	ssyncset.done $0x0  }
0x2b: {  	[sflag:s9] =	ssyncadd.s32 $0xFFFFFC18  }
0x2c: {  	[spmem:s1] =	stream.indirect.scatter.add.f32 [tilespmem:s10], [sflag:$0x1], $0x10, s2, s10, $0xb8;
	[tilespmem:$0x10668] =	vst v63  }
0x2d: {  	_ =	swait.ge [sflag:s9], $0x3E80  }
0x2e: {  	s13 =	sadd.s32 $0x1, s13;
	[sflag:s9] =	ssyncset.done $0x0  }
0x2f: {  	p0 =	sne.s32 s13, s7;
	[sflag:s9] =	ssyncadd.s32 $0xFFFFC180  }
.Ltmp1:
0x30: {  	[bflag:$0x0] =	sbarrier.arrive $0xFFFF;
	(pc) =	sbr.rel @p0 .LBB2_1-.Ltmp1, $4  }
0x31: {  	[hbm:s12], [sflag:s6] =	dma.local [spmem:s8], $0x1880  }
0x32: {  	_ =	swait.ge [sflag:s9], $0x1880  }
0x33: {  	[sflag:s9] =	ssyncset.done $0x0  }
0x34: {  	[sflag:s9] =	ssyncadd.s32 $0xFFFFE780  }
0x35: {  	_ =	sfence.sel $0x180000  }
0x36: {  	[bflag:$0x0] =	sbarrier.arrive $0xFFFF  }
0x37: {  	p0 =	sne.s32 s3, $0x0;
	_ =	strace $0x9000004A  }
0x38: {  	s0 =	sadd.s32 @!p0 $0x100000, s0;
	[bflag:$0x2] =	sbarrier.arrive $0xFFFF  }
0x39: {  	[sflag:s0] =	ssyncadd.tile.s32 @!p0 $0x1;
	_ =	shalt  }
.Lfunc_end2:
_tile_overlayer_lowered:
.L_overlay_start_2:
0x3a: {  	(tag) =	ssettag $0x2  }
0x3b: {  	s0 =	rddreg [dreg:$0x0];
	s2 =	stileid.u32  }
0x3c: {  	s1 =	rddreg [dreg:$0x1];
	p0 =	sne.s32 s2, $0x0  }
0x3d: {  	s3 =	rddreg [dreg:$0x2];
	[bflag:$0x3] =	sbarrier.arrive $0xFFFF;
	s2 =	simm.s32 @!p0 $0x1C01  }
0x3e: {  	[timem:s3], [sflag:s2] =	dma.local @!p0 [hbm:s0], s1  }
0x3f: {  	s0 =	simm.s32 @!p0 $0x1  }
0x40: {  	_ =	swait.ge @!p0 [sflag:s0], s1  }
0x41: {  	s1 =	ssub.s32 @!p0 $0x0, s1;
	[sflag:s0] =	ssyncset.done @!p0 $0x0  }
0x42: {  	[sflag:s0] =	ssyncadd.s32 @!p0 s1  }
0x43: {  	[bflag:$0x3] =	sbarrier.arrive $0xFFFF  }
0x44: {  	_ =	shalt  }

// kernel: kernel.17.cloned.1.call-start
scs
__scs_entry_jumppad:
0x0: {  	(pc) =	sbr.rel $0x88, $3  }
0x1: {  	(tag) =	ssettag $0x0;
	lr =	simm.s32 $0x1  }
0x2: {  	[smem:$0x3F88] =	sst lr;
	_ =	strace $0xD0000000  }
0x3: {  	_ = 	snop  }
0x4: {  	_ = 	snop  }
0x5: {  	_ = 	snop  }
0x6: {  	_ = 	snop  }
0x7: {  	_ = 	snop  }
__scs_overlays_trampoline_lowered:
0x8: {  	[smem:$0x3F97] =	sst s0  }
0x9: {  	[smem:$0x3F98] =	sst s1  }
0xa: {  	[smem:$0x3F99] =	sst s2  }
0xb: {  	[smem:$0x3F9A] =	sst s3  }
0xc: {  	[smem:$0x3F9B] =	sst s4  }
0xd: {  	[smem:$0x3F9C] =	sst s5  }
0xe: {  	[smem:$0x3F9D] =	sst s6  }
0xf: {  	[smem:$0x3F9E] =	sst s7  }
0x10: {  	[smem:$0x3F9F] =	sst s8  }
0x11: {  	[smem:$0x3FA0] =	sst s9;
	s0 =	simm.s32 @!p0 $0x0  }
0x12: {  	s1 =	sld [smem:$0x3F86];
	s0 =	simm.s32 @p0 $0x1  }
0x13: {  	[smem:$0x3FA1] =	sst s0;
	s0 =	simm.s32 @!p1 $0x0  }
0x14: {  	s2 =	sld [smem:$0x3F85];
	s0 =	simm.s32 @p1 $0x1  }
0x15: {  	[smem:$0x3FA2] =	sst s0;
	s0 =	simm.s32 @!p2 $0x0  }
0x16: {  	s3 =	sld [smem:$0x3FDB];
	s0 =	simm.s32 @p2 $0x1  }
0x17: {  	s4 =	simm.s32 $0x1BF5;
	[smem:$0x3FA4] =	sst s0  }
0x18: {  	s0 =	sld [smem:$0x3F87];
	_ =	swait.ge [sflag:s4], $0x0  }
0x19: {  	s7 =	sld [smem:$0x3F88]  }
0x1a: {  	s8 =	sadd.s32 $0xFFFFE003, lr  }
0x1b: {  	s9 =	sadd.s32 $0xFFFFFEF7, lr;
	s5 =	simm.s32 $0xFFFFFFFF;
	p2 =	slt.u32 s8, $0xFFFFF086  }
0x1c: {  	p1 =	slt.u32 s9, $0xF7A;
	s5 =	simm.s32 @!p2 $0x0  }
0x1d: {  	s5 =	simm.s32 @p1 $0x1;
	p0 =	seq.s32 s7, s2  }
0x1e: {  	s7 =	smul.u32 @!p0 $0xF7A, s2;
	p2 =	seq.s32 @!p0 s5, $0x0  }
0x1f: {  	s9 =	smul.u32 $0xF7A, s1;
	s8 =	simm.s32 @!p0 $0x1BF5;
	p2 =	por !p2, p0  }
0x20: {  	[sflag:s8] =	ssyncset.s32 @!p0 $0xFFFFF086;
	s6 =	sadd.s32 @!p0 s3, s7;
	s7 =	simm.s32 @!p0 $0x108  }
0x21: {  	s3 =	sadd.s32 s3, s9;
	s6 =	sadd.s32 @!p0 $0x88, s6;
	s7 =	simm.s32 @p2 $0x1082  }
0x22: {  	[simem:s7], [sflag:s8] =	dma.local @!p0 [hbm:s6], $0xF7A  }
0x23: {  	s9 =	sor.u32 $0xD0000000, s2;
	s6 =	simm.s32 $0x108;
	_ =	swait.ge @!p0 [sflag:s8], $0x0  }
0x24: {  	s3 =	sadd.s32 $0x88, s3;
	s6 =	simm.s32 @!p1 $0x1082;
	[sflag:s4] =	ssyncset.s32 $0xFFFFF086  }
0x25: {  	[simem:s6], [sflag:s4] =	dma.local [hbm:s3], $0xF7A  }
0x26: {  	[smem:$0x3F88] =	sst s1;
	(tag) =	ssettag s2;
	_ =	strace s9  }
0x27: {  	s1 =	sld [smem:$0x3F98]  }
0x28: {  	s2 =	sld [smem:$0x3F99]  }
0x29: {  	s4 =	sld [smem:$0x3F9B]  }
0x2a: {  	p0 =	seq.s32 s5, $0x0;
	s5 =	sld [smem:$0x3F9C]  }
0x2b: {  	s6 =	sld [smem:$0x3F9D]  }
0x2c: {  	s7 =	sld [smem:$0x3F9E]  }
0x2d: {  	s3 =	simm.s32 $0x108;
	s8 =	sld [smem:$0x3F9F]  }
0x2e: {  	s3 =	simm.s32 @!p0 $0x1082;
	s9 =	sld [smem:$0x3FA0]  }
0x2f: {  	lr =	sadd.s32 s0, s3;
	s0 =	sld [smem:$0x3F97]  }
0x30: {  	s3 =	sld [smem:$0x3F9A]  }
0x31: {  	[smem:$0x3FA3] =	sst s10  }
0x32: {  	s10 =	sld [smem:$0x3FA1];
	_ =	sdelay $0x3  }
0x33: {  	p0 =	seq.s32 s10, $0x1;
	s10 =	sld [smem:$0x3FA3];
	_ =	sdelay $0x3  }
0x34: {  	[smem:$0x3FA3] =	sst s10  }
0x35: {  	s10 =	sld [smem:$0x3FA2];
	_ =	sdelay $0x3  }
0x36: {  	p1 =	seq.s32 s10, $0x1;
	s10 =	sld [smem:$0x3FA3];
	_ =	sdelay $0x3  }
0x37: {  	[smem:$0x3FA3] =	sst s10  }
0x38: {  	s10 =	sld [smem:$0x3FA4]  }
0x39: {  	_ = 	snop;
	(pc) =	sbr.ind lr, $3  }
0x3a: {  	_ = 	snop  }
0x3b: {  	_ = 	snop  }
0x3c: {  	p2 =	seq.s32 s10, $0x1;
	s10 =	sld [smem:$0x3FA3]  }
0x3d: {  	_ =	shalt  }
0x3e: {  	_ =	shalt  }
0x3f: {  	_ =	shalt  }
0x40: {  	_ =	shalt  }
0x41: {  	_ =	shalt  }
0x42: {  	_ =	shalt  }
0x43: {  	_ =	shalt  }
0x44: {  	_ =	shalt  }
0x45: {  	_ =	shalt  }
0x46: {  	_ =	shalt  }
0x47: {  	_ =	shalt  }
0x48: {  	_ =	shalt  }
0x49: {  	_ =	shalt  }
0x4a: {  	_ =	shalt  }
0x4b: {  	_ =	shalt  }
0x4c: {  	_ =	shalt  }
0x4d: {  	_ =	shalt  }
0x4e: {  	_ =	shalt  }
0x4f: {  	_ =	shalt  }
0x50: {  	_ =	shalt  }
0x51: {  	_ =	shalt  }
0x52: {  	_ =	shalt  }
0x53: {  	_ =	shalt  }
0x54: {  	_ =	shalt  }
0x55: {  	_ =	shalt  }
0x56: {  	_ =	shalt  }
0x57: {  	_ =	shalt  }
0x58: {  	_ =	shalt  }
0x59: {  	_ =	shalt  }
0x5a: {  	_ =	shalt  }
0x5b: {  	_ =	shalt  }
0x5c: {  	_ =	shalt  }
0x5d: {  	_ =	shalt  }
0x5e: {  	_ =	shalt  }
0x5f: {  	_ =	shalt  }
0x60: {  	_ =	shalt  }
0x61: {  	_ =	shalt  }
0x62: {  	_ =	shalt  }
0x63: {  	_ =	shalt  }
0x64: {  	_ =	shalt  }
0x65: {  	_ =	shalt  }
0x66: {  	_ =	shalt  }
0x67: {  	_ =	shalt  }
0x68: {  	_ =	shalt  }
0x69: {  	_ =	shalt  }
0x6a: {  	_ =	shalt  }
0x6b: {  	_ =	shalt  }
0x6c: {  	_ =	shalt  }
0x6d: {  	_ =	shalt  }
0x6e: {  	_ =	shalt  }
0x6f: {  	_ =	shalt  }
0x70: {  	_ =	shalt  }
0x71: {  	_ =	shalt  }
0x72: {  	_ =	shalt  }
0x73: {  	_ =	shalt  }
0x74: {  	_ =	shalt  }
0x75: {  	_ =	shalt  }
0x76: {  	_ =	shalt  }
0x77: {  	_ =	shalt  }
0x78: {  	_ =	shalt  }
0x79: {  	_ =	shalt  }
0x7a: {  	_ =	shalt  }
0x7b: {  	_ =	shalt  }
0x7c: {  	_ =	shalt  }
0x7d: {  	_ =	shalt  }
0x7e: {  	_ =	shalt  }
0x7f: {  	_ =	shalt  }
0x80: {  	_ =	shalt  }
0x81: {  	_ =	shalt  }
0x82: {  	_ =	shalt  }
0x83: {  	_ =	shalt  }
0x84: {  	_ =	shalt  }
0x85: {  	_ =	shalt  }
0x86: {  	_ =	shalt  }
0x87: {  	_ =	shalt  }
.Lfunc_end0:
.L_simem_size_0:
called_computation.1_lowered:
.L_overlay_start_0:
0x88: {  	s2 =	sld [smem:$0x3FD9]  }
0x89: {  	s3 =	sld [smem:$0x3FFE];
	_ =	sdelay $0x1  }
0x8a: {  	s1 =	srdreg.scid  }
0x8b: {  	s0 =	sand.u32 $0x1, s1  }
0x8c: {  	s16 =	sshll.u32 s0, $0xA;
	s2 =	sadd.s32 s3, s2  }
0x8d: {  	s2 =	sadd.s32 s2, s16  }
0x8e: {  	[smem:$0x3FAF] =	sst s2  }
0x8f: {  	_ = 	snop  }
0x90: {  	(tm) =	ssettm $0x1  }
0x91: {  	s17 =	sld [smem:$0x3FFB];
	_ =	sdelay $0x3  }
0x92: {  	_ =	strace s17  }
0x93: {  	s2 =	sld [smem:$0x3FFC];
	_ =	sdelay $0x3  }
0x94: {  	_ =	strace s2  }
0x95: {  	s2 =	sld [smem:$0x3FFD];
	_ =	sdelay $0x3  }
0x96: {  	_ =	strace s2  }
0x97: {  	_ =	strace $0x8FFFFFFF  }
0x98: {  	s18 =	sld [smem:$0x3FDB];
	_ =	sdelay $0x1  }
0x99: {  	s19 =	simm.s32 $_scs_section_size  }
0x9a: {  	s4 =	simm.s32 $_size__tile_overlayer_lowered;
	s5 =	simm.s32 $_tile_overlayer_lowered  }
0x9b: {  	s22 =	simm.s32 $0x1BFF;
	s21 =	sshll.u32 s5, $0x1;
	s2 =	sadd.s32 s19, s18  }
0x9c: {  	s6 =	simm.s32 $0x0;
	s20 =	sshll.u32 s4, $0x1;
	s4 =	sadd.s32 s21, s2  }
0x9d: {  	[timem:s6], [sflag:s22] =	dma.local [hbm:s4], s20  }
0x9e: {  	_ =	swait.ge [sflag:s22], s20  }
0x9f: {  	s3 =	ssub.s32 $0x0, s20;
	[sflag:s22] =	ssyncset.done $0x0  }
0xa0: {  	[sflag:s22] =	ssyncadd.s32 s3;
	_ =	sdelay $0x1  }
0xa1: {  	s23 =	simm.s32 $0x1B8B  }
0xa2: {  	_ =	swait.ge [sflag:s23], $0x1  }
0xa3: {  	[sflag:s23] =	ssyncset.done $0x0  }
0xa4: {  	s25 =	simm.s32 $0x1B8E;
	s24 =	sld [smem:$0x3FFE];
	[sflag:s23] =	ssyncadd.s32 $0xFFFFFFFF  }
0xa5: {  	s26 =	simm.s32 $execute0_lowered;
	[smem:$0x3FD2] =	sst s25  }
0xa6: {  	s4 =	sshll.u32 s26, $0x1;
	_ =	strace $0x80000046;
	[dreg:$0x1] =	wrdreg $0xFFFFFFFF  }
0xa7: {  	s28 =	simm.s32 $_size_execute0_lowered;
	s2 =	sadd.s32 s2, s4;
	[dreg:$0x0] =	wrdreg $0x0  }
0xa8: {  	s4 =	sshll.u32 s28, $0x1;
	[dreg:$0x2] =	wrdreg s2  }
0xa9: {  	[dreg:$0x3] =	wrdreg s4  }
0xaa: {  	[dreg:$0x4] =	wrdreg $0xC0  }
0xab: {  	_ =	task [dreg:s6], $0x5FFFF  }
0xac: {  	[dreg:$0x1] =	wrdreg $0xFFFFFFFF  }
0xad: {  	[dreg:$0x0] =	wrdreg $0x60  }
0xae: {  	[dreg:$0x2] =	wrdreg s24  }
0xaf: {  	[dreg:$0x3] =	wrdreg $0x35200  }
0xb0: {  	[dreg:$0x4] =	wrdreg $0xA  }
0xb1: {  	_ =	task.clear_ibuf [dreg:s6], $0x5FFFF;
	_ =	strace $0x90000046  }
0xb2: {  	s29 =	simm.s32 $0xA;
	_ =	strace $0x80000048  }
0xb3: {  	_ =	swait.ge [sflag:s29], $0x1  }
0xb4: {  	[sflag:s29] =	ssyncadd.s32 $0xFFFFFFFF  }
0xb5: {  	_ =	strace $0x90000048  }
0xb6: {  	_ =	sfence  }
0xb7: {  	s30 =	sld [smem:$0x0];
	_ =	sdelay $0x2  }
0xb8: {  	s31 =	sshll.u32 s1, $0xD;
	s1 =	sshrl.u32 s1, $0x2  }
0xb9: {  	s3 =	sand.u32 $0x4000, s31;
	s1 =	sadd.s32 s1, s30  }
0xba: {  	s0 =	sor.u32 s3, s0;
	s1 =	sshll.u32 s1, $0x11  }
0xbb: {  	s0 =	sor.u32 s1, s0  }
0xbc: {  	s0 =	sadd.s32 $0x8F2B, s0  }
0xbd: {  	[sflag:s0] =	ssyncadd.remote.s32 $0x1  }
0xbe: {  	_ =	sfence.sel $0xFFFF  }
0xbf: {  	[dreg:$0x0] =	wrdreg $0xFFFFFFFF;
	(pc) =	sbr.abs _section_cstart, $3  }
0xc0: {  	[dreg:$0x1] =	wrdreg $0xFFFFFFFF  }
0xc1: {  	_ =	task.clear_ibuf [dreg:s6], $0x2FFFF;
	_ =	strace $0x9FFFFFFF  }
0xc2: {  	(tm) =	ssettm $0x7FFFFFFF  }
0xc3: {  	_ =	shalt  }
tec
execute0_lowered:
.L_overlay_start_1:
0x0: {  	(tag) =	ssettag $0x1  }
0x1: {  	s7 =	rddreg [dreg:$0x0]  }
0x2: {  	s1 =	rddreg [dreg:$0x1]  }
0x3: {  	s0 =	rddreg [dreg:$0x2]  }
0x4: {  	s2 =	simm.s32 $0x0;
	s4 =	srdreg.scid;
	s16 =	simm.s32 $0x190  }
0x5: {  	s17 =	simm.s32 $0x1C20;
	s18 =	simm.s32 $0x1;
	s19 =	simm.s32 $0x2  }
0x6: {  	s20 =	simm.s32 $0x258;
	[smem:$0x7FF] =	sst s2;
	s8 =	sand.u32 $0x1, s4  }
0x7: {  	s3 =	sadd.s32 $0x4E00, s7;
	s4 =	stileid.u32;
	s10 =	smul.u32 $0x31000, s8  }
0x8: {  	s5 =	sadd.s32 $0x35E00, s7;
	s9 =	sadd.s32 $0x66E00, s7;
	s13 =	smul.u32 $0xC350, s4  }
0x9: {  	s6 =	sadd.s32 $0x97C00, s7;
	_ =	strace $0x80000047;
	s30 =	smul.u32 $0x18800, s4  }
0xa: {  	s11 =	ssub.s32 $0x2, s8;
	s31 =	sshll.u32 s4, $0x6;
	s14 =	smul.u32 $0x186A, s4  }
0xb: {  	p0 =	seq.s32 s8, $0x1;
	s12 =	sshrl.u32 s11, $0x1;
	s10 =	sadd.s32 s10, s7  }
0xc: {  	s11 =	ssub.s32 s11, s12;
	s13 =	sadd.s32 $0xC288, s13;
	s15 =	sadd.s32 s30, s1  }
.Ltmp0:
0xd: {  	s7 =	sor.u32 $0x1C03, s31;
	s8 =	sadd.s32 s9, s14;
	(pc) =	sbr.rel .LBB2_1-.Ltmp0, $4  }
0xe: {  	s22 =	sshrl.u32 s30, $0x3;
	s12 =	simm.s32 $0x3;
	s14 =	simm.s32 $0xC3500  }
0xf: {  	s13 =	sshrl.u32 s13, $0x3;
	s21 =	sadd.s32 $0x9AE00, s10;
	s10 =	smax.u32 s11, $0x1  }
0x10: {  	s11 =	sshrl.u32 s15, $0x3;
	s15 =	simm.s32 $0x320;
	s9 =	sadd.s32 s9, s13  }
0x11: {  	s13 =	simm.s32 $0xC8;
	s21 =	sadd.s32 s22, s21;
	s22 =	simm.s32 $0x0  }
.LBB2_7:
0x12: {  	s24 =	sadd.s32 $0x1851, s23;
	[sflag:s12] =	ssyncadd.s32 $0xFFFFE700  }
0x13: {  	[tilespmem:s16], [sflag:$0x3] =	stream.strided.gather [hbm4b:s24+s13], $0x190, s14, s13, $0x38;
	[tilespmem:$0x1BD20] =	vst v63  }
0x14: {  	_ =	swait.ge [sflag:s12], $0x190  }
0x15: {  	[sflag:s12] =	ssyncset.done $0x0  }
0x16: {  	[sflag:s12] =	ssyncadd.s32 $0xFFFFFE70  }
0x17: {  	[tilespmem:s17], [sflag:$0x2] =	stream.indirect.gather [hbm4b:s5+s13], $0x20, s16, s13, $0xb8;
	[tilespmem:$0x1BD20] =	vst v63  }
0x18: {  	_ =	swait.ge [sflag:s18], $0x1900  }
0x19: {  	[sflag:s18] =	ssyncset.done $0x0  }
0x1a: {  	[sflag:s18] =	ssyncadd.s32 $0xFFFFE700  }
0x1b: {  	[spmem:s1] =	stream.indirect.scatter.add.f32 [tilespmem:s15], [sflag:$0x3], $0x20, s13, s13, $0xb8;
	[tilespmem:$0x1BD20] =	vst v63  }
0x1c: {  	_ =	swait.ge [sflag:s12], $0x1900  }
0x1d: {  	[sflag:s12] =	ssyncset.done $0x0  }
0x1e: {  	s31 =	sadd.s32 $0x186A, s23;
	[sflag:s12] =	ssyncadd.s32 $0xFFFFE700  }
0x1f: {  	[tilespmem:s2], [sflag:$0x3] =	stream.strided.gather [hbm4b:s31+s13], $0x190, s14, s13, $0x38;
	[tilespmem:$0x1BD20] =	vst v63  }
0x20: {  	_ =	swait.ge [sflag:s12], $0x190  }
0x21: {  	[sflag:s12] =	ssyncset.done $0x0  }
0x22: {  	[sflag:s12] =	ssyncadd.s32 $0xFFFFFE70  }
0x23: {  	[tilespmem:s15], [sflag:$0x1] =	stream.indirect.gather [hbm4b:s5+s13], $0x20, s2, s13, $0xb8;
	[tilespmem:$0x1BD20] =	vst v63  }
0x24: {  	_ =	swait.ge [sflag:s19], $0x1900  }
0x25: {  	[sflag:s19] =	ssyncset.done $0x0  }
0x26: {  	[sflag:s19] =	ssyncadd.s32 $0xFFFFE700  }
0x27: {  	[spmem:s1] =	stream.indirect.scatter.add.f32 [tilespmem:s17], [sflag:$0x3], $0x20, s20, s13, $0xb8;
	[tilespmem:$0x1BD20] =	vst v63  }
0x28: {  	_ =	swait.ge [sflag:s12], $0x1900  }
0x29: {  	[sflag:s12] =	ssyncset.done $0x0  }
0x2a: {  	s23 =	smov.u32 s5;
	[sflag:s12] =	ssyncadd.s32 $0xFFFFE700  }
.LBB2_8:
0x2b: {  	[tilespmem:s16], [sflag:$0x3] =	stream.strided.gather [hbm4b:s9+s13], $0x190, s14, s13, $0x38;
	[tilespmem:$0x1BD20] =	vst v63  }
0x2c: {  	_ =	swait.ge [sflag:s12], $0x190  }
0x2d: {  	[sflag:s12] =	ssyncset.done $0x0  }
0x2e: {  	[sflag:s12] =	ssyncadd.s32 $0xFFFFFE70  }
0x2f: {  	[tilespmem:s17], [sflag:$0x2] =	stream.indirect.gather [hbm4b:s23+s13], $0x20, s16, s13, $0xb8;
	[tilespmem:$0x1BD20] =	vst v63  }
0x30: {  	_ =	swait.ge [sflag:s18], $0x1900  }
0x31: {  	[sflag:s18] =	ssyncset.done $0x0  }
0x32: {  	[sflag:s18] =	ssyncadd.s32 $0xFFFFE700  }
0x33: {  	[spmem:s1] =	stream.indirect.scatter.add.f32 [tilespmem:s15], [sflag:$0x3], $0x20, s13, s13, $0xb8;
	[tilespmem:$0x1BD20] =	vst v63  }
0x34: {  	_ =	swait.ge [sflag:s12], $0x1900  }
0x35: {  	[sflag:s12] =	ssyncset.done $0x0  }
0x36: {  	[sflag:s12] =	ssyncadd.s32 $0xFFFFE700  }
0x37: {  	_ =	swait.ge [sflag:s19], $0x1900  }
0x38: {  	[sflag:s19] =	ssyncset.done $0x0  }
0x39: {  	[sflag:s19] =	ssyncadd.s32 $0xFFFFE700  }
0x3a: {  	[spmem:s1] =	stream.indirect.scatter.add.f32 [tilespmem:s17], [sflag:$0x3], $0x20, s20, s13, $0xb8;
	[tilespmem:$0x1BD20] =	vst v63  }
0x3b: {  	_ =	swait.ge [sflag:s12], $0x1900  }
0x3c: {  	s22 =	sadd.s32 $0x1, s22;
	[sflag:s12] =	ssyncset.done $0x0  }
0x3d: {  	p1 =	sne.s32 s22, s10;
	[sflag:s12] =	ssyncadd.s32 $0xFFFFE700  }
.Ltmp1:
0x3e: {  	[bflag:$0x0] =	sbarrier.arrive $0xFFFF;
	(pc) =	sbr.rel @!p1 .LBB2_9-.Ltmp1, $4  }
0x3f: {  	[hbm:s21], [sflag:s7] =	dma.local [spmem:s11], $0x3100  }
0x40: {  	_ =	swait.ge [sflag:s12], $0x3100  }
0x41: {  	[sflag:s12] =	ssyncset.done $0x0  }
0x42: {  	[sflag:s12] =	ssyncadd.s32 $0xFFFFCF00  }
.LBB2_1:
0x43: {  	[spmem:s11], [sflag:s7] =	dma.local [hbm:s6], $0x3100  }
0x44: {  	_ =	swait.ge [sflag:s12], $0x3100  }
0x45: {  	[sflag:s12] =	ssyncset.done $0x0  }
0x46: {  	[sflag:s12] =	ssyncadd.s32 $0xFFFFCF00  }
.Ltmp2:
0x47: {  	[bflag:$0x0] =	sbarrier.arrive $0xFFFF;
	(pc) =	sbr.rel @!p0 .LBB2_2-.Ltmp2, $4  }
0x48: {  	[tilespmem:s2], [sflag:$0x3] =	stream.strided.gather [hbm4b:s8+s13], $0x190, s14, s13, $0x38;
	[tilespmem:$0x1BD20] =	vst v63  }
0x49: {  	_ =	swait.ge [sflag:s12], $0x190  }
0x4a: {  	[sflag:s12] =	ssyncset.done $0x0  }
0x4b: {  	[sflag:s12] =	ssyncadd.s32 $0xFFFFFE70  }
0x4c: {  	[tilespmem:s15], [sflag:$0x1] =	stream.indirect.gather [hbm4b:s5+s13], $0x20, s2, s13, $0xb8;
	[tilespmem:$0x1BD20] =	vst v63  }
0x4d: {  	s23 =	sadd.s32 $0xFFFFE7C8, s8  }
0x4e: {  	s24 =	sadd.s32 $0x1851, s23  }
0x4f: {  	[tilespmem:s16], [sflag:$0x3] =	stream.strided.gather [hbm4b:s24+s13], $0x190, s14, s13, $0x38;
	[tilespmem:$0x1BD20] =	vst v63  }
0x50: {  	_ =	swait.ge [sflag:s12], $0x190  }
0x51: {  	[sflag:s12] =	ssyncset.done $0x0  }
0x52: {  	[sflag:s12] =	ssyncadd.s32 $0xFFFFFE70  }
0x53: {  	[tilespmem:s17], [sflag:$0x2] =	stream.indirect.gather [hbm4b:s5+s13], $0x20, s16, s13, $0xb8;
	[tilespmem:$0x1BD20] =	vst v63  }
0x54: {  	_ =	swait.ge [sflag:s18], $0x1900  }
0x55: {  	[sflag:s18] =	ssyncset.done $0x0  }
0x56: {  	[sflag:s18] =	ssyncadd.s32 $0xFFFFE700  }
0x57: {  	[spmem:s1] =	stream.indirect.scatter.add.f32 [tilespmem:s15], [sflag:$0x3], $0x20, s13, s13, $0xb8;
	[tilespmem:$0x1BD20] =	vst v63  }
0x58: {  	_ =	swait.ge [sflag:s12], $0x1900  }
0x59: {  	[sflag:s12] =	ssyncset.done $0x0  }
0x5a: {  	s23 =	sadd.s32 $0x186A, s23;
	[sflag:s12] =	ssyncadd.s32 $0xFFFFE700  }
0x5b: {  	[tilespmem:s2], [sflag:$0x3] =	stream.strided.gather [hbm4b:s23+s13], $0x190, s14, s13, $0x38;
	[tilespmem:$0x1BD20] =	vst v63  }
0x5c: {  	_ =	swait.ge [sflag:s12], $0x190  }
0x5d: {  	[sflag:s12] =	ssyncset.done $0x0  }
0x5e: {  	[sflag:s12] =	ssyncadd.s32 $0xFFFFFE70  }
0x5f: {  	[tilespmem:s15], [sflag:$0x1] =	stream.indirect.gather [hbm4b:s5+s13], $0x20, s2, s13, $0xb8;
	[tilespmem:$0x1BD20] =	vst v63  }
0x60: {  	_ =	swait.ge [sflag:s19], $0x1900  }
0x61: {  	[sflag:s19] =	ssyncset.done $0x0  }
0x62: {  	[sflag:s19] =	ssyncadd.s32 $0xFFFFE700  }
0x63: {  	[spmem:s1] =	stream.indirect.scatter.add.f32 [tilespmem:s17], [sflag:$0x3], $0x20, s20, s13, $0xb8;
	[tilespmem:$0x1BD20] =	vst v63  }
0x64: {  	_ =	swait.ge [sflag:s12], $0x1900  }
0x65: {  	s24 =	simm.s32 $0xFFFFE82C;
	s23 =	sadd.s32 $0xFFFFE7FA, s8;
	[sflag:s12] =	ssyncset.done $0x0  }
.LBB2_6:
0x66: {  	s25 =	sadd.s32 $0x1851, s23  }
0x67: {  	[sflag:s12] =	ssyncadd.s32 $0xFFFFE700;
	s26 =	smov.u32 s24;
	s28 =	sadd.s32 $0x32, s24  }
0x68: {  	[tilespmem:s16], [sflag:$0x3] =	stream.strided.gather [hbm4b:s25+s13], $0x190, s14, s13, $0x38;
	[tilespmem:$0x1BD20] =	vst v63  }
0x69: {  	p1 =	sne.s32 s24, $0xFFFFFFCE;
	_ =	swait.ge [sflag:s12], $0x190  }
0x6a: {  	[sflag:s12] =	ssyncset.done $0x0  }
0x6b: {  	[sflag:s12] =	ssyncadd.s32 $0xFFFFFE70  }
0x6c: {  	[tilespmem:s17], [sflag:$0x2] =	stream.indirect.gather [hbm4b:s5+s13], $0x20, s16, s13, $0xb8;
	[tilespmem:$0x1BD20] =	vst v63  }
0x6d: {  	_ =	swait.ge [sflag:s18], $0x1900  }
0x6e: {  	[sflag:s18] =	ssyncset.done $0x0  }
0x6f: {  	[sflag:s18] =	ssyncadd.s32 $0xFFFFE700  }
0x70: {  	[spmem:s1] =	stream.indirect.scatter.add.f32 [tilespmem:s15], [sflag:$0x3], $0x20, s13, s13, $0xb8;
	[tilespmem:$0x1BD20] =	vst v63  }
0x71: {  	_ =	swait.ge [sflag:s12], $0x1900  }
0x72: {  	[sflag:s12] =	ssyncset.done $0x0  }
0x73: {  	s23 =	sadd.s32 $0x186A, s23;
	[sflag:s12] =	ssyncadd.s32 $0xFFFFE700  }
0x74: {  	[tilespmem:s2], [sflag:$0x3] =	stream.strided.gather [hbm4b:s23+s13], $0x190, s14, s13, $0x38;
	[tilespmem:$0x1BD20] =	vst v63  }
0x75: {  	_ =	swait.ge [sflag:s12], $0x190  }
0x76: {  	[sflag:s12] =	ssyncset.done $0x0  }
0x77: {  	[sflag:s12] =	ssyncadd.s32 $0xFFFFFE70  }
0x78: {  	[tilespmem:s15], [sflag:$0x1] =	stream.indirect.gather [hbm4b:s5+s13], $0x20, s2, s13, $0xb8;
	[tilespmem:$0x1BD20] =	vst v63  }
0x79: {  	_ =	swait.ge [sflag:s19], $0x1900  }
.Ltmp3:
0x7a: {  	[sflag:s19] =	ssyncset.done $0x0;
	(pc) =	sbr.rel @p1 .LBB2_6-.Ltmp3, $4  }
0x7b: {  	[sflag:s19] =	ssyncadd.s32 $0xFFFFE700  }
0x7c: {  	[spmem:s1] =	stream.indirect.scatter.add.f32 [tilespmem:s17], [sflag:$0x3], $0x20, s20, s13, $0xb8;
	[tilespmem:$0x1BD20] =	vst v63  }
0x7d: {  	_ =	swait.ge [sflag:s12], $0x1900  }
0x7e: {  	s24 =	smov.u32 s28;
	s23 =	sadd.s32 s26, s8;
	[sflag:s12] =	ssyncset.done $0x0  }
.Ltmp4:
0x7f: {  	_ = 	snop;
	(pc) =	sbr.rel .LBB2_7-.Ltmp4, $1  }
0x80: {  	_ =	sdelay $0x3  }
.LBB2_2:
0x81: {  	[tilespmem:s15], [sflag:$0x1] =	stream.indirect.gather [hbm4b:s3+s13], $0x20, s2, s13, $0xb8;
	[tilespmem:$0x1BD20] =	vst v63  }
0x82: {  	s23 =	sadd.s32 $0xFFFFE7C8, s8  }
0x83: {  	s24 =	sadd.s32 $0x1851, s23  }
0x84: {  	[tilespmem:s16], [sflag:$0x3] =	stream.strided.gather [hbm4b:s24+s13], $0x190, s14, s13, $0x38;
	[tilespmem:$0x1BD20] =	vst v63  }
0x85: {  	_ =	swait.ge [sflag:s12], $0x190  }
0x86: {  	[sflag:s12] =	ssyncset.done $0x0  }
0x87: {  	[sflag:s12] =	ssyncadd.s32 $0xFFFFFE70  }
0x88: {  	[tilespmem:s17], [sflag:$0x2] =	stream.indirect.gather [hbm4b:s3+s13], $0x20, s16, s13, $0xb8;
	[tilespmem:$0x1BD20] =	vst v63  }
0x89: {  	_ =	swait.ge [sflag:s18], $0x1900  }
0x8a: {  	[sflag:s18] =	ssyncset.done $0x0  }
0x8b: {  	[sflag:s18] =	ssyncadd.s32 $0xFFFFE700  }
0x8c: {  	[spmem:s1] =	stream.indirect.scatter.add.f32 [tilespmem:s15], [sflag:$0x3], $0x20, s13, s13, $0xb8;
	[tilespmem:$0x1BD20] =	vst v63  }
0x8d: {  	_ =	swait.ge [sflag:s12], $0x1900  }
0x8e: {  	[sflag:s12] =	ssyncset.done $0x0  }
0x8f: {  	s23 =	sadd.s32 $0x186A, s23;
	[sflag:s12] =	ssyncadd.s32 $0xFFFFE700  }
0x90: {  	[tilespmem:s2], [sflag:$0x3] =	stream.strided.gather [hbm4b:s23+s13], $0x190, s14, s13, $0x38;
	[tilespmem:$0x1BD20] =	vst v63  }
0x91: {  	_ =	swait.ge [sflag:s12], $0x190  }
0x92: {  	[sflag:s12] =	ssyncset.done $0x0  }
0x93: {  	[sflag:s12] =	ssyncadd.s32 $0xFFFFFE70  }
0x94: {  	[tilespmem:s15], [sflag:$0x1] =	stream.indirect.gather [hbm4b:s3+s13], $0x20, s2, s13, $0xb8;
	[tilespmem:$0x1BD20] =	vst v63  }
0x95: {  	_ =	swait.ge [sflag:s19], $0x1900  }
0x96: {  	[sflag:s19] =	ssyncset.done $0x0  }
0x97: {  	[sflag:s19] =	ssyncadd.s32 $0xFFFFE700  }
0x98: {  	[spmem:s1] =	stream.indirect.scatter.add.f32 [tilespmem:s17], [sflag:$0x3], $0x20, s20, s13, $0xb8;
	[tilespmem:$0x1BD20] =	vst v63  }
0x99: {  	_ =	swait.ge [sflag:s12], $0x1900  }
0x9a: {  	s24 =	simm.s32 $0xFFFFE82C;
	s23 =	sadd.s32 $0xFFFFE7FA, s8;
	[sflag:s12] =	ssyncset.done $0x0  }
.LBB2_3:
0x9b: {  	s25 =	sadd.s32 $0x1851, s23  }
0x9c: {  	[sflag:s12] =	ssyncadd.s32 $0xFFFFE700;
	s26 =	smov.u32 s24;
	s28 =	sadd.s32 $0x32, s24  }
0x9d: {  	[tilespmem:s16], [sflag:$0x3] =	stream.strided.gather [hbm4b:s25+s13], $0x190, s14, s13, $0x38;
	[tilespmem:$0x1BD20] =	vst v63  }
0x9e: {  	p1 =	seq.s32 s24, $0xFFFFFFCE;
	_ =	swait.ge [sflag:s12], $0x190  }
0x9f: {  	[sflag:s12] =	ssyncset.done $0x0  }
0xa0: {  	[sflag:s12] =	ssyncadd.s32 $0xFFFFFE70  }
0xa1: {  	[tilespmem:s17], [sflag:$0x2] =	stream.indirect.gather [hbm4b:s3+s13], $0x20, s16, s13, $0xb8;
	[tilespmem:$0x1BD20] =	vst v63  }
0xa2: {  	_ =	swait.ge [sflag:s18], $0x1900  }
0xa3: {  	[sflag:s18] =	ssyncset.done $0x0  }
0xa4: {  	[sflag:s18] =	ssyncadd.s32 $0xFFFFE700  }
0xa5: {  	[spmem:s1] =	stream.indirect.scatter.add.f32 [tilespmem:s15], [sflag:$0x3], $0x20, s13, s13, $0xb8;
	[tilespmem:$0x1BD20] =	vst v63  }
0xa6: {  	_ =	swait.ge [sflag:s12], $0x1900  }
0xa7: {  	[sflag:s12] =	ssyncset.done $0x0  }
0xa8: {  	s23 =	sadd.s32 $0x186A, s23;
	[sflag:s12] =	ssyncadd.s32 $0xFFFFE700  }
0xa9: {  	[tilespmem:s2], [sflag:$0x3] =	stream.strided.gather [hbm4b:s23+s13], $0x190, s14, s13, $0x38;
	[tilespmem:$0x1BD20] =	vst v63  }
0xaa: {  	_ =	swait.ge [sflag:s12], $0x190  }
0xab: {  	[sflag:s12] =	ssyncset.done $0x0  }
0xac: {  	[sflag:s12] =	ssyncadd.s32 $0xFFFFFE70  }
0xad: {  	[tilespmem:s15], [sflag:$0x1] =	stream.indirect.gather [hbm4b:s3+s13], $0x20, s2, s13, $0xb8;
	[tilespmem:$0x1BD20] =	vst v63  }
0xae: {  	_ =	swait.ge [sflag:s19], $0x1900  }
.Ltmp5:
0xaf: {  	[sflag:s19] =	ssyncset.done $0x0;
	(pc) =	sbr.rel @!p1 .LBB2_3-.Ltmp5, $4  }
0xb0: {  	[sflag:s19] =	ssyncadd.s32 $0xFFFFE700  }
0xb1: {  	[spmem:s1] =	stream.indirect.scatter.add.f32 [tilespmem:s17], [sflag:$0x3], $0x20, s20, s13, $0xb8;
	[tilespmem:$0x1BD20] =	vst v63  }
0xb2: {  	_ =	swait.ge [sflag:s12], $0x1900  }
0xb3: {  	s24 =	smov.u32 s28;
	s23 =	sadd.s32 s26, s8;
	[sflag:s12] =	ssyncset.done $0x0  }
0xb4: {  	s24 =	sadd.s32 $0x1851, s23;
	[sflag:s12] =	ssyncadd.s32 $0xFFFFE700  }
0xb5: {  	[tilespmem:s16], [sflag:$0x3] =	stream.strided.gather [hbm4b:s24+s13], $0x190, s14, s13, $0x38;
	[tilespmem:$0x1BD20] =	vst v63  }
0xb6: {  	_ =	swait.ge [sflag:s12], $0x190  }
0xb7: {  	[sflag:s12] =	ssyncset.done $0x0  }
0xb8: {  	[sflag:s12] =	ssyncadd.s32 $0xFFFFFE70  }
0xb9: {  	[tilespmem:s17], [sflag:$0x2] =	stream.indirect.gather [hbm4b:s3+s13], $0x20, s16, s13, $0xb8;
	[tilespmem:$0x1BD20] =	vst v63  }
0xba: {  	_ =	swait.ge [sflag:s18], $0x1900  }
0xbb: {  	[sflag:s18] =	ssyncset.done $0x0  }
0xbc: {  	[sflag:s18] =	ssyncadd.s32 $0xFFFFE700  }
0xbd: {  	[spmem:s1] =	stream.indirect.scatter.add.f32 [tilespmem:s15], [sflag:$0x3], $0x20, s13, s13, $0xb8;
	[tilespmem:$0x1BD20] =	vst v63  }
0xbe: {  	_ =	swait.ge [sflag:s12], $0x1900  }
0xbf: {  	[sflag:s12] =	ssyncset.done $0x0  }
0xc0: {  	s31 =	sadd.s32 $0x186A, s23;
	[sflag:s12] =	ssyncadd.s32 $0xFFFFE700  }
0xc1: {  	[tilespmem:s2], [sflag:$0x3] =	stream.strided.gather [hbm4b:s31+s13], $0x190, s14, s13, $0x38;
	[tilespmem:$0x1BD20] =	vst v63  }
0xc2: {  	_ =	swait.ge [sflag:s12], $0x190  }
0xc3: {  	[sflag:s12] =	ssyncset.done $0x0  }
0xc4: {  	[sflag:s12] =	ssyncadd.s32 $0xFFFFFE70  }
0xc5: {  	[tilespmem:s15], [sflag:$0x1] =	stream.indirect.gather [hbm4b:s3+s13], $0x20, s2, s13, $0xb8;
	[tilespmem:$0x1BD20] =	vst v63  }
0xc6: {  	_ =	swait.ge [sflag:s19], $0x1900  }
0xc7: {  	[sflag:s19] =	ssyncset.done $0x0  }
.Ltmp6:
0xc8: {  	[sflag:s19] =	ssyncadd.s32 $0xFFFFE700;
	(pc) =	sbr.rel .LBB2_8-.Ltmp6, $4  }
0xc9: {  	[spmem:s1] =	stream.indirect.scatter.add.f32 [tilespmem:s17], [sflag:$0x3], $0x20, s20, s13, $0xb8;
	[tilespmem:$0x1BD20] =	vst v63  }
0xca: {  	_ =	swait.ge [sflag:s12], $0x1900  }
0xcb: {  	[sflag:s12] =	ssyncset.done $0x0  }
0xcc: {  	s23 =	smov.u32 s3;
	[sflag:s12] =	ssyncadd.s32 $0xFFFFE700  }
.LBB2_9:
0xcd: {  	_ =	sfence.sel $0x180000  }
0xce: {  	[bflag:$0x0] =	sbarrier.arrive $0xFFFF  }
0xcf: {  	p0 =	sne.s32 s4, $0x0;
	_ =	strace $0x90000047  }
0xd0: {  	s0 =	sadd.s32 @!p0 $0x100000, s0;
	[bflag:$0x2] =	sbarrier.arrive $0xFFFF  }
0xd1: {  	[sflag:s0] =	ssyncadd.tile.s32 @!p0 $0x1;
	_ =	shalt  }
.Lfunc_end2:
_tile_overlayer_lowered:
.L_overlay_start_2:
0xd2: {  	(tag) =	ssettag $0x2  }
0xd3: {  	s0 =	rddreg [dreg:$0x0];
	s2 =	stileid.u32  }
0xd4: {  	s1 =	rddreg [dreg:$0x1];
	p0 =	sne.s32 s2, $0x0  }
0xd5: {  	s3 =	rddreg [dreg:$0x2];
	[bflag:$0x3] =	sbarrier.arrive $0xFFFF;
	s2 =	simm.s32 @!p0 $0x1C03  }
0xd6: {  	[timem:s3], [sflag:s2] =	dma.local @!p0 [hbm:s0], s1  }
0xd7: {  	s0 =	simm.s32 @!p0 $0x3  }
0xd8: {  	_ =	swait.ge @!p0 [sflag:s0], s1  }
0xd9: {  	s1 =	ssub.s32 @!p0 $0x0, s1;
	[sflag:s0] =	ssyncset.done @!p0 $0x0  }
0xda: {  	[sflag:s0] =	ssyncadd.s32 @!p0 s1  }
0xdb: {  	[bflag:$0x3] =	sbarrier.arrive $0xFFFF  }
0xdc: {  	_ =	shalt  }

// kernel: kernel.20.cloned.1.call-start
scs
__scs_entry_jumppad:
0x0: {  	(pc) =	sbr.rel $0x88, $3  }
0x1: {  	(tag) =	ssettag $0x0;
	lr =	simm.s32 $0x1  }
0x2: {  	[smem:$0x3F88] =	sst lr;
	_ =	strace $0xD0000000  }
0x3: {  	_ = 	snop  }
0x4: {  	_ = 	snop  }
0x5: {  	_ = 	snop  }
0x6: {  	_ = 	snop  }
0x7: {  	_ = 	snop  }
__scs_overlays_trampoline_lowered:
0x8: {  	[smem:$0x3F97] =	sst s0  }
0x9: {  	[smem:$0x3F98] =	sst s1  }
0xa: {  	[smem:$0x3F99] =	sst s2  }
0xb: {  	[smem:$0x3F9A] =	sst s3  }
0xc: {  	[smem:$0x3F9B] =	sst s4  }
0xd: {  	[smem:$0x3F9C] =	sst s5  }
0xe: {  	[smem:$0x3F9D] =	sst s6  }
0xf: {  	[smem:$0x3F9E] =	sst s7  }
0x10: {  	[smem:$0x3F9F] =	sst s8  }
0x11: {  	[smem:$0x3FA0] =	sst s9;
	s0 =	simm.s32 @!p0 $0x0  }
0x12: {  	s1 =	sld [smem:$0x3F86];
	s0 =	simm.s32 @p0 $0x1  }
0x13: {  	[smem:$0x3FA1] =	sst s0;
	s0 =	simm.s32 @!p1 $0x0  }
0x14: {  	s2 =	sld [smem:$0x3F85];
	s0 =	simm.s32 @p1 $0x1  }
0x15: {  	[smem:$0x3FA2] =	sst s0;
	s0 =	simm.s32 @!p2 $0x0  }
0x16: {  	s3 =	sld [smem:$0x3FDB];
	s0 =	simm.s32 @p2 $0x1  }
0x17: {  	s4 =	simm.s32 $0x1BF5;
	[smem:$0x3FA4] =	sst s0  }
0x18: {  	s0 =	sld [smem:$0x3F87];
	_ =	swait.ge [sflag:s4], $0x0  }
0x19: {  	s7 =	sld [smem:$0x3F88]  }
0x1a: {  	s8 =	sadd.s32 $0xFFFFE003, lr  }
0x1b: {  	s9 =	sadd.s32 $0xFFFFFEF7, lr;
	s5 =	simm.s32 $0xFFFFFFFF;
	p2 =	slt.u32 s8, $0xFFFFF086  }
0x1c: {  	p1 =	slt.u32 s9, $0xF7A;
	s5 =	simm.s32 @!p2 $0x0  }
0x1d: {  	s5 =	simm.s32 @p1 $0x1;
	p0 =	seq.s32 s7, s2  }
0x1e: {  	s7 =	smul.u32 @!p0 $0xF7A, s2;
	p2 =	seq.s32 @!p0 s5, $0x0  }
0x1f: {  	s9 =	smul.u32 $0xF7A, s1;
	s8 =	simm.s32 @!p0 $0x1BF5;
	p2 =	por !p2, p0  }
0x20: {  	[sflag:s8] =	ssyncset.s32 @!p0 $0xFFFFF086;
	s6 =	sadd.s32 @!p0 s3, s7;
	s7 =	simm.s32 @!p0 $0x108  }
0x21: {  	s3 =	sadd.s32 s3, s9;
	s6 =	sadd.s32 @!p0 $0x88, s6;
	s7 =	simm.s32 @p2 $0x1082  }
0x22: {  	[simem:s7], [sflag:s8] =	dma.local @!p0 [hbm:s6], $0xF7A  }
0x23: {  	s9 =	sor.u32 $0xD0000000, s2;
	s6 =	simm.s32 $0x108;
	_ =	swait.ge @!p0 [sflag:s8], $0x0  }
0x24: {  	s3 =	sadd.s32 $0x88, s3;
	s6 =	simm.s32 @!p1 $0x1082;
	[sflag:s4] =	ssyncset.s32 $0xFFFFF086  }
0x25: {  	[simem:s6], [sflag:s4] =	dma.local [hbm:s3], $0xF7A  }
0x26: {  	[smem:$0x3F88] =	sst s1;
	(tag) =	ssettag s2;
	_ =	strace s9  }
0x27: {  	s1 =	sld [smem:$0x3F98]  }
0x28: {  	s2 =	sld [smem:$0x3F99]  }
0x29: {  	s4 =	sld [smem:$0x3F9B]  }
0x2a: {  	p0 =	seq.s32 s5, $0x0;
	s5 =	sld [smem:$0x3F9C]  }
0x2b: {  	s6 =	sld [smem:$0x3F9D]  }
0x2c: {  	s7 =	sld [smem:$0x3F9E]  }
0x2d: {  	s3 =	simm.s32 $0x108;
	s8 =	sld [smem:$0x3F9F]  }
0x2e: {  	s3 =	simm.s32 @!p0 $0x1082;
	s9 =	sld [smem:$0x3FA0]  }
0x2f: {  	lr =	sadd.s32 s0, s3;
	s0 =	sld [smem:$0x3F97]  }
0x30: {  	s3 =	sld [smem:$0x3F9A]  }
0x31: {  	[smem:$0x3FA3] =	sst s10  }
0x32: {  	s10 =	sld [smem:$0x3FA1];
	_ =	sdelay $0x3  }
0x33: {  	p0 =	seq.s32 s10, $0x1;
	s10 =	sld [smem:$0x3FA3];
	_ =	sdelay $0x3  }
0x34: {  	[smem:$0x3FA3] =	sst s10  }
0x35: {  	s10 =	sld [smem:$0x3FA2];
	_ =	sdelay $0x3  }
0x36: {  	p1 =	seq.s32 s10, $0x1;
	s10 =	sld [smem:$0x3FA3];
	_ =	sdelay $0x3  }
0x37: {  	[smem:$0x3FA3] =	sst s10  }
0x38: {  	s10 =	sld [smem:$0x3FA4]  }
0x39: {  	_ = 	snop;
	(pc) =	sbr.ind lr, $3  }
0x3a: {  	_ = 	snop  }
0x3b: {  	_ = 	snop  }
0x3c: {  	p2 =	seq.s32 s10, $0x1;
	s10 =	sld [smem:$0x3FA3]  }
0x3d: {  	_ =	shalt  }
0x3e: {  	_ =	shalt  }
0x3f: {  	_ =	shalt  }
0x40: {  	_ =	shalt  }
0x41: {  	_ =	shalt  }
0x42: {  	_ =	shalt  }
0x43: {  	_ =	shalt  }
0x44: {  	_ =	shalt  }
0x45: {  	_ =	shalt  }
0x46: {  	_ =	shalt  }
0x47: {  	_ =	shalt  }
0x48: {  	_ =	shalt  }
0x49: {  	_ =	shalt  }
0x4a: {  	_ =	shalt  }
0x4b: {  	_ =	shalt  }
0x4c: {  	_ =	shalt  }
0x4d: {  	_ =	shalt  }
0x4e: {  	_ =	shalt  }
0x4f: {  	_ =	shalt  }
0x50: {  	_ =	shalt  }
0x51: {  	_ =	shalt  }
0x52: {  	_ =	shalt  }
0x53: {  	_ =	shalt  }
0x54: {  	_ =	shalt  }
0x55: {  	_ =	shalt  }
0x56: {  	_ =	shalt  }
0x57: {  	_ =	shalt  }
0x58: {  	_ =	shalt  }
0x59: {  	_ =	shalt  }
0x5a: {  	_ =	shalt  }
0x5b: {  	_ =	shalt  }
0x5c: {  	_ =	shalt  }
0x5d: {  	_ =	shalt  }
0x5e: {  	_ =	shalt  }
0x5f: {  	_ =	shalt  }
0x60: {  	_ =	shalt  }
0x61: {  	_ =	shalt  }
0x62: {  	_ =	shalt  }
0x63: {  	_ =	shalt  }
0x64: {  	_ =	shalt  }
0x65: {  	_ =	shalt  }
0x66: {  	_ =	shalt  }
0x67: {  	_ =	shalt  }
0x68: {  	_ =	shalt  }
0x69: {  	_ =	shalt  }
0x6a: {  	_ =	shalt  }
0x6b: {  	_ =	shalt  }
0x6c: {  	_ =	shalt  }
0x6d: {  	_ =	shalt  }
0x6e: {  	_ =	shalt  }
0x6f: {  	_ =	shalt  }
0x70: {  	_ =	shalt  }
0x71: {  	_ =	shalt  }
0x72: {  	_ =	shalt  }
0x73: {  	_ =	shalt  }
0x74: {  	_ =	shalt  }
0x75: {  	_ =	shalt  }
0x76: {  	_ =	shalt  }
0x77: {  	_ =	shalt  }
0x78: {  	_ =	shalt  }
0x79: {  	_ =	shalt  }
0x7a: {  	_ =	shalt  }
0x7b: {  	_ =	shalt  }
0x7c: {  	_ =	shalt  }
0x7d: {  	_ =	shalt  }
0x7e: {  	_ =	shalt  }
0x7f: {  	_ =	shalt  }
0x80: {  	_ =	shalt  }
0x81: {  	_ =	shalt  }
0x82: {  	_ =	shalt  }
0x83: {  	_ =	shalt  }
0x84: {  	_ =	shalt  }
0x85: {  	_ =	shalt  }
0x86: {  	_ =	shalt  }
0x87: {  	_ =	shalt  }
.Lfunc_end0:
.L_simem_size_0:
called_computation.2_lowered:
.L_overlay_start_0:
0x88: {  	s2 =	sld [smem:$0x3FD9]  }
0x89: {  	s3 =	sld [smem:$0x3FFE];
	_ =	sdelay $0x1  }
0x8a: {  	s1 =	srdreg.scid  }
0x8b: {  	s0 =	sand.u32 $0x1, s1  }
0x8c: {  	s16 =	sshll.u32 s0, $0xA;
	s2 =	sadd.s32 s3, s2  }
0x8d: {  	s2 =	sadd.s32 s2, s16  }
0x8e: {  	[smem:$0x3FAF] =	sst s2  }
0x8f: {  	_ = 	snop  }
0x90: {  	(tm) =	ssettm $0x1  }
0x91: {  	s17 =	sld [smem:$0x3FFB];
	_ =	sdelay $0x3  }
0x92: {  	_ =	strace s17  }
0x93: {  	s2 =	sld [smem:$0x3FFC];
	_ =	sdelay $0x3  }
0x94: {  	_ =	strace s2  }
0x95: {  	s2 =	sld [smem:$0x3FFD];
	_ =	sdelay $0x3  }
0x96: {  	_ =	strace s2  }
0x97: {  	_ =	strace $0x8FFFFFFF  }
0x98: {  	s18 =	sld [smem:$0x3FDB];
	_ =	sdelay $0x1  }
0x99: {  	s19 =	simm.s32 $_scs_section_size  }
0x9a: {  	s4 =	simm.s32 $_size__tile_overlayer_lowered;
	s5 =	simm.s32 $_tile_overlayer_lowered  }
0x9b: {  	s22 =	simm.s32 $0x1BFF;
	s21 =	sshll.u32 s5, $0x1;
	s2 =	sadd.s32 s19, s18  }
0x9c: {  	s6 =	simm.s32 $0x0;
	s20 =	sshll.u32 s4, $0x1;
	s4 =	sadd.s32 s21, s2  }
0x9d: {  	[timem:s6], [sflag:s22] =	dma.local [hbm:s4], s20  }
0x9e: {  	_ =	swait.ge [sflag:s22], s20  }
0x9f: {  	s3 =	ssub.s32 $0x0, s20;
	[sflag:s22] =	ssyncset.done $0x0  }
0xa0: {  	[sflag:s22] =	ssyncadd.s32 s3;
	_ =	sdelay $0x1  }
0xa1: {  	s23 =	simm.s32 $0x1B8B  }
0xa2: {  	_ =	swait.ge [sflag:s23], $0x1  }
0xa3: {  	[sflag:s23] =	ssyncset.done $0x0  }
0xa4: {  	s25 =	simm.s32 $0x1B8E;
	s24 =	sld [smem:$0x3FFE];
	[sflag:s23] =	ssyncadd.s32 $0xFFFFFFFF  }
0xa5: {  	s26 =	simm.s32 $execute0_lowered;
	[smem:$0x3FD2] =	sst s25  }
0xa6: {  	s4 =	sshll.u32 s26, $0x1;
	_ =	strace $0x8000004C;
	[dreg:$0x1] =	wrdreg $0xFFFFFFFF  }
0xa7: {  	s28 =	simm.s32 $_size_execute0_lowered;
	s2 =	sadd.s32 s2, s4;
	[dreg:$0x0] =	wrdreg $0x0  }
0xa8: {  	s4 =	sshll.u32 s28, $0x1;
	[dreg:$0x2] =	wrdreg s2  }
0xa9: {  	[dreg:$0x3] =	wrdreg s4  }
0xaa: {  	[dreg:$0x4] =	wrdreg $0xC0  }
0xab: {  	_ =	task [dreg:s6], $0x5FFFF  }
0xac: {  	[dreg:$0x1] =	wrdreg $0xFFFFFFFF  }
0xad: {  	[dreg:$0x0] =	wrdreg $0x60  }
0xae: {  	[dreg:$0x2] =	wrdreg s24  }
0xaf: {  	[dreg:$0x3] =	wrdreg $0x35200  }
0xb0: {  	[dreg:$0x4] =	wrdreg $0x9  }
0xb1: {  	_ =	task.clear_ibuf [dreg:s6], $0x5FFFF;
	_ =	strace $0x9000004C  }
0xb2: {  	s29 =	simm.s32 $0x9;
	_ =	strace $0x8000004E  }
0xb3: {  	_ =	swait.ge [sflag:s29], $0x1  }
0xb4: {  	[sflag:s29] =	ssyncadd.s32 $0xFFFFFFFF  }
0xb5: {  	_ =	strace $0x9000004E  }
0xb6: {  	_ =	sfence  }
0xb7: {  	s30 =	sld [smem:$0x0];
	_ =	sdelay $0x2  }
0xb8: {  	s31 =	sshll.u32 s1, $0xD;
	s1 =	sshrl.u32 s1, $0x2  }
0xb9: {  	s3 =	sand.u32 $0x4000, s31;
	s1 =	sadd.s32 s1, s30  }
0xba: {  	s0 =	sor.u32 s3, s0;
	s1 =	sshll.u32 s1, $0x11  }
0xbb: {  	s0 =	sor.u32 s1, s0  }
0xbc: {  	s0 =	sadd.s32 $0x8F2B, s0  }
0xbd: {  	[sflag:s0] =	ssyncadd.remote.s32 $0x1  }
0xbe: {  	_ =	sfence.sel $0xFFFF  }
0xbf: {  	[dreg:$0x0] =	wrdreg $0xFFFFFFFF;
	(pc) =	sbr.abs _section_cstart, $3  }
0xc0: {  	[dreg:$0x1] =	wrdreg $0xFFFFFFFF  }
0xc1: {  	_ =	task.clear_ibuf [dreg:s6], $0x2FFFF;
	_ =	strace $0x9FFFFFFF  }
0xc2: {  	(tm) =	ssettm $0x7FFFFFFF  }
0xc3: {  	_ =	shalt  }
tec
execute0_lowered:
.L_overlay_start_1:
0x0: {  	(tag) =	ssettag $0x1  }
0x1: {  	s7 =	rddreg [dreg:$0x0]  }
0x2: {  	s1 =	rddreg [dreg:$0x1]  }
0x3: {  	s0 =	rddreg [dreg:$0x2]  }
0x4: {  	s2 =	simm.s32 $0x0;
	s4 =	srdreg.scid;
	s16 =	simm.s32 $0x190  }
0x5: {  	s17 =	simm.s32 $0x1C20;
	s18 =	simm.s32 $0x1;
	s19 =	simm.s32 $0x2  }
0x6: {  	s20 =	simm.s32 $0x258;
	[smem:$0x7FF] =	sst s2;
	s8 =	sand.u32 $0x1, s4  }
0x7: {  	s3 =	sadd.s32 $0x4E00, s7;
	s4 =	stileid.u32;
	s10 =	smul.u32 $0x31000, s8  }
0x8: {  	s5 =	sadd.s32 $0x35E00, s7;
	s9 =	sadd.s32 $0x66E00, s7;
	s13 =	smul.u32 $0xC350, s4  }
0x9: {  	s6 =	sadd.s32 $0x97C00, s7;
	_ =	strace $0x8000004D;
	s30 =	smul.u32 $0x18800, s4  }
0xa: {  	s11 =	ssub.s32 $0x2, s8;
	s31 =	sshll.u32 s4, $0x6;
	s14 =	smul.u32 $0x186A, s4  }
0xb: {  	p0 =	seq.s32 s8, $0x1;
	s12 =	sshrl.u32 s11, $0x1;
	s10 =	sadd.s32 s10, s7  }
0xc: {  	s11 =	ssub.s32 s11, s12;
	s13 =	sadd.s32 $0xC288, s13;
	s15 =	sadd.s32 s30, s1  }
.Ltmp0:
0xd: {  	s7 =	sor.u32 $0x1C03, s31;
	s8 =	sadd.s32 s9, s14;
	(pc) =	sbr.rel .LBB2_1-.Ltmp0, $4  }
0xe: {  	s22 =	sshrl.u32 s30, $0x3;
	s12 =	simm.s32 $0x3;
	s14 =	simm.s32 $0xC3500  }
0xf: {  	s13 =	sshrl.u32 s13, $0x3;
	s21 =	sadd.s32 $0x9AE00, s10;
	s10 =	smax.u32 s11, $0x1  }
0x10: {  	s11 =	sshrl.u32 s15, $0x3;
	s15 =	simm.s32 $0x320;
	s9 =	sadd.s32 s9, s13  }
0x11: {  	s13 =	simm.s32 $0xC8;
	s21 =	sadd.s32 s22, s21;
	s22 =	simm.s32 $0x0  }
.LBB2_7:
0x12: {  	s24 =	sadd.s32 $0x1851, s23;
	[sflag:s12] =	ssyncadd.s32 $0xFFFFE700  }
0x13: {  	[tilespmem:s16], [sflag:$0x3] =	stream.strided.gather [hbm4b:s24+s13], $0x190, s14, s13, $0x38;
	[tilespmem:$0x1BD20] =	vst v63  }
0x14: {  	_ =	swait.ge [sflag:s12], $0x190  }
0x15: {  	[sflag:s12] =	ssyncset.done $0x0  }
0x16: {  	[sflag:s12] =	ssyncadd.s32 $0xFFFFFE70  }
0x17: {  	[tilespmem:s17], [sflag:$0x2] =	stream.indirect.gather [hbm4b:s5+s13], $0x20, s16, s13, $0xb8;
	[tilespmem:$0x1BD20] =	vst v63  }
0x18: {  	_ =	swait.ge [sflag:s18], $0x1900  }
0x19: {  	[sflag:s18] =	ssyncset.done $0x0  }
0x1a: {  	[sflag:s18] =	ssyncadd.s32 $0xFFFFE700  }
0x1b: {  	[spmem:s1] =	stream.indirect.scatter.add.f32 [tilespmem:s15], [sflag:$0x3], $0x20, s13, s13, $0xb8;
	[tilespmem:$0x1BD20] =	vst v63  }
0x1c: {  	_ =	swait.ge [sflag:s12], $0x1900  }
0x1d: {  	[sflag:s12] =	ssyncset.done $0x0  }
0x1e: {  	s31 =	sadd.s32 $0x186A, s23;
	[sflag:s12] =	ssyncadd.s32 $0xFFFFE700  }
0x1f: {  	[tilespmem:s2], [sflag:$0x3] =	stream.strided.gather [hbm4b:s31+s13], $0x190, s14, s13, $0x38;
	[tilespmem:$0x1BD20] =	vst v63  }
0x20: {  	_ =	swait.ge [sflag:s12], $0x190  }
0x21: {  	[sflag:s12] =	ssyncset.done $0x0  }
0x22: {  	[sflag:s12] =	ssyncadd.s32 $0xFFFFFE70  }
0x23: {  	[tilespmem:s15], [sflag:$0x1] =	stream.indirect.gather [hbm4b:s5+s13], $0x20, s2, s13, $0xb8;
	[tilespmem:$0x1BD20] =	vst v63  }
0x24: {  	_ =	swait.ge [sflag:s19], $0x1900  }
0x25: {  	[sflag:s19] =	ssyncset.done $0x0  }
0x26: {  	[sflag:s19] =	ssyncadd.s32 $0xFFFFE700  }
0x27: {  	[spmem:s1] =	stream.indirect.scatter.add.f32 [tilespmem:s17], [sflag:$0x3], $0x20, s20, s13, $0xb8;
	[tilespmem:$0x1BD20] =	vst v63  }
0x28: {  	_ =	swait.ge [sflag:s12], $0x1900  }
0x29: {  	[sflag:s12] =	ssyncset.done $0x0  }
0x2a: {  	s23 =	smov.u32 s5;
	[sflag:s12] =	ssyncadd.s32 $0xFFFFE700  }
.LBB2_8:
0x2b: {  	[tilespmem:s16], [sflag:$0x3] =	stream.strided.gather [hbm4b:s9+s13], $0x190, s14, s13, $0x38;
	[tilespmem:$0x1BD20] =	vst v63  }
0x2c: {  	_ =	swait.ge [sflag:s12], $0x190  }
0x2d: {  	[sflag:s12] =	ssyncset.done $0x0  }
0x2e: {  	[sflag:s12] =	ssyncadd.s32 $0xFFFFFE70  }
0x2f: {  	[tilespmem:s17], [sflag:$0x2] =	stream.indirect.gather [hbm4b:s23+s13], $0x20, s16, s13, $0xb8;
	[tilespmem:$0x1BD20] =	vst v63  }
0x30: {  	_ =	swait.ge [sflag:s18], $0x1900  }
0x31: {  	[sflag:s18] =	ssyncset.done $0x0  }
0x32: {  	[sflag:s18] =	ssyncadd.s32 $0xFFFFE700  }
0x33: {  	[spmem:s1] =	stream.indirect.scatter.add.f32 [tilespmem:s15], [sflag:$0x3], $0x20, s13, s13, $0xb8;
	[tilespmem:$0x1BD20] =	vst v63  }
0x34: {  	_ =	swait.ge [sflag:s12], $0x1900  }
0x35: {  	[sflag:s12] =	ssyncset.done $0x0  }
0x36: {  	[sflag:s12] =	ssyncadd.s32 $0xFFFFE700  }
0x37: {  	_ =	swait.ge [sflag:s19], $0x1900  }
0x38: {  	[sflag:s19] =	ssyncset.done $0x0  }
0x39: {  	[sflag:s19] =	ssyncadd.s32 $0xFFFFE700  }
0x3a: {  	[spmem:s1] =	stream.indirect.scatter.add.f32 [tilespmem:s17], [sflag:$0x3], $0x20, s20, s13, $0xb8;
	[tilespmem:$0x1BD20] =	vst v63  }
0x3b: {  	_ =	swait.ge [sflag:s12], $0x1900  }
0x3c: {  	s22 =	sadd.s32 $0x1, s22;
	[sflag:s12] =	ssyncset.done $0x0  }
0x3d: {  	p1 =	sne.s32 s22, s10;
	[sflag:s12] =	ssyncadd.s32 $0xFFFFE700  }
.Ltmp1:
0x3e: {  	[bflag:$0x0] =	sbarrier.arrive $0xFFFF;
	(pc) =	sbr.rel @!p1 .LBB2_9-.Ltmp1, $4  }
0x3f: {  	[hbm:s21], [sflag:s7] =	dma.local [spmem:s11], $0x3100  }
0x40: {  	_ =	swait.ge [sflag:s12], $0x3100  }
0x41: {  	[sflag:s12] =	ssyncset.done $0x0  }
0x42: {  	[sflag:s12] =	ssyncadd.s32 $0xFFFFCF00  }
.LBB2_1:
0x43: {  	[spmem:s11], [sflag:s7] =	dma.local [hbm:s6], $0x3100  }
0x44: {  	_ =	swait.ge [sflag:s12], $0x3100  }
0x45: {  	[sflag:s12] =	ssyncset.done $0x0  }
0x46: {  	[sflag:s12] =	ssyncadd.s32 $0xFFFFCF00  }
.Ltmp2:
0x47: {  	[bflag:$0x0] =	sbarrier.arrive $0xFFFF;
	(pc) =	sbr.rel @!p0 .LBB2_2-.Ltmp2, $4  }
0x48: {  	[tilespmem:s2], [sflag:$0x3] =	stream.strided.gather [hbm4b:s8+s13], $0x190, s14, s13, $0x38;
	[tilespmem:$0x1BD20] =	vst v63  }
0x49: {  	_ =	swait.ge [sflag:s12], $0x190  }
0x4a: {  	[sflag:s12] =	ssyncset.done $0x0  }
0x4b: {  	[sflag:s12] =	ssyncadd.s32 $0xFFFFFE70  }
0x4c: {  	[tilespmem:s15], [sflag:$0x1] =	stream.indirect.gather [hbm4b:s5+s13], $0x20, s2, s13, $0xb8;
	[tilespmem:$0x1BD20] =	vst v63  }
0x4d: {  	s23 =	sadd.s32 $0xFFFFE7C8, s8  }
0x4e: {  	s24 =	sadd.s32 $0x1851, s23  }
0x4f: {  	[tilespmem:s16], [sflag:$0x3] =	stream.strided.gather [hbm4b:s24+s13], $0x190, s14, s13, $0x38;
	[tilespmem:$0x1BD20] =	vst v63  }
0x50: {  	_ =	swait.ge [sflag:s12], $0x190  }
0x51: {  	[sflag:s12] =	ssyncset.done $0x0  }
0x52: {  	[sflag:s12] =	ssyncadd.s32 $0xFFFFFE70  }
0x53: {  	[tilespmem:s17], [sflag:$0x2] =	stream.indirect.gather [hbm4b:s5+s13], $0x20, s16, s13, $0xb8;
	[tilespmem:$0x1BD20] =	vst v63  }
0x54: {  	_ =	swait.ge [sflag:s18], $0x1900  }
0x55: {  	[sflag:s18] =	ssyncset.done $0x0  }
0x56: {  	[sflag:s18] =	ssyncadd.s32 $0xFFFFE700  }
0x57: {  	[spmem:s1] =	stream.indirect.scatter.add.f32 [tilespmem:s15], [sflag:$0x3], $0x20, s13, s13, $0xb8;
	[tilespmem:$0x1BD20] =	vst v63  }
0x58: {  	_ =	swait.ge [sflag:s12], $0x1900  }
0x59: {  	[sflag:s12] =	ssyncset.done $0x0  }
0x5a: {  	s23 =	sadd.s32 $0x186A, s23;
	[sflag:s12] =	ssyncadd.s32 $0xFFFFE700  }
0x5b: {  	[tilespmem:s2], [sflag:$0x3] =	stream.strided.gather [hbm4b:s23+s13], $0x190, s14, s13, $0x38;
	[tilespmem:$0x1BD20] =	vst v63  }
0x5c: {  	_ =	swait.ge [sflag:s12], $0x190  }
0x5d: {  	[sflag:s12] =	ssyncset.done $0x0  }
0x5e: {  	[sflag:s12] =	ssyncadd.s32 $0xFFFFFE70  }
0x5f: {  	[tilespmem:s15], [sflag:$0x1] =	stream.indirect.gather [hbm4b:s5+s13], $0x20, s2, s13, $0xb8;
	[tilespmem:$0x1BD20] =	vst v63  }
0x60: {  	_ =	swait.ge [sflag:s19], $0x1900  }
0x61: {  	[sflag:s19] =	ssyncset.done $0x0  }
0x62: {  	[sflag:s19] =	ssyncadd.s32 $0xFFFFE700  }
0x63: {  	[spmem:s1] =	stream.indirect.scatter.add.f32 [tilespmem:s17], [sflag:$0x3], $0x20, s20, s13, $0xb8;
	[tilespmem:$0x1BD20] =	vst v63  }
0x64: {  	_ =	swait.ge [sflag:s12], $0x1900  }
0x65: {  	s24 =	simm.s32 $0xFFFFE82C;
	s23 =	sadd.s32 $0xFFFFE7FA, s8;
	[sflag:s12] =	ssyncset.done $0x0  }
.LBB2_6:
0x66: {  	s25 =	sadd.s32 $0x1851, s23  }
0x67: {  	[sflag:s12] =	ssyncadd.s32 $0xFFFFE700;
	s26 =	smov.u32 s24;
	s28 =	sadd.s32 $0x32, s24  }
0x68: {  	[tilespmem:s16], [sflag:$0x3] =	stream.strided.gather [hbm4b:s25+s13], $0x190, s14, s13, $0x38;
	[tilespmem:$0x1BD20] =	vst v63  }
0x69: {  	p1 =	sne.s32 s24, $0xFFFFFFCE;
	_ =	swait.ge [sflag:s12], $0x190  }
0x6a: {  	[sflag:s12] =	ssyncset.done $0x0  }
0x6b: {  	[sflag:s12] =	ssyncadd.s32 $0xFFFFFE70  }
0x6c: {  	[tilespmem:s17], [sflag:$0x2] =	stream.indirect.gather [hbm4b:s5+s13], $0x20, s16, s13, $0xb8;
	[tilespmem:$0x1BD20] =	vst v63  }
0x6d: {  	_ =	swait.ge [sflag:s18], $0x1900  }
0x6e: {  	[sflag:s18] =	ssyncset.done $0x0  }
0x6f: {  	[sflag:s18] =	ssyncadd.s32 $0xFFFFE700  }
0x70: {  	[spmem:s1] =	stream.indirect.scatter.add.f32 [tilespmem:s15], [sflag:$0x3], $0x20, s13, s13, $0xb8;
	[tilespmem:$0x1BD20] =	vst v63  }
0x71: {  	_ =	swait.ge [sflag:s12], $0x1900  }
0x72: {  	[sflag:s12] =	ssyncset.done $0x0  }
0x73: {  	s23 =	sadd.s32 $0x186A, s23;
	[sflag:s12] =	ssyncadd.s32 $0xFFFFE700  }
0x74: {  	[tilespmem:s2], [sflag:$0x3] =	stream.strided.gather [hbm4b:s23+s13], $0x190, s14, s13, $0x38;
	[tilespmem:$0x1BD20] =	vst v63  }
0x75: {  	_ =	swait.ge [sflag:s12], $0x190  }
0x76: {  	[sflag:s12] =	ssyncset.done $0x0  }
0x77: {  	[sflag:s12] =	ssyncadd.s32 $0xFFFFFE70  }
0x78: {  	[tilespmem:s15], [sflag:$0x1] =	stream.indirect.gather [hbm4b:s5+s13], $0x20, s2, s13, $0xb8;
	[tilespmem:$0x1BD20] =	vst v63  }
0x79: {  	_ =	swait.ge [sflag:s19], $0x1900  }
.Ltmp3:
0x7a: {  	[sflag:s19] =	ssyncset.done $0x0;
	(pc) =	sbr.rel @p1 .LBB2_6-.Ltmp3, $4  }
0x7b: {  	[sflag:s19] =	ssyncadd.s32 $0xFFFFE700  }
0x7c: {  	[spmem:s1] =	stream.indirect.scatter.add.f32 [tilespmem:s17], [sflag:$0x3], $0x20, s20, s13, $0xb8;
	[tilespmem:$0x1BD20] =	vst v63  }
0x7d: {  	_ =	swait.ge [sflag:s12], $0x1900  }
0x7e: {  	s24 =	smov.u32 s28;
	s23 =	sadd.s32 s26, s8;
	[sflag:s12] =	ssyncset.done $0x0  }
.Ltmp4:
0x7f: {  	_ = 	snop;
	(pc) =	sbr.rel .LBB2_7-.Ltmp4, $1  }
0x80: {  	_ =	sdelay $0x3  }
.LBB2_2:
0x81: {  	[tilespmem:s15], [sflag:$0x1] =	stream.indirect.gather [hbm4b:s3+s13], $0x20, s2, s13, $0xb8;
	[tilespmem:$0x1BD20] =	vst v63  }
0x82: {  	s23 =	sadd.s32 $0xFFFFE7C8, s8  }
0x83: {  	s24 =	sadd.s32 $0x1851, s23  }
0x84: {  	[tilespmem:s16], [sflag:$0x3] =	stream.strided.gather [hbm4b:s24+s13], $0x190, s14, s13, $0x38;
	[tilespmem:$0x1BD20] =	vst v63  }
0x85: {  	_ =	swait.ge [sflag:s12], $0x190  }
0x86: {  	[sflag:s12] =	ssyncset.done $0x0  }
0x87: {  	[sflag:s12] =	ssyncadd.s32 $0xFFFFFE70  }
0x88: {  	[tilespmem:s17], [sflag:$0x2] =	stream.indirect.gather [hbm4b:s3+s13], $0x20, s16, s13, $0xb8;
	[tilespmem:$0x1BD20] =	vst v63  }
0x89: {  	_ =	swait.ge [sflag:s18], $0x1900  }
0x8a: {  	[sflag:s18] =	ssyncset.done $0x0  }
0x8b: {  	[sflag:s18] =	ssyncadd.s32 $0xFFFFE700  }
0x8c: {  	[spmem:s1] =	stream.indirect.scatter.add.f32 [tilespmem:s15], [sflag:$0x3], $0x20, s13, s13, $0xb8;
	[tilespmem:$0x1BD20] =	vst v63  }
0x8d: {  	_ =	swait.ge [sflag:s12], $0x1900  }
0x8e: {  	[sflag:s12] =	ssyncset.done $0x0  }
0x8f: {  	s23 =	sadd.s32 $0x186A, s23;
	[sflag:s12] =	ssyncadd.s32 $0xFFFFE700  }
0x90: {  	[tilespmem:s2], [sflag:$0x3] =	stream.strided.gather [hbm4b:s23+s13], $0x190, s14, s13, $0x38;
	[tilespmem:$0x1BD20] =	vst v63  }
0x91: {  	_ =	swait.ge [sflag:s12], $0x190  }
0x92: {  	[sflag:s12] =	ssyncset.done $0x0  }
0x93: {  	[sflag:s12] =	ssyncadd.s32 $0xFFFFFE70  }
0x94: {  	[tilespmem:s15], [sflag:$0x1] =	stream.indirect.gather [hbm4b:s3+s13], $0x20, s2, s13, $0xb8;
	[tilespmem:$0x1BD20] =	vst v63  }
0x95: {  	_ =	swait.ge [sflag:s19], $0x1900  }
0x96: {  	[sflag:s19] =	ssyncset.done $0x0  }
0x97: {  	[sflag:s19] =	ssyncadd.s32 $0xFFFFE700  }
0x98: {  	[spmem:s1] =	stream.indirect.scatter.add.f32 [tilespmem:s17], [sflag:$0x3], $0x20, s20, s13, $0xb8;
	[tilespmem:$0x1BD20] =	vst v63  }
0x99: {  	_ =	swait.ge [sflag:s12], $0x1900  }
0x9a: {  	s24 =	simm.s32 $0xFFFFE82C;
	s23 =	sadd.s32 $0xFFFFE7FA, s8;
	[sflag:s12] =	ssyncset.done $0x0  }
.LBB2_3:
0x9b: {  	s25 =	sadd.s32 $0x1851, s23  }
0x9c: {  	[sflag:s12] =	ssyncadd.s32 $0xFFFFE700;
	s26 =	smov.u32 s24;
	s28 =	sadd.s32 $0x32, s24  }
0x9d: {  	[tilespmem:s16], [sflag:$0x3] =	stream.strided.gather [hbm4b:s25+s13], $0x190, s14, s13, $0x38;
	[tilespmem:$0x1BD20] =	vst v63  }
0x9e: {  	p1 =	seq.s32 s24, $0xFFFFFFCE;
	_ =	swait.ge [sflag:s12], $0x190  }
0x9f: {  	[sflag:s12] =	ssyncset.done $0x0  }
0xa0: {  	[sflag:s12] =	ssyncadd.s32 $0xFFFFFE70  }
0xa1: {  	[tilespmem:s17], [sflag:$0x2] =	stream.indirect.gather [hbm4b:s3+s13], $0x20, s16, s13, $0xb8;
	[tilespmem:$0x1BD20] =	vst v63  }
0xa2: {  	_ =	swait.ge [sflag:s18], $0x1900  }
0xa3: {  	[sflag:s18] =	ssyncset.done $0x0  }
0xa4: {  	[sflag:s18] =	ssyncadd.s32 $0xFFFFE700  }
0xa5: {  	[spmem:s1] =	stream.indirect.scatter.add.f32 [tilespmem:s15], [sflag:$0x3], $0x20, s13, s13, $0xb8;
	[tilespmem:$0x1BD20] =	vst v63  }
0xa6: {  	_ =	swait.ge [sflag:s12], $0x1900  }
0xa7: {  	[sflag:s12] =	ssyncset.done $0x0  }
0xa8: {  	s23 =	sadd.s32 $0x186A, s23;
	[sflag:s12] =	ssyncadd.s32 $0xFFFFE700  }
0xa9: {  	[tilespmem:s2], [sflag:$0x3] =	stream.strided.gather [hbm4b:s23+s13], $0x190, s14, s13, $0x38;
	[tilespmem:$0x1BD20] =	vst v63  }
0xaa: {  	_ =	swait.ge [sflag:s12], $0x190  }
0xab: {  	[sflag:s12] =	ssyncset.done $0x0  }
0xac: {  	[sflag:s12] =	ssyncadd.s32 $0xFFFFFE70  }
0xad: {  	[tilespmem:s15], [sflag:$0x1] =	stream.indirect.gather [hbm4b:s3+s13], $0x20, s2, s13, $0xb8;
	[tilespmem:$0x1BD20] =	vst v63  }
0xae: {  	_ =	swait.ge [sflag:s19], $0x1900  }
.Ltmp5:
0xaf: {  	[sflag:s19] =	ssyncset.done $0x0;
	(pc) =	sbr.rel @!p1 .LBB2_3-.Ltmp5, $4  }
0xb0: {  	[sflag:s19] =	ssyncadd.s32 $0xFFFFE700  }
0xb1: {  	[spmem:s1] =	stream.indirect.scatter.add.f32 [tilespmem:s17], [sflag:$0x3], $0x20, s20, s13, $0xb8;
	[tilespmem:$0x1BD20] =	vst v63  }
0xb2: {  	_ =	swait.ge [sflag:s12], $0x1900  }
0xb3: {  	s24 =	smov.u32 s28;
	s23 =	sadd.s32 s26, s8;
	[sflag:s12] =	ssyncset.done $0x0  }
0xb4: {  	s24 =	sadd.s32 $0x1851, s23;
	[sflag:s12] =	ssyncadd.s32 $0xFFFFE700  }
0xb5: {  	[tilespmem:s16], [sflag:$0x3] =	stream.strided.gather [hbm4b:s24+s13], $0x190, s14, s13, $0x38;
	[tilespmem:$0x1BD20] =	vst v63  }
0xb6: {  	_ =	swait.ge [sflag:s12], $0x190  }
0xb7: {  	[sflag:s12] =	ssyncset.done $0x0  }
0xb8: {  	[sflag:s12] =	ssyncadd.s32 $0xFFFFFE70  }
0xb9: {  	[tilespmem:s17], [sflag:$0x2] =	stream.indirect.gather [hbm4b:s3+s13], $0x20, s16, s13, $0xb8;
	[tilespmem:$0x1BD20] =	vst v63  }
0xba: {  	_ =	swait.ge [sflag:s18], $0x1900  }
0xbb: {  	[sflag:s18] =	ssyncset.done $0x0  }
0xbc: {  	[sflag:s18] =	ssyncadd.s32 $0xFFFFE700  }
0xbd: {  	[spmem:s1] =	stream.indirect.scatter.add.f32 [tilespmem:s15], [sflag:$0x3], $0x20, s13, s13, $0xb8;
	[tilespmem:$0x1BD20] =	vst v63  }
0xbe: {  	_ =	swait.ge [sflag:s12], $0x1900  }
0xbf: {  	[sflag:s12] =	ssyncset.done $0x0  }
0xc0: {  	s31 =	sadd.s32 $0x186A, s23;
	[sflag:s12] =	ssyncadd.s32 $0xFFFFE700  }
0xc1: {  	[tilespmem:s2], [sflag:$0x3] =	stream.strided.gather [hbm4b:s31+s13], $0x190, s14, s13, $0x38;
	[tilespmem:$0x1BD20] =	vst v63  }
0xc2: {  	_ =	swait.ge [sflag:s12], $0x190  }
0xc3: {  	[sflag:s12] =	ssyncset.done $0x0  }
0xc4: {  	[sflag:s12] =	ssyncadd.s32 $0xFFFFFE70  }
0xc5: {  	[tilespmem:s15], [sflag:$0x1] =	stream.indirect.gather [hbm4b:s3+s13], $0x20, s2, s13, $0xb8;
	[tilespmem:$0x1BD20] =	vst v63  }
0xc6: {  	_ =	swait.ge [sflag:s19], $0x1900  }
0xc7: {  	[sflag:s19] =	ssyncset.done $0x0  }
.Ltmp6:
0xc8: {  	[sflag:s19] =	ssyncadd.s32 $0xFFFFE700;
	(pc) =	sbr.rel .LBB2_8-.Ltmp6, $4  }
0xc9: {  	[spmem:s1] =	stream.indirect.scatter.add.f32 [tilespmem:s17], [sflag:$0x3], $0x20, s20, s13, $0xb8;
	[tilespmem:$0x1BD20] =	vst v63  }
0xca: {  	_ =	swait.ge [sflag:s12], $0x1900  }
0xcb: {  	[sflag:s12] =	ssyncset.done $0x0  }
0xcc: {  	s23 =	smov.u32 s3;
	[sflag:s12] =	ssyncadd.s32 $0xFFFFE700  }
.LBB2_9:
0xcd: {  	_ =	sfence.sel $0x180000  }
0xce: {  	[bflag:$0x0] =	sbarrier.arrive $0xFFFF  }
0xcf: {  	p0 =	sne.s32 s4, $0x0;
	_ =	strace $0x9000004D  }
0xd0: {  	s0 =	sadd.s32 @!p0 $0x100000, s0;
	[bflag:$0x2] =	sbarrier.arrive $0xFFFF  }
0xd1: {  	[sflag:s0] =	ssyncadd.tile.s32 @!p0 $0x1;
	_ =	shalt  }
.Lfunc_end2:
_tile_overlayer_lowered:
.L_overlay_start_2:
0xd2: {  	(tag) =	ssettag $0x2  }
0xd3: {  	s0 =	rddreg [dreg:$0x0];
	s2 =	stileid.u32  }
0xd4: {  	s1 =	rddreg [dreg:$0x1];
	p0 =	sne.s32 s2, $0x0  }
0xd5: {  	s3 =	rddreg [dreg:$0x2];
	[bflag:$0x3] =	sbarrier.arrive $0xFFFF;
	s2 =	simm.s32 @!p0 $0x1C03  }
0xd6: {  	[timem:s3], [sflag:s2] =	dma.local @!p0 [hbm:s0], s1  }
0xd7: {  	s0 =	simm.s32 @!p0 $0x3  }
0xd8: {  	_ =	swait.ge @!p0 [sflag:s0], s1  }
0xd9: {  	s1 =	ssub.s32 @!p0 $0x0, s1;
	[sflag:s0] =	ssyncset.done @!p0 $0x0  }
0xda: {  	[sflag:s0] =	ssyncadd.s32 @!p0 s1  }
0xdb: {  	[bflag:$0x3] =	sbarrier.arrive $0xFFFF  }
0xdc: {  	_ =	shalt  }

// kernel: kernel.23.cloned.1.call-start
scs
__scs_entry_jumppad:
0x0: {  	(pc) =	sbr.rel $0x88, $3  }
0x1: {  	(tag) =	ssettag $0x0;
	lr =	simm.s32 $0x1  }
0x2: {  	[smem:$0x3F88] =	sst lr;
	_ =	strace $0xD0000000  }
0x3: {  	_ = 	snop  }
0x4: {  	_ = 	snop  }
0x5: {  	_ = 	snop  }
0x6: {  	_ = 	snop  }
0x7: {  	_ = 	snop  }
__scs_overlays_trampoline_lowered:
0x8: {  	[smem:$0x3F97] =	sst s0  }
0x9: {  	[smem:$0x3F98] =	sst s1  }
0xa: {  	[smem:$0x3F99] =	sst s2  }
0xb: {  	[smem:$0x3F9A] =	sst s3  }
0xc: {  	[smem:$0x3F9B] =	sst s4  }
0xd: {  	[smem:$0x3F9C] =	sst s5  }
0xe: {  	[smem:$0x3F9D] =	sst s6  }
0xf: {  	[smem:$0x3F9E] =	sst s7  }
0x10: {  	[smem:$0x3F9F] =	sst s8  }
0x11: {  	[smem:$0x3FA0] =	sst s9;
	s0 =	simm.s32 @!p0 $0x0  }
0x12: {  	s1 =	sld [smem:$0x3F86];
	s0 =	simm.s32 @p0 $0x1  }
0x13: {  	[smem:$0x3FA1] =	sst s0;
	s0 =	simm.s32 @!p1 $0x0  }
0x14: {  	s2 =	sld [smem:$0x3F85];
	s0 =	simm.s32 @p1 $0x1  }
0x15: {  	[smem:$0x3FA2] =	sst s0;
	s0 =	simm.s32 @!p2 $0x0  }
0x16: {  	s3 =	sld [smem:$0x3FDB];
	s0 =	simm.s32 @p2 $0x1  }
0x17: {  	s4 =	simm.s32 $0x1BF5;
	[smem:$0x3FA4] =	sst s0  }
0x18: {  	s0 =	sld [smem:$0x3F87];
	_ =	swait.ge [sflag:s4], $0x0  }
0x19: {  	s7 =	sld [smem:$0x3F88]  }
0x1a: {  	s8 =	sadd.s32 $0xFFFFE003, lr  }
0x1b: {  	s9 =	sadd.s32 $0xFFFFFEF7, lr;
	s5 =	simm.s32 $0xFFFFFFFF;
	p2 =	slt.u32 s8, $0xFFFFF086  }
0x1c: {  	p1 =	slt.u32 s9, $0xF7A;
	s5 =	simm.s32 @!p2 $0x0  }
0x1d: {  	s5 =	simm.s32 @p1 $0x1;
	p0 =	seq.s32 s7, s2  }
0x1e: {  	s7 =	smul.u32 @!p0 $0xF7A, s2;
	p2 =	seq.s32 @!p0 s5, $0x0  }
0x1f: {  	s9 =	smul.u32 $0xF7A, s1;
	s8 =	simm.s32 @!p0 $0x1BF5;
	p2 =	por !p2, p0  }
0x20: {  	[sflag:s8] =	ssyncset.s32 @!p0 $0xFFFFF086;
	s6 =	sadd.s32 @!p0 s3, s7;
	s7 =	simm.s32 @!p0 $0x108  }
0x21: {  	s3 =	sadd.s32 s3, s9;
	s6 =	sadd.s32 @!p0 $0x88, s6;
	s7 =	simm.s32 @p2 $0x1082  }
0x22: {  	[simem:s7], [sflag:s8] =	dma.local @!p0 [hbm:s6], $0xF7A  }
0x23: {  	s9 =	sor.u32 $0xD0000000, s2;
	s6 =	simm.s32 $0x108;
	_ =	swait.ge @!p0 [sflag:s8], $0x0  }
0x24: {  	s3 =	sadd.s32 $0x88, s3;
	s6 =	simm.s32 @!p1 $0x1082;
	[sflag:s4] =	ssyncset.s32 $0xFFFFF086  }
0x25: {  	[simem:s6], [sflag:s4] =	dma.local [hbm:s3], $0xF7A  }
0x26: {  	[smem:$0x3F88] =	sst s1;
	(tag) =	ssettag s2;
	_ =	strace s9  }
0x27: {  	s1 =	sld [smem:$0x3F98]  }
0x28: {  	s2 =	sld [smem:$0x3F99]  }
0x29: {  	s4 =	sld [smem:$0x3F9B]  }
0x2a: {  	p0 =	seq.s32 s5, $0x0;
	s5 =	sld [smem:$0x3F9C]  }
0x2b: {  	s6 =	sld [smem:$0x3F9D]  }
0x2c: {  	s7 =	sld [smem:$0x3F9E]  }
0x2d: {  	s3 =	simm.s32 $0x108;
	s8 =	sld [smem:$0x3F9F]  }
0x2e: {  	s3 =	simm.s32 @!p0 $0x1082;
	s9 =	sld [smem:$0x3FA0]  }
0x2f: {  	lr =	sadd.s32 s0, s3;
	s0 =	sld [smem:$0x3F97]  }
0x30: {  	s3 =	sld [smem:$0x3F9A]  }
0x31: {  	[smem:$0x3FA3] =	sst s10  }
0x32: {  	s10 =	sld [smem:$0x3FA1];
	_ =	sdelay $0x3  }
0x33: {  	p0 =	seq.s32 s10, $0x1;
	s10 =	sld [smem:$0x3FA3];
	_ =	sdelay $0x3  }
0x34: {  	[smem:$0x3FA3] =	sst s10  }
0x35: {  	s10 =	sld [smem:$0x3FA2];
	_ =	sdelay $0x3  }
0x36: {  	p1 =	seq.s32 s10, $0x1;
	s10 =	sld [smem:$0x3FA3];
	_ =	sdelay $0x3  }
0x37: {  	[smem:$0x3FA3] =	sst s10  }
0x38: {  	s10 =	sld [smem:$0x3FA4]  }
0x39: {  	_ = 	snop;
	(pc) =	sbr.ind lr, $3  }
0x3a: {  	_ = 	snop  }
0x3b: {  	_ = 	snop  }
0x3c: {  	p2 =	seq.s32 s10, $0x1;
	s10 =	sld [smem:$0x3FA3]  }
0x3d: {  	_ =	shalt  }
0x3e: {  	_ =	shalt  }
0x3f: {  	_ =	shalt  }
0x40: {  	_ =	shalt  }
0x41: {  	_ =	shalt  }
0x42: {  	_ =	shalt  }
0x43: {  	_ =	shalt  }
0x44: {  	_ =	shalt  }
0x45: {  	_ =	shalt  }
0x46: {  	_ =	shalt  }
0x47: {  	_ =	shalt  }
0x48: {  	_ =	shalt  }
0x49: {  	_ =	shalt  }
0x4a: {  	_ =	shalt  }
0x4b: {  	_ =	shalt  }
0x4c: {  	_ =	shalt  }
0x4d: {  	_ =	shalt  }
0x4e: {  	_ =	shalt  }
0x4f: {  	_ =	shalt  }
0x50: {  	_ =	shalt  }
0x51: {  	_ =	shalt  }
0x52: {  	_ =	shalt  }
0x53: {  	_ =	shalt  }
0x54: {  	_ =	shalt  }
0x55: {  	_ =	shalt  }
0x56: {  	_ =	shalt  }
0x57: {  	_ =	shalt  }
0x58: {  	_ =	shalt  }
0x59: {  	_ =	shalt  }
0x5a: {  	_ =	shalt  }
0x5b: {  	_ =	shalt  }
0x5c: {  	_ =	shalt  }
0x5d: {  	_ =	shalt  }
0x5e: {  	_ =	shalt  }
0x5f: {  	_ =	shalt  }
0x60: {  	_ =	shalt  }
0x61: {  	_ =	shalt  }
0x62: {  	_ =	shalt  }
0x63: {  	_ =	shalt  }
0x64: {  	_ =	shalt  }
0x65: {  	_ =	shalt  }
0x66: {  	_ =	shalt  }
0x67: {  	_ =	shalt  }
0x68: {  	_ =	shalt  }
0x69: {  	_ =	shalt  }
0x6a: {  	_ =	shalt  }
0x6b: {  	_ =	shalt  }
0x6c: {  	_ =	shalt  }
0x6d: {  	_ =	shalt  }
0x6e: {  	_ =	shalt  }
0x6f: {  	_ =	shalt  }
0x70: {  	_ =	shalt  }
0x71: {  	_ =	shalt  }
0x72: {  	_ =	shalt  }
0x73: {  	_ =	shalt  }
0x74: {  	_ =	shalt  }
0x75: {  	_ =	shalt  }
0x76: {  	_ =	shalt  }
0x77: {  	_ =	shalt  }
0x78: {  	_ =	shalt  }
0x79: {  	_ =	shalt  }
0x7a: {  	_ =	shalt  }
0x7b: {  	_ =	shalt  }
0x7c: {  	_ =	shalt  }
0x7d: {  	_ =	shalt  }
0x7e: {  	_ =	shalt  }
0x7f: {  	_ =	shalt  }
0x80: {  	_ =	shalt  }
0x81: {  	_ =	shalt  }
0x82: {  	_ =	shalt  }
0x83: {  	_ =	shalt  }
0x84: {  	_ =	shalt  }
0x85: {  	_ =	shalt  }
0x86: {  	_ =	shalt  }
0x87: {  	_ =	shalt  }
.Lfunc_end0:
.L_simem_size_0:
called_computation.3_lowered:
.L_overlay_start_0:
0x88: {  	s2 =	sld [smem:$0x3FD9]  }
0x89: {  	s3 =	sld [smem:$0x3FFE];
	_ =	sdelay $0x1  }
0x8a: {  	s1 =	srdreg.scid  }
0x8b: {  	s0 =	sand.u32 $0x1, s1  }
0x8c: {  	s16 =	sshll.u32 s0, $0xA;
	s2 =	sadd.s32 s3, s2  }
0x8d: {  	s2 =	sadd.s32 s2, s16  }
0x8e: {  	[smem:$0x3FAF] =	sst s2  }
0x8f: {  	_ = 	snop  }
0x90: {  	(tm) =	ssettm $0x1  }
0x91: {  	s17 =	sld [smem:$0x3FFB];
	_ =	sdelay $0x3  }
0x92: {  	_ =	strace s17  }
0x93: {  	s2 =	sld [smem:$0x3FFC];
	_ =	sdelay $0x3  }
0x94: {  	_ =	strace s2  }
0x95: {  	s2 =	sld [smem:$0x3FFD];
	_ =	sdelay $0x3  }
0x96: {  	_ =	strace s2  }
0x97: {  	_ =	strace $0x8FFFFFFF  }
0x98: {  	s18 =	sld [smem:$0x3FDB];
	_ =	sdelay $0x1  }
0x99: {  	s19 =	simm.s32 $_scs_section_size  }
0x9a: {  	s4 =	simm.s32 $_size__tile_overlayer_lowered;
	s5 =	simm.s32 $_tile_overlayer_lowered  }
0x9b: {  	s22 =	simm.s32 $0x1BFF;
	s21 =	sshll.u32 s5, $0x1;
	s2 =	sadd.s32 s19, s18  }
0x9c: {  	s6 =	simm.s32 $0x0;
	s20 =	sshll.u32 s4, $0x1;
	s4 =	sadd.s32 s21, s2  }
0x9d: {  	[timem:s6], [sflag:s22] =	dma.local [hbm:s4], s20  }
0x9e: {  	_ =	swait.ge [sflag:s22], s20  }
0x9f: {  	s3 =	ssub.s32 $0x0, s20;
	[sflag:s22] =	ssyncset.done $0x0  }
0xa0: {  	[sflag:s22] =	ssyncadd.s32 s3;
	_ =	sdelay $0x1  }
0xa1: {  	s23 =	simm.s32 $0x1B8B  }
0xa2: {  	_ =	swait.ge [sflag:s23], $0x1  }
0xa3: {  	[sflag:s23] =	ssyncset.done $0x0  }
0xa4: {  	s25 =	simm.s32 $0x1B8E;
	s24 =	sld [smem:$0x3FFE];
	[sflag:s23] =	ssyncadd.s32 $0xFFFFFFFF  }
0xa5: {  	s26 =	simm.s32 $execute0_lowered;
	[smem:$0x3FD2] =	sst s25  }
0xa6: {  	s4 =	sshll.u32 s26, $0x1;
	_ =	strace $0x8000004F;
	[dreg:$0x1] =	wrdreg $0xFFFFFFFF  }
0xa7: {  	s28 =	simm.s32 $_size_execute0_lowered;
	s2 =	sadd.s32 s2, s4;
	[dreg:$0x0] =	wrdreg $0x0  }
0xa8: {  	s4 =	sshll.u32 s28, $0x1;
	[dreg:$0x2] =	wrdreg s2  }
0xa9: {  	[dreg:$0x3] =	wrdreg s4  }
0xaa: {  	[dreg:$0x4] =	wrdreg $0xC0  }
0xab: {  	_ =	task [dreg:s6], $0x5FFFF  }
0xac: {  	[dreg:$0x1] =	wrdreg $0xFFFFFFFF  }
0xad: {  	[dreg:$0x0] =	wrdreg $0x60  }
0xae: {  	[dreg:$0x2] =	wrdreg s24  }
0xaf: {  	[dreg:$0x3] =	wrdreg $0x35200  }
0xb0: {  	[dreg:$0x4] =	wrdreg $0x9  }
0xb1: {  	_ =	task.clear_ibuf [dreg:s6], $0x5FFFF;
	_ =	strace $0x9000004F  }
0xb2: {  	s29 =	simm.s32 $0x9;
	_ =	strace $0x80000051  }
0xb3: {  	_ =	swait.ge [sflag:s29], $0x1  }
0xb4: {  	[sflag:s29] =	ssyncadd.s32 $0xFFFFFFFF  }
0xb5: {  	_ =	strace $0x90000051  }
0xb6: {  	_ =	sfence  }
0xb7: {  	s30 =	sld [smem:$0x0];
	_ =	sdelay $0x2  }
0xb8: {  	s31 =	sshll.u32 s1, $0xD;
	s1 =	sshrl.u32 s1, $0x2  }
0xb9: {  	s3 =	sand.u32 $0x4000, s31;
	s1 =	sadd.s32 s1, s30  }
0xba: {  	s0 =	sor.u32 s3, s0;
	s1 =	sshll.u32 s1, $0x11  }
0xbb: {  	s0 =	sor.u32 s1, s0  }
0xbc: {  	s0 =	sadd.s32 $0x8F2B, s0  }
0xbd: {  	[sflag:s0] =	ssyncadd.remote.s32 $0x1  }
0xbe: {  	_ =	sfence.sel $0xFFFF  }
0xbf: {  	[dreg:$0x0] =	wrdreg $0xFFFFFFFF;
	(pc) =	sbr.abs _section_cstart, $3  }
0xc0: {  	[dreg:$0x1] =	wrdreg $0xFFFFFFFF  }
0xc1: {  	_ =	task.clear_ibuf [dreg:s6], $0x2FFFF;
	_ =	strace $0x9FFFFFFF  }
0xc2: {  	(tm) =	ssettm $0x7FFFFFFF  }
0xc3: {  	_ =	shalt  }
tec
execute0_lowered:
.L_overlay_start_1:
0x0: {  	(tag) =	ssettag $0x1  }
0x1: {  	s7 =	rddreg [dreg:$0x0]  }
0x2: {  	s1 =	rddreg [dreg:$0x1]  }
0x3: {  	s0 =	rddreg [dreg:$0x2]  }
0x4: {  	s2 =	simm.s32 $0x0;
	s4 =	srdreg.scid;
	s16 =	simm.s32 $0x190  }
0x5: {  	s17 =	simm.s32 $0x1C20;
	s18 =	simm.s32 $0x1;
	s19 =	simm.s32 $0x2  }
0x6: {  	s20 =	simm.s32 $0x258;
	[smem:$0x7FF] =	sst s2;
	s8 =	sand.u32 $0x1, s4  }
0x7: {  	s3 =	sadd.s32 $0x4E00, s7;
	s4 =	stileid.u32;
	s10 =	smul.u32 $0x31000, s8  }
0x8: {  	s5 =	sadd.s32 $0x35E00, s7;
	s9 =	sadd.s32 $0x66E00, s7;
	s13 =	smul.u32 $0xC350, s4  }
0x9: {  	s6 =	sadd.s32 $0x97C00, s7;
	_ =	strace $0x80000050;
	s30 =	smul.u32 $0x18800, s4  }
0xa: {  	s11 =	ssub.s32 $0x2, s8;
	s31 =	sshll.u32 s4, $0x6;
	s14 =	smul.u32 $0x186A, s4  }
0xb: {  	p0 =	seq.s32 s8, $0x1;
	s12 =	sshrl.u32 s11, $0x1;
	s10 =	sadd.s32 s10, s7  }
0xc: {  	s11 =	ssub.s32 s11, s12;
	s13 =	sadd.s32 $0xC288, s13;
	s15 =	sadd.s32 s30, s1  }
.Ltmp0:
0xd: {  	s7 =	sor.u32 $0x1C03, s31;
	s8 =	sadd.s32 s9, s14;
	(pc) =	sbr.rel .LBB2_1-.Ltmp0, $4  }
0xe: {  	s22 =	sshrl.u32 s30, $0x3;
	s12 =	simm.s32 $0x3;
	s14 =	simm.s32 $0xC3500  }
0xf: {  	s13 =	sshrl.u32 s13, $0x3;
	s21 =	sadd.s32 $0x3AAE00, s10;
	s10 =	smax.u32 s11, $0x1  }
0x10: {  	s11 =	sshrl.u32 s15, $0x3;
	s15 =	simm.s32 $0x320;
	s9 =	sadd.s32 s9, s13  }
0x11: {  	s13 =	simm.s32 $0xC8;
	s21 =	sadd.s32 s22, s21;
	s22 =	simm.s32 $0x0  }
.LBB2_7:
0x12: {  	s24 =	sadd.s32 $0x1851, s23;
	[sflag:s12] =	ssyncadd.s32 $0xFFFFE700  }
0x13: {  	[tilespmem:s16], [sflag:$0x3] =	stream.strided.gather [hbm4b:s24+s13], $0x190, s14, s13, $0x38;
	[tilespmem:$0x1BD20] =	vst v63  }
0x14: {  	_ =	swait.ge [sflag:s12], $0x190  }
0x15: {  	[sflag:s12] =	ssyncset.done $0x0  }
0x16: {  	[sflag:s12] =	ssyncadd.s32 $0xFFFFFE70  }
0x17: {  	[tilespmem:s17], [sflag:$0x2] =	stream.indirect.gather [hbm4b:s5+s13], $0x20, s16, s13, $0xb8;
	[tilespmem:$0x1BD20] =	vst v63  }
0x18: {  	_ =	swait.ge [sflag:s18], $0x1900  }
0x19: {  	[sflag:s18] =	ssyncset.done $0x0  }
0x1a: {  	[sflag:s18] =	ssyncadd.s32 $0xFFFFE700  }
0x1b: {  	[spmem:s1] =	stream.indirect.scatter.add.f32 [tilespmem:s15], [sflag:$0x3], $0x20, s13, s13, $0xb8;
	[tilespmem:$0x1BD20] =	vst v63  }
0x1c: {  	_ =	swait.ge [sflag:s12], $0x1900  }
0x1d: {  	[sflag:s12] =	ssyncset.done $0x0  }
0x1e: {  	s31 =	sadd.s32 $0x186A, s23;
	[sflag:s12] =	ssyncadd.s32 $0xFFFFE700  }
0x1f: {  	[tilespmem:s2], [sflag:$0x3] =	stream.strided.gather [hbm4b:s31+s13], $0x190, s14, s13, $0x38;
	[tilespmem:$0x1BD20] =	vst v63  }
0x20: {  	_ =	swait.ge [sflag:s12], $0x190  }
0x21: {  	[sflag:s12] =	ssyncset.done $0x0  }
0x22: {  	[sflag:s12] =	ssyncadd.s32 $0xFFFFFE70  }
0x23: {  	[tilespmem:s15], [sflag:$0x1] =	stream.indirect.gather [hbm4b:s5+s13], $0x20, s2, s13, $0xb8;
	[tilespmem:$0x1BD20] =	vst v63  }
0x24: {  	_ =	swait.ge [sflag:s19], $0x1900  }
0x25: {  	[sflag:s19] =	ssyncset.done $0x0  }
0x26: {  	[sflag:s19] =	ssyncadd.s32 $0xFFFFE700  }
0x27: {  	[spmem:s1] =	stream.indirect.scatter.add.f32 [tilespmem:s17], [sflag:$0x3], $0x20, s20, s13, $0xb8;
	[tilespmem:$0x1BD20] =	vst v63  }
0x28: {  	_ =	swait.ge [sflag:s12], $0x1900  }
0x29: {  	[sflag:s12] =	ssyncset.done $0x0  }
0x2a: {  	s23 =	smov.u32 s5;
	[sflag:s12] =	ssyncadd.s32 $0xFFFFE700  }
.LBB2_8:
0x2b: {  	[tilespmem:s16], [sflag:$0x3] =	stream.strided.gather [hbm4b:s9+s13], $0x190, s14, s13, $0x38;
	[tilespmem:$0x1BD20] =	vst v63  }
0x2c: {  	_ =	swait.ge [sflag:s12], $0x190  }
0x2d: {  	[sflag:s12] =	ssyncset.done $0x0  }
0x2e: {  	[sflag:s12] =	ssyncadd.s32 $0xFFFFFE70  }
0x2f: {  	[tilespmem:s17], [sflag:$0x2] =	stream.indirect.gather [hbm4b:s23+s13], $0x20, s16, s13, $0xb8;
	[tilespmem:$0x1BD20] =	vst v63  }
0x30: {  	_ =	swait.ge [sflag:s18], $0x1900  }
0x31: {  	[sflag:s18] =	ssyncset.done $0x0  }
0x32: {  	[sflag:s18] =	ssyncadd.s32 $0xFFFFE700  }
0x33: {  	[spmem:s1] =	stream.indirect.scatter.add.f32 [tilespmem:s15], [sflag:$0x3], $0x20, s13, s13, $0xb8;
	[tilespmem:$0x1BD20] =	vst v63  }
0x34: {  	_ =	swait.ge [sflag:s12], $0x1900  }
0x35: {  	[sflag:s12] =	ssyncset.done $0x0  }
0x36: {  	[sflag:s12] =	ssyncadd.s32 $0xFFFFE700  }
0x37: {  	_ =	swait.ge [sflag:s19], $0x1900  }
0x38: {  	[sflag:s19] =	ssyncset.done $0x0  }
0x39: {  	[sflag:s19] =	ssyncadd.s32 $0xFFFFE700  }
0x3a: {  	[spmem:s1] =	stream.indirect.scatter.add.f32 [tilespmem:s17], [sflag:$0x3], $0x20, s20, s13, $0xb8;
	[tilespmem:$0x1BD20] =	vst v63  }
0x3b: {  	_ =	swait.ge [sflag:s12], $0x1900  }
0x3c: {  	s22 =	sadd.s32 $0x1, s22;
	[sflag:s12] =	ssyncset.done $0x0  }
0x3d: {  	p1 =	sne.s32 s22, s10;
	[sflag:s12] =	ssyncadd.s32 $0xFFFFE700  }
.Ltmp1:
0x3e: {  	[bflag:$0x0] =	sbarrier.arrive $0xFFFF;
	(pc) =	sbr.rel @!p1 .LBB2_9-.Ltmp1, $4  }
0x3f: {  	[hbm:s21], [sflag:s7] =	dma.local [spmem:s11], $0x3100  }
0x40: {  	_ =	swait.ge [sflag:s12], $0x3100  }
0x41: {  	[sflag:s12] =	ssyncset.done $0x0  }
0x42: {  	[sflag:s12] =	ssyncadd.s32 $0xFFFFCF00  }
.LBB2_1:
0x43: {  	[spmem:s11], [sflag:s7] =	dma.local [hbm:s6], $0x3100  }
0x44: {  	_ =	swait.ge [sflag:s12], $0x3100  }
0x45: {  	[sflag:s12] =	ssyncset.done $0x0  }
0x46: {  	[sflag:s12] =	ssyncadd.s32 $0xFFFFCF00  }
.Ltmp2:
0x47: {  	[bflag:$0x0] =	sbarrier.arrive $0xFFFF;
	(pc) =	sbr.rel @!p0 .LBB2_2-.Ltmp2, $4  }
0x48: {  	[tilespmem:s2], [sflag:$0x3] =	stream.strided.gather [hbm4b:s8+s13], $0x190, s14, s13, $0x38;
	[tilespmem:$0x1BD20] =	vst v63  }
0x49: {  	_ =	swait.ge [sflag:s12], $0x190  }
0x4a: {  	[sflag:s12] =	ssyncset.done $0x0  }
0x4b: {  	[sflag:s12] =	ssyncadd.s32 $0xFFFFFE70  }
0x4c: {  	[tilespmem:s15], [sflag:$0x1] =	stream.indirect.gather [hbm4b:s5+s13], $0x20, s2, s13, $0xb8;
	[tilespmem:$0x1BD20] =	vst v63  }
0x4d: {  	s23 =	sadd.s32 $0xFFFFE7C8, s8  }
0x4e: {  	s24 =	sadd.s32 $0x1851, s23  }
0x4f: {  	[tilespmem:s16], [sflag:$0x3] =	stream.strided.gather [hbm4b:s24+s13], $0x190, s14, s13, $0x38;
	[tilespmem:$0x1BD20] =	vst v63  }
0x50: {  	_ =	swait.ge [sflag:s12], $0x190  }
0x51: {  	[sflag:s12] =	ssyncset.done $0x0  }
0x52: {  	[sflag:s12] =	ssyncadd.s32 $0xFFFFFE70  }
0x53: {  	[tilespmem:s17], [sflag:$0x2] =	stream.indirect.gather [hbm4b:s5+s13], $0x20, s16, s13, $0xb8;
	[tilespmem:$0x1BD20] =	vst v63  }
0x54: {  	_ =	swait.ge [sflag:s18], $0x1900  }
0x55: {  	[sflag:s18] =	ssyncset.done $0x0  }
0x56: {  	[sflag:s18] =	ssyncadd.s32 $0xFFFFE700  }
0x57: {  	[spmem:s1] =	stream.indirect.scatter.add.f32 [tilespmem:s15], [sflag:$0x3], $0x20, s13, s13, $0xb8;
	[tilespmem:$0x1BD20] =	vst v63  }
0x58: {  	_ =	swait.ge [sflag:s12], $0x1900  }
0x59: {  	[sflag:s12] =	ssyncset.done $0x0  }
0x5a: {  	s23 =	sadd.s32 $0x186A, s23;
	[sflag:s12] =	ssyncadd.s32 $0xFFFFE700  }
0x5b: {  	[tilespmem:s2], [sflag:$0x3] =	stream.strided.gather [hbm4b:s23+s13], $0x190, s14, s13, $0x38;
	[tilespmem:$0x1BD20] =	vst v63  }
0x5c: {  	_ =	swait.ge [sflag:s12], $0x190  }
0x5d: {  	[sflag:s12] =	ssyncset.done $0x0  }
0x5e: {  	[sflag:s12] =	ssyncadd.s32 $0xFFFFFE70  }
0x5f: {  	[tilespmem:s15], [sflag:$0x1] =	stream.indirect.gather [hbm4b:s5+s13], $0x20, s2, s13, $0xb8;
	[tilespmem:$0x1BD20] =	vst v63  }
0x60: {  	_ =	swait.ge [sflag:s19], $0x1900  }
0x61: {  	[sflag:s19] =	ssyncset.done $0x0  }
0x62: {  	[sflag:s19] =	ssyncadd.s32 $0xFFFFE700  }
0x63: {  	[spmem:s1] =	stream.indirect.scatter.add.f32 [tilespmem:s17], [sflag:$0x3], $0x20, s20, s13, $0xb8;
	[tilespmem:$0x1BD20] =	vst v63  }
0x64: {  	_ =	swait.ge [sflag:s12], $0x1900  }
0x65: {  	s24 =	simm.s32 $0xFFFFE82C;
	s23 =	sadd.s32 $0xFFFFE7FA, s8;
	[sflag:s12] =	ssyncset.done $0x0  }
.LBB2_6:
0x66: {  	s25 =	sadd.s32 $0x1851, s23  }
0x67: {  	[sflag:s12] =	ssyncadd.s32 $0xFFFFE700;
	s26 =	smov.u32 s24;
	s28 =	sadd.s32 $0x32, s24  }
0x68: {  	[tilespmem:s16], [sflag:$0x3] =	stream.strided.gather [hbm4b:s25+s13], $0x190, s14, s13, $0x38;
	[tilespmem:$0x1BD20] =	vst v63  }
0x69: {  	p1 =	sne.s32 s24, $0xFFFFFFCE;
	_ =	swait.ge [sflag:s12], $0x190  }
0x6a: {  	[sflag:s12] =	ssyncset.done $0x0  }
0x6b: {  	[sflag:s12] =	ssyncadd.s32 $0xFFFFFE70  }
0x6c: {  	[tilespmem:s17], [sflag:$0x2] =	stream.indirect.gather [hbm4b:s5+s13], $0x20, s16, s13, $0xb8;
	[tilespmem:$0x1BD20] =	vst v63  }
0x6d: {  	_ =	swait.ge [sflag:s18], $0x1900  }
0x6e: {  	[sflag:s18] =	ssyncset.done $0x0  }
0x6f: {  	[sflag:s18] =	ssyncadd.s32 $0xFFFFE700  }
0x70: {  	[spmem:s1] =	stream.indirect.scatter.add.f32 [tilespmem:s15], [sflag:$0x3], $0x20, s13, s13, $0xb8;
	[tilespmem:$0x1BD20] =	vst v63  }
0x71: {  	_ =	swait.ge [sflag:s12], $0x1900  }
0x72: {  	[sflag:s12] =	ssyncset.done $0x0  }
0x73: {  	s23 =	sadd.s32 $0x186A, s23;
	[sflag:s12] =	ssyncadd.s32 $0xFFFFE700  }
0x74: {  	[tilespmem:s2], [sflag:$0x3] =	stream.strided.gather [hbm4b:s23+s13], $0x190, s14, s13, $0x38;
	[tilespmem:$0x1BD20] =	vst v63  }
0x75: {  	_ =	swait.ge [sflag:s12], $0x190  }
0x76: {  	[sflag:s12] =	ssyncset.done $0x0  }
0x77: {  	[sflag:s12] =	ssyncadd.s32 $0xFFFFFE70  }
0x78: {  	[tilespmem:s15], [sflag:$0x1] =	stream.indirect.gather [hbm4b:s5+s13], $0x20, s2, s13, $0xb8;
	[tilespmem:$0x1BD20] =	vst v63  }
0x79: {  	_ =	swait.ge [sflag:s19], $0x1900  }
.Ltmp3:
0x7a: {  	[sflag:s19] =	ssyncset.done $0x0;
	(pc) =	sbr.rel @p1 .LBB2_6-.Ltmp3, $4  }
0x7b: {  	[sflag:s19] =	ssyncadd.s32 $0xFFFFE700  }
0x7c: {  	[spmem:s1] =	stream.indirect.scatter.add.f32 [tilespmem:s17], [sflag:$0x3], $0x20, s20, s13, $0xb8;
	[tilespmem:$0x1BD20] =	vst v63  }
0x7d: {  	_ =	swait.ge [sflag:s12], $0x1900  }
0x7e: {  	s24 =	smov.u32 s28;
	s23 =	sadd.s32 s26, s8;
	[sflag:s12] =	ssyncset.done $0x0  }
.Ltmp4:
0x7f: {  	_ = 	snop;
	(pc) =	sbr.rel .LBB2_7-.Ltmp4, $1  }
0x80: {  	_ =	sdelay $0x3  }
.LBB2_2:
0x81: {  	[tilespmem:s15], [sflag:$0x1] =	stream.indirect.gather [hbm4b:s3+s13], $0x20, s2, s13, $0xb8;
	[tilespmem:$0x1BD20] =	vst v63  }
0x82: {  	s23 =	sadd.s32 $0xFFFFE7C8, s8  }
0x83: {  	s24 =	sadd.s32 $0x1851, s23  }
0x84: {  	[tilespmem:s16], [sflag:$0x3] =	stream.strided.gather [hbm4b:s24+s13], $0x190, s14, s13, $0x38;
	[tilespmem:$0x1BD20] =	vst v63  }
0x85: {  	_ =	swait.ge [sflag:s12], $0x190  }
0x86: {  	[sflag:s12] =	ssyncset.done $0x0  }
0x87: {  	[sflag:s12] =	ssyncadd.s32 $0xFFFFFE70  }
0x88: {  	[tilespmem:s17], [sflag:$0x2] =	stream.indirect.gather [hbm4b:s3+s13], $0x20, s16, s13, $0xb8;
	[tilespmem:$0x1BD20] =	vst v63  }
0x89: {  	_ =	swait.ge [sflag:s18], $0x1900  }
0x8a: {  	[sflag:s18] =	ssyncset.done $0x0  }
0x8b: {  	[sflag:s18] =	ssyncadd.s32 $0xFFFFE700  }
0x8c: {  	[spmem:s1] =	stream.indirect.scatter.add.f32 [tilespmem:s15], [sflag:$0x3], $0x20, s13, s13, $0xb8;
	[tilespmem:$0x1BD20] =	vst v63  }
0x8d: {  	_ =	swait.ge [sflag:s12], $0x1900  }
0x8e: {  	[sflag:s12] =	ssyncset.done $0x0  }
0x8f: {  	s23 =	sadd.s32 $0x186A, s23;
	[sflag:s12] =	ssyncadd.s32 $0xFFFFE700  }
0x90: {  	[tilespmem:s2], [sflag:$0x3] =	stream.strided.gather [hbm4b:s23+s13], $0x190, s14, s13, $0x38;
	[tilespmem:$0x1BD20] =	vst v63  }
0x91: {  	_ =	swait.ge [sflag:s12], $0x190  }
0x92: {  	[sflag:s12] =	ssyncset.done $0x0  }
0x93: {  	[sflag:s12] =	ssyncadd.s32 $0xFFFFFE70  }
0x94: {  	[tilespmem:s15], [sflag:$0x1] =	stream.indirect.gather [hbm4b:s3+s13], $0x20, s2, s13, $0xb8;
	[tilespmem:$0x1BD20] =	vst v63  }
0x95: {  	_ =	swait.ge [sflag:s19], $0x1900  }
0x96: {  	[sflag:s19] =	ssyncset.done $0x0  }
0x97: {  	[sflag:s19] =	ssyncadd.s32 $0xFFFFE700  }
0x98: {  	[spmem:s1] =	stream.indirect.scatter.add.f32 [tilespmem:s17], [sflag:$0x3], $0x20, s20, s13, $0xb8;
	[tilespmem:$0x1BD20] =	vst v63  }
0x99: {  	_ =	swait.ge [sflag:s12], $0x1900  }
0x9a: {  	s24 =	simm.s32 $0xFFFFE82C;
	s23 =	sadd.s32 $0xFFFFE7FA, s8;
	[sflag:s12] =	ssyncset.done $0x0  }
.LBB2_3:
0x9b: {  	s25 =	sadd.s32 $0x1851, s23  }
0x9c: {  	[sflag:s12] =	ssyncadd.s32 $0xFFFFE700;
	s26 =	smov.u32 s24;
	s28 =	sadd.s32 $0x32, s24  }
0x9d: {  	[tilespmem:s16], [sflag:$0x3] =	stream.strided.gather [hbm4b:s25+s13], $0x190, s14, s13, $0x38;
	[tilespmem:$0x1BD20] =	vst v63  }
0x9e: {  	p1 =	seq.s32 s24, $0xFFFFFFCE;
	_ =	swait.ge [sflag:s12], $0x190  }
0x9f: {  	[sflag:s12] =	ssyncset.done $0x0  }
0xa0: {  	[sflag:s12] =	ssyncadd.s32 $0xFFFFFE70  }
0xa1: {  	[tilespmem:s17], [sflag:$0x2] =	stream.indirect.gather [hbm4b:s3+s13], $0x20, s16, s13, $0xb8;
	[tilespmem:$0x1BD20] =	vst v63  }
0xa2: {  	_ =	swait.ge [sflag:s18], $0x1900  }
0xa3: {  	[sflag:s18] =	ssyncset.done $0x0  }
0xa4: {  	[sflag:s18] =	ssyncadd.s32 $0xFFFFE700  }
0xa5: {  	[spmem:s1] =	stream.indirect.scatter.add.f32 [tilespmem:s15], [sflag:$0x3], $0x20, s13, s13, $0xb8;
	[tilespmem:$0x1BD20] =	vst v63  }
0xa6: {  	_ =	swait.ge [sflag:s12], $0x1900  }
0xa7: {  	[sflag:s12] =	ssyncset.done $0x0  }
0xa8: {  	s23 =	sadd.s32 $0x186A, s23;
	[sflag:s12] =	ssyncadd.s32 $0xFFFFE700  }
0xa9: {  	[tilespmem:s2], [sflag:$0x3] =	stream.strided.gather [hbm4b:s23+s13], $0x190, s14, s13, $0x38;
	[tilespmem:$0x1BD20] =	vst v63  }
0xaa: {  	_ =	swait.ge [sflag:s12], $0x190  }
0xab: {  	[sflag:s12] =	ssyncset.done $0x0  }
0xac: {  	[sflag:s12] =	ssyncadd.s32 $0xFFFFFE70  }
0xad: {  	[tilespmem:s15], [sflag:$0x1] =	stream.indirect.gather [hbm4b:s3+s13], $0x20, s2, s13, $0xb8;
	[tilespmem:$0x1BD20] =	vst v63  }
0xae: {  	_ =	swait.ge [sflag:s19], $0x1900  }
.Ltmp5:
0xaf: {  	[sflag:s19] =	ssyncset.done $0x0;
	(pc) =	sbr.rel @!p1 .LBB2_3-.Ltmp5, $4  }
0xb0: {  	[sflag:s19] =	ssyncadd.s32 $0xFFFFE700  }
0xb1: {  	[spmem:s1] =	stream.indirect.scatter.add.f32 [tilespmem:s17], [sflag:$0x3], $0x20, s20, s13, $0xb8;
	[tilespmem:$0x1BD20] =	vst v63  }
0xb2: {  	_ =	swait.ge [sflag:s12], $0x1900  }
0xb3: {  	s24 =	smov.u32 s28;
	s23 =	sadd.s32 s26, s8;
	[sflag:s12] =	ssyncset.done $0x0  }
0xb4: {  	s24 =	sadd.s32 $0x1851, s23;
	[sflag:s12] =	ssyncadd.s32 $0xFFFFE700  }
0xb5: {  	[tilespmem:s16], [sflag:$0x3] =	stream.strided.gather [hbm4b:s24+s13], $0x190, s14, s13, $0x38;
	[tilespmem:$0x1BD20] =	vst v63  }
0xb6: {  	_ =	swait.ge [sflag:s12], $0x190  }
0xb7: {  	[sflag:s12] =	ssyncset.done $0x0  }
0xb8: {  	[sflag:s12] =	ssyncadd.s32 $0xFFFFFE70  }
0xb9: {  	[tilespmem:s17], [sflag:$0x2] =	stream.indirect.gather [hbm4b:s3+s13], $0x20, s16, s13, $0xb8;
	[tilespmem:$0x1BD20] =	vst v63  }
0xba: {  	_ =	swait.ge [sflag:s18], $0x1900  }
0xbb: {  	[sflag:s18] =	ssyncset.done $0x0  }
0xbc: {  	[sflag:s18] =	ssyncadd.s32 $0xFFFFE700  }
0xbd: {  	[spmem:s1] =	stream.indirect.scatter.add.f32 [tilespmem:s15], [sflag:$0x3], $0x20, s13, s13, $0xb8;
	[tilespmem:$0x1BD20] =	vst v63  }
0xbe: {  	_ =	swait.ge [sflag:s12], $0x1900  }
0xbf: {  	[sflag:s12] =	ssyncset.done $0x0  }
0xc0: {  	s31 =	sadd.s32 $0x186A, s23;
	[sflag:s12] =	ssyncadd.s32 $0xFFFFE700  }
0xc1: {  	[tilespmem:s2], [sflag:$0x3] =	stream.strided.gather [hbm4b:s31+s13], $0x190, s14, s13, $0x38;
	[tilespmem:$0x1BD20] =	vst v63  }
0xc2: {  	_ =	swait.ge [sflag:s12], $0x190  }
0xc3: {  	[sflag:s12] =	ssyncset.done $0x0  }
0xc4: {  	[sflag:s12] =	ssyncadd.s32 $0xFFFFFE70  }
0xc5: {  	[tilespmem:s15], [sflag:$0x1] =	stream.indirect.gather [hbm4b:s3+s13], $0x20, s2, s13, $0xb8;
	[tilespmem:$0x1BD20] =	vst v63  }
0xc6: {  	_ =	swait.ge [sflag:s19], $0x1900  }
0xc7: {  	[sflag:s19] =	ssyncset.done $0x0  }
.Ltmp6:
0xc8: {  	[sflag:s19] =	ssyncadd.s32 $0xFFFFE700;
	(pc) =	sbr.rel .LBB2_8-.Ltmp6, $4  }
0xc9: {  	[spmem:s1] =	stream.indirect.scatter.add.f32 [tilespmem:s17], [sflag:$0x3], $0x20, s20, s13, $0xb8;
	[tilespmem:$0x1BD20] =	vst v63  }
0xca: {  	_ =	swait.ge [sflag:s12], $0x1900  }
0xcb: {  	[sflag:s12] =	ssyncset.done $0x0  }
0xcc: {  	s23 =	smov.u32 s3;
	[sflag:s12] =	ssyncadd.s32 $0xFFFFE700  }
.LBB2_9:
0xcd: {  	_ =	sfence.sel $0x180000  }
0xce: {  	[bflag:$0x0] =	sbarrier.arrive $0xFFFF  }
0xcf: {  	p0 =	sne.s32 s4, $0x0;
	_ =	strace $0x90000050  }
0xd0: {  	s0 =	sadd.s32 @!p0 $0x100000, s0;
	[bflag:$0x2] =	sbarrier.arrive $0xFFFF  }
0xd1: {  	[sflag:s0] =	ssyncadd.tile.s32 @!p0 $0x1;
	_ =	shalt  }
.Lfunc_end2:
_tile_overlayer_lowered:
.L_overlay_start_2:
0xd2: {  	(tag) =	ssettag $0x2  }
0xd3: {  	s0 =	rddreg [dreg:$0x0];
	s2 =	stileid.u32  }
0xd4: {  	s1 =	rddreg [dreg:$0x1];
	p0 =	sne.s32 s2, $0x0  }
0xd5: {  	s3 =	rddreg [dreg:$0x2];
	[bflag:$0x3] =	sbarrier.arrive $0xFFFF;
	s2 =	simm.s32 @!p0 $0x1C03  }
0xd6: {  	[timem:s3], [sflag:s2] =	dma.local @!p0 [hbm:s0], s1  }
0xd7: {  	s0 =	simm.s32 @!p0 $0x3  }
0xd8: {  	_ =	swait.ge @!p0 [sflag:s0], s1  }
0xd9: {  	s1 =	ssub.s32 @!p0 $0x0, s1;
	[sflag:s0] =	ssyncset.done @!p0 $0x0  }
0xda: {  	[sflag:s0] =	ssyncadd.s32 @!p0 s1  }
0xdb: {  	[bflag:$0x3] =	sbarrier.arrive $0xFFFF  }
0xdc: {  	_ =	shalt  }

</sc_bundles>
